<compile_context>
chip_gen: v7x
topology: tpu7x:2x2x1
jax: 0.10.2.dev20260603
libtpu: 0.0.44.dev20260713+nightly
codegen_flags: <defaults>
</compile_context>

<pallas_src>
import functools

import jax
import jax.numpy as jnp
from jax import lax
from jax.experimental import pallas as pl
from jax.experimental.pallas import tpu as pltpu
from jax.experimental.pallas import tpu_sc as plsc

F32 = jnp.float32

NC = 2
NS = 16
NW = NC * NS
GRP = 4


def _pick_chunk(e):
    if e % NW == 0:
        per = e // NW
        for c in range(128, 0, -1):
            if per % c == 0 and (per // c) % GRP == 0:
                return c, per // c, 0
    c = 128
    nchunk = (-(-e // (NW * c * GRP))) * GRP
    return c, nchunk, NW * c * nchunk - e


def _mesh():
    return plsc.VectorSubcoreMesh(core_axis_name="c", subcore_axis_name="s")


def _make_deg_kernel(npad, nchunk, ck):
    rows = npad // NS
    ckp = -(-ck // 16) * 16

    @functools.partial(
        pl.kernel,
        out_type=jax.ShapeDtypeStruct((NC, npad), F32),
        mesh=_mesh(),
        compiler_params=pltpu.CompilerParams(use_tc_tiling_on_sc=False),
        scratch_types=[
            pltpu.VMEM((nchunk, ck), jnp.int32),
            pltpu.VMEM((ckp,), F32),
            pltpu.VMEM((rows,), F32),
            pltpu.VMEM_SHARED((npad,), F32),
            pltpu.SemaphoreType.DMA,
            pltpu.SemaphoreType.DMA,
        ],
    )
    def deg_kernel(dst_hbm, deg_hbm, idx_v, ones_v, zv, hist_sp, sem, zsem):
        cid = lax.axis_index("c")
        sid = lax.axis_index("s")
        wid = cid * NS + sid
        base = sid * rows
        dload = pltpu.async_copy(dst_hbm.at[wid], idx_v, zsem)

        def fill_ones(i, _):
            ones_v[pl.ds(i * 16, 16)] = jnp.full((16,), 1.0, F32)
            return 0

        lax.fori_loop(0, ckp // 16, fill_ones, 0)

        def fill_zero(i, _):
            zv[pl.ds(i * 16, 16)] = jnp.zeros((16,), F32)
            return 0

        lax.fori_loop(0, rows // 16, fill_zero, 0)
        pltpu.sync_copy(zv, hist_sp.at[pl.ds(base, rows)])
        dload.wait()
        plsc.subcore_barrier()

        DEPTH = 8

        def drain1():
            pltpu.make_async_copy(
                ones_v.at[pl.ds(0, ck)], hist_sp.at[pl.ds(0, ck)],
                sem).wait()

        def body(j, _):
            @pl.when(j >= DEPTH)
            def _():
                drain1()

            pltpu.async_copy(ones_v.at[pl.ds(0, ck)], hist_sp.at[idx_v.at[j]],
                             sem, add=True)
            return 0

        lax.fori_loop(0, nchunk, body, 0)

        def tail(j, _):
            drain1()
            return 0

        lax.fori_loop(0, DEPTH, tail, 0)
        plsc.subcore_barrier()
        pltpu.sync_copy(hist_sp.at[pl.ds(base, rows)],
                        deg_hbm.at[cid, pl.ds(base, rows)])

    return deg_kernel


def _rsqrt16(d):
    u = plsc.bitcast(d, jnp.int32)
    u = jnp.int32(0x5F3759DF) - lax.shift_right_logical(u, 1)
    z = plsc.bitcast(u, F32)
    for _ in range(3):
        z = z * (1.5 - 0.5 * d * z * z)
    return z


def _make_mp_kernel(npad, h, nchunk, ck):
    rows = npad // NS
    ngrp = nchunk // GRP
    NB = 4

    @functools.partial(
        pl.kernel,
        out_type=jax.ShapeDtypeStruct((NC, npad, h), F32),
        mesh=_mesh(),
        compiler_params=pltpu.CompilerParams(
            use_tc_tiling_on_sc=False, needs_layout_passes=False),
        scratch_types=[
            pltpu.VMEM((nchunk, ck), jnp.int32),
            pltpu.VMEM((nchunk, ck), jnp.int32),
            pltpu.VMEM((NB * GRP, ck, h), F32),
            pltpu.VMEM((rows, h), F32),
            pltpu.VMEM((rows, h), F32),
            pltpu.VMEM((rows,), F32),
            pltpu.VMEM((rows,), F32),
            pltpu.VMEM_SHARED((npad, h), F32),
            pltpu.VMEM_SHARED((npad, h), F32),
            pltpu.SemaphoreType.DMA((NB,)),
            pltpu.SemaphoreType.DMA((NB,)),
        ],
    )
    def mp_kernel(xw_hbm, degp_hbm, src_hbm, dst_hbm, parts_hbm,
                  src_v, dst_v, bufs, xl, yh, dv, tv, accum, ysp, gsem, ssem):
        cid = lax.axis_index("c")
        sid = lax.axis_index("s")
        wid = cid * NS + sid
        base = sid * rows
        pre = [
            pltpu.async_copy(xw_hbm.at[pl.ds(base, rows)], xl, gsem.at[0]),
            pltpu.async_copy(degp_hbm.at[0, pl.ds(base, rows)], dv,
                             gsem.at[0]),
            pltpu.async_copy(degp_hbm.at[1, pl.ds(base, rows)], tv,
                             gsem.at[0]),
            pltpu.async_copy(src_hbm.at[wid], src_v, gsem.at[1]),
            pltpu.async_copy(dst_hbm.at[wid], dst_v, gsem.at[1]),
        ]
        for d in pre:
            d.wait()

        def dinv_body(r, _):
            sl = pl.ds(r * 16, 16)
            dv[sl] = _rsqrt16(dv[sl] + tv[sl] + 1.0)
            return 0

        lax.fori_loop(0, rows // 16, dinv_body, 0)

        def scale_body(q, _):
            dd = dv[pl.ds(q * 16, 16)]
            for k in range(16):
                r = q * 16 + k
                v = xl[r, :] * dd[k]
                xl[r, :] = v
                yh[r, :] = v * 0.5
            return 0

        lax.fori_loop(0, rows // 16, scale_body, 0)

        pltpu.sync_copy(xl, ysp.at[pl.ds(base, rows)])
        pltpu.sync_copy(yh, accum.at[pl.ds(base, rows)])
        plsc.subcore_barrier()

        def fire_gathers(g, b):
            for k in range(GRP):
                pltpu.async_copy(
                    ysp.at[src_v.at[g * GRP + k]],
                    bufs.at[b * GRP + k], gsem.at[b])

        def drain(sem, b):
            for k in range(GRP):
                pltpu.make_async_copy(
                    bufs.at[k], accum.at[pl.ds(0, ck)], sem.at[b]).wait()

        fire_gathers(0, 0)

        def body(g, _):
            b = lax.rem(g, NB)
            nb = lax.rem(g + 1, NB)

            @pl.when(jnp.logical_and(g + 1 < ngrp, g + 1 >= NB))
            def _():
                drain(ssem, nb)

            @pl.when(g + 1 < ngrp)
            def _():
                fire_gathers(g + 1, nb)

            drain(gsem, b)
            for k in range(GRP):
                pltpu.async_copy(
                    bufs.at[b * GRP + k],
                    accum.at[dst_v.at[g * GRP + k]], ssem.at[b], add=True)
            return 0

        lax.fori_loop(0, ngrp, body, 0)
        for j in range(max(ngrp - NB, 0), ngrp):
            drain(ssem, j % NB)
        plsc.subcore_barrier()

        pltpu.sync_copy(accum.at[pl.ds(base, rows)], xl)

        def out_scale(q, _):
            dd = dv[pl.ds(q * 16, 16)]
            for k in range(16):
                r = q * 16 + k
                xl[r, :] = xl[r, :] * dd[k]
            return 0

        lax.fori_loop(0, rows // 16, out_scale, 0)
        pltpu.sync_copy(xl, parts_hbm.at[cid, pl.ds(base, rows)])

    return mp_kernel


def _tc1_body(x_ref, w_ref, y_ref):
    y_ref[...] = jnp.dot(x_ref[...], w_ref[...], preferred_element_type=F32)


def _tc2_body(p_ref, b1_ref, w2_ref, y2_ref):
    hh = jnp.maximum(p_ref[0] + p_ref[1] + b1_ref[...], 0.0)
    y2_ref[...] = jnp.dot(hh, w2_ref[...], preferred_element_type=F32)


def _make_tc3_body(h, orows):
    ng = 128 // h

    def _tc3_body(p_ref, b2_ref, o_ref):
        o = (p_ref[0] + p_ref[1])[:orows] + b2_ref[...]
        m = jnp.concatenate(
            [jnp.broadcast_to(
                jnp.max(o[:, j * h:(j + 1) * h], axis=1, keepdims=True),
                (o.shape[0], h)) for j in range(ng)], axis=1)
        e = jnp.exp(o - m)
        s = jnp.concatenate(
            [jnp.broadcast_to(
                jnp.sum(e[:, j * h:(j + 1) * h], axis=1, keepdims=True),
                (o.shape[0], h)) for j in range(ng)], axis=1)
        o_ref[...] = o - m - jnp.log(s)

    return _tc3_body


def kernel(x, edge_index, W1, b1, W2, b2):
    n, d_feat = x.shape
    e = edge_index.shape[1]
    h1 = W1.shape[1]
    h2 = W2.shape[1]

    npad = ((n + NS * 16) // (NS * 16)) * (NS * 16)
    ck, nchunk, pad = _pick_chunk(e)

    if pad:
        src_p = jnp.concatenate([edge_index[0], jnp.zeros((pad,), jnp.int32)])
        dst_p = jnp.concatenate(
            [edge_index[1], jnp.full((pad,), n, jnp.int32)])
        src_r = src_p.reshape(NW, nchunk, ck)
        dst_r = dst_p.reshape(NW, nchunk, ck)
    else:
        er = edge_index.reshape(2, NW, nchunk, ck)
        src_r = er[0]
        dst_r = er[1]

    deg_kernel = _make_deg_kernel(npad, nchunk, ck)
    mp1 = _make_mp_kernel(npad, h1, nchunk, ck)

    degp = deg_kernel(dst_r)

    pk1 = 128 // h1
    pk2 = 128 // h2
    eye1 = jnp.eye(pk1, dtype=F32)
    eye2 = jnp.eye(pk2, dtype=F32)

    if n % pk1 == 0:
        x_pk = jnp.pad(x.reshape(n // pk1, pk1 * d_feat),
                       ((0, (npad - n) // pk1), (0, 0)))
    else:
        x_pk = jnp.pad(x, ((0, npad - n), (0, 0))).reshape(
            npad // pk1, pk1 * d_feat)

    xw1 = pl.pallas_call(
        _tc1_body,
        out_shape=jax.ShapeDtypeStruct((npad // pk1, pk1 * h1), F32),
    )(x_pk, jnp.kron(eye1, W1))

    p1 = mp1(xw1.reshape(npad, h1), degp, src_r, dst_r)

    xw2 = pl.pallas_call(
        _tc2_body,
        out_shape=jax.ShapeDtypeStruct((npad // pk2, pk2 * h2), F32),
    )(p1.reshape(NC, npad // pk1, pk1 * h1),
      jnp.tile(b1, pk1).reshape(1, pk1 * h1), jnp.kron(eye2, W2))

    mp2 = _make_mp_kernel(npad, h2, nchunk, ck) if h2 != h1 else mp1
    p2 = mp2(xw2.reshape(npad, h2), degp, src_r, dst_r)

    orows = n // pk2 if n % pk2 == 0 else npad // pk2
    out = pl.pallas_call(
        _make_tc3_body(h2, orows),
        out_shape=jax.ShapeDtypeStruct((orows, pk2 * h2), F32),
    )(p2.reshape(NC, npad // pk2, pk2 * h2),
      jnp.tile(b2, pk2).reshape(1, pk2 * h2))

    return out.reshape(orows * pk2, h2)[:n]

# --- scband reference (transcript-rebuilt; emitter-appended) ---
"""Pipeline reference for scband-gnn-3358664426320 (READ-ONLY COPY).

The authoritative reference and input builder live on the scoring server;
editing this copy changes nothing except your own understanding.
"""

import jax, jax.numpy as jnp
import numpy as np

N_NODES = 10000
N_EDGES = 320000
D_FEAT = 128
HIDDEN = 16
N_CLASSES = 16


def gcn_conv(x, edge_index, W, b):
    n = x.shape[0]
    loops = jnp.arange(n, dtype=edge_index.dtype)
    src = jnp.concatenate([edge_index[0], loops])
    dst = jnp.concatenate([edge_index[1], loops])
    xw = x @ W
    deg = jax.ops.segment_sum(jnp.ones_like(src, dtype=xw.dtype), dst, num_segments=n)
    dinv = jnp.where(deg > 0, deg ** -0.5, 0.0)
    norm = dinv[src] * dinv[dst]
    msg = jnp.take(xw, src, axis=0) * norm[:, None]
    out = jax.ops.segment_sum(msg, dst, num_segments=n)
    return out + b


def setup_inputs(seed: int = 0) -> dict:
    key = jax.random.key(seed)
    k1, k2, k3, k4 = jax.random.split(key, 4)
    x = jax.random.normal(k1, (N_NODES, D_FEAT), dtype=jnp.float32)
    edge_index = jax.random.randint(k2, (2, N_EDGES), 0, N_NODES, dtype=jnp.int32)
    W1 = jax.random.normal(k3, (D_FEAT, HIDDEN), dtype=jnp.float32) * (1.0 / np.sqrt(D_FEAT))
    b1 = jnp.zeros((HIDDEN,), dtype=jnp.float32)
    W2 = jax.random.normal(k4, (HIDDEN, N_CLASSES), dtype=jnp.float32) * (1.0 / np.sqrt(HIDDEN))
    b2 = jnp.zeros((N_CLASSES,), dtype=jnp.float32)
    return {"x": x, "edge_index": edge_index, "W1": W1, "b1": b1, "W2": W2, "b2": b2}


def reference(x, edge_index, W1, b1, W2, b2):
    h = jax.nn.relu(gcn_conv(x, edge_index, W1, b1))
    out = gcn_conv(h, edge_index, W2, b2)
    return jax.nn.log_softmax(out, axis=1)

if __name__ == "__main__":
    import jax
    _d = setup_inputs()
    print(jax.jit(kernel)(*tuple(_d.values())))

</pallas_src>

<mosaic_0001>
#map = affine_map<(d0, d1) -> (0, 0)>
#map1 = affine_map<(d0, d1) -> (0, 0, 0)>
module attributes {stable_mosaic.version = 14 : i64} {
  func.func @mp_kernel(%arg0: i32, %arg1: i32, %arg2: memref<10240x16xf32, #tpu.memory_space<hbm>>, %arg3: memref<2x10240xf32, #tpu.memory_space<hbm>>, %arg4: memref<32x80x125xi32, #tpu.memory_space<hbm>>, %arg5: memref<32x80x125xi32, #tpu.memory_space<hbm>>, %arg6: memref<2x10240x16xf32, #tpu.memory_space<hbm>>, %arg7: memref<80x125xi32, #tpu.memory_space<vmem>>, %arg8: memref<80x125xi32, #tpu.memory_space<vmem>>, %arg9: memref<16x125x16xf32, #tpu.memory_space<vmem>>, %arg10: memref<640x16xf32, #tpu.memory_space<vmem>>, %arg11: memref<640x16xf32, #tpu.memory_space<vmem>>, %arg12: memref<640xf32, #tpu.memory_space<vmem>>, %arg13: memref<640xf32, #tpu.memory_space<vmem>>, %arg14: memref<10240x16xf32, #tpu.memory_space<vmem_shared>>, %arg15: memref<10240x16xf32, #tpu.memory_space<vmem_shared>>, %arg16: memref<4x!tpu.dma_semaphore, #tpu.memory_space<semaphore_mem>>, %arg17: memref<4x!tpu.dma_semaphore, #tpu.memory_space<semaphore_mem>>) attributes {dimension_semantics = [#tpu.dimension_semantics<core_parallel>, #tpu.dimension_semantics<subcore_parallel>], iteration_bounds = array<i64: 2, 16>, scalar_prefetch = 0 : i64, scratch_operands = 11 : i64, tpu.core_type = #tpu.core_type<sc_vector_subcore>, window_params = [{transform_indices = #map}, {transform_indices = #map}, {transform_indices = #map1}, {transform_indices = #map1}, {transform_indices = #map1}]} {
    %mul3A = arith.constant 16 : i32
    %mul3A_0 = arith.muli %arg0, %mul3A : i32
    %add3A = arith.addi %mul3A_0, %arg1 : i32
    %mul3A_1 = arith.constant 640 : i32
    %mul3A_2 = arith.muli %arg1, %mul3A_1 : i32
    %dma_start3A = arith.constant 0 : i32
    %dma_start3A_3 = arith.constant 0 : i32
    %dma_start3A_4 = tpu.memref_slice %arg2[%mul3A_2, %dma_start3A_3] : memref<10240x16xf32, #tpu.memory_space<hbm>> -> memref<640x16xf32, #tpu.memory_space<hbm>>
    %dma_start3A_5 = tpu.memref_slice %arg16[%dma_start3A] : memref<4x!tpu.dma_semaphore, #tpu.memory_space<semaphore_mem>> -> memref<1x!tpu.dma_semaphore, #tpu.memory_space<semaphore_mem>>
    %dma_start3A_6 = tpu.memref_squeeze %dma_start3A_5 : memref<1x!tpu.dma_semaphore, #tpu.memory_space<semaphore_mem>> -> memref<!tpu.dma_semaphore, #tpu.memory_space<semaphore_mem>>
    %dma_start3A_7 = arith.constant 0 : i32
    %dma_start3A_8 = tpu.memref_slice %arg2[%mul3A_2, %dma_start3A_7] : memref<10240x16xf32, #tpu.memory_space<hbm>> -> memref<640x16xf32, #tpu.memory_space<hbm>>
    tpu.enqueue_dma source(%dma_start3A_8 : memref<640x16xf32, #tpu.memory_space<hbm>>) target(%arg10 : memref<640x16xf32, #tpu.memory_space<vmem>>) target_semaphore(%dma_start3A_6 : memref<!tpu.dma_semaphore, #tpu.memory_space<semaphore_mem>>)
    %dma_start3A_9 = arith.constant 0 : i32
    %dma_start3A_10 = arith.constant 0 : i32
    %dma_start3A_11 = tpu.memref_slice %arg3[%dma_start3A_9, %mul3A_2] : memref<2x10240xf32, #tpu.memory_space<hbm>> -> memref<1x640xf32, #tpu.memory_space<hbm>>
    %dma_start3A_12 = tpu.memref_squeeze %dma_start3A_11 : memref<1x640xf32, #tpu.memory_space<hbm>> -> memref<640xf32, #tpu.memory_space<hbm>>
    %dma_start3A_13 = tpu.memref_slice %arg16[%dma_start3A_10] : memref<4x!tpu.dma_semaphore, #tpu.memory_space<semaphore_mem>> -> memref<1x!tpu.dma_semaphore, #tpu.memory_space<semaphore_mem>>
    %dma_start3A_14 = tpu.memref_squeeze %dma_start3A_13 : memref<1x!tpu.dma_semaphore, #tpu.memory_space<semaphore_mem>> -> memref<!tpu.dma_semaphore, #tpu.memory_space<semaphore_mem>>
    %dma_start3A_15 = tpu.memref_slice %arg3[%dma_start3A_9, %mul3A_2] : memref<2x10240xf32, #tpu.memory_space<hbm>> -> memref<1x640xf32, #tpu.memory_space<hbm>>
    %dma_start3A_16 = tpu.memref_squeeze %dma_start3A_15 : memref<1x640xf32, #tpu.memory_space<hbm>> -> memref<640xf32, #tpu.memory_space<hbm>>
    tpu.enqueue_dma source(%dma_start3A_16 : memref<640xf32, #tpu.memory_space<hbm>>) target(%arg12 : memref<640xf32, #tpu.memory_space<vmem>>) target_semaphore(%dma_start3A_14 : memref<!tpu.dma_semaphore, #tpu.memory_space<semaphore_mem>>)
    %dma_start3A_17 = arith.constant 1 : i32
    %dma_start3A_18 = arith.constant 0 : i32
    %dma_start3A_19 = tpu.memref_slice %arg3[%dma_start3A_17, %mul3A_2] : memref<2x10240xf32, #tpu.memory_space<hbm>> -> memref<1x640xf32, #tpu.memory_space<hbm>>
    %dma_start3A_20 = tpu.memref_squeeze %dma_start3A_19 : memref<1x640xf32, #tpu.memory_space<hbm>> -> memref<640xf32, #tpu.memory_space<hbm>>
    %dma_start3A_21 = tpu.memref_slice %arg16[%dma_start3A_18] : memref<4x!tpu.dma_semaphore, #tpu.memory_space<semaphore_mem>> -> memref<1x!tpu.dma_semaphore, #tpu.memory_space<semaphore_mem>>
    %dma_start3A_22 = tpu.memref_squeeze %dma_start3A_21 : memref<1x!tpu.dma_semaphore, #tpu.memory_space<semaphore_mem>> -> memref<!tpu.dma_semaphore, #tpu.memory_space<semaphore_mem>>
    %dma_start3A_23 = tpu.memref_slice %arg3[%dma_start3A_17, %mul3A_2] : memref<2x10240xf32, #tpu.memory_space<hbm>> -> memref<1x640xf32, #tpu.memory_space<hbm>>
    %dma_start3A_24 = tpu.memref_squeeze %dma_start3A_23 : memref<1x640xf32, #tpu.memory_space<hbm>> -> memref<640xf32, #tpu.memory_space<hbm>>
    tpu.enqueue_dma source(%dma_start3A_24 : memref<640xf32, #tpu.memory_space<hbm>>) target(%arg13 : memref<640xf32, #tpu.memory_space<vmem>>) target_semaphore(%dma_start3A_22 : memref<!tpu.dma_semaphore, #tpu.memory_space<semaphore_mem>>)
    %dma_start3A_25 = arith.constant 1 : i32
    %dma_start3A_26 = arith.constant 0 : i32
    %dma_start3A_27 = arith.constant 0 : i32
    %dma_start3A_28 = tpu.memref_slice %arg4[%add3A, %dma_start3A_26, %dma_start3A_27] : memref<32x80x125xi32, #tpu.memory_space<hbm>> -> memref<1x80x125xi32, #tpu.memory_space<hbm>>
    %dma_start3A_29 = tpu.memref_squeeze %dma_start3A_28 : memref<1x80x125xi32, #tpu.memory_space<hbm>> -> memref<80x125xi32, #tpu.memory_space<hbm>>
    %dma_start3A_30 = tpu.memref_slice %arg16[%dma_start3A_25] : memref<4x!tpu.dma_semaphore, #tpu.memory_space<semaphore_mem>> -> memref<1x!tpu.dma_semaphore, #tpu.memory_space<semaphore_mem>>
    %dma_start3A_31 = tpu.memref_squeeze %dma_start3A_30 : memref<1x!tpu.dma_semaphore, #tpu.memory_space<semaphore_mem>> -> memref<!tpu.dma_semaphore, #tpu.memory_space<semaphore_mem>>
    %dma_start3A_32 = arith.constant 0 : i32
    %dma_start3A_33 = arith.constant 0 : i32
    %dma_start3A_34 = tpu.memref_slice %arg4[%add3A, %dma_start3A_32, %dma_start3A_33] : memref<32x80x125xi32, #tpu.memory_space<hbm>> -> memref<1x80x125xi32, #tpu.memory_space<hbm>>
    %dma_start3A_35 = tpu.memref_squeeze %dma_start3A_34 : memref<1x80x125xi32, #tpu.memory_space<hbm>> -> memref<80x125xi32, #tpu.memory_space<hbm>>
    tpu.enqueue_dma source(%dma_start3A_35 : memref<80x125xi32, #tpu.memory_space<hbm>>) target(%arg7 : memref<80x125xi32, #tpu.memory_space<vmem>>) target_semaphore(%dma_start3A_31 : memref<!tpu.dma_semaphore, #tpu.memory_space<semaphore_mem>>)
    %dma_start3A_36 = arith.constant 1 : i32
    %dma_start3A_37 = arith.constant 0 : i32
    %dma_start3A_38 = arith.constant 0 : i32
    %dma_start3A_39 = tpu.memref_slice %arg5[%add3A, %dma_start3A_37, %dma_start3A_38] : memref<32x80x125xi32, #tpu.memory_space<hbm>> -> memref<1x80x125xi32, #tpu.memory_space<hbm>>
    %dma_start3A_40 = tpu.memref_squeeze %dma_start3A_39 : memref<1x80x125xi32, #tpu.memory_space<hbm>> -> memref<80x125xi32, #tpu.memory_space<hbm>>
    %dma_start3A_41 = tpu.memref_slice %arg16[%dma_start3A_36] : memref<4x!tpu.dma_semaphore, #tpu.memory_space<semaphore_mem>> -> memref<1x!tpu.dma_semaphore, #tpu.memory_space<semaphore_mem>>
    %dma_start3A_42 = tpu.memref_squeeze %dma_start3A_41 : memref<1x!tpu.dma_semaphore, #tpu.memory_space<semaphore_mem>> -> memref<!tpu.dma_semaphore, #tpu.memory_space<semaphore_mem>>
    %dma_start3A_43 = arith.constant 0 : i32
    %dma_start3A_44 = arith.constant 0 : i32
    %dma_start3A_45 = tpu.memref_slice %arg5[%add3A, %dma_start3A_43, %dma_start3A_44] : memref<32x80x125xi32, #tpu.memory_space<hbm>> -> memref<1x80x125xi32, #tpu.memory_space<hbm>>
    %dma_start3A_46 = tpu.memref_squeeze %dma_start3A_45 : memref<1x80x125xi32, #tpu.memory_space<hbm>> -> memref<80x125xi32, #tpu.memory_space<hbm>>
    tpu.enqueue_dma source(%dma_start3A_46 : memref<80x125xi32, #tpu.memory_space<hbm>>) target(%arg8 : memref<80x125xi32, #tpu.memory_space<vmem>>) target_semaphore(%dma_start3A_42 : memref<!tpu.dma_semaphore, #tpu.memory_space<semaphore_mem>>)
    %dma_wait3A = arith.constant 0 : i32
    %dma_wait3A_47 = arith.constant 0 : i32
    %dma_wait3A_48 = tpu.memref_slice %arg2[%mul3A_2, %dma_wait3A_47] : memref<10240x16xf32, #tpu.memory_space<hbm>> -> memref<640x16xf32, #tpu.memory_space<hbm>>
    %dma_wait3A_49 = tpu.memref_slice %arg16[%dma_wait3A] : memref<4x!tpu.dma_semaphore, #tpu.memory_space<semaphore_mem>> -> memref<1x!tpu.dma_semaphore, #tpu.memory_space<semaphore_mem>>
    %dma_wait3A_50 = tpu.memref_squeeze %dma_wait3A_49 : memref<1x!tpu.dma_semaphore, #tpu.memory_space<semaphore_mem>> -> memref<!tpu.dma_semaphore, #tpu.memory_space<semaphore_mem>>
    %dma_wait3A_51 = arith.constant 0 : i32
    %dma_wait3A_52 = tpu.memref_slice %arg2[%mul3A_2, %dma_wait3A_51] : memref<10240x16xf32, #tpu.memory_space<hbm>> -> memref<640x16xf32, #tpu.memory_space<hbm>>
    tpu.wait_dma2 semaphore(%dma_wait3A_50 : memref<!tpu.dma_semaphore, #tpu.memory_space<semaphore_mem>>) src(%dma_wait3A_52 : memref<640x16xf32, #tpu.memory_space<hbm>>) dst(%arg10 : memref<640x16xf32, #tpu.memory_space<vmem>>)
    %dma_wait3A_53 = arith.constant 0 : i32
    %dma_wait3A_54 = arith.constant 0 : i32
    %dma_wait3A_55 = tpu.memref_slice %arg3[%dma_wait3A_53, %mul3A_2] : memref<2x10240xf32, #tpu.memory_space<hbm>> -> memref<1x640xf32, #tpu.memory_space<hbm>>
    %dma_wait3A_56 = tpu.memref_squeeze %dma_wait3A_55 : memref<1x640xf32, #tpu.memory_space<hbm>> -> memref<640xf32, #tpu.memory_space<hbm>>
    %dma_wait3A_57 = tpu.memref_slice %arg16[%dma_wait3A_54] : memref<4x!tpu.dma_semaphore, #tpu.memory_space<semaphore_mem>> -> memref<1x!tpu.dma_semaphore, #tpu.memory_space<semaphore_mem>>
    %dma_wait3A_58 = tpu.memref_squeeze %dma_wait3A_57 : memref<1x!tpu.dma_semaphore, #tpu.memory_space<semaphore_mem>> -> memref<!tpu.dma_semaphore, #tpu.memory_space<semaphore_mem>>
    %dma_wait3A_59 = tpu.memref_slice %arg3[%dma_wait3A_53, %mul3A_2] : memref<2x10240xf32, #tpu.memory_space<hbm>> -> memref<1x640xf32, #tpu.memory_space<hbm>>
    %dma_wait3A_60 = tpu.memref_squeeze %dma_wait3A_59 : memref<1x640xf32, #tpu.memory_space<hbm>> -> memref<640xf32, #tpu.memory_space<hbm>>
    tpu.wait_dma2 semaphore(%dma_wait3A_58 : memref<!tpu.dma_semaphore, #tpu.memory_space<semaphore_mem>>) src(%dma_wait3A_60 : memref<640xf32, #tpu.memory_space<hbm>>) dst(%arg12 : memref<640xf32, #tpu.memory_space<vmem>>)
    %dma_wait3A_61 = arith.constant 1 : i32
    %dma_wait3A_62 = arith.constant 0 : i32
    %dma_wait3A_63 = tpu.memref_slice %arg3[%dma_wait3A_61, %mul3A_2] : memref<2x10240xf32, #tpu.memory_space<hbm>> -> memref<1x640xf32, #tpu.memory_space<hbm>>
    %dma_wait3A_64 = tpu.memref_squeeze %dma_wait3A_63 : memref<1x640xf32, #tpu.memory_space<hbm>> -> memref<640xf32, #tpu.memory_space<hbm>>
    %dma_wait3A_65 = tpu.memref_slice %arg16[%dma_wait3A_62] : memref<4x!tpu.dma_semaphore, #tpu.memory_space<semaphore_mem>> -> memref<1x!tpu.dma_semaphore, #tpu.memory_space<semaphore_mem>>
    %dma_wait3A_66 = tpu.memref_squeeze %dma_wait3A_65 : memref<1x!tpu.dma_semaphore, #tpu.memory_space<semaphore_mem>> -> memref<!tpu.dma_semaphore, #tpu.memory_space<semaphore_mem>>
    %dma_wait3A_67 = tpu.memref_slice %arg3[%dma_wait3A_61, %mul3A_2] : memref<2x10240xf32, #tpu.memory_space<hbm>> -> memref<1x640xf32, #tpu.memory_space<hbm>>
    %dma_wait3A_68 = tpu.memref_squeeze %dma_wait3A_67 : memref<1x640xf32, #tpu.memory_space<hbm>> -> memref<640xf32, #tpu.memory_space<hbm>>
    tpu.wait_dma2 semaphore(%dma_wait3A_66 : memref<!tpu.dma_semaphore, #tpu.memory_space<semaphore_mem>>) src(%dma_wait3A_68 : memref<640xf32, #tpu.memory_space<hbm>>) dst(%arg13 : memref<640xf32, #tpu.memory_space<vmem>>)
    %dma_wait3A_69 = arith.constant 1 : i32
    %dma_wait3A_70 = arith.constant 0 : i32
    %dma_wait3A_71 = arith.constant 0 : i32
    %dma_wait3A_72 = tpu.memref_slice %arg4[%add3A, %dma_wait3A_70, %dma_wait3A_71] : memref<32x80x125xi32, #tpu.memory_space<hbm>> -> memref<1x80x125xi32, #tpu.memory_space<hbm>>
    %dma_wait3A_73 = tpu.memref_squeeze %dma_wait3A_72 : memref<1x80x125xi32, #tpu.memory_space<hbm>> -> memref<80x125xi32, #tpu.memory_space<hbm>>
    %dma_wait3A_74 = tpu.memref_slice %arg16[%dma_wait3A_69] : memref<4x!tpu.dma_semaphore, #tpu.memory_space<semaphore_mem>> -> memref<1x!tpu.dma_semaphore, #tpu.memory_space<semaphore_mem>>
    %dma_wait3A_75 = tpu.memref_squeeze %dma_wait3A_74 : memref<1x!tpu.dma_semaphore, #tpu.memory_space<semaphore_mem>> -> memref<!tpu.dma_semaphore, #tpu.memory_space<semaphore_mem>>
    %dma_wait3A_76 = arith.constant 0 : i32
    %dma_wait3A_77 = arith.constant 0 : i32
    %dma_wait3A_78 = tpu.memref_slice %arg4[%add3A, %dma_wait3A_76, %dma_wait3A_77] : memref<32x80x125xi32, #tpu.memory_space<hbm>> -> memref<1x80x125xi32, #tpu.memory_space<hbm>>
    %dma_wait3A_79 = tpu.memref_squeeze %dma_wait3A_78 : memref<1x80x125xi32, #tpu.memory_space<hbm>> -> memref<80x125xi32, #tpu.memory_space<hbm>>
    tpu.wait_dma2 semaphore(%dma_wait3A_75 : memref<!tpu.dma_semaphore, #tpu.memory_space<semaphore_mem>>) src(%dma_wait3A_79 : memref<80x125xi32, #tpu.memory_space<hbm>>) dst(%arg7 : memref<80x125xi32, #tpu.memory_space<vmem>>)
    %dma_wait3A_80 = arith.constant 1 : i32
    %dma_wait3A_81 = arith.constant 0 : i32
    %dma_wait3A_82 = arith.constant 0 : i32
    %dma_wait3A_83 = tpu.memref_slice %arg5[%add3A, %dma_wait3A_81, %dma_wait3A_82] : memref<32x80x125xi32, #tpu.memory_space<hbm>> -> memref<1x80x125xi32, #tpu.memory_space<hbm>>
    %dma_wait3A_84 = tpu.memref_squeeze %dma_wait3A_83 : memref<1x80x125xi32, #tpu.memory_space<hbm>> -> memref<80x125xi32, #tpu.memory_space<hbm>>
    %dma_wait3A_85 = tpu.memref_slice %arg16[%dma_wait3A_80] : memref<4x!tpu.dma_semaphore, #tpu.memory_space<semaphore_mem>> -> memref<1x!tpu.dma_semaphore, #tpu.memory_space<semaphore_mem>>
    %dma_wait3A_86 = tpu.memref_squeeze %dma_wait3A_85 : memref<1x!tpu.dma_semaphore, #tpu.memory_space<semaphore_mem>> -> memref<!tpu.dma_semaphore, #tpu.memory_space<semaphore_mem>>
    %dma_wait3A_87 = arith.constant 0 : i32
    %dma_wait3A_88 = arith.constant 0 : i32
    %dma_wait3A_89 = tpu.memref_slice %arg5[%add3A, %dma_wait3A_87, %dma_wait3A_88] : memref<32x80x125xi32, #tpu.memory_space<hbm>> -> memref<1x80x125xi32, #tpu.memory_space<hbm>>
    %dma_wait3A_90 = tpu.memref_squeeze %dma_wait3A_89 : memref<1x80x125xi32, #tpu.memory_space<hbm>> -> memref<80x125xi32, #tpu.memory_space<hbm>>
    tpu.wait_dma2 semaphore(%dma_wait3A_86 : memref<!tpu.dma_semaphore, #tpu.memory_space<semaphore_mem>>) src(%dma_wait3A_90 : memref<80x125xi32, #tpu.memory_space<hbm>>) dst(%arg8 : memref<80x125xi32, #tpu.memory_space<vmem>>)
    %scan3A = arith.constant 0 : i32
    %scan3A_91 = arith.constant 0 : i32
    %scan3A_92 = arith.constant 40 : i32
    %scan3A_93 = arith.addi %scan3A_91, %scan3A_92 : i32
    %scan3A_94 = arith.constant 1 : i32
    %scan3A_95 = scf.for %scan3A_467 = %scan3A_91 to %scan3A_93 step %scan3A_94 iter_args(%scan3A_468 = %scan3A) -> (i32)  : i32 {
      %mul3A_469 = arith.constant 16 : i32
      %mul3A_470 = arith.muli %scan3A_467, %mul3A_469 : i32
      %get3A = arith.index_cast %mul3A_470 : i32 to index
      %get3A_471 = tpu.vector_load %arg12[%get3A] {strides = array<i32>} : memref<640xf32, #tpu.memory_space<vmem>>, vector<16xf32>,
      %get3A_472 = arith.index_cast %mul3A_470 : i32 to index
      %get3A_473 = tpu.vector_load %arg13[%get3A_472] {strides = array<i32>} : memref<640xf32, #tpu.memory_space<vmem>>, vector<16xf32>,
      %add3A_474 = arith.addf %get3A_471, %get3A_473 : vector<16xf32>
      %add3A_475 = arith.constant 1.000000e+00 : f32
      %add3A_476 = vector.broadcast %add3A_475 : f32 to vector<16xf32>
      %add3A_477 = arith.addf %add3A_474, %add3A_476 : vector<16xf32>
      %bitcast3A = vector.bitcast %add3A_477 : vector<16xf32> to vector<16xi32>
      %shift_right_logical3A = arith.constant 1 : i32
      %shift_right_logical3A_478 = vector.broadcast %shift_right_logical3A : i32 to vector<16xi32>
      %shift_right_logical3A_479 = arith.shrui %bitcast3A, %shift_right_logical3A_478 : vector<16xi32>
      %sub3A = arith.constant 1597463007 : i32
      %sub3A_480 = vector.broadcast %sub3A : i32 to vector<16xi32>
      %sub3A_481 = arith.subi %sub3A_480, %shift_right_logical3A_479 : vector<16xi32>
      %bitcast3A_482 = vector.bitcast %sub3A_481 : vector<16xi32> to vector<16xf32>
      %mul3A_483 = arith.constant 5.000000e-01 : f32
      %mul3A_484 = vector.broadcast %mul3A_483 : f32 to vector<16xf32>
      %mul3A_485 = arith.mulf %mul3A_484, %add3A_477 : vector<16xf32>
      %mul3A_486 = arith.mulf %mul3A_485, %bitcast3A_482 : vector<16xf32>
      %mul3A_487 = arith.mulf %mul3A_486, %bitcast3A_482 : vector<16xf32>
      %sub3A_488 = arith.constant 1.500000e+00 : f32
      %sub3A_489 = vector.broadcast %sub3A_488 : f32 to vector<16xf32>
      %sub3A_490 = arith.subf %sub3A_489, %mul3A_487 : vector<16xf32>
      %mul3A_491 = arith.mulf %bitcast3A_482, %sub3A_490 : vector<16xf32>
      %mul3A_492 = arith.constant 5.000000e-01 : f32
      %mul3A_493 = vector.broadcast %mul3A_492 : f32 to vector<16xf32>
      %mul3A_494 = arith.mulf %mul3A_493, %add3A_477 : vector<16xf32>
      %mul3A_495 = arith.mulf %mul3A_494, %mul3A_491 : vector<16xf32>
      %mul3A_496 = arith.mulf %mul3A_495, %mul3A_491 : vector<16xf32>
      %sub3A_497 = arith.constant 1.500000e+00 : f32
      %sub3A_498 = vector.broadcast %sub3A_497 : f32 to vector<16xf32>
      %sub3A_499 = arith.subf %sub3A_498, %mul3A_496 : vector<16xf32>
      %mul3A_500 = arith.mulf %mul3A_491, %sub3A_499 : vector<16xf32>
      %mul3A_501 = arith.constant 5.000000e-01 : f32
      %mul3A_502 = vector.broadcast %mul3A_501 : f32 to vector<16xf32>
      %mul3A_503 = arith.mulf %mul3A_502, %add3A_477 : vector<16xf32>
      %mul3A_504 = arith.mulf %mul3A_503, %mul3A_500 : vector<16xf32>
      %mul3A_505 = arith.mulf %mul3A_504, %mul3A_500 : vector<16xf32>
      %sub3A_506 = arith.constant 1.500000e+00 : f32
      %sub3A_507 = vector.broadcast %sub3A_506 : f32 to vector<16xf32>
      %sub3A_508 = arith.subf %sub3A_507, %mul3A_505 : vector<16xf32>
      %mul3A_509 = arith.mulf %mul3A_500, %sub3A_508 : vector<16xf32>
      %swap3A = arith.index_cast %mul3A_470 : i32 to index
      %swap3A_510 = tpu.vector_load %arg12[%swap3A] {strides = array<i32>} : memref<640xf32, #tpu.memory_space<vmem>>, vector<16xf32>,
      %swap3A_511 = vector.shape_cast %swap3A_510 : vector<16xf32> to vector<16xf32>
      %swap3A_512 = vector.shape_cast %mul3A_509 : vector<16xf32> to vector<16xf32>
      tpu.vector_store %arg12[%swap3A], %swap3A_512 {strides = array<i32>} : memref<640xf32, #tpu.memory_space<vmem>>, vector<16xf32>,
      %scan3A_513 = arith.constant 0 : i32
      scf.yield %scan3A_513 : i32
    }
    %scan3A_96 = arith.constant 40 : i32
    %scan3A_97 = arith.constant 0 : i32
    %scan3A_98 = arith.constant 0 : i32
    %scan3A_99 = arith.constant 40 : i32
    %scan3A_100 = arith.addi %scan3A_98, %scan3A_99 : i32
    %scan3A_101 = arith.constant 1 : i32
    %scan3A_102 = scf.for %scan3A_467 = %scan3A_98 to %scan3A_100 step %scan3A_101 iter_args(%scan3A_468 = %scan3A_97) -> (i32)  : i32 {
      %mul3A_469 = arith.constant 16 : i32
      %mul3A_470 = arith.muli %scan3A_467, %mul3A_469 : i32
      %get3A = arith.index_cast %mul3A_470 : i32 to index
      %get3A_471 = tpu.vector_load %arg12[%get3A] {strides = array<i32>} : memref<640xf32, #tpu.memory_space<vmem>>, vector<16xf32>,
      %mul3A_472 = arith.constant 16 : i32
      %mul3A_473 = arith.muli %scan3A_467, %mul3A_472 : i32
      %add3A_474 = arith.constant 0 : i32
      %add3A_475 = arith.addi %mul3A_473, %add3A_474 : i32
      %get3A_476 = arith.index_cast %add3A_475 : i32 to index
      %get3A_477 = arith.constant 0 : index
      %get3A_478 = tpu.vector_load %arg10[%get3A_476, %get3A_477] {strides = array<i32>} : memref<640x16xf32, #tpu.memory_space<vmem>>, vector<16xf32>,
      %slice3A = vector.extract_strided_slice %get3A_471 {offsets = [0], sizes = [1], strides = [1]} : vector<16xf32> to vector<1xf32>
      %squeeze3A = vector.extract %slice3A[0] : f32 from vector<1xf32>
      %mul3A_479 = vector.broadcast %squeeze3A : f32 to vector<16xf32>
      %mul3A_480 = arith.mulf %get3A_478, %mul3A_479 : vector<16xf32>
      %swap3A = arith.index_cast %add3A_475 : i32 to index
      %swap3A_481 = arith.constant 0 : index
      %swap3A_482 = tpu.vector_load %arg10[%swap3A, %swap3A_481] {strides = array<i32>} : memref<640x16xf32, #tpu.memory_space<vmem>>, vector<16xf32>,
      tpu.vector_store %arg10[%swap3A, %swap3A_481], %mul3A_480 {strides = array<i32>} : memref<640x16xf32, #tpu.memory_space<vmem>>, vector<16xf32>,
      %mul3A_483 = arith.constant 5.000000e-01 : f32
      %mul3A_484 = vector.broadcast %mul3A_483 : f32 to vector<16xf32>
      %mul3A_485 = arith.mulf %mul3A_480, %mul3A_484 : vector<16xf32>
      %swap3A_486 = arith.index_cast %add3A_475 : i32 to index
      %swap3A_487 = arith.constant 0 : index
      %swap3A_488 = tpu.vector_load %arg11[%swap3A_486, %swap3A_487] {strides = array<i32>} : memref<640x16xf32, #tpu.memory_space<vmem>>, vector<16xf32>,
      tpu.vector_store %arg11[%swap3A_486, %swap3A_487], %mul3A_485 {strides = array<i32>} : memref<640x16xf32, #tpu.memory_space<vmem>>, vector<16xf32>,
      %mul3A_489 = arith.constant 16 : i32
      %mul3A_490 = arith.muli %scan3A_467, %mul3A_489 : i32
      %add3A_491 = arith.constant 1 : i32
      %add3A_492 = arith.addi %mul3A_490, %add3A_491 : i32
      %get3A_493 = arith.index_cast %add3A_492 : i32 to index
      %get3A_494 = arith.constant 0 : index
      %get3A_495 = tpu.vector_load %arg10[%get3A_493, %get3A_494] {strides = array<i32>} : memref<640x16xf32, #tpu.memory_space<vmem>>, vector<16xf32>,
      %slice3A_496 = vector.extract_strided_slice %get3A_471 {offsets = [1], sizes = [1], strides = [1]} : vector<16xf32> to vector<1xf32>
      %squeeze3A_497 = vector.extract %slice3A_496[0] : f32 from vector<1xf32>
      %mul3A_498 = vector.broadcast %squeeze3A_497 : f32 to vector<16xf32>
      %mul3A_499 = arith.mulf %get3A_495, %mul3A_498 : vector<16xf32>
      %swap3A_500 = arith.index_cast %add3A_492 : i32 to index
      %swap3A_501 = arith.constant 0 : index
      %swap3A_502 = tpu.vector_load %arg10[%swap3A_500, %swap3A_501] {strides = array<i32>} : memref<640x16xf32, #tpu.memory_space<vmem>>, vector<16xf32>,
      tpu.vector_store %arg10[%swap3A_500, %swap3A_501], %mul3A_499 {strides = array<i32>} : memref<640x16xf32, #tpu.memory_space<vmem>>, vector<16xf32>,
      %mul3A_503 = arith.constant 5.000000e-01 : f32
      %mul3A_504 = vector.broadcast %mul3A_503 : f32 to vector<16xf32>
      %mul3A_505 = arith.mulf %mul3A_499, %mul3A_504 : vector<16xf32>
      %swap3A_506 = arith.index_cast %add3A_492 : i32 to index
      %swap3A_507 = arith.constant 0 : index
      %swap3A_508 = tpu.vector_load %arg11[%swap3A_506, %swap3A_507] {strides = array<i32>} : memref<640x16xf32, #tpu.memory_space<vmem>>, vector<16xf32>,
      tpu.vector_store %arg11[%swap3A_506, %swap3A_507], %mul3A_505 {strides = array<i32>} : memref<640x16xf32, #tpu.memory_space<vmem>>, vector<16xf32>,
      %mul3A_509 = arith.constant 16 : i32
      %mul3A_510 = arith.muli %scan3A_467, %mul3A_509 : i32
      %add3A_511 = arith.constant 2 : i32
      %add3A_512 = arith.addi %mul3A_510, %add3A_511 : i32
      %get3A_513 = arith.index_cast %add3A_512 : i32 to index
      %get3A_514 = arith.constant 0 : index
      %get3A_515 = tpu.vector_load %arg10[%get3A_513, %get3A_514] {strides = array<i32>} : memref<640x16xf32, #tpu.memory_space<vmem>>, vector<16xf32>,
      %slice3A_516 = vector.extract_strided_slice %get3A_471 {offsets = [2], sizes = [1], strides = [1]} : vector<16xf32> to vector<1xf32>
      %squeeze3A_517 = vector.extract %slice3A_516[0] : f32 from vector<1xf32>
      %mul3A_518 = vector.broadcast %squeeze3A_517 : f32 to vector<16xf32>
      %mul3A_519 = arith.mulf %get3A_515, %mul3A_518 : vector<16xf32>
      %swap3A_520 = arith.index_cast %add3A_512 : i32 to index
      %swap3A_521 = arith.constant 0 : index
      %swap3A_522 = tpu.vector_load %arg10[%swap3A_520, %swap3A_521] {strides = array<i32>} : memref<640x16xf32, #tpu.memory_space<vmem>>, vector<16xf32>,
      tpu.vector_store %arg10[%swap3A_520, %swap3A_521], %mul3A_519 {strides = array<i32>} : memref<640x16xf32, #tpu.memory_space<vmem>>, vector<16xf32>,
      %mul3A_523 = arith.constant 5.000000e-01 : f32
      %mul3A_524 = vector.broadcast %mul3A_523 : f32 to vector<16xf32>
      %mul3A_525 = arith.mulf %mul3A_519, %mul3A_524 : vector<16xf32>
      %swap3A_526 = arith.index_cast %add3A_512 : i32 to index
      %swap3A_527 = arith.constant 0 : index
      %swap3A_528 = tpu.vector_load %arg11[%swap3A_526, %swap3A_527] {strides = array<i32>} : memref<640x16xf32, #tpu.memory_space<vmem>>, vector<16xf32>,
      tpu.vector_store %arg11[%swap3A_526, %swap3A_527], %mul3A_525 {strides = array<i32>} : memref<640x16xf32, #tpu.memory_space<vmem>>, vector<16xf32>,
      %mul3A_529 = arith.constant 16 : i32
      %mul3A_530 = arith.muli %scan3A_467, %mul3A_529 : i32
      %add3A_531 = arith.constant 3 : i32
      %add3A_532 = arith.addi %mul3A_530, %add3A_531 : i32
      %get3A_533 = arith.index_cast %add3A_532 : i32 to index
      %get3A_534 = arith.constant 0 : index
      %get3A_535 = tpu.vector_load %arg10[%get3A_533, %get3A_534] {strides = array<i32>} : memref<640x16xf32, #tpu.memory_space<vmem>>, vector<16xf32>,
      %slice3A_536 = vector.extract_strided_slice %get3A_471 {offsets = [3], sizes = [1], strides = [1]} : vector<16xf32> to vector<1xf32>
      %squeeze3A_537 = vector.extract %slice3A_536[0] : f32 from vector<1xf32>
      %mul3A_538 = vector.broadcast %squeeze3A_537 : f32 to vector<16xf32>
      %mul3A_539 = arith.mulf %get3A_535, %mul3A_538 : vector<16xf32>
      %swap3A_540 = arith.index_cast %add3A_532 : i32 to index
      %swap3A_541 = arith.constant 0 : index
      %swap3A_542 = tpu.vector_load %arg10[%swap3A_540, %swap3A_541] {strides = array<i32>} : memref<640x16xf32, #tpu.memory_space<vmem>>, vector<16xf32>,
      tpu.vector_store %arg10[%swap3A_540, %swap3A_541], %mul3A_539 {strides = array<i32>} : memref<640x16xf32, #tpu.memory_space<vmem>>, vector<16xf32>,
      %mul3A_543 = arith.constant 5.000000e-01 : f32
      %mul3A_544 = vector.broadcast %mul3A_543 : f32 to vector<16xf32>
      %mul3A_545 = arith.mulf %mul3A_539, %mul3A_544 : vector<16xf32>
      %swap3A_546 = arith.index_cast %add3A_532 : i32 to index
      %swap3A_547 = arith.constant 0 : index
      %swap3A_548 = tpu.vector_load %arg11[%swap3A_546, %swap3A_547] {strides = array<i32>} : memref<640x16xf32, #tpu.memory_space<vmem>>, vector<16xf32>,
      tpu.vector_store %arg11[%swap3A_546, %swap3A_547], %mul3A_545 {strides = array<i32>} : memref<640x16xf32, #tpu.memory_space<vmem>>, vector<16xf32>,
      %mul3A_549 = arith.constant 16 : i32
      %mul3A_550 = arith.muli %scan3A_467, %mul3A_549 : i32
      %add3A_551 = arith.constant 4 : i32
      %add3A_552 = arith.addi %mul3A_550, %add3A_551 : i32
      %get3A_553 = arith.index_cast %add3A_552 : i32 to index
      %get3A_554 = arith.constant 0 : index
      %get3A_555 = tpu.vector_load %arg10[%get3A_553, %get3A_554] {strides = array<i32>} : memref<640x16xf32, #tpu.memory_space<vmem>>, vector<16xf32>,
      %slice3A_556 = vector.extract_strided_slice %get3A_471 {offsets = [4], sizes = [1], strides = [1]} : vector<16xf32> to vector<1xf32>
      %squeeze3A_557 = vector.extract %slice3A_556[0] : f32 from vector<1xf32>
      %mul3A_558 = vector.broadcast %squeeze3A_557 : f32 to vector<16xf32>
      %mul3A_559 = arith.mulf %get3A_555, %mul3A_558 : vector<16xf32>
      %swap3A_560 = arith.index_cast %add3A_552 : i32 to index
      %swap3A_561 = arith.constant 0 : index
      %swap3A_562 = tpu.vector_load %arg10[%swap3A_560, %swap3A_561] {strides = array<i32>} : memref<640x16xf32, #tpu.memory_space<vmem>>, vector<16xf32>,
      tpu.vector_store %arg10[%swap3A_560, %swap3A_561], %mul3A_559 {strides = array<i32>} : memref<640x16xf32, #tpu.memory_space<vmem>>, vector<16xf32>,
      %mul3A_563 = arith.constant 5.000000e-01 : f32
      %mul3A_564 = vector.broadcast %mul3A_563 : f32 to vector<16xf32>
      %mul3A_565 = arith.mulf %mul3A_559, %mul3A_564 : vector<16xf32>
      %swap3A_566 = arith.index_cast %add3A_552 : i32 to index
      %swap3A_567 = arith.constant 0 : index
      %swap3A_568 = tpu.vector_load %arg11[%swap3A_566, %swap3A_567] {strides = array<i32>} : memref<640x16xf32, #tpu.memory_space<vmem>>, vector<16xf32>,
      tpu.vector_store %arg11[%swap3A_566, %swap3A_567], %mul3A_565 {strides = array<i32>} : memref<640x16xf32, #tpu.memory_space<vmem>>, vector<16xf32>,
      %mul3A_569 = arith.constant 16 : i32
      %mul3A_570 = arith.muli %scan3A_467, %mul3A_569 : i32
      %add3A_571 = arith.constant 5 : i32
      %add3A_572 = arith.addi %mul3A_570, %add3A_571 : i32
      %get3A_573 = arith.index_cast %add3A_572 : i32 to index
      %get3A_574 = arith.constant 0 : index
      %get3A_575 = tpu.vector_load %arg10[%get3A_573, %get3A_574] {strides = array<i32>} : memref<640x16xf32, #tpu.memory_space<vmem>>, vector<16xf32>,
      %slice3A_576 = vector.extract_strided_slice %get3A_471 {offsets = [5], sizes = [1], strides = [1]} : vector<16xf32> to vector<1xf32>
      %squeeze3A_577 = vector.extract %slice3A_576[0] : f32 from vector<1xf32>
      %mul3A_578 = vector.broadcast %squeeze3A_577 : f32 to vector<16xf32>
      %mul3A_579 = arith.mulf %get3A_575, %mul3A_578 : vector<16xf32>
      %swap3A_580 = arith.index_cast %add3A_572 : i32 to index
      %swap3A_581 = arith.constant 0 : index
      %swap3A_582 = tpu.vector_load %arg10[%swap3A_580, %swap3A_581] {strides = array<i32>} : memref<640x16xf32, #tpu.memory_space<vmem>>, vector<16xf32>,
      tpu.vector_store %arg10[%swap3A_580, %swap3A_581], %mul3A_579 {strides = array<i32>} : memref<640x16xf32, #tpu.memory_space<vmem>>, vector<16xf32>,
      %mul3A_583 = arith.constant 5.000000e-01 : f32
      %mul3A_584 = vector.broadcast %mul3A_583 : f32 to vector<16xf32>
      %mul3A_585 = arith.mulf %mul3A_579, %mul3A_584 : vector<16xf32>
      %swap3A_586 = arith.index_cast %add3A_572 : i32 to index
      %swap3A_587 = arith.constant 0 : index
      %swap3A_588 = tpu.vector_load %arg11[%swap3A_586, %swap3A_587] {strides = array<i32>} : memref<640x16xf32, #tpu.memory_space<vmem>>, vector<16xf32>,
      tpu.vector_store %arg11[%swap3A_586, %swap3A_587], %mul3A_585 {strides = array<i32>} : memref<640x16xf32, #tpu.memory_space<vmem>>, vector<16xf32>,
      %mul3A_589 = arith.constant 16 : i32
      %mul3A_590 = arith.muli %scan3A_467, %mul3A_589 : i32
      %add3A_591 = arith.constant 6 : i32
      %add3A_592 = arith.addi %mul3A_590, %add3A_591 : i32
      %get3A_593 = arith.index_cast %add3A_592 : i32 to index
      %get3A_594 = arith.constant 0 : index
      %get3A_595 = tpu.vector_load %arg10[%get3A_593, %get3A_594] {strides = array<i32>} : memref<640x16xf32, #tpu.memory_space<vmem>>, vector<16xf32>,
      %slice3A_596 = vector.extract_strided_slice %get3A_471 {offsets = [6], sizes = [1], strides = [1]} : vector<16xf32> to vector<1xf32>
      %squeeze3A_597 = vector.extract %slice3A_596[0] : f32 from vector<1xf32>
      %mul3A_598 = vector.broadcast %squeeze3A_597 : f32 to vector<16xf32>
      %mul3A_599 = arith.mulf %get3A_595, %mul3A_598 : vector<16xf32>
      %swap3A_600 = arith.index_cast %add3A_592 : i32 to index
      %swap3A_601 = arith.constant 0 : index
      %swap3A_602 = tpu.vector_load %arg10[%swap3A_600, %swap3A_601] {strides = array<i32>} : memref<640x16xf32, #tpu.memory_space<vmem>>, vector<16xf32>,
      tpu.vector_store %arg10[%swap3A_600, %swap3A_601], %mul3A_599 {strides = array<i32>} : memref<640x16xf32, #tpu.memory_space<vmem>>, vector<16xf32>,
      %mul3A_603 = arith.constant 5.000000e-01 : f32
      %mul3A_604 = vector.broadcast %mul3A_603 : f32 to vector<16xf32>
      %mul3A_605 = arith.mulf %mul3A_599, %mul3A_604 : vector<16xf32>
      %swap3A_606 = arith.index_cast %add3A_592 : i32 to index
      %swap3A_607 = arith.constant 0 : index
      %swap3A_608 = tpu.vector_load %arg11[%swap3A_606, %swap3A_607] {strides = array<i32>} : memref<640x16xf32, #tpu.memory_space<vmem>>, vector<16xf32>,
      tpu.vector_store %arg11[%swap3A_606, %swap3A_607], %mul3A_605 {strides = array<i32>} : memref<640x16xf32, #tpu.memory_space<vmem>>, vector<16xf32>,
      %mul3A_609 = arith.constant 16 : i32
      %mul3A_610 = arith.muli %scan3A_467, %mul3A_609 : i32
      %add3A_611 = arith.constant 7 : i32
      %add3A_612 = arith.addi %mul3A_610, %add3A_611 : i32
      %get3A_613 = arith.index_cast %add3A_612 : i32 to index
      %get3A_614 = arith.constant 0 : index
      %get3A_615 = tpu.vector_load %arg10[%get3A_613, %get3A_614] {strides = array<i32>} : memref<640x16xf32, #tpu.memory_space<vmem>>, vector<16xf32>,
      %slice3A_616 = vector.extract_strided_slice %get3A_471 {offsets = [7], sizes = [1], strides = [1]} : vector<16xf32> to vector<1xf32>
      %squeeze3A_617 = vector.extract %slice3A_616[0] : f32 from vector<1xf32>
      %mul3A_618 = vector.broadcast %squeeze3A_617 : f32 to vector<16xf32>
      %mul3A_619 = arith.mulf %get3A_615, %mul3A_618 : vector<16xf32>
      %swap3A_620 = arith.index_cast %add3A_612 : i32 to index
      %swap3A_621 = arith.constant 0 : index
      %swap3A_622 = tpu.vector_load %arg10[%swap3A_620, %swap3A_621] {strides = array<i32>} : memref<640x16xf32, #tpu.memory_space<vmem>>, vector<16xf32>,
      tpu.vector_store %arg10[%swap3A_620, %swap3A_621], %mul3A_619 {strides = array<i32>} : memref<640x16xf32, #tpu.memory_space<vmem>>, vector<16xf32>,
      %mul3A_623 = arith.constant 5.000000e-01 : f32
      %mul3A_624 = vector.broadcast %mul3A_623 : f32 to vector<16xf32>
      %mul3A_625 = arith.mulf %mul3A_619, %mul3A_624 : vector<16xf32>
      %swap3A_626 = arith.index_cast %add3A_612 : i32 to index
      %swap3A_627 = arith.constant 0 : index
      %swap3A_628 = tpu.vector_load %arg11[%swap3A_626, %swap3A_627] {strides = array<i32>} : memref<640x16xf32, #tpu.memory_space<vmem>>, vector<16xf32>,
      tpu.vector_store %arg11[%swap3A_626, %swap3A_627], %mul3A_625 {strides = array<i32>} : memref<640x16xf32, #tpu.memory_space<vmem>>, vector<16xf32>,
      %mul3A_629 = arith.constant 16 : i32
      %mul3A_630 = arith.muli %scan3A_467, %mul3A_629 : i32
      %add3A_631 = arith.constant 8 : i32
      %add3A_632 = arith.addi %mul3A_630, %add3A_631 : i32
      %get3A_633 = arith.index_cast %add3A_632 : i32 to index
      %get3A_634 = arith.constant 0 : index
      %get3A_635 = tpu.vector_load %arg10[%get3A_633, %get3A_634] {strides = array<i32>} : memref<640x16xf32, #tpu.memory_space<vmem>>, vector<16xf32>,
      %slice3A_636 = vector.extract_strided_slice %get3A_471 {offsets = [8], sizes = [1], strides = [1]} : vector<16xf32> to vector<1xf32>
      %squeeze3A_637 = vector.extract %slice3A_636[0] : f32 from vector<1xf32>
      %mul3A_638 = vector.broadcast %squeeze3A_637 : f32 to vector<16xf32>
      %mul3A_639 = arith.mulf %get3A_635, %mul3A_638 : vector<16xf32>
      %swap3A_640 = arith.index_cast %add3A_632 : i32 to index
      %swap3A_641 = arith.constant 0 : index
      %swap3A_642 = tpu.vector_load %arg10[%swap3A_640, %swap3A_641] {strides = array<i32>} : memref<640x16xf32, #tpu.memory_space<vmem>>, vector<16xf32>,
      tpu.vector_store %arg10[%swap3A_640, %swap3A_641], %mul3A_639 {strides = array<i32>} : memref<640x16xf32, #tpu.memory_space<vmem>>, vector<16xf32>,
      %mul3A_643 = arith.constant 5.000000e-01 : f32
      %mul3A_644 = vector.broadcast %mul3A_643 : f32 to vector<16xf32>
      %mul3A_645 = arith.mulf %mul3A_639, %mul3A_644 : vector<16xf32>
      %swap3A_646 = arith.index_cast %add3A_632 : i32 to index
      %swap3A_647 = arith.constant 0 : index
      %swap3A_648 = tpu.vector_load %arg11[%swap3A_646, %swap3A_647] {strides = array<i32>} : memref<640x16xf32, #tpu.memory_space<vmem>>, vector<16xf32>,
      tpu.vector_store %arg11[%swap3A_646, %swap3A_647], %mul3A_645 {strides = array<i32>} : memref<640x16xf32, #tpu.memory_space<vmem>>, vector<16xf32>,
      %mul3A_649 = arith.constant 16 : i32
      %mul3A_650 = arith.muli %scan3A_467, %mul3A_649 : i32
      %add3A_651 = arith.constant 9 : i32
      %add3A_652 = arith.addi %mul3A_650, %add3A_651 : i32
      %get3A_653 = arith.index_cast %add3A_652 : i32 to index
      %get3A_654 = arith.constant 0 : index
      %get3A_655 = tpu.vector_load %arg10[%get3A_653, %get3A_654] {strides = array<i32>} : memref<640x16xf32, #tpu.memory_space<vmem>>, vector<16xf32>,
      %slice3A_656 = vector.extract_strided_slice %get3A_471 {offsets = [9], sizes = [1], strides = [1]} : vector<16xf32> to vector<1xf32>
      %squeeze3A_657 = vector.extract %slice3A_656[0] : f32 from vector<1xf32>
      %mul3A_658 = vector.broadcast %squeeze3A_657 : f32 to vector<16xf32>
      %mul3A_659 = arith.mulf %get3A_655, %mul3A_658 : vector<16xf32>
      %swap3A_660 = arith.index_cast %add3A_652 : i32 to index
      %swap3A_661 = arith.constant 0 : index
      %swap3A_662 = tpu.vector_load %arg10[%swap3A_660, %swap3A_661] {strides = array<i32>} : memref<640x16xf32, #tpu.memory_space<vmem>>, vector<16xf32>,
      tpu.vector_store %arg10[%swap3A_660, %swap3A_661], %mul3A_659 {strides = array<i32>} : memref<640x16xf32, #tpu.memory_space<vmem>>, vector<16xf32>,
      %mul3A_663 = arith.constant 5.000000e-01 : f32
      %mul3A_664 = vector.broadcast %mul3A_663 : f32 to vector<16xf32>
      %mul3A_665 = arith.mulf %mul3A_659, %mul3A_664 : vector<16xf32>
      %swap3A_666 = arith.index_cast %add3A_652 : i32 to index
      %swap3A_667 = arith.constant 0 : index
      %swap3A_668 = tpu.vector_load %arg11[%swap3A_666, %swap3A_667] {strides = array<i32>} : memref<640x16xf32, #tpu.memory_space<vmem>>, vector<16xf32>,
      tpu.vector_store %arg11[%swap3A_666, %swap3A_667], %mul3A_665 {strides = array<i32>} : memref<640x16xf32, #tpu.memory_space<vmem>>, vector<16xf32>,
      %mul3A_669 = arith.constant 16 : i32
      %mul3A_670 = arith.muli %scan3A_467, %mul3A_669 : i32
      %add3A_671 = arith.constant 10 : i32
      %add3A_672 = arith.addi %mul3A_670, %add3A_671 : i32
      %get3A_673 = arith.index_cast %add3A_672 : i32 to index
      %get3A_674 = arith.constant 0 : index
      %get3A_675 = tpu.vector_load %arg10[%get3A_673, %get3A_674] {strides = array<i32>} : memref<640x16xf32, #tpu.memory_space<vmem>>, vector<16xf32>,
      %slice3A_676 = vector.extract_strided_slice %get3A_471 {offsets = [10], sizes = [1], strides = [1]} : vector<16xf32> to vector<1xf32>
      %squeeze3A_677 = vector.extract %slice3A_676[0] : f32 from vector<1xf32>
      %mul3A_678 = vector.broadcast %squeeze3A_677 : f32 to vector<16xf32>
      %mul3A_679 = arith.mulf %get3A_675, %mul3A_678 : vector<16xf32>
      %swap3A_680 = arith.index_cast %add3A_672 : i32 to index
      %swap3A_681 = arith.constant 0 : index
      %swap3A_682 = tpu.vector_load %arg10[%swap3A_680, %swap3A_681] {strides = array<i32>} : memref<640x16xf32, #tpu.memory_space<vmem>>, vector<16xf32>,
      tpu.vector_store %arg10[%swap3A_680, %swap3A_681], %mul3A_679 {strides = array<i32>} : memref<640x16xf32, #tpu.memory_space<vmem>>, vector<16xf32>,
      %mul3A_683 = arith.constant 5.000000e-01 : f32
      %mul3A_684 = vector.broadcast %mul3A_683 : f32 to vector<16xf32>
      %mul3A_685 = arith.mulf %mul3A_679, %mul3A_684 : vector<16xf32>
      %swap3A_686 = arith.index_cast %add3A_672 : i32 to index
      %swap3A_687 = arith.constant 0 : index
      %swap3A_688 = tpu.vector_load %arg11[%swap3A_686, %swap3A_687] {strides = array<i32>} : memref<640x16xf32, #tpu.memory_space<vmem>>, vector<16xf32>,
      tpu.vector_store %arg11[%swap3A_686, %swap3A_687], %mul3A_685 {strides = array<i32>} : memref<640x16xf32, #tpu.memory_space<vmem>>, vector<16xf32>,
      %mul3A_689 = arith.constant 16 : i32
      %mul3A_690 = arith.muli %scan3A_467, %mul3A_689 : i32
      %add3A_691 = arith.constant 11 : i32
      %add3A_692 = arith.addi %mul3A_690, %add3A_691 : i32
      %get3A_693 = arith.index_cast %add3A_692 : i32 to index
      %get3A_694 = arith.constant 0 : index
      %get3A_695 = tpu.vector_load %arg10[%get3A_693, %get3A_694] {strides = array<i32>} : memref<640x16xf32, #tpu.memory_space<vmem>>, vector<16xf32>,
      %slice3A_696 = vector.extract_strided_slice %get3A_471 {offsets = [11], sizes = [1], strides = [1]} : vector<16xf32> to vector<1xf32>
      %squeeze3A_697 = vector.extract %slice3A_696[0] : f32 from vector<1xf32>
      %mul3A_698 = vector.broadcast %squeeze3A_697 : f32 to vector<16xf32>
      %mul3A_699 = arith.mulf %get3A_695, %mul3A_698 : vector<16xf32>
      %swap3A_700 = arith.index_cast %add3A_692 : i32 to index
      %swap3A_701 = arith.constant 0 : index
      %swap3A_702 = tpu.vector_load %arg10[%swap3A_700, %swap3A_701] {strides = array<i32>} : memref<640x16xf32, #tpu.memory_space<vmem>>, vector<16xf32>,
      tpu.vector_store %arg10[%swap3A_700, %swap3A_701], %mul3A_699 {strides = array<i32>} : memref<640x16xf32, #tpu.memory_space<vmem>>, vector<16xf32>,
      %mul3A_703 = arith.constant 5.000000e-01 : f32
      %mul3A_704 = vector.broadcast %mul3A_703 : f32 to vector<16xf32>
      %mul3A_705 = arith.mulf %mul3A_699, %mul3A_704 : vector<16xf32>
      %swap3A_706 = arith.index_cast %add3A_692 : i32 to index
      %swap3A_707 = arith.constant 0 : index
      %swap3A_708 = tpu.vector_load %arg11[%swap3A_706, %swap3A_707] {strides = array<i32>} : memref<640x16xf32, #tpu.memory_space<vmem>>, vector<16xf32>,
      tpu.vector_store %arg11[%swap3A_706, %swap3A_707], %mul3A_705 {strides = array<i32>} : memref<640x16xf32, #tpu.memory_space<vmem>>, vector<16xf32>,
      %mul3A_709 = arith.constant 16 : i32
      %mul3A_710 = arith.muli %scan3A_467, %mul3A_709 : i32
      %add3A_711 = arith.constant 12 : i32
      %add3A_712 = arith.addi %mul3A_710, %add3A_711 : i32
      %get3A_713 = arith.index_cast %add3A_712 : i32 to index
      %get3A_714 = arith.constant 0 : index
      %get3A_715 = tpu.vector_load %arg10[%get3A_713, %get3A_714] {strides = array<i32>} : memref<640x16xf32, #tpu.memory_space<vmem>>, vector<16xf32>,
      %slice3A_716 = vector.extract_strided_slice %get3A_471 {offsets = [12], sizes = [1], strides = [1]} : vector<16xf32> to vector<1xf32>
      %squeeze3A_717 = vector.extract %slice3A_716[0] : f32 from vector<1xf32>
      %mul3A_718 = vector.broadcast %squeeze3A_717 : f32 to vector<16xf32>
      %mul3A_719 = arith.mulf %get3A_715, %mul3A_718 : vector<16xf32>
      %swap3A_720 = arith.index_cast %add3A_712 : i32 to index
      %swap3A_721 = arith.constant 0 : index
      %swap3A_722 = tpu.vector_load %arg10[%swap3A_720, %swap3A_721] {strides = array<i32>} : memref<640x16xf32, #tpu.memory_space<vmem>>, vector<16xf32>,
      tpu.vector_store %arg10[%swap3A_720, %swap3A_721], %mul3A_719 {strides = array<i32>} : memref<640x16xf32, #tpu.memory_space<vmem>>, vector<16xf32>,
      %mul3A_723 = arith.constant 5.000000e-01 : f32
      %mul3A_724 = vector.broadcast %mul3A_723 : f32 to vector<16xf32>
      %mul3A_725 = arith.mulf %mul3A_719, %mul3A_724 : vector<16xf32>
      %swap3A_726 = arith.index_cast %add3A_712 : i32 to index
      %swap3A_727 = arith.constant 0 : index
      %swap3A_728 = tpu.vector_load %arg11[%swap3A_726, %swap3A_727] {strides = array<i32>} : memref<640x16xf32, #tpu.memory_space<vmem>>, vector<16xf32>,
      tpu.vector_store %arg11[%swap3A_726, %swap3A_727], %mul3A_725 {strides = array<i32>} : memref<640x16xf32, #tpu.memory_space<vmem>>, vector<16xf32>,
      %mul3A_729 = arith.constant 16 : i32
      %mul3A_730 = arith.muli %scan3A_467, %mul3A_729 : i32
      %add3A_731 = arith.constant 13 : i32
      %add3A_732 = arith.addi %mul3A_730, %add3A_731 : i32
      %get3A_733 = arith.index_cast %add3A_732 : i32 to index
      %get3A_734 = arith.constant 0 : index
      %get3A_735 = tpu.vector_load %arg10[%get3A_733, %get3A_734] {strides = array<i32>} : memref<640x16xf32, #tpu.memory_space<vmem>>, vector<16xf32>,
      %slice3A_736 = vector.extract_strided_slice %get3A_471 {offsets = [13], sizes = [1], strides = [1]} : vector<16xf32> to vector<1xf32>
      %squeeze3A_737 = vector.extract %slice3A_736[0] : f32 from vector<1xf32>
      %mul3A_738 = vector.broadcast %squeeze3A_737 : f32 to vector<16xf32>
      %mul3A_739 = arith.mulf %get3A_735, %mul3A_738 : vector<16xf32>
      %swap3A_740 = arith.index_cast %add3A_732 : i32 to index
      %swap3A_741 = arith.constant 0 : index
      %swap3A_742 = tpu.vector_load %arg10[%swap3A_740, %swap3A_741] {strides = array<i32>} : memref<640x16xf32, #tpu.memory_space<vmem>>, vector<16xf32>,
      tpu.vector_store %arg10[%swap3A_740, %swap3A_741], %mul3A_739 {strides = array<i32>} : memref<640x16xf32, #tpu.memory_space<vmem>>, vector<16xf32>,
      %mul3A_743 = arith.constant 5.000000e-01 : f32
      %mul3A_744 = vector.broadcast %mul3A_743 : f32 to vector<16xf32>
      %mul3A_745 = arith.mulf %mul3A_739, %mul3A_744 : vector<16xf32>
      %swap3A_746 = arith.index_cast %add3A_732 : i32 to index
      %swap3A_747 = arith.constant 0 : index
      %swap3A_748 = tpu.vector_load %arg11[%swap3A_746, %swap3A_747] {strides = array<i32>} : memref<640x16xf32, #tpu.memory_space<vmem>>, vector<16xf32>,
      tpu.vector_store %arg11[%swap3A_746, %swap3A_747], %mul3A_745 {strides = array<i32>} : memref<640x16xf32, #tpu.memory_space<vmem>>, vector<16xf32>,
      %mul3A_749 = arith.constant 16 : i32
      %mul3A_750 = arith.muli %scan3A_467, %mul3A_749 : i32
      %add3A_751 = arith.constant 14 : i32
      %add3A_752 = arith.addi %mul3A_750, %add3A_751 : i32
      %get3A_753 = arith.index_cast %add3A_752 : i32 to index
      %get3A_754 = arith.constant 0 : index
      %get3A_755 = tpu.vector_load %arg10[%get3A_753, %get3A_754] {strides = array<i32>} : memref<640x16xf32, #tpu.memory_space<vmem>>, vector<16xf32>,
      %slice3A_756 = vector.extract_strided_slice %get3A_471 {offsets = [14], sizes = [1], strides = [1]} : vector<16xf32> to vector<1xf32>
      %squeeze3A_757 = vector.extract %slice3A_756[0] : f32 from vector<1xf32>
      %mul3A_758 = vector.broadcast %squeeze3A_757 : f32 to vector<16xf32>
      %mul3A_759 = arith.mulf %get3A_755, %mul3A_758 : vector<16xf32>
      %swap3A_760 = arith.index_cast %add3A_752 : i32 to index
      %swap3A_761 = arith.constant 0 : index
      %swap3A_762 = tpu.vector_load %arg10[%swap3A_760, %swap3A_761] {strides = array<i32>} : memref<640x16xf32, #tpu.memory_space<vmem>>, vector<16xf32>,
      tpu.vector_store %arg10[%swap3A_760, %swap3A_761], %mul3A_759 {strides = array<i32>} : memref<640x16xf32, #tpu.memory_space<vmem>>, vector<16xf32>,
      %mul3A_763 = arith.constant 5.000000e-01 : f32
      %mul3A_764 = vector.broadcast %mul3A_763 : f32 to vector<16xf32>
      %mul3A_765 = arith.mulf %mul3A_759, %mul3A_764 : vector<16xf32>
      %swap3A_766 = arith.index_cast %add3A_752 : i32 to index
      %swap3A_767 = arith.constant 0 : index
      %swap3A_768 = tpu.vector_load %arg11[%swap3A_766, %swap3A_767] {strides = array<i32>} : memref<640x16xf32, #tpu.memory_space<vmem>>, vector<16xf32>,
      tpu.vector_store %arg11[%swap3A_766, %swap3A_767], %mul3A_765 {strides = array<i32>} : memref<640x16xf32, #tpu.memory_space<vmem>>, vector<16xf32>,
      %mul3A_769 = arith.constant 16 : i32
      %mul3A_770 = arith.muli %scan3A_467, %mul3A_769 : i32
      %add3A_771 = arith.constant 15 : i32
      %add3A_772 = arith.addi %mul3A_770, %add3A_771 : i32
      %get3A_773 = arith.index_cast %add3A_772 : i32 to index
      %get3A_774 = arith.constant 0 : index
      %get3A_775 = tpu.vector_load %arg10[%get3A_773, %get3A_774] {strides = array<i32>} : memref<640x16xf32, #tpu.memory_space<vmem>>, vector<16xf32>,
      %slice3A_776 = vector.extract_strided_slice %get3A_471 {offsets = [15], sizes = [1], strides = [1]} : vector<16xf32> to vector<1xf32>
      %squeeze3A_777 = vector.extract %slice3A_776[0] : f32 from vector<1xf32>
      %mul3A_778 = vector.broadcast %squeeze3A_777 : f32 to vector<16xf32>
      %mul3A_779 = arith.mulf %get3A_775, %mul3A_778 : vector<16xf32>
      %swap3A_780 = arith.index_cast %add3A_772 : i32 to index
      %swap3A_781 = arith.constant 0 : index
      %swap3A_782 = tpu.vector_load %arg10[%swap3A_780, %swap3A_781] {strides = array<i32>} : memref<640x16xf32, #tpu.memory_space<vmem>>, vector<16xf32>,
      tpu.vector_store %arg10[%swap3A_780, %swap3A_781], %mul3A_779 {strides = array<i32>} : memref<640x16xf32, #tpu.memory_space<vmem>>, vector<16xf32>,
      %mul3A_783 = arith.constant 5.000000e-01 : f32
      %mul3A_784 = vector.broadcast %mul3A_783 : f32 to vector<16xf32>
      %mul3A_785 = arith.mulf %mul3A_779, %mul3A_784 : vector<16xf32>
      %swap3A_786 = arith.index_cast %add3A_772 : i32 to index
      %swap3A_787 = arith.constant 0 : index
      %swap3A_788 = tpu.vector_load %arg11[%swap3A_786, %swap3A_787] {strides = array<i32>} : memref<640x16xf32, #tpu.memory_space<vmem>>, vector<16xf32>,
      tpu.vector_store %arg11[%swap3A_786, %swap3A_787], %mul3A_785 {strides = array<i32>} : memref<640x16xf32, #tpu.memory_space<vmem>>, vector<16xf32>,
      %scan3A_789 = arith.constant 0 : i32
      scf.yield %scan3A_789 : i32
    }
    %scan3A_103 = arith.constant 40 : i32
    "tpu.region"() ({
      %run_scoped3A = tpu.sem_alloc : memref<!tpu.dma_semaphore, #tpu.memory_space<semaphore_mem>>
      %dma_start3A_467 = arith.constant 0 : i32
      %dma_start3A_468 = tpu.memref_slice %arg15[%mul3A_2, %dma_start3A_467] : memref<10240x16xf32, #tpu.memory_space<vmem_shared>> -> memref<640x16xf32, #tpu.memory_space<vmem_shared>>
      %dma_start3A_469 = arith.constant 0 : i32
      %dma_start3A_470 = tpu.memref_slice %arg15[%mul3A_2, %dma_start3A_469] : memref<10240x16xf32, #tpu.memory_space<vmem_shared>> -> memref<640x16xf32, #tpu.memory_space<vmem_shared>>
      tpu.enqueue_dma source(%arg10 : memref<640x16xf32, #tpu.memory_space<vmem>>) target(%dma_start3A_470 : memref<640x16xf32, #tpu.memory_space<vmem_shared>>) target_semaphore(%run_scoped3A : memref<!tpu.dma_semaphore, #tpu.memory_space<semaphore_mem>>)
      %dma_wait3A_471 = arith.constant 0 : i32
      %dma_wait3A_472 = tpu.memref_slice %arg15[%mul3A_2, %dma_wait3A_471] : memref<10240x16xf32, #tpu.memory_space<vmem_shared>> -> memref<640x16xf32, #tpu.memory_space<vmem_shared>>
      %dma_wait3A_473 = arith.constant 0 : i32
      %dma_wait3A_474 = tpu.memref_slice %arg15[%mul3A_2, %dma_wait3A_473] : memref<10240x16xf32, #tpu.memory_space<vmem_shared>> -> memref<640x16xf32, #tpu.memory_space<vmem_shared>>
      tpu.wait_dma2 semaphore(%run_scoped3A : memref<!tpu.dma_semaphore, #tpu.memory_space<semaphore_mem>>) src(%arg10 : memref<640x16xf32, #tpu.memory_space<vmem>>) dst(%dma_wait3A_474 : memref<640x16xf32, #tpu.memory_space<vmem_shared>>)
      tpu.yield
    }) : () -> ()
    "tpu.region"() ({
      %run_scoped3A = tpu.sem_alloc : memref<!tpu.dma_semaphore, #tpu.memory_space<semaphore_mem>>
      %dma_start3A_467 = arith.constant 0 : i32
      %dma_start3A_468 = tpu.memref_slice %arg14[%mul3A_2, %dma_start3A_467] : memref<10240x16xf32, #tpu.memory_space<vmem_shared>> -> memref<640x16xf32, #tpu.memory_space<vmem_shared>>
      %dma_start3A_469 = arith.constant 0 : i32
      %dma_start3A_470 = tpu.memref_slice %arg14[%mul3A_2, %dma_start3A_469] : memref<10240x16xf32, #tpu.memory_space<vmem_shared>> -> memref<640x16xf32, #tpu.memory_space<vmem_shared>>
      tpu.enqueue_dma source(%arg11 : memref<640x16xf32, #tpu.memory_space<vmem>>) target(%dma_start3A_470 : memref<640x16xf32, #tpu.memory_space<vmem_shared>>) target_semaphore(%run_scoped3A : memref<!tpu.dma_semaphore, #tpu.memory_space<semaphore_mem>>)
      %dma_wait3A_471 = arith.constant 0 : i32
      %dma_wait3A_472 = tpu.memref_slice %arg14[%mul3A_2, %dma_wait3A_471] : memref<10240x16xf32, #tpu.memory_space<vmem_shared>> -> memref<640x16xf32, #tpu.memory_space<vmem_shared>>
      %dma_wait3A_473 = arith.constant 0 : i32
      %dma_wait3A_474 = tpu.memref_slice %arg14[%mul3A_2, %dma_wait3A_473] : memref<10240x16xf32, #tpu.memory_space<vmem_shared>> -> memref<640x16xf32, #tpu.memory_space<vmem_shared>>
      tpu.wait_dma2 semaphore(%run_scoped3A : memref<!tpu.dma_semaphore, #tpu.memory_space<semaphore_mem>>) src(%arg11 : memref<640x16xf32, #tpu.memory_space<vmem>>) dst(%dma_wait3A_474 : memref<640x16xf32, #tpu.memory_space<vmem_shared>>)
      tpu.yield
    }) : () -> ()
    %barrier3A = arith.constant 0 : index
    tpu.barrier barrier_id(%barrier3A)
    %dma_start3A_104 = arith.constant 0 : i32
    %dma_start3A_105 = arith.constant 0 : i32
    %dma_start3A_106 = arith.constant 0 : i32
    %dma_start3A_107 = arith.constant 0 : i32
    %dma_start3A_108 = arith.constant 0 : i32
    %dma_start3A_109 = tpu.memref_slice %arg9[%dma_start3A_105, %dma_start3A_107, %dma_start3A_108] : memref<16x125x16xf32, #tpu.memory_space<vmem>> -> memref<1x125x16xf32, #tpu.memory_space<vmem>>
    %dma_start3A_110 = tpu.memref_squeeze %dma_start3A_109 : memref<1x125x16xf32, #tpu.memory_space<vmem>> -> memref<125x16xf32, #tpu.memory_space<vmem>>
    %dma_start3A_111 = arith.constant 0 : i32
    %dma_start3A_112 = tpu.memref_slice %arg7[%dma_start3A_104, %dma_start3A_111] : memref<80x125xi32, #tpu.memory_space<vmem>> -> memref<1x125xi32, #tpu.memory_space<vmem>>
    %dma_start3A_113 = tpu.memref_squeeze %dma_start3A_112 : memref<1x125xi32, #tpu.memory_space<vmem>> -> memref<125xi32, #tpu.memory_space<vmem>>
    %dma_start3A_114 = arith.constant 0 : i32
    %dma_start3A_115 = arith.constant 0 : i32
    %dma_start3A_116 = tpu.memref_slice %arg15[%dma_start3A_114, %dma_start3A_115] : memref<10240x16xf32, #tpu.memory_space<vmem_shared>> -> memref<10240x16xf32, #tpu.memory_space<vmem_shared>>
    %dma_start3A_117 = tpu.memref_slice %arg16[%dma_start3A_106] : memref<4x!tpu.dma_semaphore, #tpu.memory_space<semaphore_mem>> -> memref<1x!tpu.dma_semaphore, #tpu.memory_space<semaphore_mem>>
    %dma_start3A_118 = tpu.memref_squeeze %dma_start3A_117 : memref<1x!tpu.dma_semaphore, #tpu.memory_space<semaphore_mem>> -> memref<!tpu.dma_semaphore, #tpu.memory_space<semaphore_mem>>
    tpu.enqueue_indirect_dma source(%dma_start3A_116 : memref<10240x16xf32, #tpu.memory_space<vmem_shared>>) target(%dma_start3A_110 : memref<125x16xf32, #tpu.memory_space<vmem>>) offsets(%dma_start3A_113 : memref<125xi32, #tpu.memory_space<vmem>>) semaphore(%dma_start3A_118 : memref<!tpu.dma_semaphore, #tpu.memory_space<semaphore_mem>>)
    %dma_start3A_119 = arith.constant 1 : i32
    %dma_start3A_120 = arith.constant 1 : i32
    %dma_start3A_121 = arith.constant 0 : i32
    %dma_start3A_122 = arith.constant 0 : i32
    %dma_start3A_123 = arith.constant 0 : i32
    %dma_start3A_124 = tpu.memref_slice %arg9[%dma_start3A_120, %dma_start3A_122, %dma_start3A_123] : memref<16x125x16xf32, #tpu.memory_space<vmem>> -> memref<1x125x16xf32, #tpu.memory_space<vmem>>
    %dma_start3A_125 = tpu.memref_squeeze %dma_start3A_124 : memref<1x125x16xf32, #tpu.memory_space<vmem>> -> memref<125x16xf32, #tpu.memory_space<vmem>>
    %dma_start3A_126 = arith.constant 0 : i32
    %dma_start3A_127 = tpu.memref_slice %arg7[%dma_start3A_119, %dma_start3A_126] : memref<80x125xi32, #tpu.memory_space<vmem>> -> memref<1x125xi32, #tpu.memory_space<vmem>>
    %dma_start3A_128 = tpu.memref_squeeze %dma_start3A_127 : memref<1x125xi32, #tpu.memory_space<vmem>> -> memref<125xi32, #tpu.memory_space<vmem>>
    %dma_start3A_129 = arith.constant 0 : i32
    %dma_start3A_130 = arith.constant 0 : i32
    %dma_start3A_131 = tpu.memref_slice %arg15[%dma_start3A_129, %dma_start3A_130] : memref<10240x16xf32, #tpu.memory_space<vmem_shared>> -> memref<10240x16xf32, #tpu.memory_space<vmem_shared>>
    %dma_start3A_132 = tpu.memref_slice %arg16[%dma_start3A_121] : memref<4x!tpu.dma_semaphore, #tpu.memory_space<semaphore_mem>> -> memref<1x!tpu.dma_semaphore, #tpu.memory_space<semaphore_mem>>
    %dma_start3A_133 = tpu.memref_squeeze %dma_start3A_132 : memref<1x!tpu.dma_semaphore, #tpu.memory_space<semaphore_mem>> -> memref<!tpu.dma_semaphore, #tpu.memory_space<semaphore_mem>>
    tpu.enqueue_indirect_dma source(%dma_start3A_131 : memref<10240x16xf32, #tpu.memory_space<vmem_shared>>) target(%dma_start3A_125 : memref<125x16xf32, #tpu.memory_space<vmem>>) offsets(%dma_start3A_128 : memref<125xi32, #tpu.memory_space<vmem>>) semaphore(%dma_start3A_133 : memref<!tpu.dma_semaphore, #tpu.memory_space<semaphore_mem>>)
    %dma_start3A_134 = arith.constant 2 : i32
    %dma_start3A_135 = arith.constant 2 : i32
    %dma_start3A_136 = arith.constant 0 : i32
    %dma_start3A_137 = arith.constant 0 : i32
    %dma_start3A_138 = arith.constant 0 : i32
    %dma_start3A_139 = tpu.memref_slice %arg9[%dma_start3A_135, %dma_start3A_137, %dma_start3A_138] : memref<16x125x16xf32, #tpu.memory_space<vmem>> -> memref<1x125x16xf32, #tpu.memory_space<vmem>>
    %dma_start3A_140 = tpu.memref_squeeze %dma_start3A_139 : memref<1x125x16xf32, #tpu.memory_space<vmem>> -> memref<125x16xf32, #tpu.memory_space<vmem>>
    %dma_start3A_141 = arith.constant 0 : i32
    %dma_start3A_142 = tpu.memref_slice %arg7[%dma_start3A_134, %dma_start3A_141] : memref<80x125xi32, #tpu.memory_space<vmem>> -> memref<1x125xi32, #tpu.memory_space<vmem>>
    %dma_start3A_143 = tpu.memref_squeeze %dma_start3A_142 : memref<1x125xi32, #tpu.memory_space<vmem>> -> memref<125xi32, #tpu.memory_space<vmem>>
    %dma_start3A_144 = arith.constant 0 : i32
    %dma_start3A_145 = arith.constant 0 : i32
    %dma_start3A_146 = tpu.memref_slice %arg15[%dma_start3A_144, %dma_start3A_145] : memref<10240x16xf32, #tpu.memory_space<vmem_shared>> -> memref<10240x16xf32, #tpu.memory_space<vmem_shared>>
    %dma_start3A_147 = tpu.memref_slice %arg16[%dma_start3A_136] : memref<4x!tpu.dma_semaphore, #tpu.memory_space<semaphore_mem>> -> memref<1x!tpu.dma_semaphore, #tpu.memory_space<semaphore_mem>>
    %dma_start3A_148 = tpu.memref_squeeze %dma_start3A_147 : memref<1x!tpu.dma_semaphore, #tpu.memory_space<semaphore_mem>> -> memref<!tpu.dma_semaphore, #tpu.memory_space<semaphore_mem>>
    tpu.enqueue_indirect_dma source(%dma_start3A_146 : memref<10240x16xf32, #tpu.memory_space<vmem_shared>>) target(%dma_start3A_140 : memref<125x16xf32, #tpu.memory_space<vmem>>) offsets(%dma_start3A_143 : memref<125xi32, #tpu.memory_space<vmem>>) semaphore(%dma_start3A_148 : memref<!tpu.dma_semaphore, #tpu.memory_space<semaphore_mem>>)
    %dma_start3A_149 = arith.constant 3 : i32
    %dma_start3A_150 = arith.constant 3 : i32
    %dma_start3A_151 = arith.constant 0 : i32
    %dma_start3A_152 = arith.constant 0 : i32
    %dma_start3A_153 = arith.constant 0 : i32
    %dma_start3A_154 = tpu.memref_slice %arg9[%dma_start3A_150, %dma_start3A_152, %dma_start3A_153] : memref<16x125x16xf32, #tpu.memory_space<vmem>> -> memref<1x125x16xf32, #tpu.memory_space<vmem>>
    %dma_start3A_155 = tpu.memref_squeeze %dma_start3A_154 : memref<1x125x16xf32, #tpu.memory_space<vmem>> -> memref<125x16xf32, #tpu.memory_space<vmem>>
    %dma_start3A_156 = arith.constant 0 : i32
    %dma_start3A_157 = tpu.memref_slice %arg7[%dma_start3A_149, %dma_start3A_156] : memref<80x125xi32, #tpu.memory_space<vmem>> -> memref<1x125xi32, #tpu.memory_space<vmem>>
    %dma_start3A_158 = tpu.memref_squeeze %dma_start3A_157 : memref<1x125xi32, #tpu.memory_space<vmem>> -> memref<125xi32, #tpu.memory_space<vmem>>
    %dma_start3A_159 = arith.constant 0 : i32
    %dma_start3A_160 = arith.constant 0 : i32
    %dma_start3A_161 = tpu.memref_slice %arg15[%dma_start3A_159, %dma_start3A_160] : memref<10240x16xf32, #tpu.memory_space<vmem_shared>> -> memref<10240x16xf32, #tpu.memory_space<vmem_shared>>
    %dma_start3A_162 = tpu.memref_slice %arg16[%dma_start3A_151] : memref<4x!tpu.dma_semaphore, #tpu.memory_space<semaphore_mem>> -> memref<1x!tpu.dma_semaphore, #tpu.memory_space<semaphore_mem>>
    %dma_start3A_163 = tpu.memref_squeeze %dma_start3A_162 : memref<1x!tpu.dma_semaphore, #tpu.memory_space<semaphore_mem>> -> memref<!tpu.dma_semaphore, #tpu.memory_space<semaphore_mem>>
    tpu.enqueue_indirect_dma source(%dma_start3A_161 : memref<10240x16xf32, #tpu.memory_space<vmem_shared>>) target(%dma_start3A_155 : memref<125x16xf32, #tpu.memory_space<vmem>>) offsets(%dma_start3A_158 : memref<125xi32, #tpu.memory_space<vmem>>) semaphore(%dma_start3A_163 : memref<!tpu.dma_semaphore, #tpu.memory_space<semaphore_mem>>)
    %scan3A_164 = arith.constant 0 : i32
    %scan3A_165 = arith.constant 0 : i32
    %scan3A_166 = arith.constant 20 : i32
    %scan3A_167 = arith.addi %scan3A_165, %scan3A_166 : i32
    %scan3A_168 = arith.constant 1 : i32
    %scan3A_169 = scf.for %scan3A_467 = %scan3A_165 to %scan3A_167 step %scan3A_168 iter_args(%scan3A_468 = %scan3A_164) -> (i32)  : i32 {
      %rem3A = arith.constant 4 : i32
      %rem3A_469 = arith.remsi %scan3A_467, %rem3A : i32
      %add3A_470 = arith.constant 1 : i32
      %add3A_471 = arith.addi %scan3A_467, %add3A_470 : i32
      %rem3A_472 = arith.constant 4 : i32
      %rem3A_473 = arith.remsi %add3A_471, %rem3A_472 : i32
      %add3A_474 = arith.constant 1 : i32
      %add3A_475 = arith.addi %scan3A_467, %add3A_474 : i32
      %lt3A = arith.constant 20 : i32
      %lt3A_476 = arith.cmpi slt, %add3A_475, %lt3A : i32
      %add3A_477 = arith.constant 1 : i32
      %add3A_478 = arith.addi %scan3A_467, %add3A_477 : i32
      %ge3A = arith.constant 4 : i32
      %ge3A_479 = arith.cmpi sge, %add3A_478, %ge3A : i32
      %and3A = arith.andi %lt3A_476, %ge3A_479 : i1
      %convert_element_type3A = arith.extui %and3A : i1 to i32
      %cond3A = arith.constant 0 : i32
      %cond3A_480 = arith.cmpi ne, %convert_element_type3A, %cond3A : i32
      scf.if %cond3A_480 {
        %dma_wait3A_637 = arith.constant 0 : i32
        %dma_wait3A_638 = arith.constant 0 : i32
        %dma_wait3A_639 = arith.constant 0 : i32
        %dma_wait3A_640 = tpu.memref_slice %arg9[%dma_wait3A_637, %dma_wait3A_638, %dma_wait3A_639] : memref<16x125x16xf32, #tpu.memory_space<vmem>> -> memref<1x125x16xf32, #tpu.memory_space<vmem>>
        %dma_wait3A_641 = tpu.memref_squeeze %dma_wait3A_640 : memref<1x125x16xf32, #tpu.memory_space<vmem>> -> memref<125x16xf32, #tpu.memory_space<vmem>>
        %dma_wait3A_642 = arith.constant 0 : i32
        %dma_wait3A_643 = arith.constant 0 : i32
        %dma_wait3A_644 = tpu.memref_slice %arg14[%dma_wait3A_642, %dma_wait3A_643] : memref<10240x16xf32, #tpu.memory_space<vmem_shared>> -> memref<125x16xf32, #tpu.memory_space<vmem_shared>>
        %dma_wait3A_645 = tpu.memref_slice %arg17[%rem3A_473] : memref<4x!tpu.dma_semaphore, #tpu.memory_space<semaphore_mem>> -> memref<1x!tpu.dma_semaphore, #tpu.memory_space<semaphore_mem>>
        %dma_wait3A_646 = tpu.memref_squeeze %dma_wait3A_645 : memref<1x!tpu.dma_semaphore, #tpu.memory_space<semaphore_mem>> -> memref<!tpu.dma_semaphore, #tpu.memory_space<semaphore_mem>>
        %dma_wait3A_647 = arith.constant 0 : i32
        %dma_wait3A_648 = arith.constant 0 : i32
        %dma_wait3A_649 = tpu.memref_slice %arg14[%dma_wait3A_647, %dma_wait3A_648] : memref<10240x16xf32, #tpu.memory_space<vmem_shared>> -> memref<125x16xf32, #tpu.memory_space<vmem_shared>>
        %dma_wait3A_650 = arith.constant 0 : i32
        %dma_wait3A_651 = arith.constant 0 : i32
        %dma_wait3A_652 = tpu.memref_slice %arg9[%dma_wait3A_637, %dma_wait3A_650, %dma_wait3A_651] : memref<16x125x16xf32, #tpu.memory_space<vmem>> -> memref<1x125x16xf32, #tpu.memory_space<vmem>>
        %dma_wait3A_653 = tpu.memref_squeeze %dma_wait3A_652 : memref<1x125x16xf32, #tpu.memory_space<vmem>> -> memref<125x16xf32, #tpu.memory_space<vmem>>
        tpu.wait_dma2 semaphore(%dma_wait3A_646 : memref<!tpu.dma_semaphore, #tpu.memory_space<semaphore_mem>>) src(%dma_wait3A_653 : memref<125x16xf32, #tpu.memory_space<vmem>>) dst(%dma_wait3A_649 : memref<125x16xf32, #tpu.memory_space<vmem_shared>>)
        %dma_wait3A_654 = arith.constant 1 : i32
        %dma_wait3A_655 = arith.constant 0 : i32
        %dma_wait3A_656 = arith.constant 0 : i32
        %dma_wait3A_657 = tpu.memref_slice %arg9[%dma_wait3A_654, %dma_wait3A_655, %dma_wait3A_656] : memref<16x125x16xf32, #tpu.memory_space<vmem>> -> memref<1x125x16xf32, #tpu.memory_space<vmem>>
        %dma_wait3A_658 = tpu.memref_squeeze %dma_wait3A_657 : memref<1x125x16xf32, #tpu.memory_space<vmem>> -> memref<125x16xf32, #tpu.memory_space<vmem>>
        %dma_wait3A_659 = arith.constant 0 : i32
        %dma_wait3A_660 = arith.constant 0 : i32
        %dma_wait3A_661 = tpu.memref_slice %arg14[%dma_wait3A_659, %dma_wait3A_660] : memref<10240x16xf32, #tpu.memory_space<vmem_shared>> -> memref<125x16xf32, #tpu.memory_space<vmem_shared>>
        %dma_wait3A_662 = tpu.memref_slice %arg17[%rem3A_473] : memref<4x!tpu.dma_semaphore, #tpu.memory_space<semaphore_mem>> -> memref<1x!tpu.dma_semaphore, #tpu.memory_space<semaphore_mem>>
        %dma_wait3A_663 = tpu.memref_squeeze %dma_wait3A_662 : memref<1x!tpu.dma_semaphore, #tpu.memory_space<semaphore_mem>> -> memref<!tpu.dma_semaphore, #tpu.memory_space<semaphore_mem>>
        %dma_wait3A_664 = arith.constant 0 : i32
        %dma_wait3A_665 = arith.constant 0 : i32
        %dma_wait3A_666 = tpu.memref_slice %arg14[%dma_wait3A_664, %dma_wait3A_665] : memref<10240x16xf32, #tpu.memory_space<vmem_shared>> -> memref<125x16xf32, #tpu.memory_space<vmem_shared>>
        %dma_wait3A_667 = arith.constant 0 : i32
        %dma_wait3A_668 = arith.constant 0 : i32
        %dma_wait3A_669 = tpu.memref_slice %arg9[%dma_wait3A_654, %dma_wait3A_667, %dma_wait3A_668] : memref<16x125x16xf32, #tpu.memory_space<vmem>> -> memref<1x125x16xf32, #tpu.memory_space<vmem>>
        %dma_wait3A_670 = tpu.memref_squeeze %dma_wait3A_669 : memref<1x125x16xf32, #tpu.memory_space<vmem>> -> memref<125x16xf32, #tpu.memory_space<vmem>>
        tpu.wait_dma2 semaphore(%dma_wait3A_663 : memref<!tpu.dma_semaphore, #tpu.memory_space<semaphore_mem>>) src(%dma_wait3A_670 : memref<125x16xf32, #tpu.memory_space<vmem>>) dst(%dma_wait3A_666 : memref<125x16xf32, #tpu.memory_space<vmem_shared>>)
        %dma_wait3A_671 = arith.constant 2 : i32
        %dma_wait3A_672 = arith.constant 0 : i32
        %dma_wait3A_673 = arith.constant 0 : i32
        %dma_wait3A_674 = tpu.memref_slice %arg9[%dma_wait3A_671, %dma_wait3A_672, %dma_wait3A_673] : memref<16x125x16xf32, #tpu.memory_space<vmem>> -> memref<1x125x16xf32, #tpu.memory_space<vmem>>
        %dma_wait3A_675 = tpu.memref_squeeze %dma_wait3A_674 : memref<1x125x16xf32, #tpu.memory_space<vmem>> -> memref<125x16xf32, #tpu.memory_space<vmem>>
        %dma_wait3A_676 = arith.constant 0 : i32
        %dma_wait3A_677 = arith.constant 0 : i32
        %dma_wait3A_678 = tpu.memref_slice %arg14[%dma_wait3A_676, %dma_wait3A_677] : memref<10240x16xf32, #tpu.memory_space<vmem_shared>> -> memref<125x16xf32, #tpu.memory_space<vmem_shared>>
        %dma_wait3A_679 = tpu.memref_slice %arg17[%rem3A_473] : memref<4x!tpu.dma_semaphore, #tpu.memory_space<semaphore_mem>> -> memref<1x!tpu.dma_semaphore, #tpu.memory_space<semaphore_mem>>
        %dma_wait3A_680 = tpu.memref_squeeze %dma_wait3A_679 : memref<1x!tpu.dma_semaphore, #tpu.memory_space<semaphore_mem>> -> memref<!tpu.dma_semaphore, #tpu.memory_space<semaphore_mem>>
        %dma_wait3A_681 = arith.constant 0 : i32
        %dma_wait3A_682 = arith.constant 0 : i32
        %dma_wait3A_683 = tpu.memref_slice %arg14[%dma_wait3A_681, %dma_wait3A_682] : memref<10240x16xf32, #tpu.memory_space<vmem_shared>> -> memref<125x16xf32, #tpu.memory_space<vmem_shared>>
        %dma_wait3A_684 = arith.constant 0 : i32
        %dma_wait3A_685 = arith.constant 0 : i32
        %dma_wait3A_686 = tpu.memref_slice %arg9[%dma_wait3A_671, %dma_wait3A_684, %dma_wait3A_685] : memref<16x125x16xf32, #tpu.memory_space<vmem>> -> memref<1x125x16xf32, #tpu.memory_space<vmem>>
        %dma_wait3A_687 = tpu.memref_squeeze %dma_wait3A_686 : memref<1x125x16xf32, #tpu.memory_space<vmem>> -> memref<125x16xf32, #tpu.memory_space<vmem>>
        tpu.wait_dma2 semaphore(%dma_wait3A_680 : memref<!tpu.dma_semaphore, #tpu.memory_space<semaphore_mem>>) src(%dma_wait3A_687 : memref<125x16xf32, #tpu.memory_space<vmem>>) dst(%dma_wait3A_683 : memref<125x16xf32, #tpu.memory_space<vmem_shared>>)
        %dma_wait3A_688 = arith.constant 3 : i32
        %dma_wait3A_689 = arith.constant 0 : i32
        %dma_wait3A_690 = arith.constant 0 : i32
        %dma_wait3A_691 = tpu.memref_slice %arg9[%dma_wait3A_688, %dma_wait3A_689, %dma_wait3A_690] : memref<16x125x16xf32, #tpu.memory_space<vmem>> -> memref<1x125x16xf32, #tpu.memory_space<vmem>>
        %dma_wait3A_692 = tpu.memref_squeeze %dma_wait3A_691 : memref<1x125x16xf32, #tpu.memory_space<vmem>> -> memref<125x16xf32, #tpu.memory_space<vmem>>
        %dma_wait3A_693 = arith.constant 0 : i32
        %dma_wait3A_694 = arith.constant 0 : i32
        %dma_wait3A_695 = tpu.memref_slice %arg14[%dma_wait3A_693, %dma_wait3A_694] : memref<10240x16xf32, #tpu.memory_space<vmem_shared>> -> memref<125x16xf32, #tpu.memory_space<vmem_shared>>
        %dma_wait3A_696 = tpu.memref_slice %arg17[%rem3A_473] : memref<4x!tpu.dma_semaphore, #tpu.memory_space<semaphore_mem>> -> memref<1x!tpu.dma_semaphore, #tpu.memory_space<semaphore_mem>>
        %dma_wait3A_697 = tpu.memref_squeeze %dma_wait3A_696 : memref<1x!tpu.dma_semaphore, #tpu.memory_space<semaphore_mem>> -> memref<!tpu.dma_semaphore, #tpu.memory_space<semaphore_mem>>
        %dma_wait3A_698 = arith.constant 0 : i32
        %dma_wait3A_699 = arith.constant 0 : i32
        %dma_wait3A_700 = tpu.memref_slice %arg14[%dma_wait3A_698, %dma_wait3A_699] : memref<10240x16xf32, #tpu.memory_space<vmem_shared>> -> memref<125x16xf32, #tpu.memory_space<vmem_shared>>
        %dma_wait3A_701 = arith.constant 0 : i32
        %dma_wait3A_702 = arith.constant 0 : i32
        %dma_wait3A_703 = tpu.memref_slice %arg9[%dma_wait3A_688, %dma_wait3A_701, %dma_wait3A_702] : memref<16x125x16xf32, #tpu.memory_space<vmem>> -> memref<1x125x16xf32, #tpu.memory_space<vmem>>
        %dma_wait3A_704 = tpu.memref_squeeze %dma_wait3A_703 : memref<1x125x16xf32, #tpu.memory_space<vmem>> -> memref<125x16xf32, #tpu.memory_space<vmem>>
        tpu.wait_dma2 semaphore(%dma_wait3A_697 : memref<!tpu.dma_semaphore, #tpu.memory_space<semaphore_mem>>) src(%dma_wait3A_704 : memref<125x16xf32, #tpu.memory_space<vmem>>) dst(%dma_wait3A_700 : memref<125x16xf32, #tpu.memory_space<vmem_shared>>)
      } else {
      }
      %add3A_481 = arith.constant 1 : i32
      %add3A_482 = arith.addi %scan3A_467, %add3A_481 : i32
      %lt3A_483 = arith.constant 20 : i32
      %lt3A_484 = arith.cmpi slt, %add3A_482, %lt3A_483 : i32
      %convert_element_type3A_485 = arith.extui %lt3A_484 : i1 to i32
      %cond3A_486 = arith.constant 0 : i32
      %cond3A_487 = arith.cmpi ne, %convert_element_type3A_485, %cond3A_486 : i32
      scf.if %cond3A_487 {
        %add3A_637 = arith.constant 1 : i32
        %add3A_638 = arith.addi %scan3A_467, %add3A_637 : i32
        %mul3A_639 = arith.constant 4 : i32
        %mul3A_640 = arith.muli %add3A_638, %mul3A_639 : i32
        %add3A_641 = arith.constant 0 : i32
        %add3A_642 = arith.addi %mul3A_640, %add3A_641 : i32
        %mul3A_643 = arith.constant 4 : i32
        %mul3A_644 = arith.muli %rem3A_473, %mul3A_643 : i32
        %add3A_645 = arith.constant 0 : i32
        %add3A_646 = arith.addi %mul3A_644, %add3A_645 : i32
        %dma_start3A_647 = arith.constant 0 : i32
        %dma_start3A_648 = arith.constant 0 : i32
        %dma_start3A_649 = tpu.memref_slice %arg9[%add3A_646, %dma_start3A_647, %dma_start3A_648] : memref<16x125x16xf32, #tpu.memory_space<vmem>> -> memref<1x125x16xf32, #tpu.memory_space<vmem>>
        %dma_start3A_650 = tpu.memref_squeeze %dma_start3A_649 : memref<1x125x16xf32, #tpu.memory_space<vmem>> -> memref<125x16xf32, #tpu.memory_space<vmem>>
        %dma_start3A_651 = arith.constant 0 : i32
        %dma_start3A_652 = tpu.memref_slice %arg7[%add3A_642, %dma_start3A_651] : memref<80x125xi32, #tpu.memory_space<vmem>> -> memref<1x125xi32, #tpu.memory_space<vmem>>
        %dma_start3A_653 = tpu.memref_squeeze %dma_start3A_652 : memref<1x125xi32, #tpu.memory_space<vmem>> -> memref<125xi32, #tpu.memory_space<vmem>>
        %dma_start3A_654 = arith.constant 0 : i32
        %dma_start3A_655 = arith.constant 0 : i32
        %dma_start3A_656 = tpu.memref_slice %arg15[%dma_start3A_654, %dma_start3A_655] : memref<10240x16xf32, #tpu.memory_space<vmem_shared>> -> memref<10240x16xf32, #tpu.memory_space<vmem_shared>>
        %dma_start3A_657 = tpu.memref_slice %arg16[%rem3A_473] : memref<4x!tpu.dma_semaphore, #tpu.memory_space<semaphore_mem>> -> memref<1x!tpu.dma_semaphore, #tpu.memory_space<semaphore_mem>>
        %dma_start3A_658 = tpu.memref_squeeze %dma_start3A_657 : memref<1x!tpu.dma_semaphore, #tpu.memory_space<semaphore_mem>> -> memref<!tpu.dma_semaphore, #tpu.memory_space<semaphore_mem>>
        tpu.enqueue_indirect_dma source(%dma_start3A_656 : memref<10240x16xf32, #tpu.memory_space<vmem_shared>>) target(%dma_start3A_650 : memref<125x16xf32, #tpu.memory_space<vmem>>) offsets(%dma_start3A_653 : memref<125xi32, #tpu.memory_space<vmem>>) semaphore(%dma_start3A_658 : memref<!tpu.dma_semaphore, #tpu.memory_space<semaphore_mem>>)
        %mul3A_659 = arith.constant 4 : i32
        %mul3A_660 = arith.muli %add3A_638, %mul3A_659 : i32
        %add3A_661 = arith.constant 1 : i32
        %add3A_662 = arith.addi %mul3A_660, %add3A_661 : i32
        %mul3A_663 = arith.constant 4 : i32
        %mul3A_664 = arith.muli %rem3A_473, %mul3A_663 : i32
        %add3A_665 = arith.constant 1 : i32
        %add3A_666 = arith.addi %mul3A_664, %add3A_665 : i32
        %dma_start3A_667 = arith.constant 0 : i32
        %dma_start3A_668 = arith.constant 0 : i32
        %dma_start3A_669 = tpu.memref_slice %arg9[%add3A_666, %dma_start3A_667, %dma_start3A_668] : memref<16x125x16xf32, #tpu.memory_space<vmem>> -> memref<1x125x16xf32, #tpu.memory_space<vmem>>
        %dma_start3A_670 = tpu.memref_squeeze %dma_start3A_669 : memref<1x125x16xf32, #tpu.memory_space<vmem>> -> memref<125x16xf32, #tpu.memory_space<vmem>>
        %dma_start3A_671 = arith.constant 0 : i32
        %dma_start3A_672 = tpu.memref_slice %arg7[%add3A_662, %dma_start3A_671] : memref<80x125xi32, #tpu.memory_space<vmem>> -> memref<1x125xi32, #tpu.memory_space<vmem>>
        %dma_start3A_673 = tpu.memref_squeeze %dma_start3A_672 : memref<1x125xi32, #tpu.memory_space<vmem>> -> memref<125xi32, #tpu.memory_space<vmem>>
        %dma_start3A_674 = arith.constant 0 : i32
        %dma_start3A_675 = arith.constant 0 : i32
        %dma_start3A_676 = tpu.memref_slice %arg15[%dma_start3A_674, %dma_start3A_675] : memref<10240x16xf32, #tpu.memory_space<vmem_shared>> -> memref<10240x16xf32, #tpu.memory_space<vmem_shared>>
        %dma_start3A_677 = tpu.memref_slice %arg16[%rem3A_473] : memref<4x!tpu.dma_semaphore, #tpu.memory_space<semaphore_mem>> -> memref<1x!tpu.dma_semaphore, #tpu.memory_space<semaphore_mem>>
        %dma_start3A_678 = tpu.memref_squeeze %dma_start3A_677 : memref<1x!tpu.dma_semaphore, #tpu.memory_space<semaphore_mem>> -> memref<!tpu.dma_semaphore, #tpu.memory_space<semaphore_mem>>
        tpu.enqueue_indirect_dma source(%dma_start3A_676 : memref<10240x16xf32, #tpu.memory_space<vmem_shared>>) target(%dma_start3A_670 : memref<125x16xf32, #tpu.memory_space<vmem>>) offsets(%dma_start3A_673 : memref<125xi32, #tpu.memory_space<vmem>>) semaphore(%dma_start3A_678 : memref<!tpu.dma_semaphore, #tpu.memory_space<semaphore_mem>>)
        %mul3A_679 = arith.constant 4 : i32
        %mul3A_680 = arith.muli %add3A_638, %mul3A_679 : i32
        %add3A_681 = arith.constant 2 : i32
        %add3A_682 = arith.addi %mul3A_680, %add3A_681 : i32
        %mul3A_683 = arith.constant 4 : i32
        %mul3A_684 = arith.muli %rem3A_473, %mul3A_683 : i32
        %add3A_685 = arith.constant 2 : i32
        %add3A_686 = arith.addi %mul3A_684, %add3A_685 : i32
        %dma_start3A_687 = arith.constant 0 : i32
        %dma_start3A_688 = arith.constant 0 : i32
        %dma_start3A_689 = tpu.memref_slice %arg9[%add3A_686, %dma_start3A_687, %dma_start3A_688] : memref<16x125x16xf32, #tpu.memory_space<vmem>> -> memref<1x125x16xf32, #tpu.memory_space<vmem>>
        %dma_start3A_690 = tpu.memref_squeeze %dma_start3A_689 : memref<1x125x16xf32, #tpu.memory_space<vmem>> -> memref<125x16xf32, #tpu.memory_space<vmem>>
        %dma_start3A_691 = arith.constant 0 : i32
        %dma_start3A_692 = tpu.memref_slice %arg7[%add3A_682, %dma_start3A_691] : memref<80x125xi32, #tpu.memory_space<vmem>> -> memref<1x125xi32, #tpu.memory_space<vmem>>
        %dma_start3A_693 = tpu.memref_squeeze %dma_start3A_692 : memref<1x125xi32, #tpu.memory_space<vmem>> -> memref<125xi32, #tpu.memory_space<vmem>>
        %dma_start3A_694 = arith.constant 0 : i32
        %dma_start3A_695 = arith.constant 0 : i32
        %dma_start3A_696 = tpu.memref_slice %arg15[%dma_start3A_694, %dma_start3A_695] : memref<10240x16xf32, #tpu.memory_space<vmem_shared>> -> memref<10240x16xf32, #tpu.memory_space<vmem_shared>>
        %dma_start3A_697 = tpu.memref_slice %arg16[%rem3A_473] : memref<4x!tpu.dma_semaphore, #tpu.memory_space<semaphore_mem>> -> memref<1x!tpu.dma_semaphore, #tpu.memory_space<semaphore_mem>>
        %dma_start3A_698 = tpu.memref_squeeze %dma_start3A_697 : memref<1x!tpu.dma_semaphore, #tpu.memory_space<semaphore_mem>> -> memref<!tpu.dma_semaphore, #tpu.memory_space<semaphore_mem>>
        tpu.enqueue_indirect_dma source(%dma_start3A_696 : memref<10240x16xf32, #tpu.memory_space<vmem_shared>>) target(%dma_start3A_690 : memref<125x16xf32, #tpu.memory_space<vmem>>) offsets(%dma_start3A_693 : memref<125xi32, #tpu.memory_space<vmem>>) semaphore(%dma_start3A_698 : memref<!tpu.dma_semaphore, #tpu.memory_space<semaphore_mem>>)
        %mul3A_699 = arith.constant 4 : i32
        %mul3A_700 = arith.muli %add3A_638, %mul3A_699 : i32
        %add3A_701 = arith.constant 3 : i32
        %add3A_702 = arith.addi %mul3A_700, %add3A_701 : i32
        %mul3A_703 = arith.constant 4 : i32
        %mul3A_704 = arith.muli %rem3A_473, %mul3A_703 : i32
        %add3A_705 = arith.constant 3 : i32
        %add3A_706 = arith.addi %mul3A_704, %add3A_705 : i32
        %dma_start3A_707 = arith.constant 0 : i32
        %dma_start3A_708 = arith.constant 0 : i32
        %dma_start3A_709 = tpu.memref_slice %arg9[%add3A_706, %dma_start3A_707, %dma_start3A_708] : memref<16x125x16xf32, #tpu.memory_space<vmem>> -> memref<1x125x16xf32, #tpu.memory_space<vmem>>
        %dma_start3A_710 = tpu.memref_squeeze %dma_start3A_709 : memref<1x125x16xf32, #tpu.memory_space<vmem>> -> memref<125x16xf32, #tpu.memory_space<vmem>>
        %dma_start3A_711 = arith.constant 0 : i32
        %dma_start3A_712 = tpu.memref_slice %arg7[%add3A_702, %dma_start3A_711] : memref<80x125xi32, #tpu.memory_space<vmem>> -> memref<1x125xi32, #tpu.memory_space<vmem>>
        %dma_start3A_713 = tpu.memref_squeeze %dma_start3A_712 : memref<1x125xi32, #tpu.memory_space<vmem>> -> memref<125xi32, #tpu.memory_space<vmem>>
        %dma_start3A_714 = arith.constant 0 : i32
        %dma_start3A_715 = arith.constant 0 : i32
        %dma_start3A_716 = tpu.memref_slice %arg15[%dma_start3A_714, %dma_start3A_715] : memref<10240x16xf32, #tpu.memory_space<vmem_shared>> -> memref<10240x16xf32, #tpu.memory_space<vmem_shared>>
        %dma_start3A_717 = tpu.memref_slice %arg16[%rem3A_473] : memref<4x!tpu.dma_semaphore, #tpu.memory_space<semaphore_mem>> -> memref<1x!tpu.dma_semaphore, #tpu.memory_space<semaphore_mem>>
        %dma_start3A_718 = tpu.memref_squeeze %dma_start3A_717 : memref<1x!tpu.dma_semaphore, #tpu.memory_space<semaphore_mem>> -> memref<!tpu.dma_semaphore, #tpu.memory_space<semaphore_mem>>
        tpu.enqueue_indirect_dma source(%dma_start3A_716 : memref<10240x16xf32, #tpu.memory_space<vmem_shared>>) target(%dma_start3A_710 : memref<125x16xf32, #tpu.memory_space<vmem>>) offsets(%dma_start3A_713 : memref<125xi32, #tpu.memory_space<vmem>>) semaphore(%dma_start3A_718 : memref<!tpu.dma_semaphore, #tpu.memory_space<semaphore_mem>>)
      } else {
      }
      %dma_wait3A_488 = arith.constant 0 : i32
      %dma_wait3A_489 = arith.constant 0 : i32
      %dma_wait3A_490 = arith.constant 0 : i32
      %dma_wait3A_491 = tpu.memref_slice %arg9[%dma_wait3A_488, %dma_wait3A_489, %dma_wait3A_490] : memref<16x125x16xf32, #tpu.memory_space<vmem>> -> memref<1x125x16xf32, #tpu.memory_space<vmem>>
      %dma_wait3A_492 = tpu.memref_squeeze %dma_wait3A_491 : memref<1x125x16xf32, #tpu.memory_space<vmem>> -> memref<125x16xf32, #tpu.memory_space<vmem>>
      %dma_wait3A_493 = arith.constant 0 : i32
      %dma_wait3A_494 = arith.constant 0 : i32
      %dma_wait3A_495 = tpu.memref_slice %arg14[%dma_wait3A_493, %dma_wait3A_494] : memref<10240x16xf32, #tpu.memory_space<vmem_shared>> -> memref<125x16xf32, #tpu.memory_space<vmem_shared>>
      %dma_wait3A_496 = tpu.memref_slice %arg16[%rem3A_469] : memref<4x!tpu.dma_semaphore, #tpu.memory_space<semaphore_mem>> -> memref<1x!tpu.dma_semaphore, #tpu.memory_space<semaphore_mem>>
      %dma_wait3A_497 = tpu.memref_squeeze %dma_wait3A_496 : memref<1x!tpu.dma_semaphore, #tpu.memory_space<semaphore_mem>> -> memref<!tpu.dma_semaphore, #tpu.memory_space<semaphore_mem>>
      %dma_wait3A_498 = arith.constant 0 : i32
      %dma_wait3A_499 = arith.constant 0 : i32
      %dma_wait3A_500 = tpu.memref_slice %arg14[%dma_wait3A_498, %dma_wait3A_499] : memref<10240x16xf32, #tpu.memory_space<vmem_shared>> -> memref<125x16xf32, #tpu.memory_space<vmem_shared>>
      %dma_wait3A_501 = arith.constant 0 : i32
      %dma_wait3A_502 = arith.constant 0 : i32
      %dma_wait3A_503 = tpu.memref_slice %arg9[%dma_wait3A_488, %dma_wait3A_501, %dma_wait3A_502] : memref<16x125x16xf32, #tpu.memory_space<vmem>> -> memref<1x125x16xf32, #tpu.memory_space<vmem>>
      %dma_wait3A_504 = tpu.memref_squeeze %dma_wait3A_503 : memref<1x125x16xf32, #tpu.memory_space<vmem>> -> memref<125x16xf32, #tpu.memory_space<vmem>>
      tpu.wait_dma2 semaphore(%dma_wait3A_497 : memref<!tpu.dma_semaphore, #tpu.memory_space<semaphore_mem>>) src(%dma_wait3A_504 : memref<125x16xf32, #tpu.memory_space<vmem>>) dst(%dma_wait3A_500 : memref<125x16xf32, #tpu.memory_space<vmem_shared>>)
      %dma_wait3A_505 = arith.constant 1 : i32
      %dma_wait3A_506 = arith.constant 0 : i32
      %dma_wait3A_507 = arith.constant 0 : i32
      %dma_wait3A_508 = tpu.memref_slice %arg9[%dma_wait3A_505, %dma_wait3A_506, %dma_wait3A_507] : memref<16x125x16xf32, #tpu.memory_space<vmem>> -> memref<1x125x16xf32, #tpu.memory_space<vmem>>
      %dma_wait3A_509 = tpu.memref_squeeze %dma_wait3A_508 : memref<1x125x16xf32, #tpu.memory_space<vmem>> -> memref<125x16xf32, #tpu.memory_space<vmem>>
      %dma_wait3A_510 = arith.constant 0 : i32
      %dma_wait3A_511 = arith.constant 0 : i32
      %dma_wait3A_512 = tpu.memref_slice %arg14[%dma_wait3A_510, %dma_wait3A_511] : memref<10240x16xf32, #tpu.memory_space<vmem_shared>> -> memref<125x16xf32, #tpu.memory_space<vmem_shared>>
      %dma_wait3A_513 = tpu.memref_slice %arg16[%rem3A_469] : memref<4x!tpu.dma_semaphore, #tpu.memory_space<semaphore_mem>> -> memref<1x!tpu.dma_semaphore, #tpu.memory_space<semaphore_mem>>
      %dma_wait3A_514 = tpu.memref_squeeze %dma_wait3A_513 : memref<1x!tpu.dma_semaphore, #tpu.memory_space<semaphore_mem>> -> memref<!tpu.dma_semaphore, #tpu.memory_space<semaphore_mem>>
      %dma_wait3A_515 = arith.constant 0 : i32
      %dma_wait3A_516 = arith.constant 0 : i32
      %dma_wait3A_517 = tpu.memref_slice %arg14[%dma_wait3A_515, %dma_wait3A_516] : memref<10240x16xf32, #tpu.memory_space<vmem_shared>> -> memref<125x16xf32, #tpu.memory_space<vmem_shared>>
      %dma_wait3A_518 = arith.constant 0 : i32
      %dma_wait3A_519 = arith.constant 0 : i32
      %dma_wait3A_520 = tpu.memref_slice %arg9[%dma_wait3A_505, %dma_wait3A_518, %dma_wait3A_519] : memref<16x125x16xf32, #tpu.memory_space<vmem>> -> memref<1x125x16xf32, #tpu.memory_space<vmem>>
      %dma_wait3A_521 = tpu.memref_squeeze %dma_wait3A_520 : memref<1x125x16xf32, #tpu.memory_space<vmem>> -> memref<125x16xf32, #tpu.memory_space<vmem>>
      tpu.wait_dma2 semaphore(%dma_wait3A_514 : memref<!tpu.dma_semaphore, #tpu.memory_space<semaphore_mem>>) src(%dma_wait3A_521 : memref<125x16xf32, #tpu.memory_space<vmem>>) dst(%dma_wait3A_517 : memref<125x16xf32, #tpu.memory_space<vmem_shared>>)
      %dma_wait3A_522 = arith.constant 2 : i32
      %dma_wait3A_523 = arith.constant 0 : i32
      %dma_wait3A_524 = arith.constant 0 : i32
      %dma_wait3A_525 = tpu.memref_slice %arg9[%dma_wait3A_522, %dma_wait3A_523, %dma_wait3A_524] : memref<16x125x16xf32, #tpu.memory_space<vmem>> -> memref<1x125x16xf32, #tpu.memory_space<vmem>>
      %dma_wait3A_526 = tpu.memref_squeeze %dma_wait3A_525 : memref<1x125x16xf32, #tpu.memory_space<vmem>> -> memref<125x16xf32, #tpu.memory_space<vmem>>
      %dma_wait3A_527 = arith.constant 0 : i32
      %dma_wait3A_528 = arith.constant 0 : i32
      %dma_wait3A_529 = tpu.memref_slice %arg14[%dma_wait3A_527, %dma_wait3A_528] : memref<10240x16xf32, #tpu.memory_space<vmem_shared>> -> memref<125x16xf32, #tpu.memory_space<vmem_shared>>
      %dma_wait3A_530 = tpu.memref_slice %arg16[%rem3A_469] : memref<4x!tpu.dma_semaphore, #tpu.memory_space<semaphore_mem>> -> memref<1x!tpu.dma_semaphore, #tpu.memory_space<semaphore_mem>>
      %dma_wait3A_531 = tpu.memref_squeeze %dma_wait3A_530 : memref<1x!tpu.dma_semaphore, #tpu.memory_space<semaphore_mem>> -> memref<!tpu.dma_semaphore, #tpu.memory_space<semaphore_mem>>
      %dma_wait3A_532 = arith.constant 0 : i32
      %dma_wait3A_533 = arith.constant 0 : i32
      %dma_wait3A_534 = tpu.memref_slice %arg14[%dma_wait3A_532, %dma_wait3A_533] : memref<10240x16xf32, #tpu.memory_space<vmem_shared>> -> memref<125x16xf32, #tpu.memory_space<vmem_shared>>
      %dma_wait3A_535 = arith.constant 0 : i32
      %dma_wait3A_536 = arith.constant 0 : i32
      %dma_wait3A_537 = tpu.memref_slice %arg9[%dma_wait3A_522, %dma_wait3A_535, %dma_wait3A_536] : memref<16x125x16xf32, #tpu.memory_space<vmem>> -> memref<1x125x16xf32, #tpu.memory_space<vmem>>
      %dma_wait3A_538 = tpu.memref_squeeze %dma_wait3A_537 : memref<1x125x16xf32, #tpu.memory_space<vmem>> -> memref<125x16xf32, #tpu.memory_space<vmem>>
      tpu.wait_dma2 semaphore(%dma_wait3A_531 : memref<!tpu.dma_semaphore, #tpu.memory_space<semaphore_mem>>) src(%dma_wait3A_538 : memref<125x16xf32, #tpu.memory_space<vmem>>) dst(%dma_wait3A_534 : memref<125x16xf32, #tpu.memory_space<vmem_shared>>)
      %dma_wait3A_539 = arith.constant 3 : i32
      %dma_wait3A_540 = arith.constant 0 : i32
      %dma_wait3A_541 = arith.constant 0 : i32
      %dma_wait3A_542 = tpu.memref_slice %arg9[%dma_wait3A_539, %dma_wait3A_540, %dma_wait3A_541] : memref<16x125x16xf32, #tpu.memory_space<vmem>> -> memref<1x125x16xf32, #tpu.memory_space<vmem>>
      %dma_wait3A_543 = tpu.memref_squeeze %dma_wait3A_542 : memref<1x125x16xf32, #tpu.memory_space<vmem>> -> memref<125x16xf32, #tpu.memory_space<vmem>>
      %dma_wait3A_544 = arith.constant 0 : i32
      %dma_wait3A_545 = arith.constant 0 : i32
      %dma_wait3A_546 = tpu.memref_slice %arg14[%dma_wait3A_544, %dma_wait3A_545] : memref<10240x16xf32, #tpu.memory_space<vmem_shared>> -> memref<125x16xf32, #tpu.memory_space<vmem_shared>>
      %dma_wait3A_547 = tpu.memref_slice %arg16[%rem3A_469] : memref<4x!tpu.dma_semaphore, #tpu.memory_space<semaphore_mem>> -> memref<1x!tpu.dma_semaphore, #tpu.memory_space<semaphore_mem>>
      %dma_wait3A_548 = tpu.memref_squeeze %dma_wait3A_547 : memref<1x!tpu.dma_semaphore, #tpu.memory_space<semaphore_mem>> -> memref<!tpu.dma_semaphore, #tpu.memory_space<semaphore_mem>>
      %dma_wait3A_549 = arith.constant 0 : i32
      %dma_wait3A_550 = arith.constant 0 : i32
      %dma_wait3A_551 = tpu.memref_slice %arg14[%dma_wait3A_549, %dma_wait3A_550] : memref<10240x16xf32, #tpu.memory_space<vmem_shared>> -> memref<125x16xf32, #tpu.memory_space<vmem_shared>>
      %dma_wait3A_552 = arith.constant 0 : i32
      %dma_wait3A_553 = arith.constant 0 : i32
      %dma_wait3A_554 = tpu.memref_slice %arg9[%dma_wait3A_539, %dma_wait3A_552, %dma_wait3A_553] : memref<16x125x16xf32, #tpu.memory_space<vmem>> -> memref<1x125x16xf32, #tpu.memory_space<vmem>>
      %dma_wait3A_555 = tpu.memref_squeeze %dma_wait3A_554 : memref<1x125x16xf32, #tpu.memory_space<vmem>> -> memref<125x16xf32, #tpu.memory_space<vmem>>
      tpu.wait_dma2 semaphore(%dma_wait3A_548 : memref<!tpu.dma_semaphore, #tpu.memory_space<semaphore_mem>>) src(%dma_wait3A_555 : memref<125x16xf32, #tpu.memory_space<vmem>>) dst(%dma_wait3A_551 : memref<125x16xf32, #tpu.memory_space<vmem_shared>>)
      %mul3A_556 = arith.constant 4 : i32
      %mul3A_557 = arith.muli %rem3A_469, %mul3A_556 : i32
      %add3A_558 = arith.constant 0 : i32
      %add3A_559 = arith.addi %mul3A_557, %add3A_558 : i32
      %mul3A_560 = arith.constant 4 : i32
      %mul3A_561 = arith.muli %scan3A_467, %mul3A_560 : i32
      %add3A_562 = arith.constant 0 : i32
      %add3A_563 = arith.addi %mul3A_561, %add3A_562 : i32
      %dma_start3A_564 = arith.constant 0 : i32
      %dma_start3A_565 = arith.constant 0 : i32
      %dma_start3A_566 = tpu.memref_slice %arg9[%add3A_559, %dma_start3A_564, %dma_start3A_565] : memref<16x125x16xf32, #tpu.memory_space<vmem>> -> memref<1x125x16xf32, #tpu.memory_space<vmem>>
      %dma_start3A_567 = tpu.memref_squeeze %dma_start3A_566 : memref<1x125x16xf32, #tpu.memory_space<vmem>> -> memref<125x16xf32, #tpu.memory_space<vmem>>
      %dma_start3A_568 = arith.constant 0 : i32
      %dma_start3A_569 = tpu.memref_slice %arg8[%add3A_563, %dma_start3A_568] : memref<80x125xi32, #tpu.memory_space<vmem>> -> memref<1x125xi32, #tpu.memory_space<vmem>>
      %dma_start3A_570 = tpu.memref_squeeze %dma_start3A_569 : memref<1x125xi32, #tpu.memory_space<vmem>> -> memref<125xi32, #tpu.memory_space<vmem>>
      %dma_start3A_571 = arith.constant 0 : i32
      %dma_start3A_572 = arith.constant 0 : i32
      %dma_start3A_573 = tpu.memref_slice %arg14[%dma_start3A_571, %dma_start3A_572] : memref<10240x16xf32, #tpu.memory_space<vmem_shared>> -> memref<10240x16xf32, #tpu.memory_space<vmem_shared>>
      %dma_start3A_574 = tpu.memref_slice %arg17[%rem3A_469] : memref<4x!tpu.dma_semaphore, #tpu.memory_space<semaphore_mem>> -> memref<1x!tpu.dma_semaphore, #tpu.memory_space<semaphore_mem>>
      %dma_start3A_575 = tpu.memref_squeeze %dma_start3A_574 : memref<1x!tpu.dma_semaphore, #tpu.memory_space<semaphore_mem>> -> memref<!tpu.dma_semaphore, #tpu.memory_space<semaphore_mem>>
      tpu.enqueue_indirect_dma source(%dma_start3A_567 : memref<125x16xf32, #tpu.memory_space<vmem>>) target(%dma_start3A_573 : memref<10240x16xf32, #tpu.memory_space<vmem_shared>>) offsets(%dma_start3A_570 : memref<125xi32, #tpu.memory_space<vmem>>) semaphore(%dma_start3A_575 : memref<!tpu.dma_semaphore, #tpu.memory_space<semaphore_mem>>) {add = true}
      %mul3A_576 = arith.constant 4 : i32
      %mul3A_577 = arith.muli %rem3A_469, %mul3A_576 : i32
      %add3A_578 = arith.constant 1 : i32
      %add3A_579 = arith.addi %mul3A_577, %add3A_578 : i32
      %mul3A_580 = arith.constant 4 : i32
      %mul3A_581 = arith.muli %scan3A_467, %mul3A_580 : i32
      %add3A_582 = arith.constant 1 : i32
      %add3A_583 = arith.addi %mul3A_581, %add3A_582 : i32
      %dma_start3A_584 = arith.constant 0 : i32
      %dma_start3A_585 = arith.constant 0 : i32
      %dma_start3A_586 = tpu.memref_slice %arg9[%add3A_579, %dma_start3A_584, %dma_start3A_585] : memref<16x125x16xf32, #tpu.memory_space<vmem>> -> memref<1x125x16xf32, #tpu.memory_space<vmem>>
      %dma_start3A_587 = tpu.memref_squeeze %dma_start3A_586 : memref<1x125x16xf32, #tpu.memory_space<vmem>> -> memref<125x16xf32, #tpu.memory_space<vmem>>
      %dma_start3A_588 = arith.constant 0 : i32
      %dma_start3A_589 = tpu.memref_slice %arg8[%add3A_583, %dma_start3A_588] : memref<80x125xi32, #tpu.memory_space<vmem>> -> memref<1x125xi32, #tpu.memory_space<vmem>>
      %dma_start3A_590 = tpu.memref_squeeze %dma_start3A_589 : memref<1x125xi32, #tpu.memory_space<vmem>> -> memref<125xi32, #tpu.memory_space<vmem>>
      %dma_start3A_591 = arith.constant 0 : i32
      %dma_start3A_592 = arith.constant 0 : i32
      %dma_start3A_593 = tpu.memref_slice %arg14[%dma_start3A_591, %dma_start3A_592] : memref<10240x16xf32, #tpu.memory_space<vmem_shared>> -> memref<10240x16xf32, #tpu.memory_space<vmem_shared>>
      %dma_start3A_594 = tpu.memref_slice %arg17[%rem3A_469] : memref<4x!tpu.dma_semaphore, #tpu.memory_space<semaphore_mem>> -> memref<1x!tpu.dma_semaphore, #tpu.memory_space<semaphore_mem>>
      %dma_start3A_595 = tpu.memref_squeeze %dma_start3A_594 : memref<1x!tpu.dma_semaphore, #tpu.memory_space<semaphore_mem>> -> memref<!tpu.dma_semaphore, #tpu.memory_space<semaphore_mem>>
      tpu.enqueue_indirect_dma source(%dma_start3A_587 : memref<125x16xf32, #tpu.memory_space<vmem>>) target(%dma_start3A_593 : memref<10240x16xf32, #tpu.memory_space<vmem_shared>>) offsets(%dma_start3A_590 : memref<125xi32, #tpu.memory_space<vmem>>) semaphore(%dma_start3A_595 : memref<!tpu.dma_semaphore, #tpu.memory_space<semaphore_mem>>) {add = true}
      %mul3A_596 = arith.constant 4 : i32
      %mul3A_597 = arith.muli %rem3A_469, %mul3A_596 : i32
      %add3A_598 = arith.constant 2 : i32
      %add3A_599 = arith.addi %mul3A_597, %add3A_598 : i32
      %mul3A_600 = arith.constant 4 : i32
      %mul3A_601 = arith.muli %scan3A_467, %mul3A_600 : i32
      %add3A_602 = arith.constant 2 : i32
      %add3A_603 = arith.addi %mul3A_601, %add3A_602 : i32
      %dma_start3A_604 = arith.constant 0 : i32
      %dma_start3A_605 = arith.constant 0 : i32
      %dma_start3A_606 = tpu.memref_slice %arg9[%add3A_599, %dma_start3A_604, %dma_start3A_605] : memref<16x125x16xf32, #tpu.memory_space<vmem>> -> memref<1x125x16xf32, #tpu.memory_space<vmem>>
      %dma_start3A_607 = tpu.memref_squeeze %dma_start3A_606 : memref<1x125x16xf32, #tpu.memory_space<vmem>> -> memref<125x16xf32, #tpu.memory_space<vmem>>
      %dma_start3A_608 = arith.constant 0 : i32
      %dma_start3A_609 = tpu.memref_slice %arg8[%add3A_603, %dma_start3A_608] : memref<80x125xi32, #tpu.memory_space<vmem>> -> memref<1x125xi32, #tpu.memory_space<vmem>>
      %dma_start3A_610 = tpu.memref_squeeze %dma_start3A_609 : memref<1x125xi32, #tpu.memory_space<vmem>> -> memref<125xi32, #tpu.memory_space<vmem>>
      %dma_start3A_611 = arith.constant 0 : i32
      %dma_start3A_612 = arith.constant 0 : i32
      %dma_start3A_613 = tpu.memref_slice %arg14[%dma_start3A_611, %dma_start3A_612] : memref<10240x16xf32, #tpu.memory_space<vmem_shared>> -> memref<10240x16xf32, #tpu.memory_space<vmem_shared>>
      %dma_start3A_614 = tpu.memref_slice %arg17[%rem3A_469] : memref<4x!tpu.dma_semaphore, #tpu.memory_space<semaphore_mem>> -> memref<1x!tpu.dma_semaphore, #tpu.memory_space<semaphore_mem>>
      %dma_start3A_615 = tpu.memref_squeeze %dma_start3A_614 : memref<1x!tpu.dma_semaphore, #tpu.memory_space<semaphore_mem>> -> memref<!tpu.dma_semaphore, #tpu.memory_space<semaphore_mem>>
      tpu.enqueue_indirect_dma source(%dma_start3A_607 : memref<125x16xf32, #tpu.memory_space<vmem>>) target(%dma_start3A_613 : memref<10240x16xf32, #tpu.memory_space<vmem_shared>>) offsets(%dma_start3A_610 : memref<125xi32, #tpu.memory_space<vmem>>) semaphore(%dma_start3A_615 : memref<!tpu.dma_semaphore, #tpu.memory_space<semaphore_mem>>) {add = true}
      %mul3A_616 = arith.constant 4 : i32
      %mul3A_617 = arith.muli %rem3A_469, %mul3A_616 : i32
      %add3A_618 = arith.constant 3 : i32
      %add3A_619 = arith.addi %mul3A_617, %add3A_618 : i32
      %mul3A_620 = arith.constant 4 : i32
      %mul3A_621 = arith.muli %scan3A_467, %mul3A_620 : i32
      %add3A_622 = arith.constant 3 : i32
      %add3A_623 = arith.addi %mul3A_621, %add3A_622 : i32
      %dma_start3A_624 = arith.constant 0 : i32
      %dma_start3A_625 = arith.constant 0 : i32
      %dma_start3A_626 = tpu.memref_slice %arg9[%add3A_619, %dma_start3A_624, %dma_start3A_625] : memref<16x125x16xf32, #tpu.memory_space<vmem>> -> memref<1x125x16xf32, #tpu.memory_space<vmem>>
      %dma_start3A_627 = tpu.memref_squeeze %dma_start3A_626 : memref<1x125x16xf32, #tpu.memory_space<vmem>> -> memref<125x16xf32, #tpu.memory_space<vmem>>
      %dma_start3A_628 = arith.constant 0 : i32
      %dma_start3A_629 = tpu.memref_slice %arg8[%add3A_623, %dma_start3A_628] : memref<80x125xi32, #tpu.memory_space<vmem>> -> memref<1x125xi32, #tpu.memory_space<vmem>>
      %dma_start3A_630 = tpu.memref_squeeze %dma_start3A_629 : memref<1x125xi32, #tpu.memory_space<vmem>> -> memref<125xi32, #tpu.memory_space<vmem>>
      %dma_start3A_631 = arith.constant 0 : i32
      %dma_start3A_632 = arith.constant 0 : i32
      %dma_start3A_633 = tpu.memref_slice %arg14[%dma_start3A_631, %dma_start3A_632] : memref<10240x16xf32, #tpu.memory_space<vmem_shared>> -> memref<10240x16xf32, #tpu.memory_space<vmem_shared>>
      %dma_start3A_634 = tpu.memref_slice %arg17[%rem3A_469] : memref<4x!tpu.dma_semaphore, #tpu.memory_space<semaphore_mem>> -> memref<1x!tpu.dma_semaphore, #tpu.memory_space<semaphore_mem>>
      %dma_start3A_635 = tpu.memref_squeeze %dma_start3A_634 : memref<1x!tpu.dma_semaphore, #tpu.memory_space<semaphore_mem>> -> memref<!tpu.dma_semaphore, #tpu.memory_space<semaphore_mem>>
      tpu.enqueue_indirect_dma source(%dma_start3A_627 : memref<125x16xf32, #tpu.memory_space<vmem>>) target(%dma_start3A_633 : memref<10240x16xf32, #tpu.memory_space<vmem_shared>>) offsets(%dma_start3A_630 : memref<125xi32, #tpu.memory_space<vmem>>) semaphore(%dma_start3A_635 : memref<!tpu.dma_semaphore, #tpu.memory_space<semaphore_mem>>) {add = true}
      %scan3A_636 = arith.constant 0 : i32
      scf.yield %scan3A_636 : i32
    }
    %scan3A_170 = arith.constant 20 : i32
    %dma_wait3A_171 = arith.constant 0 : i32
    %dma_wait3A_172 = arith.constant 0 : i32
    %dma_wait3A_173 = arith.constant 0 : i32
    %dma_wait3A_174 = arith.constant 0 : i32
    %dma_wait3A_175 = tpu.memref_slice %arg9[%dma_wait3A_171, %dma_wait3A_173, %dma_wait3A_174] : memref<16x125x16xf32, #tpu.memory_space<vmem>> -> memref<1x125x16xf32, #tpu.memory_space<vmem>>
    %dma_wait3A_176 = tpu.memref_squeeze %dma_wait3A_175 : memref<1x125x16xf32, #tpu.memory_space<vmem>> -> memref<125x16xf32, #tpu.memory_space<vmem>>
    %dma_wait3A_177 = arith.constant 0 : i32
    %dma_wait3A_178 = arith.constant 0 : i32
    %dma_wait3A_179 = tpu.memref_slice %arg14[%dma_wait3A_177, %dma_wait3A_178] : memref<10240x16xf32, #tpu.memory_space<vmem_shared>> -> memref<125x16xf32, #tpu.memory_space<vmem_shared>>
    %dma_wait3A_180 = tpu.memref_slice %arg17[%dma_wait3A_172] : memref<4x!tpu.dma_semaphore, #tpu.memory_space<semaphore_mem>> -> memref<1x!tpu.dma_semaphore, #tpu.memory_space<semaphore_mem>>
    %dma_wait3A_181 = tpu.memref_squeeze %dma_wait3A_180 : memref<1x!tpu.dma_semaphore, #tpu.memory_space<semaphore_mem>> -> memref<!tpu.dma_semaphore, #tpu.memory_space<semaphore_mem>>
    %dma_wait3A_182 = arith.constant 0 : i32
    %dma_wait3A_183 = arith.constant 0 : i32
    %dma_wait3A_184 = tpu.memref_slice %arg14[%dma_wait3A_182, %dma_wait3A_183] : memref<10240x16xf32, #tpu.memory_space<vmem_shared>> -> memref<125x16xf32, #tpu.memory_space<vmem_shared>>
    %dma_wait3A_185 = arith.constant 0 : i32
    %dma_wait3A_186 = arith.constant 0 : i32
    %dma_wait3A_187 = tpu.memref_slice %arg9[%dma_wait3A_171, %dma_wait3A_185, %dma_wait3A_186] : memref<16x125x16xf32, #tpu.memory_space<vmem>> -> memref<1x125x16xf32, #tpu.memory_space<vmem>>
    %dma_wait3A_188 = tpu.memref_squeeze %dma_wait3A_187 : memref<1x125x16xf32, #tpu.memory_space<vmem>> -> memref<125x16xf32, #tpu.memory_space<vmem>>
    tpu.wait_dma2 semaphore(%dma_wait3A_181 : memref<!tpu.dma_semaphore, #tpu.memory_space<semaphore_mem>>) src(%dma_wait3A_188 : memref<125x16xf32, #tpu.memory_space<vmem>>) dst(%dma_wait3A_184 : memref<125x16xf32, #tpu.memory_space<vmem_shared>>)
    %dma_wait3A_189 = arith.constant 1 : i32
    %dma_wait3A_190 = arith.constant 0 : i32
    %dma_wait3A_191 = arith.constant 0 : i32
    %dma_wait3A_192 = arith.constant 0 : i32
    %dma_wait3A_193 = tpu.memref_slice %arg9[%dma_wait3A_189, %dma_wait3A_191, %dma_wait3A_192] : memref<16x125x16xf32, #tpu.memory_space<vmem>> -> memref<1x125x16xf32, #tpu.memory_space<vmem>>
    %dma_wait3A_194 = tpu.memref_squeeze %dma_wait3A_193 : memref<1x125x16xf32, #tpu.memory_space<vmem>> -> memref<125x16xf32, #tpu.memory_space<vmem>>
    %dma_wait3A_195 = arith.constant 0 : i32
    %dma_wait3A_196 = arith.constant 0 : i32
    %dma_wait3A_197 = tpu.memref_slice %arg14[%dma_wait3A_195, %dma_wait3A_196] : memref<10240x16xf32, #tpu.memory_space<vmem_shared>> -> memref<125x16xf32, #tpu.memory_space<vmem_shared>>
    %dma_wait3A_198 = tpu.memref_slice %arg17[%dma_wait3A_190] : memref<4x!tpu.dma_semaphore, #tpu.memory_space<semaphore_mem>> -> memref<1x!tpu.dma_semaphore, #tpu.memory_space<semaphore_mem>>
    %dma_wait3A_199 = tpu.memref_squeeze %dma_wait3A_198 : memref<1x!tpu.dma_semaphore, #tpu.memory_space<semaphore_mem>> -> memref<!tpu.dma_semaphore, #tpu.memory_space<semaphore_mem>>
    %dma_wait3A_200 = arith.constant 0 : i32
    %dma_wait3A_201 = arith.constant 0 : i32
    %dma_wait3A_202 = tpu.memref_slice %arg14[%dma_wait3A_200, %dma_wait3A_201] : memref<10240x16xf32, #tpu.memory_space<vmem_shared>> -> memref<125x16xf32, #tpu.memory_space<vmem_shared>>
    %dma_wait3A_203 = arith.constant 0 : i32
    %dma_wait3A_204 = arith.constant 0 : i32
    %dma_wait3A_205 = tpu.memref_slice %arg9[%dma_wait3A_189, %dma_wait3A_203, %dma_wait3A_204] : memref<16x125x16xf32, #tpu.memory_space<vmem>> -> memref<1x125x16xf32, #tpu.memory_space<vmem>>
    %dma_wait3A_206 = tpu.memref_squeeze %dma_wait3A_205 : memref<1x125x16xf32, #tpu.memory_space<vmem>> -> memref<125x16xf32, #tpu.memory_space<vmem>>
    tpu.wait_dma2 semaphore(%dma_wait3A_199 : memref<!tpu.dma_semaphore, #tpu.memory_space<semaphore_mem>>) src(%dma_wait3A_206 : memref<125x16xf32, #tpu.memory_space<vmem>>) dst(%dma_wait3A_202 : memref<125x16xf32, #tpu.memory_space<vmem_shared>>)
    %dma_wait3A_207 = arith.constant 2 : i32
    %dma_wait3A_208 = arith.constant 0 : i32
    %dma_wait3A_209 = arith.constant 0 : i32
    %dma_wait3A_210 = arith.constant 0 : i32
    %dma_wait3A_211 = tpu.memref_slice %arg9[%dma_wait3A_207, %dma_wait3A_209, %dma_wait3A_210] : memref<16x125x16xf32, #tpu.memory_space<vmem>> -> memref<1x125x16xf32, #tpu.memory_space<vmem>>
    %dma_wait3A_212 = tpu.memref_squeeze %dma_wait3A_211 : memref<1x125x16xf32, #tpu.memory_space<vmem>> -> memref<125x16xf32, #tpu.memory_space<vmem>>
    %dma_wait3A_213 = arith.constant 0 : i32
    %dma_wait3A_214 = arith.constant 0 : i32
    %dma_wait3A_215 = tpu.memref_slice %arg14[%dma_wait3A_213, %dma_wait3A_214] : memref<10240x16xf32, #tpu.memory_space<vmem_shared>> -> memref<125x16xf32, #tpu.memory_space<vmem_shared>>
    %dma_wait3A_216 = tpu.memref_slice %arg17[%dma_wait3A_208] : memref<4x!tpu.dma_semaphore, #tpu.memory_space<semaphore_mem>> -> memref<1x!tpu.dma_semaphore, #tpu.memory_space<semaphore_mem>>
    %dma_wait3A_217 = tpu.memref_squeeze %dma_wait3A_216 : memref<1x!tpu.dma_semaphore, #tpu.memory_space<semaphore_mem>> -> memref<!tpu.dma_semaphore, #tpu.memory_space<semaphore_mem>>
    %dma_wait3A_218 = arith.constant 0 : i32
    %dma_wait3A_219 = arith.constant 0 : i32
    %dma_wait3A_220 = tpu.memref_slice %arg14[%dma_wait3A_218, %dma_wait3A_219] : memref<10240x16xf32, #tpu.memory_space<vmem_shared>> -> memref<125x16xf32, #tpu.memory_space<vmem_shared>>
    %dma_wait3A_221 = arith.constant 0 : i32
    %dma_wait3A_222 = arith.constant 0 : i32
    %dma_wait3A_223 = tpu.memref_slice %arg9[%dma_wait3A_207, %dma_wait3A_221, %dma_wait3A_222] : memref<16x125x16xf32, #tpu.memory_space<vmem>> -> memref<1x125x16xf32, #tpu.memory_space<vmem>>
    %dma_wait3A_224 = tpu.memref_squeeze %dma_wait3A_223 : memref<1x125x16xf32, #tpu.memory_space<vmem>> -> memref<125x16xf32, #tpu.memory_space<vmem>>
    tpu.wait_dma2 semaphore(%dma_wait3A_217 : memref<!tpu.dma_semaphore, #tpu.memory_space<semaphore_mem>>) src(%dma_wait3A_224 : memref<125x16xf32, #tpu.memory_space<vmem>>) dst(%dma_wait3A_220 : memref<125x16xf32, #tpu.memory_space<vmem_shared>>)
    %dma_wait3A_225 = arith.constant 3 : i32
    %dma_wait3A_226 = arith.constant 0 : i32
    %dma_wait3A_227 = arith.constant 0 : i32
    %dma_wait3A_228 = arith.constant 0 : i32
    %dma_wait3A_229 = tpu.memref_slice %arg9[%dma_wait3A_225, %dma_wait3A_227, %dma_wait3A_228] : memref<16x125x16xf32, #tpu.memory_space<vmem>> -> memref<1x125x16xf32, #tpu.memory_space<vmem>>
    %dma_wait3A_230 = tpu.memref_squeeze %dma_wait3A_229 : memref<1x125x16xf32, #tpu.memory_space<vmem>> -> memref<125x16xf32, #tpu.memory_space<vmem>>
    %dma_wait3A_231 = arith.constant 0 : i32
    %dma_wait3A_232 = arith.constant 0 : i32
    %dma_wait3A_233 = tpu.memref_slice %arg14[%dma_wait3A_231, %dma_wait3A_232] : memref<10240x16xf32, #tpu.memory_space<vmem_shared>> -> memref<125x16xf32, #tpu.memory_space<vmem_shared>>
    %dma_wait3A_234 = tpu.memref_slice %arg17[%dma_wait3A_226] : memref<4x!tpu.dma_semaphore, #tpu.memory_space<semaphore_mem>> -> memref<1x!tpu.dma_semaphore, #tpu.memory_space<semaphore_mem>>
    %dma_wait3A_235 = tpu.memref_squeeze %dma_wait3A_234 : memref<1x!tpu.dma_semaphore, #tpu.memory_space<semaphore_mem>> -> memref<!tpu.dma_semaphore, #tpu.memory_space<semaphore_mem>>
    %dma_wait3A_236 = arith.constant 0 : i32
    %dma_wait3A_237 = arith.constant 0 : i32
    %dma_wait3A_238 = tpu.memref_slice %arg14[%dma_wait3A_236, %dma_wait3A_237] : memref<10240x16xf32, #tpu.memory_space<vmem_shared>> -> memref<125x16xf32, #tpu.memory_space<vmem_shared>>
    %dma_wait3A_239 = arith.constant 0 : i32
    %dma_wait3A_240 = arith.constant 0 : i32
    %dma_wait3A_241 = tpu.memref_slice %arg9[%dma_wait3A_225, %dma_wait3A_239, %dma_wait3A_240] : memref<16x125x16xf32, #tpu.memory_space<vmem>> -> memref<1x125x16xf32, #tpu.memory_space<vmem>>
    %dma_wait3A_242 = tpu.memref_squeeze %dma_wait3A_241 : memref<1x125x16xf32, #tpu.memory_space<vmem>> -> memref<125x16xf32, #tpu.memory_space<vmem>>
    tpu.wait_dma2 semaphore(%dma_wait3A_235 : memref<!tpu.dma_semaphore, #tpu.memory_space<semaphore_mem>>) src(%dma_wait3A_242 : memref<125x16xf32, #tpu.memory_space<vmem>>) dst(%dma_wait3A_238 : memref<125x16xf32, #tpu.memory_space<vmem_shared>>)
    %dma_wait3A_243 = arith.constant 0 : i32
    %dma_wait3A_244 = arith.constant 1 : i32
    %dma_wait3A_245 = arith.constant 0 : i32
    %dma_wait3A_246 = arith.constant 0 : i32
    %dma_wait3A_247 = tpu.memref_slice %arg9[%dma_wait3A_243, %dma_wait3A_245, %dma_wait3A_246] : memref<16x125x16xf32, #tpu.memory_space<vmem>> -> memref<1x125x16xf32, #tpu.memory_space<vmem>>
    %dma_wait3A_248 = tpu.memref_squeeze %dma_wait3A_247 : memref<1x125x16xf32, #tpu.memory_space<vmem>> -> memref<125x16xf32, #tpu.memory_space<vmem>>
    %dma_wait3A_249 = arith.constant 0 : i32
    %dma_wait3A_250 = arith.constant 0 : i32
    %dma_wait3A_251 = tpu.memref_slice %arg14[%dma_wait3A_249, %dma_wait3A_250] : memref<10240x16xf32, #tpu.memory_space<vmem_shared>> -> memref<125x16xf32, #tpu.memory_space<vmem_shared>>
    %dma_wait3A_252 = tpu.memref_slice %arg17[%dma_wait3A_244] : memref<4x!tpu.dma_semaphore, #tpu.memory_space<semaphore_mem>> -> memref<1x!tpu.dma_semaphore, #tpu.memory_space<semaphore_mem>>
    %dma_wait3A_253 = tpu.memref_squeeze %dma_wait3A_252 : memref<1x!tpu.dma_semaphore, #tpu.memory_space<semaphore_mem>> -> memref<!tpu.dma_semaphore, #tpu.memory_space<semaphore_mem>>
    %dma_wait3A_254 = arith.constant 0 : i32
    %dma_wait3A_255 = arith.constant 0 : i32
    %dma_wait3A_256 = tpu.memref_slice %arg14[%dma_wait3A_254, %dma_wait3A_255] : memref<10240x16xf32, #tpu.memory_space<vmem_shared>> -> memref<125x16xf32, #tpu.memory_space<vmem_shared>>
    %dma_wait3A_257 = arith.constant 0 : i32
    %dma_wait3A_258 = arith.constant 0 : i32
    %dma_wait3A_259 = tpu.memref_slice %arg9[%dma_wait3A_243, %dma_wait3A_257, %dma_wait3A_258] : memref<16x125x16xf32, #tpu.memory_space<vmem>> -> memref<1x125x16xf32, #tpu.memory_space<vmem>>
    %dma_wait3A_260 = tpu.memref_squeeze %dma_wait3A_259 : memref<1x125x16xf32, #tpu.memory_space<vmem>> -> memref<125x16xf32, #tpu.memory_space<vmem>>
    tpu.wait_dma2 semaphore(%dma_wait3A_253 : memref<!tpu.dma_semaphore, #tpu.memory_space<semaphore_mem>>) src(%dma_wait3A_260 : memref<125x16xf32, #tpu.memory_space<vmem>>) dst(%dma_wait3A_256 : memref<125x16xf32, #tpu.memory_space<vmem_shared>>)
    %dma_wait3A_261 = arith.constant 1 : i32
    %dma_wait3A_262 = arith.constant 1 : i32
    %dma_wait3A_263 = arith.constant 0 : i32
    %dma_wait3A_264 = arith.constant 0 : i32
    %dma_wait3A_265 = tpu.memref_slice %arg9[%dma_wait3A_261, %dma_wait3A_263, %dma_wait3A_264] : memref<16x125x16xf32, #tpu.memory_space<vmem>> -> memref<1x125x16xf32, #tpu.memory_space<vmem>>
    %dma_wait3A_266 = tpu.memref_squeeze %dma_wait3A_265 : memref<1x125x16xf32, #tpu.memory_space<vmem>> -> memref<125x16xf32, #tpu.memory_space<vmem>>
    %dma_wait3A_267 = arith.constant 0 : i32
    %dma_wait3A_268 = arith.constant 0 : i32
    %dma_wait3A_269 = tpu.memref_slice %arg14[%dma_wait3A_267, %dma_wait3A_268] : memref<10240x16xf32, #tpu.memory_space<vmem_shared>> -> memref<125x16xf32, #tpu.memory_space<vmem_shared>>
    %dma_wait3A_270 = tpu.memref_slice %arg17[%dma_wait3A_262] : memref<4x!tpu.dma_semaphore, #tpu.memory_space<semaphore_mem>> -> memref<1x!tpu.dma_semaphore, #tpu.memory_space<semaphore_mem>>
    %dma_wait3A_271 = tpu.memref_squeeze %dma_wait3A_270 : memref<1x!tpu.dma_semaphore, #tpu.memory_space<semaphore_mem>> -> memref<!tpu.dma_semaphore, #tpu.memory_space<semaphore_mem>>
    %dma_wait3A_272 = arith.constant 0 : i32
    %dma_wait3A_273 = arith.constant 0 : i32
    %dma_wait3A_274 = tpu.memref_slice %arg14[%dma_wait3A_272, %dma_wait3A_273] : memref<10240x16xf32, #tpu.memory_space<vmem_shared>> -> memref<125x16xf32, #tpu.memory_space<vmem_shared>>
    %dma_wait3A_275 = arith.constant 0 : i32
    %dma_wait3A_276 = arith.constant 0 : i32
    %dma_wait3A_277 = tpu.memref_slice %arg9[%dma_wait3A_261, %dma_wait3A_275, %dma_wait3A_276] : memref<16x125x16xf32, #tpu.memory_space<vmem>> -> memref<1x125x16xf32, #tpu.memory_space<vmem>>
    %dma_wait3A_278 = tpu.memref_squeeze %dma_wait3A_277 : memref<1x125x16xf32, #tpu.memory_space<vmem>> -> memref<125x16xf32, #tpu.memory_space<vmem>>
    tpu.wait_dma2 semaphore(%dma_wait3A_271 : memref<!tpu.dma_semaphore, #tpu.memory_space<semaphore_mem>>) src(%dma_wait3A_278 : memref<125x16xf32, #tpu.memory_space<vmem>>) dst(%dma_wait3A_274 : memref<125x16xf32, #tpu.memory_space<vmem_shared>>)
    %dma_wait3A_279 = arith.constant 2 : i32
    %dma_wait3A_280 = arith.constant 1 : i32
    %dma_wait3A_281 = arith.constant 0 : i32
    %dma_wait3A_282 = arith.constant 0 : i32
    %dma_wait3A_283 = tpu.memref_slice %arg9[%dma_wait3A_279, %dma_wait3A_281, %dma_wait3A_282] : memref<16x125x16xf32, #tpu.memory_space<vmem>> -> memref<1x125x16xf32, #tpu.memory_space<vmem>>
    %dma_wait3A_284 = tpu.memref_squeeze %dma_wait3A_283 : memref<1x125x16xf32, #tpu.memory_space<vmem>> -> memref<125x16xf32, #tpu.memory_space<vmem>>
    %dma_wait3A_285 = arith.constant 0 : i32
    %dma_wait3A_286 = arith.constant 0 : i32
    %dma_wait3A_287 = tpu.memref_slice %arg14[%dma_wait3A_285, %dma_wait3A_286] : memref<10240x16xf32, #tpu.memory_space<vmem_shared>> -> memref<125x16xf32, #tpu.memory_space<vmem_shared>>
    %dma_wait3A_288 = tpu.memref_slice %arg17[%dma_wait3A_280] : memref<4x!tpu.dma_semaphore, #tpu.memory_space<semaphore_mem>> -> memref<1x!tpu.dma_semaphore, #tpu.memory_space<semaphore_mem>>
    %dma_wait3A_289 = tpu.memref_squeeze %dma_wait3A_288 : memref<1x!tpu.dma_semaphore, #tpu.memory_space<semaphore_mem>> -> memref<!tpu.dma_semaphore, #tpu.memory_space<semaphore_mem>>
    %dma_wait3A_290 = arith.constant 0 : i32
    %dma_wait3A_291 = arith.constant 0 : i32
    %dma_wait3A_292 = tpu.memref_slice %arg14[%dma_wait3A_290, %dma_wait3A_291] : memref<10240x16xf32, #tpu.memory_space<vmem_shared>> -> memref<125x16xf32, #tpu.memory_space<vmem_shared>>
    %dma_wait3A_293 = arith.constant 0 : i32
    %dma_wait3A_294 = arith.constant 0 : i32
    %dma_wait3A_295 = tpu.memref_slice %arg9[%dma_wait3A_279, %dma_wait3A_293, %dma_wait3A_294] : memref<16x125x16xf32, #tpu.memory_space<vmem>> -> memref<1x125x16xf32, #tpu.memory_space<vmem>>
    %dma_wait3A_296 = tpu.memref_squeeze %dma_wait3A_295 : memref<1x125x16xf32, #tpu.memory_space<vmem>> -> memref<125x16xf32, #tpu.memory_space<vmem>>
    tpu.wait_dma2 semaphore(%dma_wait3A_289 : memref<!tpu.dma_semaphore, #tpu.memory_space<semaphore_mem>>) src(%dma_wait3A_296 : memref<125x16xf32, #tpu.memory_space<vmem>>) dst(%dma_wait3A_292 : memref<125x16xf32, #tpu.memory_space<vmem_shared>>)
    %dma_wait3A_297 = arith.constant 3 : i32
    %dma_wait3A_298 = arith.constant 1 : i32
    %dma_wait3A_299 = arith.constant 0 : i32
    %dma_wait3A_300 = arith.constant 0 : i32
    %dma_wait3A_301 = tpu.memref_slice %arg9[%dma_wait3A_297, %dma_wait3A_299, %dma_wait3A_300] : memref<16x125x16xf32, #tpu.memory_space<vmem>> -> memref<1x125x16xf32, #tpu.memory_space<vmem>>
    %dma_wait3A_302 = tpu.memref_squeeze %dma_wait3A_301 : memref<1x125x16xf32, #tpu.memory_space<vmem>> -> memref<125x16xf32, #tpu.memory_space<vmem>>
    %dma_wait3A_303 = arith.constant 0 : i32
    %dma_wait3A_304 = arith.constant 0 : i32
    %dma_wait3A_305 = tpu.memref_slice %arg14[%dma_wait3A_303, %dma_wait3A_304] : memref<10240x16xf32, #tpu.memory_space<vmem_shared>> -> memref<125x16xf32, #tpu.memory_space<vmem_shared>>
    %dma_wait3A_306 = tpu.memref_slice %arg17[%dma_wait3A_298] : memref<4x!tpu.dma_semaphore, #tpu.memory_space<semaphore_mem>> -> memref<1x!tpu.dma_semaphore, #tpu.memory_space<semaphore_mem>>
    %dma_wait3A_307 = tpu.memref_squeeze %dma_wait3A_306 : memref<1x!tpu.dma_semaphore, #tpu.memory_space<semaphore_mem>> -> memref<!tpu.dma_semaphore, #tpu.memory_space<semaphore_mem>>
    %dma_wait3A_308 = arith.constant 0 : i32
    %dma_wait3A_309 = arith.constant 0 : i32
    %dma_wait3A_310 = tpu.memref_slice %arg14[%dma_wait3A_308, %dma_wait3A_309] : memref<10240x16xf32, #tpu.memory_space<vmem_shared>> -> memref<125x16xf32, #tpu.memory_space<vmem_shared>>
    %dma_wait3A_311 = arith.constant 0 : i32
    %dma_wait3A_312 = arith.constant 0 : i32
    %dma_wait3A_313 = tpu.memref_slice %arg9[%dma_wait3A_297, %dma_wait3A_311, %dma_wait3A_312] : memref<16x125x16xf32, #tpu.memory_space<vmem>> -> memref<1x125x16xf32, #tpu.memory_space<vmem>>
    %dma_wait3A_314 = tpu.memref_squeeze %dma_wait3A_313 : memref<1x125x16xf32, #tpu.memory_space<vmem>> -> memref<125x16xf32, #tpu.memory_space<vmem>>
    tpu.wait_dma2 semaphore(%dma_wait3A_307 : memref<!tpu.dma_semaphore, #tpu.memory_space<semaphore_mem>>) src(%dma_wait3A_314 : memref<125x16xf32, #tpu.memory_space<vmem>>) dst(%dma_wait3A_310 : memref<125x16xf32, #tpu.memory_space<vmem_shared>>)
    %dma_wait3A_315 = arith.constant 0 : i32
    %dma_wait3A_316 = arith.constant 2 : i32
    %dma_wait3A_317 = arith.constant 0 : i32
    %dma_wait3A_318 = arith.constant 0 : i32
    %dma_wait3A_319 = tpu.memref_slice %arg9[%dma_wait3A_315, %dma_wait3A_317, %dma_wait3A_318] : memref<16x125x16xf32, #tpu.memory_space<vmem>> -> memref<1x125x16xf32, #tpu.memory_space<vmem>>
    %dma_wait3A_320 = tpu.memref_squeeze %dma_wait3A_319 : memref<1x125x16xf32, #tpu.memory_space<vmem>> -> memref<125x16xf32, #tpu.memory_space<vmem>>
    %dma_wait3A_321 = arith.constant 0 : i32
    %dma_wait3A_322 = arith.constant 0 : i32
    %dma_wait3A_323 = tpu.memref_slice %arg14[%dma_wait3A_321, %dma_wait3A_322] : memref<10240x16xf32, #tpu.memory_space<vmem_shared>> -> memref<125x16xf32, #tpu.memory_space<vmem_shared>>
    %dma_wait3A_324 = tpu.memref_slice %arg17[%dma_wait3A_316] : memref<4x!tpu.dma_semaphore, #tpu.memory_space<semaphore_mem>> -> memref<1x!tpu.dma_semaphore, #tpu.memory_space<semaphore_mem>>
    %dma_wait3A_325 = tpu.memref_squeeze %dma_wait3A_324 : memref<1x!tpu.dma_semaphore, #tpu.memory_space<semaphore_mem>> -> memref<!tpu.dma_semaphore, #tpu.memory_space<semaphore_mem>>
    %dma_wait3A_326 = arith.constant 0 : i32
    %dma_wait3A_327 = arith.constant 0 : i32
    %dma_wait3A_328 = tpu.memref_slice %arg14[%dma_wait3A_326, %dma_wait3A_327] : memref<10240x16xf32, #tpu.memory_space<vmem_shared>> -> memref<125x16xf32, #tpu.memory_space<vmem_shared>>
    %dma_wait3A_329 = arith.constant 0 : i32
    %dma_wait3A_330 = arith.constant 0 : i32
    %dma_wait3A_331 = tpu.memref_slice %arg9[%dma_wait3A_315, %dma_wait3A_329, %dma_wait3A_330] : memref<16x125x16xf32, #tpu.memory_space<vmem>> -> memref<1x125x16xf32, #tpu.memory_space<vmem>>
    %dma_wait3A_332 = tpu.memref_squeeze %dma_wait3A_331 : memref<1x125x16xf32, #tpu.memory_space<vmem>> -> memref<125x16xf32, #tpu.memory_space<vmem>>
    tpu.wait_dma2 semaphore(%dma_wait3A_325 : memref<!tpu.dma_semaphore, #tpu.memory_space<semaphore_mem>>) src(%dma_wait3A_332 : memref<125x16xf32, #tpu.memory_space<vmem>>) dst(%dma_wait3A_328 : memref<125x16xf32, #tpu.memory_space<vmem_shared>>)
    %dma_wait3A_333 = arith.constant 1 : i32
    %dma_wait3A_334 = arith.constant 2 : i32
    %dma_wait3A_335 = arith.constant 0 : i32
    %dma_wait3A_336 = arith.constant 0 : i32
    %dma_wait3A_337 = tpu.memref_slice %arg9[%dma_wait3A_333, %dma_wait3A_335, %dma_wait3A_336] : memref<16x125x16xf32, #tpu.memory_space<vmem>> -> memref<1x125x16xf32, #tpu.memory_space<vmem>>
    %dma_wait3A_338 = tpu.memref_squeeze %dma_wait3A_337 : memref<1x125x16xf32, #tpu.memory_space<vmem>> -> memref<125x16xf32, #tpu.memory_space<vmem>>
    %dma_wait3A_339 = arith.constant 0 : i32
    %dma_wait3A_340 = arith.constant 0 : i32
    %dma_wait3A_341 = tpu.memref_slice %arg14[%dma_wait3A_339, %dma_wait3A_340] : memref<10240x16xf32, #tpu.memory_space<vmem_shared>> -> memref<125x16xf32, #tpu.memory_space<vmem_shared>>
    %dma_wait3A_342 = tpu.memref_slice %arg17[%dma_wait3A_334] : memref<4x!tpu.dma_semaphore, #tpu.memory_space<semaphore_mem>> -> memref<1x!tpu.dma_semaphore, #tpu.memory_space<semaphore_mem>>
    %dma_wait3A_343 = tpu.memref_squeeze %dma_wait3A_342 : memref<1x!tpu.dma_semaphore, #tpu.memory_space<semaphore_mem>> -> memref<!tpu.dma_semaphore, #tpu.memory_space<semaphore_mem>>
    %dma_wait3A_344 = arith.constant 0 : i32
    %dma_wait3A_345 = arith.constant 0 : i32
    %dma_wait3A_346 = tpu.memref_slice %arg14[%dma_wait3A_344, %dma_wait3A_345] : memref<10240x16xf32, #tpu.memory_space<vmem_shared>> -> memref<125x16xf32, #tpu.memory_space<vmem_shared>>
    %dma_wait3A_347 = arith.constant 0 : i32
    %dma_wait3A_348 = arith.constant 0 : i32
    %dma_wait3A_349 = tpu.memref_slice %arg9[%dma_wait3A_333, %dma_wait3A_347, %dma_wait3A_348] : memref<16x125x16xf32, #tpu.memory_space<vmem>> -> memref<1x125x16xf32, #tpu.memory_space<vmem>>
    %dma_wait3A_350 = tpu.memref_squeeze %dma_wait3A_349 : memref<1x125x16xf32, #tpu.memory_space<vmem>> -> memref<125x16xf32, #tpu.memory_space<vmem>>
    tpu.wait_dma2 semaphore(%dma_wait3A_343 : memref<!tpu.dma_semaphore, #tpu.memory_space<semaphore_mem>>) src(%dma_wait3A_350 : memref<125x16xf32, #tpu.memory_space<vmem>>) dst(%dma_wait3A_346 : memref<125x16xf32, #tpu.memory_space<vmem_shared>>)
    %dma_wait3A_351 = arith.constant 2 : i32
    %dma_wait3A_352 = arith.constant 2 : i32
    %dma_wait3A_353 = arith.constant 0 : i32
    %dma_wait3A_354 = arith.constant 0 : i32
    %dma_wait3A_355 = tpu.memref_slice %arg9[%dma_wait3A_351, %dma_wait3A_353, %dma_wait3A_354] : memref<16x125x16xf32, #tpu.memory_space<vmem>> -> memref<1x125x16xf32, #tpu.memory_space<vmem>>
    %dma_wait3A_356 = tpu.memref_squeeze %dma_wait3A_355 : memref<1x125x16xf32, #tpu.memory_space<vmem>> -> memref<125x16xf32, #tpu.memory_space<vmem>>
    %dma_wait3A_357 = arith.constant 0 : i32
    %dma_wait3A_358 = arith.constant 0 : i32
    %dma_wait3A_359 = tpu.memref_slice %arg14[%dma_wait3A_357, %dma_wait3A_358] : memref<10240x16xf32, #tpu.memory_space<vmem_shared>> -> memref<125x16xf32, #tpu.memory_space<vmem_shared>>
    %dma_wait3A_360 = tpu.memref_slice %arg17[%dma_wait3A_352] : memref<4x!tpu.dma_semaphore, #tpu.memory_space<semaphore_mem>> -> memref<1x!tpu.dma_semaphore, #tpu.memory_space<semaphore_mem>>
    %dma_wait3A_361 = tpu.memref_squeeze %dma_wait3A_360 : memref<1x!tpu.dma_semaphore, #tpu.memory_space<semaphore_mem>> -> memref<!tpu.dma_semaphore, #tpu.memory_space<semaphore_mem>>
    %dma_wait3A_362 = arith.constant 0 : i32
    %dma_wait3A_363 = arith.constant 0 : i32
    %dma_wait3A_364 = tpu.memref_slice %arg14[%dma_wait3A_362, %dma_wait3A_363] : memref<10240x16xf32, #tpu.memory_space<vmem_shared>> -> memref<125x16xf32, #tpu.memory_space<vmem_shared>>
    %dma_wait3A_365 = arith.constant 0 : i32
    %dma_wait3A_366 = arith.constant 0 : i32
    %dma_wait3A_367 = tpu.memref_slice %arg9[%dma_wait3A_351, %dma_wait3A_365, %dma_wait3A_366] : memref<16x125x16xf32, #tpu.memory_space<vmem>> -> memref<1x125x16xf32, #tpu.memory_space<vmem>>
    %dma_wait3A_368 = tpu.memref_squeeze %dma_wait3A_367 : memref<1x125x16xf32, #tpu.memory_space<vmem>> -> memref<125x16xf32, #tpu.memory_space<vmem>>
    tpu.wait_dma2 semaphore(%dma_wait3A_361 : memref<!tpu.dma_semaphore, #tpu.memory_space<semaphore_mem>>) src(%dma_wait3A_368 : memref<125x16xf32, #tpu.memory_space<vmem>>) dst(%dma_wait3A_364 : memref<125x16xf32, #tpu.memory_space<vmem_shared>>)
    %dma_wait3A_369 = arith.constant 3 : i32
    %dma_wait3A_370 = arith.constant 2 : i32
    %dma_wait3A_371 = arith.constant 0 : i32
    %dma_wait3A_372 = arith.constant 0 : i32
    %dma_wait3A_373 = tpu.memref_slice %arg9[%dma_wait3A_369, %dma_wait3A_371, %dma_wait3A_372] : memref<16x125x16xf32, #tpu.memory_space<vmem>> -> memref<1x125x16xf32, #tpu.memory_space<vmem>>
    %dma_wait3A_374 = tpu.memref_squeeze %dma_wait3A_373 : memref<1x125x16xf32, #tpu.memory_space<vmem>> -> memref<125x16xf32, #tpu.memory_space<vmem>>
    %dma_wait3A_375 = arith.constant 0 : i32
    %dma_wait3A_376 = arith.constant 0 : i32
    %dma_wait3A_377 = tpu.memref_slice %arg14[%dma_wait3A_375, %dma_wait3A_376] : memref<10240x16xf32, #tpu.memory_space<vmem_shared>> -> memref<125x16xf32, #tpu.memory_space<vmem_shared>>
    %dma_wait3A_378 = tpu.memref_slice %arg17[%dma_wait3A_370] : memref<4x!tpu.dma_semaphore, #tpu.memory_space<semaphore_mem>> -> memref<1x!tpu.dma_semaphore, #tpu.memory_space<semaphore_mem>>
    %dma_wait3A_379 = tpu.memref_squeeze %dma_wait3A_378 : memref<1x!tpu.dma_semaphore, #tpu.memory_space<semaphore_mem>> -> memref<!tpu.dma_semaphore, #tpu.memory_space<semaphore_mem>>
    %dma_wait3A_380 = arith.constant 0 : i32
    %dma_wait3A_381 = arith.constant 0 : i32
    %dma_wait3A_382 = tpu.memref_slice %arg14[%dma_wait3A_380, %dma_wait3A_381] : memref<10240x16xf32, #tpu.memory_space<vmem_shared>> -> memref<125x16xf32, #tpu.memory_space<vmem_shared>>
    %dma_wait3A_383 = arith.constant 0 : i32
    %dma_wait3A_384 = arith.constant 0 : i32
    %dma_wait3A_385 = tpu.memref_slice %arg9[%dma_wait3A_369, %dma_wait3A_383, %dma_wait3A_384] : memref<16x125x16xf32, #tpu.memory_space<vmem>> -> memref<1x125x16xf32, #tpu.memory_space<vmem>>
    %dma_wait3A_386 = tpu.memref_squeeze %dma_wait3A_385 : memref<1x125x16xf32, #tpu.memory_space<vmem>> -> memref<125x16xf32, #tpu.memory_space<vmem>>
    tpu.wait_dma2 semaphore(%dma_wait3A_379 : memref<!tpu.dma_semaphore, #tpu.memory_space<semaphore_mem>>) src(%dma_wait3A_386 : memref<125x16xf32, #tpu.memory_space<vmem>>) dst(%dma_wait3A_382 : memref<125x16xf32, #tpu.memory_space<vmem_shared>>)
    %dma_wait3A_387 = arith.constant 0 : i32
    %dma_wait3A_388 = arith.constant 3 : i32
    %dma_wait3A_389 = arith.constant 0 : i32
    %dma_wait3A_390 = arith.constant 0 : i32
    %dma_wait3A_391 = tpu.memref_slice %arg9[%dma_wait3A_387, %dma_wait3A_389, %dma_wait3A_390] : memref<16x125x16xf32, #tpu.memory_space<vmem>> -> memref<1x125x16xf32, #tpu.memory_space<vmem>>
    %dma_wait3A_392 = tpu.memref_squeeze %dma_wait3A_391 : memref<1x125x16xf32, #tpu.memory_space<vmem>> -> memref<125x16xf32, #tpu.memory_space<vmem>>
    %dma_wait3A_393 = arith.constant 0 : i32
    %dma_wait3A_394 = arith.constant 0 : i32
    %dma_wait3A_395 = tpu.memref_slice %arg14[%dma_wait3A_393, %dma_wait3A_394] : memref<10240x16xf32, #tpu.memory_space<vmem_shared>> -> memref<125x16xf32, #tpu.memory_space<vmem_shared>>
    %dma_wait3A_396 = tpu.memref_slice %arg17[%dma_wait3A_388] : memref<4x!tpu.dma_semaphore, #tpu.memory_space<semaphore_mem>> -> memref<1x!tpu.dma_semaphore, #tpu.memory_space<semaphore_mem>>
    %dma_wait3A_397 = tpu.memref_squeeze %dma_wait3A_396 : memref<1x!tpu.dma_semaphore, #tpu.memory_space<semaphore_mem>> -> memref<!tpu.dma_semaphore, #tpu.memory_space<semaphore_mem>>
    %dma_wait3A_398 = arith.constant 0 : i32
    %dma_wait3A_399 = arith.constant 0 : i32
    %dma_wait3A_400 = tpu.memref_slice %arg14[%dma_wait3A_398, %dma_wait3A_399] : memref<10240x16xf32, #tpu.memory_space<vmem_shared>> -> memref<125x16xf32, #tpu.memory_space<vmem_shared>>
    %dma_wait3A_401 = arith.constant 0 : i32
    %dma_wait3A_402 = arith.constant 0 : i32
    %dma_wait3A_403 = tpu.memref_slice %arg9[%dma_wait3A_387, %dma_wait3A_401, %dma_wait3A_402] : memref<16x125x16xf32, #tpu.memory_space<vmem>> -> memref<1x125x16xf32, #tpu.memory_space<vmem>>
    %dma_wait3A_404 = tpu.memref_squeeze %dma_wait3A_403 : memref<1x125x16xf32, #tpu.memory_space<vmem>> -> memref<125x16xf32, #tpu.memory_space<vmem>>
    tpu.wait_dma2 semaphore(%dma_wait3A_397 : memref<!tpu.dma_semaphore, #tpu.memory_space<semaphore_mem>>) src(%dma_wait3A_404 : memref<125x16xf32, #tpu.memory_space<vmem>>) dst(%dma_wait3A_400 : memref<125x16xf32, #tpu.memory_space<vmem_shared>>)
    %dma_wait3A_405 = arith.constant 1 : i32
    %dma_wait3A_406 = arith.constant 3 : i32
    %dma_wait3A_407 = arith.constant 0 : i32
    %dma_wait3A_408 = arith.constant 0 : i32
    %dma_wait3A_409 = tpu.memref_slice %arg9[%dma_wait3A_405, %dma_wait3A_407, %dma_wait3A_408] : memref<16x125x16xf32, #tpu.memory_space<vmem>> -> memref<1x125x16xf32, #tpu.memory_space<vmem>>
    %dma_wait3A_410 = tpu.memref_squeeze %dma_wait3A_409 : memref<1x125x16xf32, #tpu.memory_space<vmem>> -> memref<125x16xf32, #tpu.memory_space<vmem>>
    %dma_wait3A_411 = arith.constant 0 : i32
    %dma_wait3A_412 = arith.constant 0 : i32
    %dma_wait3A_413 = tpu.memref_slice %arg14[%dma_wait3A_411, %dma_wait3A_412] : memref<10240x16xf32, #tpu.memory_space<vmem_shared>> -> memref<125x16xf32, #tpu.memory_space<vmem_shared>>
    %dma_wait3A_414 = tpu.memref_slice %arg17[%dma_wait3A_406] : memref<4x!tpu.dma_semaphore, #tpu.memory_space<semaphore_mem>> -> memref<1x!tpu.dma_semaphore, #tpu.memory_space<semaphore_mem>>
    %dma_wait3A_415 = tpu.memref_squeeze %dma_wait3A_414 : memref<1x!tpu.dma_semaphore, #tpu.memory_space<semaphore_mem>> -> memref<!tpu.dma_semaphore, #tpu.memory_space<semaphore_mem>>
    %dma_wait3A_416 = arith.constant 0 : i32
    %dma_wait3A_417 = arith.constant 0 : i32
    %dma_wait3A_418 = tpu.memref_slice %arg14[%dma_wait3A_416, %dma_wait3A_417] : memref<10240x16xf32, #tpu.memory_space<vmem_shared>> -> memref<125x16xf32, #tpu.memory_space<vmem_shared>>
    %dma_wait3A_419 = arith.constant 0 : i32
    %dma_wait3A_420 = arith.constant 0 : i32
    %dma_wait3A_421 = tpu.memref_slice %arg9[%dma_wait3A_405, %dma_wait3A_419, %dma_wait3A_420] : memref<16x125x16xf32, #tpu.memory_space<vmem>> -> memref<1x125x16xf32, #tpu.memory_space<vmem>>
    %dma_wait3A_422 = tpu.memref_squeeze %dma_wait3A_421 : memref<1x125x16xf32, #tpu.memory_space<vmem>> -> memref<125x16xf32, #tpu.memory_space<vmem>>
    tpu.wait_dma2 semaphore(%dma_wait3A_415 : memref<!tpu.dma_semaphore, #tpu.memory_space<semaphore_mem>>) src(%dma_wait3A_422 : memref<125x16xf32, #tpu.memory_space<vmem>>) dst(%dma_wait3A_418 : memref<125x16xf32, #tpu.memory_space<vmem_shared>>)
    %dma_wait3A_423 = arith.constant 2 : i32
    %dma_wait3A_424 = arith.constant 3 : i32
    %dma_wait3A_425 = arith.constant 0 : i32
    %dma_wait3A_426 = arith.constant 0 : i32
    %dma_wait3A_427 = tpu.memref_slice %arg9[%dma_wait3A_423, %dma_wait3A_425, %dma_wait3A_426] : memref<16x125x16xf32, #tpu.memory_space<vmem>> -> memref<1x125x16xf32, #tpu.memory_space<vmem>>
    %dma_wait3A_428 = tpu.memref_squeeze %dma_wait3A_427 : memref<1x125x16xf32, #tpu.memory_space<vmem>> -> memref<125x16xf32, #tpu.memory_space<vmem>>
    %dma_wait3A_429 = arith.constant 0 : i32
    %dma_wait3A_430 = arith.constant 0 : i32
    %dma_wait3A_431 = tpu.memref_slice %arg14[%dma_wait3A_429, %dma_wait3A_430] : memref<10240x16xf32, #tpu.memory_space<vmem_shared>> -> memref<125x16xf32, #tpu.memory_space<vmem_shared>>
    %dma_wait3A_432 = tpu.memref_slice %arg17[%dma_wait3A_424] : memref<4x!tpu.dma_semaphore, #tpu.memory_space<semaphore_mem>> -> memref<1x!tpu.dma_semaphore, #tpu.memory_space<semaphore_mem>>
    %dma_wait3A_433 = tpu.memref_squeeze %dma_wait3A_432 : memref<1x!tpu.dma_semaphore, #tpu.memory_space<semaphore_mem>> -> memref<!tpu.dma_semaphore, #tpu.memory_space<semaphore_mem>>
    %dma_wait3A_434 = arith.constant 0 : i32
    %dma_wait3A_435 = arith.constant 0 : i32
    %dma_wait3A_436 = tpu.memref_slice %arg14[%dma_wait3A_434, %dma_wait3A_435] : memref<10240x16xf32, #tpu.memory_space<vmem_shared>> -> memref<125x16xf32, #tpu.memory_space<vmem_shared>>
    %dma_wait3A_437 = arith.constant 0 : i32
    %dma_wait3A_438 = arith.constant 0 : i32
    %dma_wait3A_439 = tpu.memref_slice %arg9[%dma_wait3A_423, %dma_wait3A_437, %dma_wait3A_438] : memref<16x125x16xf32, #tpu.memory_space<vmem>> -> memref<1x125x16xf32, #tpu.memory_space<vmem>>
    %dma_wait3A_440 = tpu.memref_squeeze %dma_wait3A_439 : memref<1x125x16xf32, #tpu.memory_space<vmem>> -> memref<125x16xf32, #tpu.memory_space<vmem>>
    tpu.wait_dma2 semaphore(%dma_wait3A_433 : memref<!tpu.dma_semaphore, #tpu.memory_space<semaphore_mem>>) src(%dma_wait3A_440 : memref<125x16xf32, #tpu.memory_space<vmem>>) dst(%dma_wait3A_436 : memref<125x16xf32, #tpu.memory_space<vmem_shared>>)
    %dma_wait3A_441 = arith.constant 3 : i32
    %dma_wait3A_442 = arith.constant 3 : i32
    %dma_wait3A_443 = arith.constant 0 : i32
    %dma_wait3A_444 = arith.constant 0 : i32
    %dma_wait3A_445 = tpu.memref_slice %arg9[%dma_wait3A_441, %dma_wait3A_443, %dma_wait3A_444] : memref<16x125x16xf32, #tpu.memory_space<vmem>> -> memref<1x125x16xf32, #tpu.memory_space<vmem>>
    %dma_wait3A_446 = tpu.memref_squeeze %dma_wait3A_445 : memref<1x125x16xf32, #tpu.memory_space<vmem>> -> memref<125x16xf32, #tpu.memory_space<vmem>>
    %dma_wait3A_447 = arith.constant 0 : i32
    %dma_wait3A_448 = arith.constant 0 : i32
    %dma_wait3A_449 = tpu.memref_slice %arg14[%dma_wait3A_447, %dma_wait3A_448] : memref<10240x16xf32, #tpu.memory_space<vmem_shared>> -> memref<125x16xf32, #tpu.memory_space<vmem_shared>>
    %dma_wait3A_450 = tpu.memref_slice %arg17[%dma_wait3A_442] : memref<4x!tpu.dma_semaphore, #tpu.memory_space<semaphore_mem>> -> memref<1x!tpu.dma_semaphore, #tpu.memory_space<semaphore_mem>>
    %dma_wait3A_451 = tpu.memref_squeeze %dma_wait3A_450 : memref<1x!tpu.dma_semaphore, #tpu.memory_space<semaphore_mem>> -> memref<!tpu.dma_semaphore, #tpu.memory_space<semaphore_mem>>
    %dma_wait3A_452 = arith.constant 0 : i32
    %dma_wait3A_453 = arith.constant 0 : i32
    %dma_wait3A_454 = tpu.memref_slice %arg14[%dma_wait3A_452, %dma_wait3A_453] : memref<10240x16xf32, #tpu.memory_space<vmem_shared>> -> memref<125x16xf32, #tpu.memory_space<vmem_shared>>
    %dma_wait3A_455 = arith.constant 0 : i32
    %dma_wait3A_456 = arith.constant 0 : i32
    %dma_wait3A_457 = tpu.memref_slice %arg9[%dma_wait3A_441, %dma_wait3A_455, %dma_wait3A_456] : memref<16x125x16xf32, #tpu.memory_space<vmem>> -> memref<1x125x16xf32, #tpu.memory_space<vmem>>
    %dma_wait3A_458 = tpu.memref_squeeze %dma_wait3A_457 : memref<1x125x16xf32, #tpu.memory_space<vmem>> -> memref<125x16xf32, #tpu.memory_space<vmem>>
    tpu.wait_dma2 semaphore(%dma_wait3A_451 : memref<!tpu.dma_semaphore, #tpu.memory_space<semaphore_mem>>) src(%dma_wait3A_458 : memref<125x16xf32, #tpu.memory_space<vmem>>) dst(%dma_wait3A_454 : memref<125x16xf32, #tpu.memory_space<vmem_shared>>)
    %barrier3A_459 = arith.constant 0 : index
    tpu.barrier barrier_id(%barrier3A_459)
    "tpu.region"() ({
      %run_scoped3A = tpu.sem_alloc : memref<!tpu.dma_semaphore, #tpu.memory_space<semaphore_mem>>
      %dma_start3A_467 = arith.constant 0 : i32
      %dma_start3A_468 = tpu.memref_slice %arg14[%mul3A_2, %dma_start3A_467] : memref<10240x16xf32, #tpu.memory_space<vmem_shared>> -> memref<640x16xf32, #tpu.memory_space<vmem_shared>>
      %dma_start3A_469 = arith.constant 0 : i32
      %dma_start3A_470 = tpu.memref_slice %arg14[%mul3A_2, %dma_start3A_469] : memref<10240x16xf32, #tpu.memory_space<vmem_shared>> -> memref<640x16xf32, #tpu.memory_space<vmem_shared>>
      tpu.enqueue_dma source(%dma_start3A_470 : memref<640x16xf32, #tpu.memory_space<vmem_shared>>) target(%arg10 : memref<640x16xf32, #tpu.memory_space<vmem>>) target_semaphore(%run_scoped3A : memref<!tpu.dma_semaphore, #tpu.memory_space<semaphore_mem>>)
      %dma_wait3A_471 = arith.constant 0 : i32
      %dma_wait3A_472 = tpu.memref_slice %arg14[%mul3A_2, %dma_wait3A_471] : memref<10240x16xf32, #tpu.memory_space<vmem_shared>> -> memref<640x16xf32, #tpu.memory_space<vmem_shared>>
      %dma_wait3A_473 = arith.constant 0 : i32
      %dma_wait3A_474 = tpu.memref_slice %arg14[%mul3A_2, %dma_wait3A_473] : memref<10240x16xf32, #tpu.memory_space<vmem_shared>> -> memref<640x16xf32, #tpu.memory_space<vmem_shared>>
      tpu.wait_dma2 semaphore(%run_scoped3A : memref<!tpu.dma_semaphore, #tpu.memory_space<semaphore_mem>>) src(%dma_wait3A_474 : memref<640x16xf32, #tpu.memory_space<vmem_shared>>) dst(%arg10 : memref<640x16xf32, #tpu.memory_space<vmem>>)
      tpu.yield
    }) : () -> ()
    %scan3A_460 = arith.constant 0 : i32
    %scan3A_461 = arith.constant 0 : i32
    %scan3A_462 = arith.constant 40 : i32
    %scan3A_463 = arith.addi %scan3A_461, %scan3A_462 : i32
    %scan3A_464 = arith.constant 1 : i32
    %scan3A_465 = scf.for %scan3A_467 = %scan3A_461 to %scan3A_463 step %scan3A_464 iter_args(%scan3A_468 = %scan3A_460) -> (i32)  : i32 {
      %mul3A_469 = arith.constant 16 : i32
      %mul3A_470 = arith.muli %scan3A_467, %mul3A_469 : i32
      %get3A = arith.index_cast %mul3A_470 : i32 to index
      %get3A_471 = tpu.vector_load %arg12[%get3A] {strides = array<i32>} : memref<640xf32, #tpu.memory_space<vmem>>, vector<16xf32>,
      %mul3A_472 = arith.constant 16 : i32
      %mul3A_473 = arith.muli %scan3A_467, %mul3A_472 : i32
      %add3A_474 = arith.constant 0 : i32
      %add3A_475 = arith.addi %mul3A_473, %add3A_474 : i32
      %get3A_476 = arith.index_cast %add3A_475 : i32 to index
      %get3A_477 = arith.constant 0 : index
      %get3A_478 = tpu.vector_load %arg10[%get3A_476, %get3A_477] {strides = array<i32>} : memref<640x16xf32, #tpu.memory_space<vmem>>, vector<16xf32>,
      %slice3A = vector.extract_strided_slice %get3A_471 {offsets = [0], sizes = [1], strides = [1]} : vector<16xf32> to vector<1xf32>
      %squeeze3A = vector.extract %slice3A[0] : f32 from vector<1xf32>
      %mul3A_479 = vector.broadcast %squeeze3A : f32 to vector<16xf32>
      %mul3A_480 = arith.mulf %get3A_478, %mul3A_479 : vector<16xf32>
      %swap3A = arith.index_cast %add3A_475 : i32 to index
      %swap3A_481 = arith.constant 0 : index
      %swap3A_482 = tpu.vector_load %arg10[%swap3A, %swap3A_481] {strides = array<i32>} : memref<640x16xf32, #tpu.memory_space<vmem>>, vector<16xf32>,
      tpu.vector_store %arg10[%swap3A, %swap3A_481], %mul3A_480 {strides = array<i32>} : memref<640x16xf32, #tpu.memory_space<vmem>>, vector<16xf32>,
      %mul3A_483 = arith.constant 16 : i32
      %mul3A_484 = arith.muli %scan3A_467, %mul3A_483 : i32
      %add3A_485 = arith.constant 1 : i32
      %add3A_486 = arith.addi %mul3A_484, %add3A_485 : i32
      %get3A_487 = arith.index_cast %add3A_486 : i32 to index
      %get3A_488 = arith.constant 0 : index
      %get3A_489 = tpu.vector_load %arg10[%get3A_487, %get3A_488] {strides = array<i32>} : memref<640x16xf32, #tpu.memory_space<vmem>>, vector<16xf32>,
      %slice3A_490 = vector.extract_strided_slice %get3A_471 {offsets = [1], sizes = [1], strides = [1]} : vector<16xf32> to vector<1xf32>
      %squeeze3A_491 = vector.extract %slice3A_490[0] : f32 from vector<1xf32>
      %mul3A_492 = vector.broadcast %squeeze3A_491 : f32 to vector<16xf32>
      %mul3A_493 = arith.mulf %get3A_489, %mul3A_492 : vector<16xf32>
      %swap3A_494 = arith.index_cast %add3A_486 : i32 to index
      %swap3A_495 = arith.constant 0 : index
      %swap3A_496 = tpu.vector_load %arg10[%swap3A_494, %swap3A_495] {strides = array<i32>} : memref<640x16xf32, #tpu.memory_space<vmem>>, vector<16xf32>,
      tpu.vector_store %arg10[%swap3A_494, %swap3A_495], %mul3A_493 {strides = array<i32>} : memref<640x16xf32, #tpu.memory_space<vmem>>, vector<16xf32>,
      %mul3A_497 = arith.constant 16 : i32
      %mul3A_498 = arith.muli %scan3A_467, %mul3A_497 : i32
      %add3A_499 = arith.constant 2 : i32
      %add3A_500 = arith.addi %mul3A_498, %add3A_499 : i32
      %get3A_501 = arith.index_cast %add3A_500 : i32 to index
      %get3A_502 = arith.constant 0 : index
      %get3A_503 = tpu.vector_load %arg10[%get3A_501, %get3A_502] {strides = array<i32>} : memref<640x16xf32, #tpu.memory_space<vmem>>, vector<16xf32>,
      %slice3A_504 = vector.extract_strided_slice %get3A_471 {offsets = [2], sizes = [1], strides = [1]} : vector<16xf32> to vector<1xf32>
      %squeeze3A_505 = vector.extract %slice3A_504[0] : f32 from vector<1xf32>
      %mul3A_506 = vector.broadcast %squeeze3A_505 : f32 to vector<16xf32>
      %mul3A_507 = arith.mulf %get3A_503, %mul3A_506 : vector<16xf32>
      %swap3A_508 = arith.index_cast %add3A_500 : i32 to index
      %swap3A_509 = arith.constant 0 : index
      %swap3A_510 = tpu.vector_load %arg10[%swap3A_508, %swap3A_509] {strides = array<i32>} : memref<640x16xf32, #tpu.memory_space<vmem>>, vector<16xf32>,
      tpu.vector_store %arg10[%swap3A_508, %swap3A_509], %mul3A_507 {strides = array<i32>} : memref<640x16xf32, #tpu.memory_space<vmem>>, vector<16xf32>,
      %mul3A_511 = arith.constant 16 : i32
      %mul3A_512 = arith.muli %scan3A_467, %mul3A_511 : i32
      %add3A_513 = arith.constant 3 : i32
      %add3A_514 = arith.addi %mul3A_512, %add3A_513 : i32
      %get3A_515 = arith.index_cast %add3A_514 : i32 to index
      %get3A_516 = arith.constant 0 : index
      %get3A_517 = tpu.vector_load %arg10[%get3A_515, %get3A_516] {strides = array<i32>} : memref<640x16xf32, #tpu.memory_space<vmem>>, vector<16xf32>,
      %slice3A_518 = vector.extract_strided_slice %get3A_471 {offsets = [3], sizes = [1], strides = [1]} : vector<16xf32> to vector<1xf32>
      %squeeze3A_519 = vector.extract %slice3A_518[0] : f32 from vector<1xf32>
      %mul3A_520 = vector.broadcast %squeeze3A_519 : f32 to vector<16xf32>
      %mul3A_521 = arith.mulf %get3A_517, %mul3A_520 : vector<16xf32>
      %swap3A_522 = arith.index_cast %add3A_514 : i32 to index
      %swap3A_523 = arith.constant 0 : index
      %swap3A_524 = tpu.vector_load %arg10[%swap3A_522, %swap3A_523] {strides = array<i32>} : memref<640x16xf32, #tpu.memory_space<vmem>>, vector<16xf32>,
      tpu.vector_store %arg10[%swap3A_522, %swap3A_523], %mul3A_521 {strides = array<i32>} : memref<640x16xf32, #tpu.memory_space<vmem>>, vector<16xf32>,
      %mul3A_525 = arith.constant 16 : i32
      %mul3A_526 = arith.muli %scan3A_467, %mul3A_525 : i32
      %add3A_527 = arith.constant 4 : i32
      %add3A_528 = arith.addi %mul3A_526, %add3A_527 : i32
      %get3A_529 = arith.index_cast %add3A_528 : i32 to index
      %get3A_530 = arith.constant 0 : index
      %get3A_531 = tpu.vector_load %arg10[%get3A_529, %get3A_530] {strides = array<i32>} : memref<640x16xf32, #tpu.memory_space<vmem>>, vector<16xf32>,
      %slice3A_532 = vector.extract_strided_slice %get3A_471 {offsets = [4], sizes = [1], strides = [1]} : vector<16xf32> to vector<1xf32>
      %squeeze3A_533 = vector.extract %slice3A_532[0] : f32 from vector<1xf32>
      %mul3A_534 = vector.broadcast %squeeze3A_533 : f32 to vector<16xf32>
      %mul3A_535 = arith.mulf %get3A_531, %mul3A_534 : vector<16xf32>
      %swap3A_536 = arith.index_cast %add3A_528 : i32 to index
      %swap3A_537 = arith.constant 0 : index
      %swap3A_538 = tpu.vector_load %arg10[%swap3A_536, %swap3A_537] {strides = array<i32>} : memref<640x16xf32, #tpu.memory_space<vmem>>, vector<16xf32>,
      tpu.vector_store %arg10[%swap3A_536, %swap3A_537], %mul3A_535 {strides = array<i32>} : memref<640x16xf32, #tpu.memory_space<vmem>>, vector<16xf32>,
      %mul3A_539 = arith.constant 16 : i32
      %mul3A_540 = arith.muli %scan3A_467, %mul3A_539 : i32
      %add3A_541 = arith.constant 5 : i32
      %add3A_542 = arith.addi %mul3A_540, %add3A_541 : i32
      %get3A_543 = arith.index_cast %add3A_542 : i32 to index
      %get3A_544 = arith.constant 0 : index
      %get3A_545 = tpu.vector_load %arg10[%get3A_543, %get3A_544] {strides = array<i32>} : memref<640x16xf32, #tpu.memory_space<vmem>>, vector<16xf32>,
      %slice3A_546 = vector.extract_strided_slice %get3A_471 {offsets = [5], sizes = [1], strides = [1]} : vector<16xf32> to vector<1xf32>
      %squeeze3A_547 = vector.extract %slice3A_546[0] : f32 from vector<1xf32>
      %mul3A_548 = vector.broadcast %squeeze3A_547 : f32 to vector<16xf32>
      %mul3A_549 = arith.mulf %get3A_545, %mul3A_548 : vector<16xf32>
      %swap3A_550 = arith.index_cast %add3A_542 : i32 to index
      %swap3A_551 = arith.constant 0 : index
      %swap3A_552 = tpu.vector_load %arg10[%swap3A_550, %swap3A_551] {strides = array<i32>} : memref<640x16xf32, #tpu.memory_space<vmem>>, vector<16xf32>,
      tpu.vector_store %arg10[%swap3A_550, %swap3A_551], %mul3A_549 {strides = array<i32>} : memref<640x16xf32, #tpu.memory_space<vmem>>, vector<16xf32>,
      %mul3A_553 = arith.constant 16 : i32
      %mul3A_554 = arith.muli %scan3A_467, %mul3A_553 : i32
      %add3A_555 = arith.constant 6 : i32
      %add3A_556 = arith.addi %mul3A_554, %add3A_555 : i32
      %get3A_557 = arith.index_cast %add3A_556 : i32 to index
      %get3A_558 = arith.constant 0 : index
      %get3A_559 = tpu.vector_load %arg10[%get3A_557, %get3A_558] {strides = array<i32>} : memref<640x16xf32, #tpu.memory_space<vmem>>, vector<16xf32>,
      %slice3A_560 = vector.extract_strided_slice %get3A_471 {offsets = [6], sizes = [1], strides = [1]} : vector<16xf32> to vector<1xf32>
      %squeeze3A_561 = vector.extract %slice3A_560[0] : f32 from vector<1xf32>
      %mul3A_562 = vector.broadcast %squeeze3A_561 : f32 to vector<16xf32>
      %mul3A_563 = arith.mulf %get3A_559, %mul3A_562 : vector<16xf32>
      %swap3A_564 = arith.index_cast %add3A_556 : i32 to index
      %swap3A_565 = arith.constant 0 : index
      %swap3A_566 = tpu.vector_load %arg10[%swap3A_564, %swap3A_565] {strides = array<i32>} : memref<640x16xf32, #tpu.memory_space<vmem>>, vector<16xf32>,
      tpu.vector_store %arg10[%swap3A_564, %swap3A_565], %mul3A_563 {strides = array<i32>} : memref<640x16xf32, #tpu.memory_space<vmem>>, vector<16xf32>,
      %mul3A_567 = arith.constant 16 : i32
      %mul3A_568 = arith.muli %scan3A_467, %mul3A_567 : i32
      %add3A_569 = arith.constant 7 : i32
      %add3A_570 = arith.addi %mul3A_568, %add3A_569 : i32
      %get3A_571 = arith.index_cast %add3A_570 : i32 to index
      %get3A_572 = arith.constant 0 : index
      %get3A_573 = tpu.vector_load %arg10[%get3A_571, %get3A_572] {strides = array<i32>} : memref<640x16xf32, #tpu.memory_space<vmem>>, vector<16xf32>,
      %slice3A_574 = vector.extract_strided_slice %get3A_471 {offsets = [7], sizes = [1], strides = [1]} : vector<16xf32> to vector<1xf32>
      %squeeze3A_575 = vector.extract %slice3A_574[0] : f32 from vector<1xf32>
      %mul3A_576 = vector.broadcast %squeeze3A_575 : f32 to vector<16xf32>
      %mul3A_577 = arith.mulf %get3A_573, %mul3A_576 : vector<16xf32>
      %swap3A_578 = arith.index_cast %add3A_570 : i32 to index
      %swap3A_579 = arith.constant 0 : index
      %swap3A_580 = tpu.vector_load %arg10[%swap3A_578, %swap3A_579] {strides = array<i32>} : memref<640x16xf32, #tpu.memory_space<vmem>>, vector<16xf32>,
      tpu.vector_store %arg10[%swap3A_578, %swap3A_579], %mul3A_577 {strides = array<i32>} : memref<640x16xf32, #tpu.memory_space<vmem>>, vector<16xf32>,
      %mul3A_581 = arith.constant 16 : i32
      %mul3A_582 = arith.muli %scan3A_467, %mul3A_581 : i32
      %add3A_583 = arith.constant 8 : i32
      %add3A_584 = arith.addi %mul3A_582, %add3A_583 : i32
      %get3A_585 = arith.index_cast %add3A_584 : i32 to index
      %get3A_586 = arith.constant 0 : index
      %get3A_587 = tpu.vector_load %arg10[%get3A_585, %get3A_586] {strides = array<i32>} : memref<640x16xf32, #tpu.memory_space<vmem>>, vector<16xf32>,
      %slice3A_588 = vector.extract_strided_slice %get3A_471 {offsets = [8], sizes = [1], strides = [1]} : vector<16xf32> to vector<1xf32>
      %squeeze3A_589 = vector.extract %slice3A_588[0] : f32 from vector<1xf32>
      %mul3A_590 = vector.broadcast %squeeze3A_589 : f32 to vector<16xf32>
      %mul3A_591 = arith.mulf %get3A_587, %mul3A_590 : vector<16xf32>
      %swap3A_592 = arith.index_cast %add3A_584 : i32 to index
      %swap3A_593 = arith.constant 0 : index
      %swap3A_594 = tpu.vector_load %arg10[%swap3A_592, %swap3A_593] {strides = array<i32>} : memref<640x16xf32, #tpu.memory_space<vmem>>, vector<16xf32>,
      tpu.vector_store %arg10[%swap3A_592, %swap3A_593], %mul3A_591 {strides = array<i32>} : memref<640x16xf32, #tpu.memory_space<vmem>>, vector<16xf32>,
      %mul3A_595 = arith.constant 16 : i32
      %mul3A_596 = arith.muli %scan3A_467, %mul3A_595 : i32
      %add3A_597 = arith.constant 9 : i32
      %add3A_598 = arith.addi %mul3A_596, %add3A_597 : i32
      %get3A_599 = arith.index_cast %add3A_598 : i32 to index
      %get3A_600 = arith.constant 0 : index
      %get3A_601 = tpu.vector_load %arg10[%get3A_599, %get3A_600] {strides = array<i32>} : memref<640x16xf32, #tpu.memory_space<vmem>>, vector<16xf32>,
      %slice3A_602 = vector.extract_strided_slice %get3A_471 {offsets = [9], sizes = [1], strides = [1]} : vector<16xf32> to vector<1xf32>
      %squeeze3A_603 = vector.extract %slice3A_602[0] : f32 from vector<1xf32>
      %mul3A_604 = vector.broadcast %squeeze3A_603 : f32 to vector<16xf32>
      %mul3A_605 = arith.mulf %get3A_601, %mul3A_604 : vector<16xf32>
      %swap3A_606 = arith.index_cast %add3A_598 : i32 to index
      %swap3A_607 = arith.constant 0 : index
      %swap3A_608 = tpu.vector_load %arg10[%swap3A_606, %swap3A_607] {strides = array<i32>} : memref<640x16xf32, #tpu.memory_space<vmem>>, vector<16xf32>,
      tpu.vector_store %arg10[%swap3A_606, %swap3A_607], %mul3A_605 {strides = array<i32>} : memref<640x16xf32, #tpu.memory_space<vmem>>, vector<16xf32>,
      %mul3A_609 = arith.constant 16 : i32
      %mul3A_610 = arith.muli %scan3A_467, %mul3A_609 : i32
      %add3A_611 = arith.constant 10 : i32
      %add3A_612 = arith.addi %mul3A_610, %add3A_611 : i32
      %get3A_613 = arith.index_cast %add3A_612 : i32 to index
      %get3A_614 = arith.constant 0 : index
      %get3A_615 = tpu.vector_load %arg10[%get3A_613, %get3A_614] {strides = array<i32>} : memref<640x16xf32, #tpu.memory_space<vmem>>, vector<16xf32>,
      %slice3A_616 = vector.extract_strided_slice %get3A_471 {offsets = [10], sizes = [1], strides = [1]} : vector<16xf32> to vector<1xf32>
      %squeeze3A_617 = vector.extract %slice3A_616[0] : f32 from vector<1xf32>
      %mul3A_618 = vector.broadcast %squeeze3A_617 : f32 to vector<16xf32>
      %mul3A_619 = arith.mulf %get3A_615, %mul3A_618 : vector<16xf32>
      %swap3A_620 = arith.index_cast %add3A_612 : i32 to index
      %swap3A_621 = arith.constant 0 : index
      %swap3A_622 = tpu.vector_load %arg10[%swap3A_620, %swap3A_621] {strides = array<i32>} : memref<640x16xf32, #tpu.memory_space<vmem>>, vector<16xf32>,
      tpu.vector_store %arg10[%swap3A_620, %swap3A_621], %mul3A_619 {strides = array<i32>} : memref<640x16xf32, #tpu.memory_space<vmem>>, vector<16xf32>,
      %mul3A_623 = arith.constant 16 : i32
      %mul3A_624 = arith.muli %scan3A_467, %mul3A_623 : i32
      %add3A_625 = arith.constant 11 : i32
      %add3A_626 = arith.addi %mul3A_624, %add3A_625 : i32
      %get3A_627 = arith.index_cast %add3A_626 : i32 to index
      %get3A_628 = arith.constant 0 : index
      %get3A_629 = tpu.vector_load %arg10[%get3A_627, %get3A_628] {strides = array<i32>} : memref<640x16xf32, #tpu.memory_space<vmem>>, vector<16xf32>,
      %slice3A_630 = vector.extract_strided_slice %get3A_471 {offsets = [11], sizes = [1], strides = [1]} : vector<16xf32> to vector<1xf32>
      %squeeze3A_631 = vector.extract %slice3A_630[0] : f32 from vector<1xf32>
      %mul3A_632 = vector.broadcast %squeeze3A_631 : f32 to vector<16xf32>
      %mul3A_633 = arith.mulf %get3A_629, %mul3A_632 : vector<16xf32>
      %swap3A_634 = arith.index_cast %add3A_626 : i32 to index
      %swap3A_635 = arith.constant 0 : index
      %swap3A_636 = tpu.vector_load %arg10[%swap3A_634, %swap3A_635] {strides = array<i32>} : memref<640x16xf32, #tpu.memory_space<vmem>>, vector<16xf32>,
      tpu.vector_store %arg10[%swap3A_634, %swap3A_635], %mul3A_633 {strides = array<i32>} : memref<640x16xf32, #tpu.memory_space<vmem>>, vector<16xf32>,
      %mul3A_637 = arith.constant 16 : i32
      %mul3A_638 = arith.muli %scan3A_467, %mul3A_637 : i32
      %add3A_639 = arith.constant 12 : i32
      %add3A_640 = arith.addi %mul3A_638, %add3A_639 : i32
      %get3A_641 = arith.index_cast %add3A_640 : i32 to index
      %get3A_642 = arith.constant 0 : index
      %get3A_643 = tpu.vector_load %arg10[%get3A_641, %get3A_642] {strides = array<i32>} : memref<640x16xf32, #tpu.memory_space<vmem>>, vector<16xf32>,
      %slice3A_644 = vector.extract_strided_slice %get3A_471 {offsets = [12], sizes = [1], strides = [1]} : vector<16xf32> to vector<1xf32>
      %squeeze3A_645 = vector.extract %slice3A_644[0] : f32 from vector<1xf32>
      %mul3A_646 = vector.broadcast %squeeze3A_645 : f32 to vector<16xf32>
      %mul3A_647 = arith.mulf %get3A_643, %mul3A_646 : vector<16xf32>
      %swap3A_648 = arith.index_cast %add3A_640 : i32 to index
      %swap3A_649 = arith.constant 0 : index
      %swap3A_650 = tpu.vector_load %arg10[%swap3A_648, %swap3A_649] {strides = array<i32>} : memref<640x16xf32, #tpu.memory_space<vmem>>, vector<16xf32>,
      tpu.vector_store %arg10[%swap3A_648, %swap3A_649], %mul3A_647 {strides = array<i32>} : memref<640x16xf32, #tpu.memory_space<vmem>>, vector<16xf32>,
      %mul3A_651 = arith.constant 16 : i32
      %mul3A_652 = arith.muli %scan3A_467, %mul3A_651 : i32
      %add3A_653 = arith.constant 13 : i32
      %add3A_654 = arith.addi %mul3A_652, %add3A_653 : i32
      %get3A_655 = arith.index_cast %add3A_654 : i32 to index
      %get3A_656 = arith.constant 0 : index
      %get3A_657 = tpu.vector_load %arg10[%get3A_655, %get3A_656] {strides = array<i32>} : memref<640x16xf32, #tpu.memory_space<vmem>>, vector<16xf32>,
      %slice3A_658 = vector.extract_strided_slice %get3A_471 {offsets = [13], sizes = [1], strides = [1]} : vector<16xf32> to vector<1xf32>
      %squeeze3A_659 = vector.extract %slice3A_658[0] : f32 from vector<1xf32>
      %mul3A_660 = vector.broadcast %squeeze3A_659 : f32 to vector<16xf32>
      %mul3A_661 = arith.mulf %get3A_657, %mul3A_660 : vector<16xf32>
      %swap3A_662 = arith.index_cast %add3A_654 : i32 to index
      %swap3A_663 = arith.constant 0 : index
      %swap3A_664 = tpu.vector_load %arg10[%swap3A_662, %swap3A_663] {strides = array<i32>} : memref<640x16xf32, #tpu.memory_space<vmem>>, vector<16xf32>,
      tpu.vector_store %arg10[%swap3A_662, %swap3A_663], %mul3A_661 {strides = array<i32>} : memref<640x16xf32, #tpu.memory_space<vmem>>, vector<16xf32>,
      %mul3A_665 = arith.constant 16 : i32
      %mul3A_666 = arith.muli %scan3A_467, %mul3A_665 : i32
      %add3A_667 = arith.constant 14 : i32
      %add3A_668 = arith.addi %mul3A_666, %add3A_667 : i32
      %get3A_669 = arith.index_cast %add3A_668 : i32 to index
      %get3A_670 = arith.constant 0 : index
      %get3A_671 = tpu.vector_load %arg10[%get3A_669, %get3A_670] {strides = array<i32>} : memref<640x16xf32, #tpu.memory_space<vmem>>, vector<16xf32>,
      %slice3A_672 = vector.extract_strided_slice %get3A_471 {offsets = [14], sizes = [1], strides = [1]} : vector<16xf32> to vector<1xf32>
      %squeeze3A_673 = vector.extract %slice3A_672[0] : f32 from vector<1xf32>
      %mul3A_674 = vector.broadcast %squeeze3A_673 : f32 to vector<16xf32>
      %mul3A_675 = arith.mulf %get3A_671, %mul3A_674 : vector<16xf32>
      %swap3A_676 = arith.index_cast %add3A_668 : i32 to index
      %swap3A_677 = arith.constant 0 : index
      %swap3A_678 = tpu.vector_load %arg10[%swap3A_676, %swap3A_677] {strides = array<i32>} : memref<640x16xf32, #tpu.memory_space<vmem>>, vector<16xf32>,
      tpu.vector_store %arg10[%swap3A_676, %swap3A_677], %mul3A_675 {strides = array<i32>} : memref<640x16xf32, #tpu.memory_space<vmem>>, vector<16xf32>,
      %mul3A_679 = arith.constant 16 : i32
      %mul3A_680 = arith.muli %scan3A_467, %mul3A_679 : i32
      %add3A_681 = arith.constant 15 : i32
      %add3A_682 = arith.addi %mul3A_680, %add3A_681 : i32
      %get3A_683 = arith.index_cast %add3A_682 : i32 to index
      %get3A_684 = arith.constant 0 : index
      %get3A_685 = tpu.vector_load %arg10[%get3A_683, %get3A_684] {strides = array<i32>} : memref<640x16xf32, #tpu.memory_space<vmem>>, vector<16xf32>,
      %slice3A_686 = vector.extract_strided_slice %get3A_471 {offsets = [15], sizes = [1], strides = [1]} : vector<16xf32> to vector<1xf32>
      %squeeze3A_687 = vector.extract %slice3A_686[0] : f32 from vector<1xf32>
      %mul3A_688 = vector.broadcast %squeeze3A_687 : f32 to vector<16xf32>
      %mul3A_689 = arith.mulf %get3A_685, %mul3A_688 : vector<16xf32>
      %swap3A_690 = arith.index_cast %add3A_682 : i32 to index
      %swap3A_691 = arith.constant 0 : index
      %swap3A_692 = tpu.vector_load %arg10[%swap3A_690, %swap3A_691] {strides = array<i32>} : memref<640x16xf32, #tpu.memory_space<vmem>>, vector<16xf32>,
      tpu.vector_store %arg10[%swap3A_690, %swap3A_691], %mul3A_689 {strides = array<i32>} : memref<640x16xf32, #tpu.memory_space<vmem>>, vector<16xf32>,
      %scan3A_693 = arith.constant 0 : i32
      scf.yield %scan3A_693 : i32
    }
    %scan3A_466 = arith.constant 40 : i32
    "tpu.region"() ({
      %run_scoped3A = tpu.sem_alloc : memref<!tpu.dma_semaphore, #tpu.memory_space<semaphore_mem>>
      %dma_start3A_467 = arith.constant 0 : i32
      %dma_start3A_468 = tpu.memref_slice %arg6[%arg0, %mul3A_2, %dma_start3A_467] : memref<2x10240x16xf32, #tpu.memory_space<hbm>> -> memref<1x640x16xf32, #tpu.memory_space<hbm>>
      %dma_start3A_469 = tpu.memref_squeeze %dma_start3A_468 : memref<1x640x16xf32, #tpu.memory_space<hbm>> -> memref<640x16xf32, #tpu.memory_space<hbm>>
      %dma_start3A_470 = arith.constant 0 : i32
      %dma_start3A_471 = tpu.memref_slice %arg6[%arg0, %mul3A_2, %dma_start3A_470] : memref<2x10240x16xf32, #tpu.memory_space<hbm>> -> memref<1x640x16xf32, #tpu.memory_space<hbm>>
      %dma_start3A_472 = tpu.memref_squeeze %dma_start3A_471 : memref<1x640x16xf32, #tpu.memory_space<hbm>> -> memref<640x16xf32, #tpu.memory_space<hbm>>
      tpu.enqueue_dma source(%arg10 : memref<640x16xf32, #tpu.memory_space<vmem>>) target(%dma_start3A_472 : memref<640x16xf32, #tpu.memory_space<hbm>>) target_semaphore(%run_scoped3A : memref<!tpu.dma_semaphore, #tpu.memory_space<semaphore_mem>>)
      %dma_wait3A_473 = arith.constant 0 : i32
      %dma_wait3A_474 = tpu.memref_slice %arg6[%arg0, %mul3A_2, %dma_wait3A_473] : memref<2x10240x16xf32, #tpu.memory_space<hbm>> -> memref<1x640x16xf32, #tpu.memory_space<hbm>>
      %dma_wait3A_475 = tpu.memref_squeeze %dma_wait3A_474 : memref<1x640x16xf32, #tpu.memory_space<hbm>> -> memref<640x16xf32, #tpu.memory_space<hbm>>
      %dma_wait3A_476 = arith.constant 0 : i32
      %dma_wait3A_477 = tpu.memref_slice %arg6[%arg0, %mul3A_2, %dma_wait3A_476] : memref<2x10240x16xf32, #tpu.memory_space<hbm>> -> memref<1x640x16xf32, #tpu.memory_space<hbm>>
      %dma_wait3A_478 = tpu.memref_squeeze %dma_wait3A_477 : memref<1x640x16xf32, #tpu.memory_space<hbm>> -> memref<640x16xf32, #tpu.memory_space<hbm>>
      tpu.wait_dma2 semaphore(%run_scoped3A : memref<!tpu.dma_semaphore, #tpu.memory_space<semaphore_mem>>) src(%arg10 : memref<640x16xf32, #tpu.memory_space<vmem>>) dst(%dma_wait3A_478 : memref<640x16xf32, #tpu.memory_space<hbm>>)
      tpu.yield
    }) : () -> ()
    return
  }
}

#map = affine_map<(d0, d1) -> (0, 0, 0)>
#map1 = affine_map<(d0, d1) -> (0, 0)>
module attributes {stable_mosaic.version = 14 : i64} {
  func.func @deg_kernel(%arg0: i32, %arg1: i32, %arg2: memref<32x80x125xi32, #tpu.memory_space<hbm>>, %arg3: memref<2x10240xf32, #tpu.memory_space<hbm>>, %arg4: memref<80x125xi32, #tpu.memory_space<vmem>>, %arg5: memref<128xf32, #tpu.memory_space<vmem>>, %arg6: memref<640xf32, #tpu.memory_space<vmem>>, %arg7: memref<10240xf32, #tpu.memory_space<vmem_shared>>, %arg8: memref<!tpu.dma_semaphore, #tpu.memory_space<semaphore_mem>>, %arg9: memref<!tpu.dma_semaphore, #tpu.memory_space<semaphore_mem>>) attributes {dimension_semantics = [#tpu.dimension_semantics<core_parallel>, #tpu.dimension_semantics<subcore_parallel>], iteration_bounds = array<i64: 2, 16>, scalar_prefetch = 0 : i64, scratch_operands = 6 : i64, tpu.core_type = #tpu.core_type<sc_vector_subcore>, window_params = [{transform_indices = #map}, {transform_indices = #map1}]} {
    %mul3A = arith.constant 16 : i32
    %mul3A_0 = arith.muli %arg0, %mul3A : i32
    %add3A = arith.addi %mul3A_0, %arg1 : i32
    %mul3A_1 = arith.constant 640 : i32
    %mul3A_2 = arith.muli %arg1, %mul3A_1 : i32
    %dma_start3A = arith.constant 0 : i32
    %dma_start3A_3 = arith.constant 0 : i32
    %dma_start3A_4 = tpu.memref_slice %arg2[%add3A, %dma_start3A, %dma_start3A_3] : memref<32x80x125xi32, #tpu.memory_space<hbm>> -> memref<1x80x125xi32, #tpu.memory_space<hbm>>
    %dma_start3A_5 = tpu.memref_squeeze %dma_start3A_4 : memref<1x80x125xi32, #tpu.memory_space<hbm>> -> memref<80x125xi32, #tpu.memory_space<hbm>>
    %dma_start3A_6 = arith.constant 0 : i32
    %dma_start3A_7 = arith.constant 0 : i32
    %dma_start3A_8 = tpu.memref_slice %arg2[%add3A, %dma_start3A_6, %dma_start3A_7] : memref<32x80x125xi32, #tpu.memory_space<hbm>> -> memref<1x80x125xi32, #tpu.memory_space<hbm>>
    %dma_start3A_9 = tpu.memref_squeeze %dma_start3A_8 : memref<1x80x125xi32, #tpu.memory_space<hbm>> -> memref<80x125xi32, #tpu.memory_space<hbm>>
    tpu.enqueue_dma source(%dma_start3A_9 : memref<80x125xi32, #tpu.memory_space<hbm>>) target(%arg4 : memref<80x125xi32, #tpu.memory_space<vmem>>) target_semaphore(%arg9 : memref<!tpu.dma_semaphore, #tpu.memory_space<semaphore_mem>>)
    %scan3A = arith.constant 0 : i32
    %scan3A_10 = arith.constant 0 : i32
    %scan3A_11 = arith.constant 8 : i32
    %scan3A_12 = arith.addi %scan3A_10, %scan3A_11 : i32
    %scan3A_13 = arith.constant 1 : i32
    %scan3A_14 = scf.for %scan3A_45 = %scan3A_10 to %scan3A_12 step %scan3A_13 iter_args(%scan3A_46 = %scan3A) -> (i32)  : i32 {
      %broadcast_in_dim3A = arith.constant 1.000000e+00 : f32
      %broadcast_in_dim3A_47 = vector.broadcast %broadcast_in_dim3A : f32 to vector<16xf32>
      %mul3A_48 = arith.constant 16 : i32
      %mul3A_49 = arith.muli %scan3A_45, %mul3A_48 : i32
      %swap3A = arith.index_cast %mul3A_49 : i32 to index
      %swap3A_50 = tpu.vector_load %arg5[%swap3A] {strides = array<i32>} : memref<128xf32, #tpu.memory_space<vmem>>, vector<16xf32>,
      %swap3A_51 = vector.shape_cast %swap3A_50 : vector<16xf32> to vector<16xf32>
      %swap3A_52 = vector.shape_cast %broadcast_in_dim3A_47 : vector<16xf32> to vector<16xf32>
      tpu.vector_store %arg5[%swap3A], %swap3A_52 {strides = array<i32>} : memref<128xf32, #tpu.memory_space<vmem>>, vector<16xf32>,
      %scan3A_53 = arith.constant 0 : i32
      scf.yield %scan3A_53 : i32
    }
    %scan3A_15 = arith.constant 8 : i32
    %scan3A_16 = arith.constant 0 : i32
    %scan3A_17 = arith.constant 0 : i32
    %scan3A_18 = arith.constant 40 : i32
    %scan3A_19 = arith.addi %scan3A_17, %scan3A_18 : i32
    %scan3A_20 = arith.constant 1 : i32
    %scan3A_21 = scf.for %scan3A_45 = %scan3A_17 to %scan3A_19 step %scan3A_20 iter_args(%scan3A_46 = %scan3A_16) -> (i32)  : i32 {
      %broadcast_in_dim3A = arith.constant 0.000000e+00 : f32
      %broadcast_in_dim3A_47 = vector.broadcast %broadcast_in_dim3A : f32 to vector<16xf32>
      %mul3A_48 = arith.constant 16 : i32
      %mul3A_49 = arith.muli %scan3A_45, %mul3A_48 : i32
      %swap3A = arith.index_cast %mul3A_49 : i32 to index
      %swap3A_50 = tpu.vector_load %arg6[%swap3A] {strides = array<i32>} : memref<640xf32, #tpu.memory_space<vmem>>, vector<16xf32>,
      %swap3A_51 = vector.shape_cast %swap3A_50 : vector<16xf32> to vector<16xf32>
      %swap3A_52 = vector.shape_cast %broadcast_in_dim3A_47 : vector<16xf32> to vector<16xf32>
      tpu.vector_store %arg6[%swap3A], %swap3A_52 {strides = array<i32>} : memref<640xf32, #tpu.memory_space<vmem>>, vector<16xf32>,
      %scan3A_53 = arith.constant 0 : i32
      scf.yield %scan3A_53 : i32
    }
    %scan3A_22 = arith.constant 40 : i32
    "tpu.region"() ({
      %run_scoped3A = tpu.sem_alloc : memref<!tpu.dma_semaphore, #tpu.memory_space<semaphore_mem>>
      %dma_start3A_45 = tpu.memref_slice %arg7[%mul3A_2] : memref<10240xf32, #tpu.memory_space<vmem_shared>> -> memref<640xf32, #tpu.memory_space<vmem_shared>>
      %dma_start3A_46 = tpu.memref_slice %arg7[%mul3A_2] : memref<10240xf32, #tpu.memory_space<vmem_shared>> -> memref<640xf32, #tpu.memory_space<vmem_shared>>
      tpu.enqueue_dma source(%arg6 : memref<640xf32, #tpu.memory_space<vmem>>) target(%dma_start3A_46 : memref<640xf32, #tpu.memory_space<vmem_shared>>) target_semaphore(%run_scoped3A : memref<!tpu.dma_semaphore, #tpu.memory_space<semaphore_mem>>)
      %dma_wait3A_47 = tpu.memref_slice %arg7[%mul3A_2] : memref<10240xf32, #tpu.memory_space<vmem_shared>> -> memref<640xf32, #tpu.memory_space<vmem_shared>>
      %dma_wait3A_48 = tpu.memref_slice %arg7[%mul3A_2] : memref<10240xf32, #tpu.memory_space<vmem_shared>> -> memref<640xf32, #tpu.memory_space<vmem_shared>>
      tpu.wait_dma2 semaphore(%run_scoped3A : memref<!tpu.dma_semaphore, #tpu.memory_space<semaphore_mem>>) src(%arg6 : memref<640xf32, #tpu.memory_space<vmem>>) dst(%dma_wait3A_48 : memref<640xf32, #tpu.memory_space<vmem_shared>>)
      tpu.yield
    }) : () -> ()
    %dma_wait3A = arith.constant 0 : i32
    %dma_wait3A_23 = arith.constant 0 : i32
    %dma_wait3A_24 = tpu.memref_slice %arg2[%add3A, %dma_wait3A, %dma_wait3A_23] : memref<32x80x125xi32, #tpu.memory_space<hbm>> -> memref<1x80x125xi32, #tpu.memory_space<hbm>>
    %dma_wait3A_25 = tpu.memref_squeeze %dma_wait3A_24 : memref<1x80x125xi32, #tpu.memory_space<hbm>> -> memref<80x125xi32, #tpu.memory_space<hbm>>
    %dma_wait3A_26 = arith.constant 0 : i32
    %dma_wait3A_27 = arith.constant 0 : i32
    %dma_wait3A_28 = tpu.memref_slice %arg2[%add3A, %dma_wait3A_26, %dma_wait3A_27] : memref<32x80x125xi32, #tpu.memory_space<hbm>> -> memref<1x80x125xi32, #tpu.memory_space<hbm>>
    %dma_wait3A_29 = tpu.memref_squeeze %dma_wait3A_28 : memref<1x80x125xi32, #tpu.memory_space<hbm>> -> memref<80x125xi32, #tpu.memory_space<hbm>>
    tpu.wait_dma2 semaphore(%arg9 : memref<!tpu.dma_semaphore, #tpu.memory_space<semaphore_mem>>) src(%dma_wait3A_29 : memref<80x125xi32, #tpu.memory_space<hbm>>) dst(%arg4 : memref<80x125xi32, #tpu.memory_space<vmem>>)
    %barrier3A = arith.constant 0 : index
    tpu.barrier barrier_id(%barrier3A)
    %scan3A_30 = arith.constant 0 : i32
    %scan3A_31 = arith.constant 0 : i32
    %scan3A_32 = arith.constant 80 : i32
    %scan3A_33 = arith.addi %scan3A_31, %scan3A_32 : i32
    %scan3A_34 = arith.constant 1 : i32
    %scan3A_35 = scf.for %scan3A_45 = %scan3A_31 to %scan3A_33 step %scan3A_34 iter_args(%scan3A_46 = %scan3A_30) -> (i32)  : i32 {
      %ge3A = arith.constant 8 : i32
      %ge3A_47 = arith.cmpi sge, %scan3A_45, %ge3A : i32
      %convert_element_type3A = arith.extui %ge3A_47 : i1 to i32
      %cond3A = arith.constant 0 : i32
      %cond3A_48 = arith.cmpi ne, %convert_element_type3A, %cond3A : i32
      scf.if %cond3A_48 {
        %dma_wait3A_57 = arith.constant 0 : i32
        %dma_wait3A_58 = tpu.memref_slice %arg5[%dma_wait3A_57] : memref<128xf32, #tpu.memory_space<vmem>> -> memref<125xf32, #tpu.memory_space<vmem>>
        %dma_wait3A_59 = arith.constant 0 : i32
        %dma_wait3A_60 = tpu.memref_slice %arg7[%dma_wait3A_59] : memref<10240xf32, #tpu.memory_space<vmem_shared>> -> memref<125xf32, #tpu.memory_space<vmem_shared>>
        %dma_wait3A_61 = arith.constant 0 : i32
        %dma_wait3A_62 = tpu.memref_slice %arg7[%dma_wait3A_61] : memref<10240xf32, #tpu.memory_space<vmem_shared>> -> memref<125xf32, #tpu.memory_space<vmem_shared>>
        %dma_wait3A_63 = arith.constant 0 : i32
        %dma_wait3A_64 = tpu.memref_slice %arg5[%dma_wait3A_63] : memref<128xf32, #tpu.memory_space<vmem>> -> memref<125xf32, #tpu.memory_space<vmem>>
        tpu.wait_dma2 semaphore(%arg8 : memref<!tpu.dma_semaphore, #tpu.memory_space<semaphore_mem>>) src(%dma_wait3A_64 : memref<125xf32, #tpu.memory_space<vmem>>) dst(%dma_wait3A_62 : memref<125xf32, #tpu.memory_space<vmem_shared>>)
      } else {
      }
      %dma_start3A_49 = arith.constant 0 : i32
      %dma_start3A_50 = tpu.memref_slice %arg5[%dma_start3A_49] : memref<128xf32, #tpu.memory_space<vmem>> -> memref<125xf32, #tpu.memory_space<vmem>>
      %dma_start3A_51 = arith.constant 0 : i32
      %dma_start3A_52 = tpu.memref_slice %arg4[%scan3A_45, %dma_start3A_51] : memref<80x125xi32, #tpu.memory_space<vmem>> -> memref<1x125xi32, #tpu.memory_space<vmem>>
      %dma_start3A_53 = tpu.memref_squeeze %dma_start3A_52 : memref<1x125xi32, #tpu.memory_space<vmem>> -> memref<125xi32, #tpu.memory_space<vmem>>
      %dma_start3A_54 = arith.constant 0 : i32
      %dma_start3A_55 = tpu.memref_slice %arg7[%dma_start3A_54] : memref<10240xf32, #tpu.memory_space<vmem_shared>> -> memref<10240xf32, #tpu.memory_space<vmem_shared>>
      tpu.enqueue_indirect_dma source(%dma_start3A_50 : memref<125xf32, #tpu.memory_space<vmem>>) target(%dma_start3A_55 : memref<10240xf32, #tpu.memory_space<vmem_shared>>) offsets(%dma_start3A_53 : memref<125xi32, #tpu.memory_space<vmem>>) semaphore(%arg8 : memref<!tpu.dma_semaphore, #tpu.memory_space<semaphore_mem>>) {add = true}
      %scan3A_56 = arith.constant 0 : i32
      scf.yield %scan3A_56 : i32
    }
    %scan3A_36 = arith.constant 80 : i32
    %scan3A_37 = arith.constant 0 : i32
    %scan3A_38 = arith.constant 0 : i32
    %scan3A_39 = arith.constant 8 : i32
    %scan3A_40 = arith.addi %scan3A_38, %scan3A_39 : i32
    %scan3A_41 = arith.constant 1 : i32
    %scan3A_42 = scf.for %scan3A_45 = %scan3A_38 to %scan3A_40 step %scan3A_41 iter_args(%scan3A_46 = %scan3A_37) -> (i32)  : i32 {
      %dma_wait3A_47 = arith.constant 0 : i32
      %dma_wait3A_48 = tpu.memref_slice %arg5[%dma_wait3A_47] : memref<128xf32, #tpu.memory_space<vmem>> -> memref<125xf32, #tpu.memory_space<vmem>>
      %dma_wait3A_49 = arith.constant 0 : i32
      %dma_wait3A_50 = tpu.memref_slice %arg7[%dma_wait3A_49] : memref<10240xf32, #tpu.memory_space<vmem_shared>> -> memref<125xf32, #tpu.memory_space<vmem_shared>>
      %dma_wait3A_51 = arith.constant 0 : i32
      %dma_wait3A_52 = tpu.memref_slice %arg7[%dma_wait3A_51] : memref<10240xf32, #tpu.memory_space<vmem_shared>> -> memref<125xf32, #tpu.memory_space<vmem_shared>>
      %dma_wait3A_53 = arith.constant 0 : i32
      %dma_wait3A_54 = tpu.memref_slice %arg5[%dma_wait3A_53] : memref<128xf32, #tpu.memory_space<vmem>> -> memref<125xf32, #tpu.memory_space<vmem>>
      tpu.wait_dma2 semaphore(%arg8 : memref<!tpu.dma_semaphore, #tpu.memory_space<semaphore_mem>>) src(%dma_wait3A_54 : memref<125xf32, #tpu.memory_space<vmem>>) dst(%dma_wait3A_52 : memref<125xf32, #tpu.memory_space<vmem_shared>>)
      %scan3A_55 = arith.constant 0 : i32
      scf.yield %scan3A_55 : i32
    }
    %scan3A_43 = arith.constant 8 : i32
    %barrier3A_44 = arith.constant 0 : index
    tpu.barrier barrier_id(%barrier3A_44)
    "tpu.region"() ({
      %run_scoped3A = tpu.sem_alloc : memref<!tpu.dma_semaphore, #tpu.memory_space<semaphore_mem>>
      %dma_start3A_45 = tpu.memref_slice %arg3[%arg0, %mul3A_2] : memref<2x10240xf32, #tpu.memory_space<hbm>> -> memref<1x640xf32, #tpu.memory_space<hbm>>
      %dma_start3A_46 = tpu.memref_squeeze %dma_start3A_45 : memref<1x640xf32, #tpu.memory_space<hbm>> -> memref<640xf32, #tpu.memory_space<hbm>>
      %dma_start3A_47 = tpu.memref_slice %arg7[%mul3A_2] : memref<10240xf32, #tpu.memory_space<vmem_shared>> -> memref<640xf32, #tpu.memory_space<vmem_shared>>
      tpu.enqueue_dma source(%dma_start3A_47 : memref<640xf32, #tpu.memory_space<vmem_shared>>) target(%dma_start3A_46 : memref<640xf32, #tpu.memory_space<hbm>>) target_semaphore(%run_scoped3A : memref<!tpu.dma_semaphore, #tpu.memory_space<semaphore_mem>>)
      %dma_wait3A_48 = tpu.memref_slice %arg3[%arg0, %mul3A_2] : memref<2x10240xf32, #tpu.memory_space<hbm>> -> memref<1x640xf32, #tpu.memory_space<hbm>>
      %dma_wait3A_49 = tpu.memref_squeeze %dma_wait3A_48 : memref<1x640xf32, #tpu.memory_space<hbm>> -> memref<640xf32, #tpu.memory_space<hbm>>
      %dma_wait3A_50 = tpu.memref_slice %arg7[%mul3A_2] : memref<10240xf32, #tpu.memory_space<vmem_shared>> -> memref<640xf32, #tpu.memory_space<vmem_shared>>
      tpu.wait_dma2 semaphore(%run_scoped3A : memref<!tpu.dma_semaphore, #tpu.memory_space<semaphore_mem>>) src(%dma_wait3A_50 : memref<640xf32, #tpu.memory_space<vmem_shared>>) dst(%dma_wait3A_49 : memref<640xf32, #tpu.memory_space<hbm>>)
      tpu.yield
    }) : () -> ()
    return
  }
}

#map = affine_map<(d0, d1) -> (0, 0)>
#map1 = affine_map<(d0, d1) -> (0, 0, 0)>
module attributes {stable_mosaic.version = 14 : i64} {
  func.func @mp_kernel(%arg0: i32, %arg1: i32, %arg2: memref<10240x16xf32, #tpu.memory_space<hbm>>, %arg3: memref<2x10240xf32, #tpu.memory_space<hbm>>, %arg4: memref<32x80x125xi32, #tpu.memory_space<hbm>>, %arg5: memref<32x80x125xi32, #tpu.memory_space<hbm>>, %arg6: memref<2x10240x16xf32, #tpu.memory_space<hbm>>, %arg7: memref<80x125xi32, #tpu.memory_space<vmem>>, %arg8: memref<80x125xi32, #tpu.memory_space<vmem>>, %arg9: memref<16x125x16xf32, #tpu.memory_space<vmem>>, %arg10: memref<640x16xf32, #tpu.memory_space<vmem>>, %arg11: memref<640x16xf32, #tpu.memory_space<vmem>>, %arg12: memref<640xf32, #tpu.memory_space<vmem>>, %arg13: memref<640xf32, #tpu.memory_space<vmem>>, %arg14: memref<10240x16xf32, #tpu.memory_space<vmem_shared>>, %arg15: memref<10240x16xf32, #tpu.memory_space<vmem_shared>>, %arg16: memref<4x!tpu.dma_semaphore, #tpu.memory_space<semaphore_mem>>, %arg17: memref<4x!tpu.dma_semaphore, #tpu.memory_space<semaphore_mem>>) attributes {dimension_semantics = [#tpu.dimension_semantics<core_parallel>, #tpu.dimension_semantics<subcore_parallel>], iteration_bounds = array<i64: 2, 16>, scalar_prefetch = 0 : i64, scratch_operands = 11 : i64, tpu.core_type = #tpu.core_type<sc_vector_subcore>, window_params = [{transform_indices = #map}, {transform_indices = #map}, {transform_indices = #map1}, {transform_indices = #map1}, {transform_indices = #map1}]} {
    %mul3A = arith.constant 16 : i32
    %mul3A_0 = arith.muli %arg0, %mul3A : i32
    %add3A = arith.addi %mul3A_0, %arg1 : i32
    %mul3A_1 = arith.constant 640 : i32
    %mul3A_2 = arith.muli %arg1, %mul3A_1 : i32
    %dma_start3A = arith.constant 0 : i32
    %dma_start3A_3 = arith.constant 0 : i32
    %dma_start3A_4 = tpu.memref_slice %arg2[%mul3A_2, %dma_start3A_3] : memref<10240x16xf32, #tpu.memory_space<hbm>> -> memref<640x16xf32, #tpu.memory_space<hbm>>
    %dma_start3A_5 = tpu.memref_slice %arg16[%dma_start3A] : memref<4x!tpu.dma_semaphore, #tpu.memory_space<semaphore_mem>> -> memref<1x!tpu.dma_semaphore, #tpu.memory_space<semaphore_mem>>
    %dma_start3A_6 = tpu.memref_squeeze %dma_start3A_5 : memref<1x!tpu.dma_semaphore, #tpu.memory_space<semaphore_mem>> -> memref<!tpu.dma_semaphore, #tpu.memory_space<semaphore_mem>>
    %dma_start3A_7 = arith.constant 0 : i32
    %dma_start3A_8 = tpu.memref_slice %arg2[%mul3A_2, %dma_start3A_7] : memref<10240x16xf32, #tpu.memory_space<hbm>> -> memref<640x16xf32, #tpu.memory_space<hbm>>
    tpu.enqueue_dma source(%dma_start3A_8 : memref<640x16xf32, #tpu.memory_space<hbm>>) target(%arg10 : memref<640x16xf32, #tpu.memory_space<vmem>>) target_semaphore(%dma_start3A_6 : memref<!tpu.dma_semaphore, #tpu.memory_space<semaphore_mem>>)
    %dma_start3A_9 = arith.constant 0 : i32
    %dma_start3A_10 = arith.constant 0 : i32
    %dma_start3A_11 = tpu.memref_slice %arg3[%dma_start3A_9, %mul3A_2] : memref<2x10240xf32, #tpu.memory_space<hbm>> -> memref<1x640xf32, #tpu.memory_space<hbm>>
    %dma_start3A_12 = tpu.memref_squeeze %dma_start3A_11 : memref<1x640xf32, #tpu.memory_space<hbm>> -> memref<640xf32, #tpu.memory_space<hbm>>
    %dma_start3A_13 = tpu.memref_slice %arg16[%dma_start3A_10] : memref<4x!tpu.dma_semaphore, #tpu.memory_space<semaphore_mem>> -> memref<1x!tpu.dma_semaphore, #tpu.memory_space<semaphore_mem>>
    %dma_start3A_14 = tpu.memref_squeeze %dma_start3A_13 : memref<1x!tpu.dma_semaphore, #tpu.memory_space<semaphore_mem>> -> memref<!tpu.dma_semaphore, #tpu.memory_space<semaphore_mem>>
    %dma_start3A_15 = tpu.memref_slice %arg3[%dma_start3A_9, %mul3A_2] : memref<2x10240xf32, #tpu.memory_space<hbm>> -> memref<1x640xf32, #tpu.memory_space<hbm>>
    %dma_start3A_16 = tpu.memref_squeeze %dma_start3A_15 : memref<1x640xf32, #tpu.memory_space<hbm>> -> memref<640xf32, #tpu.memory_space<hbm>>
    tpu.enqueue_dma source(%dma_start3A_16 : memref<640xf32, #tpu.memory_space<hbm>>) target(%arg12 : memref<640xf32, #tpu.memory_space<vmem>>) target_semaphore(%dma_start3A_14 : memref<!tpu.dma_semaphore, #tpu.memory_space<semaphore_mem>>)
    %dma_start3A_17 = arith.constant 1 : i32
    %dma_start3A_18 = arith.constant 0 : i32
    %dma_start3A_19 = tpu.memref_slice %arg3[%dma_start3A_17, %mul3A_2] : memref<2x10240xf32, #tpu.memory_space<hbm>> -> memref<1x640xf32, #tpu.memory_space<hbm>>
    %dma_start3A_20 = tpu.memref_squeeze %dma_start3A_19 : memref<1x640xf32, #tpu.memory_space<hbm>> -> memref<640xf32, #tpu.memory_space<hbm>>
    %dma_start3A_21 = tpu.memref_slice %arg16[%dma_start3A_18] : memref<4x!tpu.dma_semaphore, #tpu.memory_space<semaphore_mem>> -> memref<1x!tpu.dma_semaphore, #tpu.memory_space<semaphore_mem>>
    %dma_start3A_22 = tpu.memref_squeeze %dma_start3A_21 : memref<1x!tpu.dma_semaphore, #tpu.memory_space<semaphore_mem>> -> memref<!tpu.dma_semaphore, #tpu.memory_space<semaphore_mem>>
    %dma_start3A_23 = tpu.memref_slice %arg3[%dma_start3A_17, %mul3A_2] : memref<2x10240xf32, #tpu.memory_space<hbm>> -> memref<1x640xf32, #tpu.memory_space<hbm>>
    %dma_start3A_24 = tpu.memref_squeeze %dma_start3A_23 : memref<1x640xf32, #tpu.memory_space<hbm>> -> memref<640xf32, #tpu.memory_space<hbm>>
    tpu.enqueue_dma source(%dma_start3A_24 : memref<640xf32, #tpu.memory_space<hbm>>) target(%arg13 : memref<640xf32, #tpu.memory_space<vmem>>) target_semaphore(%dma_start3A_22 : memref<!tpu.dma_semaphore, #tpu.memory_space<semaphore_mem>>)
    %dma_start3A_25 = arith.constant 1 : i32
    %dma_start3A_26 = arith.constant 0 : i32
    %dma_start3A_27 = arith.constant 0 : i32
    %dma_start3A_28 = tpu.memref_slice %arg4[%add3A, %dma_start3A_26, %dma_start3A_27] : memref<32x80x125xi32, #tpu.memory_space<hbm>> -> memref<1x80x125xi32, #tpu.memory_space<hbm>>
    %dma_start3A_29 = tpu.memref_squeeze %dma_start3A_28 : memref<1x80x125xi32, #tpu.memory_space<hbm>> -> memref<80x125xi32, #tpu.memory_space<hbm>>
    %dma_start3A_30 = tpu.memref_slice %arg16[%dma_start3A_25] : memref<4x!tpu.dma_semaphore, #tpu.memory_space<semaphore_mem>> -> memref<1x!tpu.dma_semaphore, #tpu.memory_space<semaphore_mem>>
    %dma_start3A_31 = tpu.memref_squeeze %dma_start3A_30 : memref<1x!tpu.dma_semaphore, #tpu.memory_space<semaphore_mem>> -> memref<!tpu.dma_semaphore, #tpu.memory_space<semaphore_mem>>
    %dma_start3A_32 = arith.constant 0 : i32
    %dma_start3A_33 = arith.constant 0 : i32
    %dma_start3A_34 = tpu.memref_slice %arg4[%add3A, %dma_start3A_32, %dma_start3A_33] : memref<32x80x125xi32, #tpu.memory_space<hbm>> -> memref<1x80x125xi32, #tpu.memory_space<hbm>>
    %dma_start3A_35 = tpu.memref_squeeze %dma_start3A_34 : memref<1x80x125xi32, #tpu.memory_space<hbm>> -> memref<80x125xi32, #tpu.memory_space<hbm>>
    tpu.enqueue_dma source(%dma_start3A_35 : memref<80x125xi32, #tpu.memory_space<hbm>>) target(%arg7 : memref<80x125xi32, #tpu.memory_space<vmem>>) target_semaphore(%dma_start3A_31 : memref<!tpu.dma_semaphore, #tpu.memory_space<semaphore_mem>>)
    %dma_start3A_36 = arith.constant 1 : i32
    %dma_start3A_37 = arith.constant 0 : i32
    %dma_start3A_38 = arith.constant 0 : i32
    %dma_start3A_39 = tpu.memref_slice %arg5[%add3A, %dma_start3A_37, %dma_start3A_38] : memref<32x80x125xi32, #tpu.memory_space<hbm>> -> memref<1x80x125xi32, #tpu.memory_space<hbm>>
    %dma_start3A_40 = tpu.memref_squeeze %dma_start3A_39 : memref<1x80x125xi32, #tpu.memory_space<hbm>> -> memref<80x125xi32, #tpu.memory_space<hbm>>
    %dma_start3A_41 = tpu.memref_slice %arg16[%dma_start3A_36] : memref<4x!tpu.dma_semaphore, #tpu.memory_space<semaphore_mem>> -> memref<1x!tpu.dma_semaphore, #tpu.memory_space<semaphore_mem>>
    %dma_start3A_42 = tpu.memref_squeeze %dma_start3A_41 : memref<1x!tpu.dma_semaphore, #tpu.memory_space<semaphore_mem>> -> memref<!tpu.dma_semaphore, #tpu.memory_space<semaphore_mem>>
    %dma_start3A_43 = arith.constant 0 : i32
    %dma_start3A_44 = arith.constant 0 : i32
    %dma_start3A_45 = tpu.memref_slice %arg5[%add3A, %dma_start3A_43, %dma_start3A_44] : memref<32x80x125xi32, #tpu.memory_space<hbm>> -> memref<1x80x125xi32, #tpu.memory_space<hbm>>
    %dma_start3A_46 = tpu.memref_squeeze %dma_start3A_45 : memref<1x80x125xi32, #tpu.memory_space<hbm>> -> memref<80x125xi32, #tpu.memory_space<hbm>>
    tpu.enqueue_dma source(%dma_start3A_46 : memref<80x125xi32, #tpu.memory_space<hbm>>) target(%arg8 : memref<80x125xi32, #tpu.memory_space<vmem>>) target_semaphore(%dma_start3A_42 : memref<!tpu.dma_semaphore, #tpu.memory_space<semaphore_mem>>)
    %dma_wait3A = arith.constant 0 : i32
    %dma_wait3A_47 = arith.constant 0 : i32
    %dma_wait3A_48 = tpu.memref_slice %arg2[%mul3A_2, %dma_wait3A_47] : memref<10240x16xf32, #tpu.memory_space<hbm>> -> memref<640x16xf32, #tpu.memory_space<hbm>>
    %dma_wait3A_49 = tpu.memref_slice %arg16[%dma_wait3A] : memref<4x!tpu.dma_semaphore, #tpu.memory_space<semaphore_mem>> -> memref<1x!tpu.dma_semaphore, #tpu.memory_space<semaphore_mem>>
    %dma_wait3A_50 = tpu.memref_squeeze %dma_wait3A_49 : memref<1x!tpu.dma_semaphore, #tpu.memory_space<semaphore_mem>> -> memref<!tpu.dma_semaphore, #tpu.memory_space<semaphore_mem>>
    %dma_wait3A_51 = arith.constant 0 : i32
    %dma_wait3A_52 = tpu.memref_slice %arg2[%mul3A_2, %dma_wait3A_51] : memref<10240x16xf32, #tpu.memory_space<hbm>> -> memref<640x16xf32, #tpu.memory_space<hbm>>
    tpu.wait_dma2 semaphore(%dma_wait3A_50 : memref<!tpu.dma_semaphore, #tpu.memory_space<semaphore_mem>>) src(%dma_wait3A_52 : memref<640x16xf32, #tpu.memory_space<hbm>>) dst(%arg10 : memref<640x16xf32, #tpu.memory_space<vmem>>)
    %dma_wait3A_53 = arith.constant 0 : i32
    %dma_wait3A_54 = arith.constant 0 : i32
    %dma_wait3A_55 = tpu.memref_slice %arg3[%dma_wait3A_53, %mul3A_2] : memref<2x10240xf32, #tpu.memory_space<hbm>> -> memref<1x640xf32, #tpu.memory_space<hbm>>
    %dma_wait3A_56 = tpu.memref_squeeze %dma_wait3A_55 : memref<1x640xf32, #tpu.memory_space<hbm>> -> memref<640xf32, #tpu.memory_space<hbm>>
    %dma_wait3A_57 = tpu.memref_slice %arg16[%dma_wait3A_54] : memref<4x!tpu.dma_semaphore, #tpu.memory_space<semaphore_mem>> -> memref<1x!tpu.dma_semaphore, #tpu.memory_space<semaphore_mem>>
    %dma_wait3A_58 = tpu.memref_squeeze %dma_wait3A_57 : memref<1x!tpu.dma_semaphore, #tpu.memory_space<semaphore_mem>> -> memref<!tpu.dma_semaphore, #tpu.memory_space<semaphore_mem>>
    %dma_wait3A_59 = tpu.memref_slice %arg3[%dma_wait3A_53, %mul3A_2] : memref<2x10240xf32, #tpu.memory_space<hbm>> -> memref<1x640xf32, #tpu.memory_space<hbm>>
    %dma_wait3A_60 = tpu.memref_squeeze %dma_wait3A_59 : memref<1x640xf32, #tpu.memory_space<hbm>> -> memref<640xf32, #tpu.memory_space<hbm>>
    tpu.wait_dma2 semaphore(%dma_wait3A_58 : memref<!tpu.dma_semaphore, #tpu.memory_space<semaphore_mem>>) src(%dma_wait3A_60 : memref<640xf32, #tpu.memory_space<hbm>>) dst(%arg12 : memref<640xf32, #tpu.memory_space<vmem>>)
    %dma_wait3A_61 = arith.constant 1 : i32
    %dma_wait3A_62 = arith.constant 0 : i32
    %dma_wait3A_63 = tpu.memref_slice %arg3[%dma_wait3A_61, %mul3A_2] : memref<2x10240xf32, #tpu.memory_space<hbm>> -> memref<1x640xf32, #tpu.memory_space<hbm>>
    %dma_wait3A_64 = tpu.memref_squeeze %dma_wait3A_63 : memref<1x640xf32, #tpu.memory_space<hbm>> -> memref<640xf32, #tpu.memory_space<hbm>>
    %dma_wait3A_65 = tpu.memref_slice %arg16[%dma_wait3A_62] : memref<4x!tpu.dma_semaphore, #tpu.memory_space<semaphore_mem>> -> memref<1x!tpu.dma_semaphore, #tpu.memory_space<semaphore_mem>>
    %dma_wait3A_66 = tpu.memref_squeeze %dma_wait3A_65 : memref<1x!tpu.dma_semaphore, #tpu.memory_space<semaphore_mem>> -> memref<!tpu.dma_semaphore, #tpu.memory_space<semaphore_mem>>
    %dma_wait3A_67 = tpu.memref_slice %arg3[%dma_wait3A_61, %mul3A_2] : memref<2x10240xf32, #tpu.memory_space<hbm>> -> memref<1x640xf32, #tpu.memory_space<hbm>>
    %dma_wait3A_68 = tpu.memref_squeeze %dma_wait3A_67 : memref<1x640xf32, #tpu.memory_space<hbm>> -> memref<640xf32, #tpu.memory_space<hbm>>
    tpu.wait_dma2 semaphore(%dma_wait3A_66 : memref<!tpu.dma_semaphore, #tpu.memory_space<semaphore_mem>>) src(%dma_wait3A_68 : memref<640xf32, #tpu.memory_space<hbm>>) dst(%arg13 : memref<640xf32, #tpu.memory_space<vmem>>)
    %dma_wait3A_69 = arith.constant 1 : i32
    %dma_wait3A_70 = arith.constant 0 : i32
    %dma_wait3A_71 = arith.constant 0 : i32
    %dma_wait3A_72 = tpu.memref_slice %arg4[%add3A, %dma_wait3A_70, %dma_wait3A_71] : memref<32x80x125xi32, #tpu.memory_space<hbm>> -> memref<1x80x125xi32, #tpu.memory_space<hbm>>
    %dma_wait3A_73 = tpu.memref_squeeze %dma_wait3A_72 : memref<1x80x125xi32, #tpu.memory_space<hbm>> -> memref<80x125xi32, #tpu.memory_space<hbm>>
    %dma_wait3A_74 = tpu.memref_slice %arg16[%dma_wait3A_69] : memref<4x!tpu.dma_semaphore, #tpu.memory_space<semaphore_mem>> -> memref<1x!tpu.dma_semaphore, #tpu.memory_space<semaphore_mem>>
    %dma_wait3A_75 = tpu.memref_squeeze %dma_wait3A_74 : memref<1x!tpu.dma_semaphore, #tpu.memory_space<semaphore_mem>> -> memref<!tpu.dma_semaphore, #tpu.memory_space<semaphore_mem>>
    %dma_wait3A_76 = arith.constant 0 : i32
    %dma_wait3A_77 = arith.constant 0 : i32
    %dma_wait3A_78 = tpu.memref_slice %arg4[%add3A, %dma_wait3A_76, %dma_wait3A_77] : memref<32x80x125xi32, #tpu.memory_space<hbm>> -> memref<1x80x125xi32, #tpu.memory_space<hbm>>
    %dma_wait3A_79 = tpu.memref_squeeze %dma_wait3A_78 : memref<1x80x125xi32, #tpu.memory_space<hbm>> -> memref<80x125xi32, #tpu.memory_space<hbm>>
    tpu.wait_dma2 semaphore(%dma_wait3A_75 : memref<!tpu.dma_semaphore, #tpu.memory_space<semaphore_mem>>) src(%dma_wait3A_79 : memref<80x125xi32, #tpu.memory_space<hbm>>) dst(%arg7 : memref<80x125xi32, #tpu.memory_space<vmem>>)
    %dma_wait3A_80 = arith.constant 1 : i32
    %dma_wait3A_81 = arith.constant 0 : i32
    %dma_wait3A_82 = arith.constant 0 : i32
    %dma_wait3A_83 = tpu.memref_slice %arg5[%add3A, %dma_wait3A_81, %dma_wait3A_82] : memref<32x80x125xi32, #tpu.memory_space<hbm>> -> memref<1x80x125xi32, #tpu.memory_space<hbm>>
    %dma_wait3A_84 = tpu.memref_squeeze %dma_wait3A_83 : memref<1x80x125xi32, #tpu.memory_space<hbm>> -> memref<80x125xi32, #tpu.memory_space<hbm>>
    %dma_wait3A_85 = tpu.memref_slice %arg16[%dma_wait3A_80] : memref<4x!tpu.dma_semaphore, #tpu.memory_space<semaphore_mem>> -> memref<1x!tpu.dma_semaphore, #tpu.memory_space<semaphore_mem>>
    %dma_wait3A_86 = tpu.memref_squeeze %dma_wait3A_85 : memref<1x!tpu.dma_semaphore, #tpu.memory_space<semaphore_mem>> -> memref<!tpu.dma_semaphore, #tpu.memory_space<semaphore_mem>>
    %dma_wait3A_87 = arith.constant 0 : i32
    %dma_wait3A_88 = arith.constant 0 : i32
    %dma_wait3A_89 = tpu.memref_slice %arg5[%add3A, %dma_wait3A_87, %dma_wait3A_88] : memref<32x80x125xi32, #tpu.memory_space<hbm>> -> memref<1x80x125xi32, #tpu.memory_space<hbm>>
    %dma_wait3A_90 = tpu.memref_squeeze %dma_wait3A_89 : memref<1x80x125xi32, #tpu.memory_space<hbm>> -> memref<80x125xi32, #tpu.memory_space<hbm>>
    tpu.wait_dma2 semaphore(%dma_wait3A_86 : memref<!tpu.dma_semaphore, #tpu.memory_space<semaphore_mem>>) src(%dma_wait3A_90 : memref<80x125xi32, #tpu.memory_space<hbm>>) dst(%arg8 : memref<80x125xi32, #tpu.memory_space<vmem>>)
    %scan3A = arith.constant 0 : i32
    %scan3A_91 = arith.constant 0 : i32
    %scan3A_92 = arith.constant 40 : i32
    %scan3A_93 = arith.addi %scan3A_91, %scan3A_92 : i32
    %scan3A_94 = arith.constant 1 : i32
    %scan3A_95 = scf.for %scan3A_467 = %scan3A_91 to %scan3A_93 step %scan3A_94 iter_args(%scan3A_468 = %scan3A) -> (i32)  : i32 {
      %mul3A_469 = arith.constant 16 : i32
      %mul3A_470 = arith.muli %scan3A_467, %mul3A_469 : i32
      %get3A = arith.index_cast %mul3A_470 : i32 to index
      %get3A_471 = tpu.vector_load %arg12[%get3A] {strides = array<i32>} : memref<640xf32, #tpu.memory_space<vmem>>, vector<16xf32>,
      %get3A_472 = arith.index_cast %mul3A_470 : i32 to index
      %get3A_473 = tpu.vector_load %arg13[%get3A_472] {strides = array<i32>} : memref<640xf32, #tpu.memory_space<vmem>>, vector<16xf32>,
      %add3A_474 = arith.addf %get3A_471, %get3A_473 : vector<16xf32>
      %add3A_475 = arith.constant 1.000000e+00 : f32
      %add3A_476 = vector.broadcast %add3A_475 : f32 to vector<16xf32>
      %add3A_477 = arith.addf %add3A_474, %add3A_476 : vector<16xf32>
      %bitcast3A = vector.bitcast %add3A_477 : vector<16xf32> to vector<16xi32>
      %shift_right_logical3A = arith.constant 1 : i32
      %shift_right_logical3A_478 = vector.broadcast %shift_right_logical3A : i32 to vector<16xi32>
      %shift_right_logical3A_479 = arith.shrui %bitcast3A, %shift_right_logical3A_478 : vector<16xi32>
      %sub3A = arith.constant 1597463007 : i32
      %sub3A_480 = vector.broadcast %sub3A : i32 to vector<16xi32>
      %sub3A_481 = arith.subi %sub3A_480, %shift_right_logical3A_479 : vector<16xi32>
      %bitcast3A_482 = vector.bitcast %sub3A_481 : vector<16xi32> to vector<16xf32>
      %mul3A_483 = arith.constant 5.000000e-01 : f32
      %mul3A_484 = vector.broadcast %mul3A_483 : f32 to vector<16xf32>
      %mul3A_485 = arith.mulf %mul3A_484, %add3A_477 : vector<16xf32>
      %mul3A_486 = arith.mulf %mul3A_485, %bitcast3A_482 : vector<16xf32>
      %mul3A_487 = arith.mulf %mul3A_486, %bitcast3A_482 : vector<16xf32>
      %sub3A_488 = arith.constant 1.500000e+00 : f32
      %sub3A_489 = vector.broadcast %sub3A_488 : f32 to vector<16xf32>
      %sub3A_490 = arith.subf %sub3A_489, %mul3A_487 : vector<16xf32>
      %mul3A_491 = arith.mulf %bitcast3A_482, %sub3A_490 : vector<16xf32>
      %mul3A_492 = arith.constant 5.000000e-01 : f32
      %mul3A_493 = vector.broadcast %mul3A_492 : f32 to vector<16xf32>
      %mul3A_494 = arith.mulf %mul3A_493, %add3A_477 : vector<16xf32>
      %mul3A_495 = arith.mulf %mul3A_494, %mul3A_491 : vector<16xf32>
      %mul3A_496 = arith.mulf %mul3A_495, %mul3A_491 : vector<16xf32>
      %sub3A_497 = arith.constant 1.500000e+00 : f32
      %sub3A_498 = vector.broadcast %sub3A_497 : f32 to vector<16xf32>
      %sub3A_499 = arith.subf %sub3A_498, %mul3A_496 : vector<16xf32>
      %mul3A_500 = arith.mulf %mul3A_491, %sub3A_499 : vector<16xf32>
      %mul3A_501 = arith.constant 5.000000e-01 : f32
      %mul3A_502 = vector.broadcast %mul3A_501 : f32 to vector<16xf32>
      %mul3A_503 = arith.mulf %mul3A_502, %add3A_477 : vector<16xf32>
      %mul3A_504 = arith.mulf %mul3A_503, %mul3A_500 : vector<16xf32>
      %mul3A_505 = arith.mulf %mul3A_504, %mul3A_500 : vector<16xf32>
      %sub3A_506 = arith.constant 1.500000e+00 : f32
      %sub3A_507 = vector.broadcast %sub3A_506 : f32 to vector<16xf32>
      %sub3A_508 = arith.subf %sub3A_507, %mul3A_505 : vector<16xf32>
      %mul3A_509 = arith.mulf %mul3A_500, %sub3A_508 : vector<16xf32>
      %swap3A = arith.index_cast %mul3A_470 : i32 to index
      %swap3A_510 = tpu.vector_load %arg12[%swap3A] {strides = array<i32>} : memref<640xf32, #tpu.memory_space<vmem>>, vector<16xf32>,
      %swap3A_511 = vector.shape_cast %swap3A_510 : vector<16xf32> to vector<16xf32>
      %swap3A_512 = vector.shape_cast %mul3A_509 : vector<16xf32> to vector<16xf32>
      tpu.vector_store %arg12[%swap3A], %swap3A_512 {strides = array<i32>} : memref<640xf32, #tpu.memory_space<vmem>>, vector<16xf32>,
      %scan3A_513 = arith.constant 0 : i32
      scf.yield %scan3A_513 : i32
    }
    %scan3A_96 = arith.constant 40 : i32
    %scan3A_97 = arith.constant 0 : i32
    %scan3A_98 = arith.constant 0 : i32
    %scan3A_99 = arith.constant 40 : i32
    %scan3A_100 = arith.addi %scan3A_98, %scan3A_99 : i32
    %scan3A_101 = arith.constant 1 : i32
    %scan3A_102 = scf.for %scan3A_467 = %scan3A_98 to %scan3A_100 step %scan3A_101 iter_args(%scan3A_468 = %scan3A_97) -> (i32)  : i32 {
      %mul3A_469 = arith.constant 16 : i32
      %mul3A_470 = arith.muli %scan3A_467, %mul3A_469 : i32
      %get3A = arith.index_cast %mul3A_470 : i32 to index
      %get3A_471 = tpu.vector_load %arg12[%get3A] {strides = array<i32>} : memref<640xf32, #tpu.memory_space<vmem>>, vector<16xf32>,
      %mul3A_472 = arith.constant 16 : i32
      %mul3A_473 = arith.muli %scan3A_467, %mul3A_472 : i32
      %add3A_474 = arith.constant 0 : i32
      %add3A_475 = arith.addi %mul3A_473, %add3A_474 : i32
      %get3A_476 = arith.index_cast %add3A_475 : i32 to index
      %get3A_477 = arith.constant 0 : index
      %get3A_478 = tpu.vector_load %arg10[%get3A_476, %get3A_477] {strides = array<i32>} : memref<640x16xf32, #tpu.memory_space<vmem>>, vector<16xf32>,
      %slice3A = vector.extract_strided_slice %get3A_471 {offsets = [0], sizes = [1], strides = [1]} : vector<16xf32> to vector<1xf32>
      %squeeze3A = vector.extract %slice3A[0] : f32 from vector<1xf32>
      %mul3A_479 = vector.broadcast %squeeze3A : f32 to vector<16xf32>
      %mul3A_480 = arith.mulf %get3A_478, %mul3A_479 : vector<16xf32>
      %swap3A = arith.index_cast %add3A_475 : i32 to index
      %swap3A_481 = arith.constant 0 : index
      %swap3A_482 = tpu.vector_load %arg10[%swap3A, %swap3A_481] {strides = array<i32>} : memref<640x16xf32, #tpu.memory_space<vmem>>, vector<16xf32>,
      tpu.vector_store %arg10[%swap3A, %swap3A_481], %mul3A_480 {strides = array<i32>} : memref<640x16xf32, #tpu.memory_space<vmem>>, vector<16xf32>,
      %mul3A_483 = arith.constant 5.000000e-01 : f32
      %mul3A_484 = vector.broadcast %mul3A_483 : f32 to vector<16xf32>
      %mul3A_485 = arith.mulf %mul3A_480, %mul3A_484 : vector<16xf32>
      %swap3A_486 = arith.index_cast %add3A_475 : i32 to index
      %swap3A_487 = arith.constant 0 : index
      %swap3A_488 = tpu.vector_load %arg11[%swap3A_486, %swap3A_487] {strides = array<i32>} : memref<640x16xf32, #tpu.memory_space<vmem>>, vector<16xf32>,
      tpu.vector_store %arg11[%swap3A_486, %swap3A_487], %mul3A_485 {strides = array<i32>} : memref<640x16xf32, #tpu.memory_space<vmem>>, vector<16xf32>,
      %mul3A_489 = arith.constant 16 : i32
      %mul3A_490 = arith.muli %scan3A_467, %mul3A_489 : i32
      %add3A_491 = arith.constant 1 : i32
      %add3A_492 = arith.addi %mul3A_490, %add3A_491 : i32
      %get3A_493 = arith.index_cast %add3A_492 : i32 to index
      %get3A_494 = arith.constant 0 : index
      %get3A_495 = tpu.vector_load %arg10[%get3A_493, %get3A_494] {strides = array<i32>} : memref<640x16xf32, #tpu.memory_space<vmem>>, vector<16xf32>,
      %slice3A_496 = vector.extract_strided_slice %get3A_471 {offsets = [1], sizes = [1], strides = [1]} : vector<16xf32> to vector<1xf32>
      %squeeze3A_497 = vector.extract %slice3A_496[0] : f32 from vector<1xf32>
      %mul3A_498 = vector.broadcast %squeeze3A_497 : f32 to vector<16xf32>
      %mul3A_499 = arith.mulf %get3A_495, %mul3A_498 : vector<16xf32>
      %swap3A_500 = arith.index_cast %add3A_492 : i32 to index
      %swap3A_501 = arith.constant 0 : index
      %swap3A_502 = tpu.vector_load %arg10[%swap3A_500, %swap3A_501] {strides = array<i32>} : memref<640x16xf32, #tpu.memory_space<vmem>>, vector<16xf32>,
      tpu.vector_store %arg10[%swap3A_500, %swap3A_501], %mul3A_499 {strides = array<i32>} : memref<640x16xf32, #tpu.memory_space<vmem>>, vector<16xf32>,
      %mul3A_503 = arith.constant 5.000000e-01 : f32
      %mul3A_504 = vector.broadcast %mul3A_503 : f32 to vector<16xf32>
      %mul3A_505 = arith.mulf %mul3A_499, %mul3A_504 : vector<16xf32>
      %swap3A_506 = arith.index_cast %add3A_492 : i32 to index
      %swap3A_507 = arith.constant 0 : index
      %swap3A_508 = tpu.vector_load %arg11[%swap3A_506, %swap3A_507] {strides = array<i32>} : memref<640x16xf32, #tpu.memory_space<vmem>>, vector<16xf32>,
      tpu.vector_store %arg11[%swap3A_506, %swap3A_507], %mul3A_505 {strides = array<i32>} : memref<640x16xf32, #tpu.memory_space<vmem>>, vector<16xf32>,
      %mul3A_509 = arith.constant 16 : i32
      %mul3A_510 = arith.muli %scan3A_467, %mul3A_509 : i32
      %add3A_511 = arith.constant 2 : i32
      %add3A_512 = arith.addi %mul3A_510, %add3A_511 : i32
      %get3A_513 = arith.index_cast %add3A_512 : i32 to index
      %get3A_514 = arith.constant 0 : index
      %get3A_515 = tpu.vector_load %arg10[%get3A_513, %get3A_514] {strides = array<i32>} : memref<640x16xf32, #tpu.memory_space<vmem>>, vector<16xf32>,
      %slice3A_516 = vector.extract_strided_slice %get3A_471 {offsets = [2], sizes = [1], strides = [1]} : vector<16xf32> to vector<1xf32>
      %squeeze3A_517 = vector.extract %slice3A_516[0] : f32 from vector<1xf32>
      %mul3A_518 = vector.broadcast %squeeze3A_517 : f32 to vector<16xf32>
      %mul3A_519 = arith.mulf %get3A_515, %mul3A_518 : vector<16xf32>
      %swap3A_520 = arith.index_cast %add3A_512 : i32 to index
      %swap3A_521 = arith.constant 0 : index
      %swap3A_522 = tpu.vector_load %arg10[%swap3A_520, %swap3A_521] {strides = array<i32>} : memref<640x16xf32, #tpu.memory_space<vmem>>, vector<16xf32>,
      tpu.vector_store %arg10[%swap3A_520, %swap3A_521], %mul3A_519 {strides = array<i32>} : memref<640x16xf32, #tpu.memory_space<vmem>>, vector<16xf32>,
      %mul3A_523 = arith.constant 5.000000e-01 : f32
      %mul3A_524 = vector.broadcast %mul3A_523 : f32 to vector<16xf32>
      %mul3A_525 = arith.mulf %mul3A_519, %mul3A_524 : vector<16xf32>
      %swap3A_526 = arith.index_cast %add3A_512 : i32 to index
      %swap3A_527 = arith.constant 0 : index
      %swap3A_528 = tpu.vector_load %arg11[%swap3A_526, %swap3A_527] {strides = array<i32>} : memref<640x16xf32, #tpu.memory_space<vmem>>, vector<16xf32>,
      tpu.vector_store %arg11[%swap3A_526, %swap3A_527], %mul3A_525 {strides = array<i32>} : memref<640x16xf32, #tpu.memory_space<vmem>>, vector<16xf32>,
      %mul3A_529 = arith.constant 16 : i32
      %mul3A_530 = arith.muli %scan3A_467, %mul3A_529 : i32
      %add3A_531 = arith.constant 3 : i32
      %add3A_532 = arith.addi %mul3A_530, %add3A_531 : i32
      %get3A_533 = arith.index_cast %add3A_532 : i32 to index
      %get3A_534 = arith.constant 0 : index
      %get3A_535 = tpu.vector_load %arg10[%get3A_533, %get3A_534] {strides = array<i32>} : memref<640x16xf32, #tpu.memory_space<vmem>>, vector<16xf32>,
      %slice3A_536 = vector.extract_strided_slice %get3A_471 {offsets = [3], sizes = [1], strides = [1]} : vector<16xf32> to vector<1xf32>
      %squeeze3A_537 = vector.extract %slice3A_536[0] : f32 from vector<1xf32>
      %mul3A_538 = vector.broadcast %squeeze3A_537 : f32 to vector<16xf32>
      %mul3A_539 = arith.mulf %get3A_535, %mul3A_538 : vector<16xf32>
      %swap3A_540 = arith.index_cast %add3A_532 : i32 to index
      %swap3A_541 = arith.constant 0 : index
      %swap3A_542 = tpu.vector_load %arg10[%swap3A_540, %swap3A_541] {strides = array<i32>} : memref<640x16xf32, #tpu.memory_space<vmem>>, vector<16xf32>,
      tpu.vector_store %arg10[%swap3A_540, %swap3A_541], %mul3A_539 {strides = array<i32>} : memref<640x16xf32, #tpu.memory_space<vmem>>, vector<16xf32>,
      %mul3A_543 = arith.constant 5.000000e-01 : f32
      %mul3A_544 = vector.broadcast %mul3A_543 : f32 to vector<16xf32>
      %mul3A_545 = arith.mulf %mul3A_539, %mul3A_544 : vector<16xf32>
      %swap3A_546 = arith.index_cast %add3A_532 : i32 to index
      %swap3A_547 = arith.constant 0 : index
      %swap3A_548 = tpu.vector_load %arg11[%swap3A_546, %swap3A_547] {strides = array<i32>} : memref<640x16xf32, #tpu.memory_space<vmem>>, vector<16xf32>,
      tpu.vector_store %arg11[%swap3A_546, %swap3A_547], %mul3A_545 {strides = array<i32>} : memref<640x16xf32, #tpu.memory_space<vmem>>, vector<16xf32>,
      %mul3A_549 = arith.constant 16 : i32
      %mul3A_550 = arith.muli %scan3A_467, %mul3A_549 : i32
      %add3A_551 = arith.constant 4 : i32
      %add3A_552 = arith.addi %mul3A_550, %add3A_551 : i32
      %get3A_553 = arith.index_cast %add3A_552 : i32 to index
      %get3A_554 = arith.constant 0 : index
      %get3A_555 = tpu.vector_load %arg10[%get3A_553, %get3A_554] {strides = array<i32>} : memref<640x16xf32, #tpu.memory_space<vmem>>, vector<16xf32>,
      %slice3A_556 = vector.extract_strided_slice %get3A_471 {offsets = [4], sizes = [1], strides = [1]} : vector<16xf32> to vector<1xf32>
      %squeeze3A_557 = vector.extract %slice3A_556[0] : f32 from vector<1xf32>
      %mul3A_558 = vector.broadcast %squeeze3A_557 : f32 to vector<16xf32>
      %mul3A_559 = arith.mulf %get3A_555, %mul3A_558 : vector<16xf32>
      %swap3A_560 = arith.index_cast %add3A_552 : i32 to index
      %swap3A_561 = arith.constant 0 : index
      %swap3A_562 = tpu.vector_load %arg10[%swap3A_560, %swap3A_561] {strides = array<i32>} : memref<640x16xf32, #tpu.memory_space<vmem>>, vector<16xf32>,
      tpu.vector_store %arg10[%swap3A_560, %swap3A_561], %mul3A_559 {strides = array<i32>} : memref<640x16xf32, #tpu.memory_space<vmem>>, vector<16xf32>,
      %mul3A_563 = arith.constant 5.000000e-01 : f32
      %mul3A_564 = vector.broadcast %mul3A_563 : f32 to vector<16xf32>
      %mul3A_565 = arith.mulf %mul3A_559, %mul3A_564 : vector<16xf32>
      %swap3A_566 = arith.index_cast %add3A_552 : i32 to index
      %swap3A_567 = arith.constant 0 : index
      %swap3A_568 = tpu.vector_load %arg11[%swap3A_566, %swap3A_567] {strides = array<i32>} : memref<640x16xf32, #tpu.memory_space<vmem>>, vector<16xf32>,
      tpu.vector_store %arg11[%swap3A_566, %swap3A_567], %mul3A_565 {strides = array<i32>} : memref<640x16xf32, #tpu.memory_space<vmem>>, vector<16xf32>,
      %mul3A_569 = arith.constant 16 : i32
      %mul3A_570 = arith.muli %scan3A_467, %mul3A_569 : i32
      %add3A_571 = arith.constant 5 : i32
      %add3A_572 = arith.addi %mul3A_570, %add3A_571 : i32
      %get3A_573 = arith.index_cast %add3A_572 : i32 to index
      %get3A_574 = arith.constant 0 : index
      %get3A_575 = tpu.vector_load %arg10[%get3A_573, %get3A_574] {strides = array<i32>} : memref<640x16xf32, #tpu.memory_space<vmem>>, vector<16xf32>,
      %slice3A_576 = vector.extract_strided_slice %get3A_471 {offsets = [5], sizes = [1], strides = [1]} : vector<16xf32> to vector<1xf32>
      %squeeze3A_577 = vector.extract %slice3A_576[0] : f32 from vector<1xf32>
      %mul3A_578 = vector.broadcast %squeeze3A_577 : f32 to vector<16xf32>
      %mul3A_579 = arith.mulf %get3A_575, %mul3A_578 : vector<16xf32>
      %swap3A_580 = arith.index_cast %add3A_572 : i32 to index
      %swap3A_581 = arith.constant 0 : index
      %swap3A_582 = tpu.vector_load %arg10[%swap3A_580, %swap3A_581] {strides = array<i32>} : memref<640x16xf32, #tpu.memory_space<vmem>>, vector<16xf32>,
      tpu.vector_store %arg10[%swap3A_580, %swap3A_581], %mul3A_579 {strides = array<i32>} : memref<640x16xf32, #tpu.memory_space<vmem>>, vector<16xf32>,
      %mul3A_583 = arith.constant 5.000000e-01 : f32
      %mul3A_584 = vector.broadcast %mul3A_583 : f32 to vector<16xf32>
      %mul3A_585 = arith.mulf %mul3A_579, %mul3A_584 : vector<16xf32>
      %swap3A_586 = arith.index_cast %add3A_572 : i32 to index
      %swap3A_587 = arith.constant 0 : index
      %swap3A_588 = tpu.vector_load %arg11[%swap3A_586, %swap3A_587] {strides = array<i32>} : memref<640x16xf32, #tpu.memory_space<vmem>>, vector<16xf32>,
      tpu.vector_store %arg11[%swap3A_586, %swap3A_587], %mul3A_585 {strides = array<i32>} : memref<640x16xf32, #tpu.memory_space<vmem>>, vector<16xf32>,
      %mul3A_589 = arith.constant 16 : i32
      %mul3A_590 = arith.muli %scan3A_467, %mul3A_589 : i32
      %add3A_591 = arith.constant 6 : i32
      %add3A_592 = arith.addi %mul3A_590, %add3A_591 : i32
      %get3A_593 = arith.index_cast %add3A_592 : i32 to index
      %get3A_594 = arith.constant 0 : index
      %get3A_595 = tpu.vector_load %arg10[%get3A_593, %get3A_594] {strides = array<i32>} : memref<640x16xf32, #tpu.memory_space<vmem>>, vector<16xf32>,
      %slice3A_596 = vector.extract_strided_slice %get3A_471 {offsets = [6], sizes = [1], strides = [1]} : vector<16xf32> to vector<1xf32>
      %squeeze3A_597 = vector.extract %slice3A_596[0] : f32 from vector<1xf32>
      %mul3A_598 = vector.broadcast %squeeze3A_597 : f32 to vector<16xf32>
      %mul3A_599 = arith.mulf %get3A_595, %mul3A_598 : vector<16xf32>
      %swap3A_600 = arith.index_cast %add3A_592 : i32 to index
      %swap3A_601 = arith.constant 0 : index
      %swap3A_602 = tpu.vector_load %arg10[%swap3A_600, %swap3A_601] {strides = array<i32>} : memref<640x16xf32, #tpu.memory_space<vmem>>, vector<16xf32>,
      tpu.vector_store %arg10[%swap3A_600, %swap3A_601], %mul3A_599 {strides = array<i32>} : memref<640x16xf32, #tpu.memory_space<vmem>>, vector<16xf32>,
      %mul3A_603 = arith.constant 5.000000e-01 : f32
      %mul3A_604 = vector.broadcast %mul3A_603 : f32 to vector<16xf32>
      %mul3A_605 = arith.mulf %mul3A_599, %mul3A_604 : vector<16xf32>
      %swap3A_606 = arith.index_cast %add3A_592 : i32 to index
      %swap3A_607 = arith.constant 0 : index
      %swap3A_608 = tpu.vector_load %arg11[%swap3A_606, %swap3A_607] {strides = array<i32>} : memref<640x16xf32, #tpu.memory_space<vmem>>, vector<16xf32>,
      tpu.vector_store %arg11[%swap3A_606, %swap3A_607], %mul3A_605 {strides = array<i32>} : memref<640x16xf32, #tpu.memory_space<vmem>>, vector<16xf32>,
      %mul3A_609 = arith.constant 16 : i32
      %mul3A_610 = arith.muli %scan3A_467, %mul3A_609 : i32
      %add3A_611 = arith.constant 7 : i32
      %add3A_612 = arith.addi %mul3A_610, %add3A_611 : i32
      %get3A_613 = arith.index_cast %add3A_612 : i32 to index
      %get3A_614 = arith.constant 0 : index
      %get3A_615 = tpu.vector_load %arg10[%get3A_613, %get3A_614] {strides = array<i32>} : memref<640x16xf32, #tpu.memory_space<vmem>>, vector<16xf32>,
      %slice3A_616 = vector.extract_strided_slice %get3A_471 {offsets = [7], sizes = [1], strides = [1]} : vector<16xf32> to vector<1xf32>
      %squeeze3A_617 = vector.extract %slice3A_616[0] : f32 from vector<1xf32>
      %mul3A_618 = vector.broadcast %squeeze3A_617 : f32 to vector<16xf32>
      %mul3A_619 = arith.mulf %get3A_615, %mul3A_618 : vector<16xf32>
      %swap3A_620 = arith.index_cast %add3A_612 : i32 to index
      %swap3A_621 = arith.constant 0 : index
      %swap3A_622 = tpu.vector_load %arg10[%swap3A_620, %swap3A_621] {strides = array<i32>} : memref<640x16xf32, #tpu.memory_space<vmem>>, vector<16xf32>,
      tpu.vector_store %arg10[%swap3A_620, %swap3A_621], %mul3A_619 {strides = array<i32>} : memref<640x16xf32, #tpu.memory_space<vmem>>, vector<16xf32>,
      %mul3A_623 = arith.constant 5.000000e-01 : f32
      %mul3A_624 = vector.broadcast %mul3A_623 : f32 to vector<16xf32>
      %mul3A_625 = arith.mulf %mul3A_619, %mul3A_624 : vector<16xf32>
      %swap3A_626 = arith.index_cast %add3A_612 : i32 to index
      %swap3A_627 = arith.constant 0 : index
      %swap3A_628 = tpu.vector_load %arg11[%swap3A_626, %swap3A_627] {strides = array<i32>} : memref<640x16xf32, #tpu.memory_space<vmem>>, vector<16xf32>,
      tpu.vector_store %arg11[%swap3A_626, %swap3A_627], %mul3A_625 {strides = array<i32>} : memref<640x16xf32, #tpu.memory_space<vmem>>, vector<16xf32>,
      %mul3A_629 = arith.constant 16 : i32
      %mul3A_630 = arith.muli %scan3A_467, %mul3A_629 : i32
      %add3A_631 = arith.constant 8 : i32
      %add3A_632 = arith.addi %mul3A_630, %add3A_631 : i32
      %get3A_633 = arith.index_cast %add3A_632 : i32 to index
      %get3A_634 = arith.constant 0 : index
      %get3A_635 = tpu.vector_load %arg10[%get3A_633, %get3A_634] {strides = array<i32>} : memref<640x16xf32, #tpu.memory_space<vmem>>, vector<16xf32>,
      %slice3A_636 = vector.extract_strided_slice %get3A_471 {offsets = [8], sizes = [1], strides = [1]} : vector<16xf32> to vector<1xf32>
      %squeeze3A_637 = vector.extract %slice3A_636[0] : f32 from vector<1xf32>
      %mul3A_638 = vector.broadcast %squeeze3A_637 : f32 to vector<16xf32>
      %mul3A_639 = arith.mulf %get3A_635, %mul3A_638 : vector<16xf32>
      %swap3A_640 = arith.index_cast %add3A_632 : i32 to index
      %swap3A_641 = arith.constant 0 : index
      %swap3A_642 = tpu.vector_load %arg10[%swap3A_640, %swap3A_641] {strides = array<i32>} : memref<640x16xf32, #tpu.memory_space<vmem>>, vector<16xf32>,
      tpu.vector_store %arg10[%swap3A_640, %swap3A_641], %mul3A_639 {strides = array<i32>} : memref<640x16xf32, #tpu.memory_space<vmem>>, vector<16xf32>,
      %mul3A_643 = arith.constant 5.000000e-01 : f32
      %mul3A_644 = vector.broadcast %mul3A_643 : f32 to vector<16xf32>
      %mul3A_645 = arith.mulf %mul3A_639, %mul3A_644 : vector<16xf32>
      %swap3A_646 = arith.index_cast %add3A_632 : i32 to index
      %swap3A_647 = arith.constant 0 : index
      %swap3A_648 = tpu.vector_load %arg11[%swap3A_646, %swap3A_647] {strides = array<i32>} : memref<640x16xf32, #tpu.memory_space<vmem>>, vector<16xf32>,
      tpu.vector_store %arg11[%swap3A_646, %swap3A_647], %mul3A_645 {strides = array<i32>} : memref<640x16xf32, #tpu.memory_space<vmem>>, vector<16xf32>,
      %mul3A_649 = arith.constant 16 : i32
      %mul3A_650 = arith.muli %scan3A_467, %mul3A_649 : i32
      %add3A_651 = arith.constant 9 : i32
      %add3A_652 = arith.addi %mul3A_650, %add3A_651 : i32
      %get3A_653 = arith.index_cast %add3A_652 : i32 to index
      %get3A_654 = arith.constant 0 : index
      %get3A_655 = tpu.vector_load %arg10[%get3A_653, %get3A_654] {strides = array<i32>} : memref<640x16xf32, #tpu.memory_space<vmem>>, vector<16xf32>,
      %slice3A_656 = vector.extract_strided_slice %get3A_471 {offsets = [9], sizes = [1], strides = [1]} : vector<16xf32> to vector<1xf32>
      %squeeze3A_657 = vector.extract %slice3A_656[0] : f32 from vector<1xf32>
      %mul3A_658 = vector.broadcast %squeeze3A_657 : f32 to vector<16xf32>
      %mul3A_659 = arith.mulf %get3A_655, %mul3A_658 : vector<16xf32>
      %swap3A_660 = arith.index_cast %add3A_652 : i32 to index
      %swap3A_661 = arith.constant 0 : index
      %swap3A_662 = tpu.vector_load %arg10[%swap3A_660, %swap3A_661] {strides = array<i32>} : memref<640x16xf32, #tpu.memory_space<vmem>>, vector<16xf32>,
      tpu.vector_store %arg10[%swap3A_660, %swap3A_661], %mul3A_659 {strides = array<i32>} : memref<640x16xf32, #tpu.memory_space<vmem>>, vector<16xf32>,
      %mul3A_663 = arith.constant 5.000000e-01 : f32
      %mul3A_664 = vector.broadcast %mul3A_663 : f32 to vector<16xf32>
      %mul3A_665 = arith.mulf %mul3A_659, %mul3A_664 : vector<16xf32>
      %swap3A_666 = arith.index_cast %add3A_652 : i32 to index
      %swap3A_667 = arith.constant 0 : index
      %swap3A_668 = tpu.vector_load %arg11[%swap3A_666, %swap3A_667] {strides = array<i32>} : memref<640x16xf32, #tpu.memory_space<vmem>>, vector<16xf32>,
      tpu.vector_store %arg11[%swap3A_666, %swap3A_667], %mul3A_665 {strides = array<i32>} : memref<640x16xf32, #tpu.memory_space<vmem>>, vector<16xf32>,
      %mul3A_669 = arith.constant 16 : i32
      %mul3A_670 = arith.muli %scan3A_467, %mul3A_669 : i32
      %add3A_671 = arith.constant 10 : i32
      %add3A_672 = arith.addi %mul3A_670, %add3A_671 : i32
      %get3A_673 = arith.index_cast %add3A_672 : i32 to index
      %get3A_674 = arith.constant 0 : index
      %get3A_675 = tpu.vector_load %arg10[%get3A_673, %get3A_674] {strides = array<i32>} : memref<640x16xf32, #tpu.memory_space<vmem>>, vector<16xf32>,
      %slice3A_676 = vector.extract_strided_slice %get3A_471 {offsets = [10], sizes = [1], strides = [1]} : vector<16xf32> to vector<1xf32>
      %squeeze3A_677 = vector.extract %slice3A_676[0] : f32 from vector<1xf32>
      %mul3A_678 = vector.broadcast %squeeze3A_677 : f32 to vector<16xf32>
      %mul3A_679 = arith.mulf %get3A_675, %mul3A_678 : vector<16xf32>
      %swap3A_680 = arith.index_cast %add3A_672 : i32 to index
      %swap3A_681 = arith.constant 0 : index
      %swap3A_682 = tpu.vector_load %arg10[%swap3A_680, %swap3A_681] {strides = array<i32>} : memref<640x16xf32, #tpu.memory_space<vmem>>, vector<16xf32>,
      tpu.vector_store %arg10[%swap3A_680, %swap3A_681], %mul3A_679 {strides = array<i32>} : memref<640x16xf32, #tpu.memory_space<vmem>>, vector<16xf32>,
      %mul3A_683 = arith.constant 5.000000e-01 : f32
      %mul3A_684 = vector.broadcast %mul3A_683 : f32 to vector<16xf32>
      %mul3A_685 = arith.mulf %mul3A_679, %mul3A_684 : vector<16xf32>
      %swap3A_686 = arith.index_cast %add3A_672 : i32 to index
      %swap3A_687 = arith.constant 0 : index
      %swap3A_688 = tpu.vector_load %arg11[%swap3A_686, %swap3A_687] {strides = array<i32>} : memref<640x16xf32, #tpu.memory_space<vmem>>, vector<16xf32>,
      tpu.vector_store %arg11[%swap3A_686, %swap3A_687], %mul3A_685 {strides = array<i32>} : memref<640x16xf32, #tpu.memory_space<vmem>>, vector<16xf32>,
      %mul3A_689 = arith.constant 16 : i32
      %mul3A_690 = arith.muli %scan3A_467, %mul3A_689 : i32
      %add3A_691 = arith.constant 11 : i32
      %add3A_692 = arith.addi %mul3A_690, %add3A_691 : i32
      %get3A_693 = arith.index_cast %add3A_692 : i32 to index
      %get3A_694 = arith.constant 0 : index
      %get3A_695 = tpu.vector_load %arg10[%get3A_693, %get3A_694] {strides = array<i32>} : memref<640x16xf32, #tpu.memory_space<vmem>>, vector<16xf32>,
      %slice3A_696 = vector.extract_strided_slice %get3A_471 {offsets = [11], sizes = [1], strides = [1]} : vector<16xf32> to vector<1xf32>
      %squeeze3A_697 = vector.extract %slice3A_696[0] : f32 from vector<1xf32>
      %mul3A_698 = vector.broadcast %squeeze3A_697 : f32 to vector<16xf32>
      %mul3A_699 = arith.mulf %get3A_695, %mul3A_698 : vector<16xf32>
      %swap3A_700 = arith.index_cast %add3A_692 : i32 to index
      %swap3A_701 = arith.constant 0 : index
      %swap3A_702 = tpu.vector_load %arg10[%swap3A_700, %swap3A_701] {strides = array<i32>} : memref<640x16xf32, #tpu.memory_space<vmem>>, vector<16xf32>,
      tpu.vector_store %arg10[%swap3A_700, %swap3A_701], %mul3A_699 {strides = array<i32>} : memref<640x16xf32, #tpu.memory_space<vmem>>, vector<16xf32>,
      %mul3A_703 = arith.constant 5.000000e-01 : f32
      %mul3A_704 = vector.broadcast %mul3A_703 : f32 to vector<16xf32>
      %mul3A_705 = arith.mulf %mul3A_699, %mul3A_704 : vector<16xf32>
      %swap3A_706 = arith.index_cast %add3A_692 : i32 to index
      %swap3A_707 = arith.constant 0 : index
      %swap3A_708 = tpu.vector_load %arg11[%swap3A_706, %swap3A_707] {strides = array<i32>} : memref<640x16xf32, #tpu.memory_space<vmem>>, vector<16xf32>,
      tpu.vector_store %arg11[%swap3A_706, %swap3A_707], %mul3A_705 {strides = array<i32>} : memref<640x16xf32, #tpu.memory_space<vmem>>, vector<16xf32>,
      %mul3A_709 = arith.constant 16 : i32
      %mul3A_710 = arith.muli %scan3A_467, %mul3A_709 : i32
      %add3A_711 = arith.constant 12 : i32
      %add3A_712 = arith.addi %mul3A_710, %add3A_711 : i32
      %get3A_713 = arith.index_cast %add3A_712 : i32 to index
      %get3A_714 = arith.constant 0 : index
      %get3A_715 = tpu.vector_load %arg10[%get3A_713, %get3A_714] {strides = array<i32>} : memref<640x16xf32, #tpu.memory_space<vmem>>, vector<16xf32>,
      %slice3A_716 = vector.extract_strided_slice %get3A_471 {offsets = [12], sizes = [1], strides = [1]} : vector<16xf32> to vector<1xf32>
      %squeeze3A_717 = vector.extract %slice3A_716[0] : f32 from vector<1xf32>
      %mul3A_718 = vector.broadcast %squeeze3A_717 : f32 to vector<16xf32>
      %mul3A_719 = arith.mulf %get3A_715, %mul3A_718 : vector<16xf32>
      %swap3A_720 = arith.index_cast %add3A_712 : i32 to index
      %swap3A_721 = arith.constant 0 : index
      %swap3A_722 = tpu.vector_load %arg10[%swap3A_720, %swap3A_721] {strides = array<i32>} : memref<640x16xf32, #tpu.memory_space<vmem>>, vector<16xf32>,
      tpu.vector_store %arg10[%swap3A_720, %swap3A_721], %mul3A_719 {strides = array<i32>} : memref<640x16xf32, #tpu.memory_space<vmem>>, vector<16xf32>,
      %mul3A_723 = arith.constant 5.000000e-01 : f32
      %mul3A_724 = vector.broadcast %mul3A_723 : f32 to vector<16xf32>
      %mul3A_725 = arith.mulf %mul3A_719, %mul3A_724 : vector<16xf32>
      %swap3A_726 = arith.index_cast %add3A_712 : i32 to index
      %swap3A_727 = arith.constant 0 : index
      %swap3A_728 = tpu.vector_load %arg11[%swap3A_726, %swap3A_727] {strides = array<i32>} : memref<640x16xf32, #tpu.memory_space<vmem>>, vector<16xf32>,
      tpu.vector_store %arg11[%swap3A_726, %swap3A_727], %mul3A_725 {strides = array<i32>} : memref<640x16xf32, #tpu.memory_space<vmem>>, vector<16xf32>,
      %mul3A_729 = arith.constant 16 : i32
      %mul3A_730 = arith.muli %scan3A_467, %mul3A_729 : i32
      %add3A_731 = arith.constant 13 : i32
      %add3A_732 = arith.addi %mul3A_730, %add3A_731 : i32
      %get3A_733 = arith.index_cast %add3A_732 : i32 to index
      %get3A_734 = arith.constant 0 : index
      %get3A_735 = tpu.vector_load %arg10[%get3A_733, %get3A_734] {strides = array<i32>} : memref<640x16xf32, #tpu.memory_space<vmem>>, vector<16xf32>,
      %slice3A_736 = vector.extract_strided_slice %get3A_471 {offsets = [13], sizes = [1], strides = [1]} : vector<16xf32> to vector<1xf32>
      %squeeze3A_737 = vector.extract %slice3A_736[0] : f32 from vector<1xf32>
      %mul3A_738 = vector.broadcast %squeeze3A_737 : f32 to vector<16xf32>
      %mul3A_739 = arith.mulf %get3A_735, %mul3A_738 : vector<16xf32>
      %swap3A_740 = arith.index_cast %add3A_732 : i32 to index
      %swap3A_741 = arith.constant 0 : index
      %swap3A_742 = tpu.vector_load %arg10[%swap3A_740, %swap3A_741] {strides = array<i32>} : memref<640x16xf32, #tpu.memory_space<vmem>>, vector<16xf32>,
      tpu.vector_store %arg10[%swap3A_740, %swap3A_741], %mul3A_739 {strides = array<i32>} : memref<640x16xf32, #tpu.memory_space<vmem>>, vector<16xf32>,
      %mul3A_743 = arith.constant 5.000000e-01 : f32
      %mul3A_744 = vector.broadcast %mul3A_743 : f32 to vector<16xf32>
      %mul3A_745 = arith.mulf %mul3A_739, %mul3A_744 : vector<16xf32>
      %swap3A_746 = arith.index_cast %add3A_732 : i32 to index
      %swap3A_747 = arith.constant 0 : index
      %swap3A_748 = tpu.vector_load %arg11[%swap3A_746, %swap3A_747] {strides = array<i32>} : memref<640x16xf32, #tpu.memory_space<vmem>>, vector<16xf32>,
      tpu.vector_store %arg11[%swap3A_746, %swap3A_747], %mul3A_745 {strides = array<i32>} : memref<640x16xf32, #tpu.memory_space<vmem>>, vector<16xf32>,
      %mul3A_749 = arith.constant 16 : i32
      %mul3A_750 = arith.muli %scan3A_467, %mul3A_749 : i32
      %add3A_751 = arith.constant 14 : i32
      %add3A_752 = arith.addi %mul3A_750, %add3A_751 : i32
      %get3A_753 = arith.index_cast %add3A_752 : i32 to index
      %get3A_754 = arith.constant 0 : index
      %get3A_755 = tpu.vector_load %arg10[%get3A_753, %get3A_754] {strides = array<i32>} : memref<640x16xf32, #tpu.memory_space<vmem>>, vector<16xf32>,
      %slice3A_756 = vector.extract_strided_slice %get3A_471 {offsets = [14], sizes = [1], strides = [1]} : vector<16xf32> to vector<1xf32>
      %squeeze3A_757 = vector.extract %slice3A_756[0] : f32 from vector<1xf32>
      %mul3A_758 = vector.broadcast %squeeze3A_757 : f32 to vector<16xf32>
      %mul3A_759 = arith.mulf %get3A_755, %mul3A_758 : vector<16xf32>
      %swap3A_760 = arith.index_cast %add3A_752 : i32 to index
      %swap3A_761 = arith.constant 0 : index
      %swap3A_762 = tpu.vector_load %arg10[%swap3A_760, %swap3A_761] {strides = array<i32>} : memref<640x16xf32, #tpu.memory_space<vmem>>, vector<16xf32>,
      tpu.vector_store %arg10[%swap3A_760, %swap3A_761], %mul3A_759 {strides = array<i32>} : memref<640x16xf32, #tpu.memory_space<vmem>>, vector<16xf32>,
      %mul3A_763 = arith.constant 5.000000e-01 : f32
      %mul3A_764 = vector.broadcast %mul3A_763 : f32 to vector<16xf32>
      %mul3A_765 = arith.mulf %mul3A_759, %mul3A_764 : vector<16xf32>
      %swap3A_766 = arith.index_cast %add3A_752 : i32 to index
      %swap3A_767 = arith.constant 0 : index
      %swap3A_768 = tpu.vector_load %arg11[%swap3A_766, %swap3A_767] {strides = array<i32>} : memref<640x16xf32, #tpu.memory_space<vmem>>, vector<16xf32>,
      tpu.vector_store %arg11[%swap3A_766, %swap3A_767], %mul3A_765 {strides = array<i32>} : memref<640x16xf32, #tpu.memory_space<vmem>>, vector<16xf32>,
      %mul3A_769 = arith.constant 16 : i32
      %mul3A_770 = arith.muli %scan3A_467, %mul3A_769 : i32
      %add3A_771 = arith.constant 15 : i32
      %add3A_772 = arith.addi %mul3A_770, %add3A_771 : i32
      %get3A_773 = arith.index_cast %add3A_772 : i32 to index
      %get3A_774 = arith.constant 0 : index
      %get3A_775 = tpu.vector_load %arg10[%get3A_773, %get3A_774] {strides = array<i32>} : memref<640x16xf32, #tpu.memory_space<vmem>>, vector<16xf32>,
      %slice3A_776 = vector.extract_strided_slice %get3A_471 {offsets = [15], sizes = [1], strides = [1]} : vector<16xf32> to vector<1xf32>
      %squeeze3A_777 = vector.extract %slice3A_776[0] : f32 from vector<1xf32>
      %mul3A_778 = vector.broadcast %squeeze3A_777 : f32 to vector<16xf32>
      %mul3A_779 = arith.mulf %get3A_775, %mul3A_778 : vector<16xf32>
      %swap3A_780 = arith.index_cast %add3A_772 : i32 to index
      %swap3A_781 = arith.constant 0 : index
      %swap3A_782 = tpu.vector_load %arg10[%swap3A_780, %swap3A_781] {strides = array<i32>} : memref<640x16xf32, #tpu.memory_space<vmem>>, vector<16xf32>,
      tpu.vector_store %arg10[%swap3A_780, %swap3A_781], %mul3A_779 {strides = array<i32>} : memref<640x16xf32, #tpu.memory_space<vmem>>, vector<16xf32>,
      %mul3A_783 = arith.constant 5.000000e-01 : f32
      %mul3A_784 = vector.broadcast %mul3A_783 : f32 to vector<16xf32>
      %mul3A_785 = arith.mulf %mul3A_779, %mul3A_784 : vector<16xf32>
      %swap3A_786 = arith.index_cast %add3A_772 : i32 to index
      %swap3A_787 = arith.constant 0 : index
      %swap3A_788 = tpu.vector_load %arg11[%swap3A_786, %swap3A_787] {strides = array<i32>} : memref<640x16xf32, #tpu.memory_space<vmem>>, vector<16xf32>,
      tpu.vector_store %arg11[%swap3A_786, %swap3A_787], %mul3A_785 {strides = array<i32>} : memref<640x16xf32, #tpu.memory_space<vmem>>, vector<16xf32>,
      %scan3A_789 = arith.constant 0 : i32
      scf.yield %scan3A_789 : i32
    }
    %scan3A_103 = arith.constant 40 : i32
    "tpu.region"() ({
      %run_scoped3A = tpu.sem_alloc : memref<!tpu.dma_semaphore, #tpu.memory_space<semaphore_mem>>
      %dma_start3A_467 = arith.constant 0 : i32
      %dma_start3A_468 = tpu.memref_slice %arg15[%mul3A_2, %dma_start3A_467] : memref<10240x16xf32, #tpu.memory_space<vmem_shared>> -> memref<640x16xf32, #tpu.memory_space<vmem_shared>>
      %dma_start3A_469 = arith.constant 0 : i32
      %dma_start3A_470 = tpu.memref_slice %arg15[%mul3A_2, %dma_start3A_469] : memref<10240x16xf32, #tpu.memory_space<vmem_shared>> -> memref<640x16xf32, #tpu.memory_space<vmem_shared>>
      tpu.enqueue_dma source(%arg10 : memref<640x16xf32, #tpu.memory_space<vmem>>) target(%dma_start3A_470 : memref<640x16xf32, #tpu.memory_space<vmem_shared>>) target_semaphore(%run_scoped3A : memref<!tpu.dma_semaphore, #tpu.memory_space<semaphore_mem>>)
      %dma_wait3A_471 = arith.constant 0 : i32
      %dma_wait3A_472 = tpu.memref_slice %arg15[%mul3A_2, %dma_wait3A_471] : memref<10240x16xf32, #tpu.memory_space<vmem_shared>> -> memref<640x16xf32, #tpu.memory_space<vmem_shared>>
      %dma_wait3A_473 = arith.constant 0 : i32
      %dma_wait3A_474 = tpu.memref_slice %arg15[%mul3A_2, %dma_wait3A_473] : memref<10240x16xf32, #tpu.memory_space<vmem_shared>> -> memref<640x16xf32, #tpu.memory_space<vmem_shared>>
      tpu.wait_dma2 semaphore(%run_scoped3A : memref<!tpu.dma_semaphore, #tpu.memory_space<semaphore_mem>>) src(%arg10 : memref<640x16xf32, #tpu.memory_space<vmem>>) dst(%dma_wait3A_474 : memref<640x16xf32, #tpu.memory_space<vmem_shared>>)
      tpu.yield
    }) : () -> ()
    "tpu.region"() ({
      %run_scoped3A = tpu.sem_alloc : memref<!tpu.dma_semaphore, #tpu.memory_space<semaphore_mem>>
      %dma_start3A_467 = arith.constant 0 : i32
      %dma_start3A_468 = tpu.memref_slice %arg14[%mul3A_2, %dma_start3A_467] : memref<10240x16xf32, #tpu.memory_space<vmem_shared>> -> memref<640x16xf32, #tpu.memory_space<vmem_shared>>
      %dma_start3A_469 = arith.constant 0 : i32
      %dma_start3A_470 = tpu.memref_slice %arg14[%mul3A_2, %dma_start3A_469] : memref<10240x16xf32, #tpu.memory_space<vmem_shared>> -> memref<640x16xf32, #tpu.memory_space<vmem_shared>>
      tpu.enqueue_dma source(%arg11 : memref<640x16xf32, #tpu.memory_space<vmem>>) target(%dma_start3A_470 : memref<640x16xf32, #tpu.memory_space<vmem_shared>>) target_semaphore(%run_scoped3A : memref<!tpu.dma_semaphore, #tpu.memory_space<semaphore_mem>>)
      %dma_wait3A_471 = arith.constant 0 : i32
      %dma_wait3A_472 = tpu.memref_slice %arg14[%mul3A_2, %dma_wait3A_471] : memref<10240x16xf32, #tpu.memory_space<vmem_shared>> -> memref<640x16xf32, #tpu.memory_space<vmem_shared>>
      %dma_wait3A_473 = arith.constant 0 : i32
      %dma_wait3A_474 = tpu.memref_slice %arg14[%mul3A_2, %dma_wait3A_473] : memref<10240x16xf32, #tpu.memory_space<vmem_shared>> -> memref<640x16xf32, #tpu.memory_space<vmem_shared>>
      tpu.wait_dma2 semaphore(%run_scoped3A : memref<!tpu.dma_semaphore, #tpu.memory_space<semaphore_mem>>) src(%arg11 : memref<640x16xf32, #tpu.memory_space<vmem>>) dst(%dma_wait3A_474 : memref<640x16xf32, #tpu.memory_space<vmem_shared>>)
      tpu.yield
    }) : () -> ()
    %barrier3A = arith.constant 0 : index
    tpu.barrier barrier_id(%barrier3A)
    %dma_start3A_104 = arith.constant 0 : i32
    %dma_start3A_105 = arith.constant 0 : i32
    %dma_start3A_106 = arith.constant 0 : i32
    %dma_start3A_107 = arith.constant 0 : i32
    %dma_start3A_108 = arith.constant 0 : i32
    %dma_start3A_109 = tpu.memref_slice %arg9[%dma_start3A_105, %dma_start3A_107, %dma_start3A_108] : memref<16x125x16xf32, #tpu.memory_space<vmem>> -> memref<1x125x16xf32, #tpu.memory_space<vmem>>
    %dma_start3A_110 = tpu.memref_squeeze %dma_start3A_109 : memref<1x125x16xf32, #tpu.memory_space<vmem>> -> memref<125x16xf32, #tpu.memory_space<vmem>>
    %dma_start3A_111 = arith.constant 0 : i32
    %dma_start3A_112 = tpu.memref_slice %arg7[%dma_start3A_104, %dma_start3A_111] : memref<80x125xi32, #tpu.memory_space<vmem>> -> memref<1x125xi32, #tpu.memory_space<vmem>>
    %dma_start3A_113 = tpu.memref_squeeze %dma_start3A_112 : memref<1x125xi32, #tpu.memory_space<vmem>> -> memref<125xi32, #tpu.memory_space<vmem>>
    %dma_start3A_114 = arith.constant 0 : i32
    %dma_start3A_115 = arith.constant 0 : i32
    %dma_start3A_116 = tpu.memref_slice %arg15[%dma_start3A_114, %dma_start3A_115] : memref<10240x16xf32, #tpu.memory_space<vmem_shared>> -> memref<10240x16xf32, #tpu.memory_space<vmem_shared>>
    %dma_start3A_117 = tpu.memref_slice %arg16[%dma_start3A_106] : memref<4x!tpu.dma_semaphore, #tpu.memory_space<semaphore_mem>> -> memref<1x!tpu.dma_semaphore, #tpu.memory_space<semaphore_mem>>
    %dma_start3A_118 = tpu.memref_squeeze %dma_start3A_117 : memref<1x!tpu.dma_semaphore, #tpu.memory_space<semaphore_mem>> -> memref<!tpu.dma_semaphore, #tpu.memory_space<semaphore_mem>>
    tpu.enqueue_indirect_dma source(%dma_start3A_116 : memref<10240x16xf32, #tpu.memory_space<vmem_shared>>) target(%dma_start3A_110 : memref<125x16xf32, #tpu.memory_space<vmem>>) offsets(%dma_start3A_113 : memref<125xi32, #tpu.memory_space<vmem>>) semaphore(%dma_start3A_118 : memref<!tpu.dma_semaphore, #tpu.memory_space<semaphore_mem>>)
    %dma_start3A_119 = arith.constant 1 : i32
    %dma_start3A_120 = arith.constant 1 : i32
    %dma_start3A_121 = arith.constant 0 : i32
    %dma_start3A_122 = arith.constant 0 : i32
    %dma_start3A_123 = arith.constant 0 : i32
    %dma_start3A_124 = tpu.memref_slice %arg9[%dma_start3A_120, %dma_start3A_122, %dma_start3A_123] : memref<16x125x16xf32, #tpu.memory_space<vmem>> -> memref<1x125x16xf32, #tpu.memory_space<vmem>>
    %dma_start3A_125 = tpu.memref_squeeze %dma_start3A_124 : memref<1x125x16xf32, #tpu.memory_space<vmem>> -> memref<125x16xf32, #tpu.memory_space<vmem>>
    %dma_start3A_126 = arith.constant 0 : i32
    %dma_start3A_127 = tpu.memref_slice %arg7[%dma_start3A_119, %dma_start3A_126] : memref<80x125xi32, #tpu.memory_space<vmem>> -> memref<1x125xi32, #tpu.memory_space<vmem>>
    %dma_start3A_128 = tpu.memref_squeeze %dma_start3A_127 : memref<1x125xi32, #tpu.memory_space<vmem>> -> memref<125xi32, #tpu.memory_space<vmem>>
    %dma_start3A_129 = arith.constant 0 : i32
    %dma_start3A_130 = arith.constant 0 : i32
    %dma_start3A_131 = tpu.memref_slice %arg15[%dma_start3A_129, %dma_start3A_130] : memref<10240x16xf32, #tpu.memory_space<vmem_shared>> -> memref<10240x16xf32, #tpu.memory_space<vmem_shared>>
    %dma_start3A_132 = tpu.memref_slice %arg16[%dma_start3A_121] : memref<4x!tpu.dma_semaphore, #tpu.memory_space<semaphore_mem>> -> memref<1x!tpu.dma_semaphore, #tpu.memory_space<semaphore_mem>>
    %dma_start3A_133 = tpu.memref_squeeze %dma_start3A_132 : memref<1x!tpu.dma_semaphore, #tpu.memory_space<semaphore_mem>> -> memref<!tpu.dma_semaphore, #tpu.memory_space<semaphore_mem>>
    tpu.enqueue_indirect_dma source(%dma_start3A_131 : memref<10240x16xf32, #tpu.memory_space<vmem_shared>>) target(%dma_start3A_125 : memref<125x16xf32, #tpu.memory_space<vmem>>) offsets(%dma_start3A_128 : memref<125xi32, #tpu.memory_space<vmem>>) semaphore(%dma_start3A_133 : memref<!tpu.dma_semaphore, #tpu.memory_space<semaphore_mem>>)
    %dma_start3A_134 = arith.constant 2 : i32
    %dma_start3A_135 = arith.constant 2 : i32
    %dma_start3A_136 = arith.constant 0 : i32
    %dma_start3A_137 = arith.constant 0 : i32
    %dma_start3A_138 = arith.constant 0 : i32
    %dma_start3A_139 = tpu.memref_slice %arg9[%dma_start3A_135, %dma_start3A_137, %dma_start3A_138] : memref<16x125x16xf32, #tpu.memory_space<vmem>> -> memref<1x125x16xf32, #tpu.memory_space<vmem>>
    %dma_start3A_140 = tpu.memref_squeeze %dma_start3A_139 : memref<1x125x16xf32, #tpu.memory_space<vmem>> -> memref<125x16xf32, #tpu.memory_space<vmem>>
    %dma_start3A_141 = arith.constant 0 : i32
    %dma_start3A_142 = tpu.memref_slice %arg7[%dma_start3A_134, %dma_start3A_141] : memref<80x125xi32, #tpu.memory_space<vmem>> -> memref<1x125xi32, #tpu.memory_space<vmem>>
    %dma_start3A_143 = tpu.memref_squeeze %dma_start3A_142 : memref<1x125xi32, #tpu.memory_space<vmem>> -> memref<125xi32, #tpu.memory_space<vmem>>
    %dma_start3A_144 = arith.constant 0 : i32
    %dma_start3A_145 = arith.constant 0 : i32
    %dma_start3A_146 = tpu.memref_slice %arg15[%dma_start3A_144, %dma_start3A_145] : memref<10240x16xf32, #tpu.memory_space<vmem_shared>> -> memref<10240x16xf32, #tpu.memory_space<vmem_shared>>
    %dma_start3A_147 = tpu.memref_slice %arg16[%dma_start3A_136] : memref<4x!tpu.dma_semaphore, #tpu.memory_space<semaphore_mem>> -> memref<1x!tpu.dma_semaphore, #tpu.memory_space<semaphore_mem>>
    %dma_start3A_148 = tpu.memref_squeeze %dma_start3A_147 : memref<1x!tpu.dma_semaphore, #tpu.memory_space<semaphore_mem>> -> memref<!tpu.dma_semaphore, #tpu.memory_space<semaphore_mem>>
    tpu.enqueue_indirect_dma source(%dma_start3A_146 : memref<10240x16xf32, #tpu.memory_space<vmem_shared>>) target(%dma_start3A_140 : memref<125x16xf32, #tpu.memory_space<vmem>>) offsets(%dma_start3A_143 : memref<125xi32, #tpu.memory_space<vmem>>) semaphore(%dma_start3A_148 : memref<!tpu.dma_semaphore, #tpu.memory_space<semaphore_mem>>)
    %dma_start3A_149 = arith.constant 3 : i32
    %dma_start3A_150 = arith.constant 3 : i32
    %dma_start3A_151 = arith.constant 0 : i32
    %dma_start3A_152 = arith.constant 0 : i32
    %dma_start3A_153 = arith.constant 0 : i32
    %dma_start3A_154 = tpu.memref_slice %arg9[%dma_start3A_150, %dma_start3A_152, %dma_start3A_153] : memref<16x125x16xf32, #tpu.memory_space<vmem>> -> memref<1x125x16xf32, #tpu.memory_space<vmem>>
    %dma_start3A_155 = tpu.memref_squeeze %dma_start3A_154 : memref<1x125x16xf32, #tpu.memory_space<vmem>> -> memref<125x16xf32, #tpu.memory_space<vmem>>
    %dma_start3A_156 = arith.constant 0 : i32
    %dma_start3A_157 = tpu.memref_slice %arg7[%dma_start3A_149, %dma_start3A_156] : memref<80x125xi32, #tpu.memory_space<vmem>> -> memref<1x125xi32, #tpu.memory_space<vmem>>
    %dma_start3A_158 = tpu.memref_squeeze %dma_start3A_157 : memref<1x125xi32, #tpu.memory_space<vmem>> -> memref<125xi32, #tpu.memory_space<vmem>>
    %dma_start3A_159 = arith.constant 0 : i32
    %dma_start3A_160 = arith.constant 0 : i32
    %dma_start3A_161 = tpu.memref_slice %arg15[%dma_start3A_159, %dma_start3A_160] : memref<10240x16xf32, #tpu.memory_space<vmem_shared>> -> memref<10240x16xf32, #tpu.memory_space<vmem_shared>>
    %dma_start3A_162 = tpu.memref_slice %arg16[%dma_start3A_151] : memref<4x!tpu.dma_semaphore, #tpu.memory_space<semaphore_mem>> -> memref<1x!tpu.dma_semaphore, #tpu.memory_space<semaphore_mem>>
    %dma_start3A_163 = tpu.memref_squeeze %dma_start3A_162 : memref<1x!tpu.dma_semaphore, #tpu.memory_space<semaphore_mem>> -> memref<!tpu.dma_semaphore, #tpu.memory_space<semaphore_mem>>
    tpu.enqueue_indirect_dma source(%dma_start3A_161 : memref<10240x16xf32, #tpu.memory_space<vmem_shared>>) target(%dma_start3A_155 : memref<125x16xf32, #tpu.memory_space<vmem>>) offsets(%dma_start3A_158 : memref<125xi32, #tpu.memory_space<vmem>>) semaphore(%dma_start3A_163 : memref<!tpu.dma_semaphore, #tpu.memory_space<semaphore_mem>>)
    %scan3A_164 = arith.constant 0 : i32
    %scan3A_165 = arith.constant 0 : i32
    %scan3A_166 = arith.constant 20 : i32
    %scan3A_167 = arith.addi %scan3A_165, %scan3A_166 : i32
    %scan3A_168 = arith.constant 1 : i32
    %scan3A_169 = scf.for %scan3A_467 = %scan3A_165 to %scan3A_167 step %scan3A_168 iter_args(%scan3A_468 = %scan3A_164) -> (i32)  : i32 {
      %rem3A = arith.constant 4 : i32
      %rem3A_469 = arith.remsi %scan3A_467, %rem3A : i32
      %add3A_470 = arith.constant 1 : i32
      %add3A_471 = arith.addi %scan3A_467, %add3A_470 : i32
      %rem3A_472 = arith.constant 4 : i32
      %rem3A_473 = arith.remsi %add3A_471, %rem3A_472 : i32
      %add3A_474 = arith.constant 1 : i32
      %add3A_475 = arith.addi %scan3A_467, %add3A_474 : i32
      %lt3A = arith.constant 20 : i32
      %lt3A_476 = arith.cmpi slt, %add3A_475, %lt3A : i32
      %add3A_477 = arith.constant 1 : i32
      %add3A_478 = arith.addi %scan3A_467, %add3A_477 : i32
      %ge3A = arith.constant 4 : i32
      %ge3A_479 = arith.cmpi sge, %add3A_478, %ge3A : i32
      %and3A = arith.andi %lt3A_476, %ge3A_479 : i1
      %convert_element_type3A = arith.extui %and3A : i1 to i32
      %cond3A = arith.constant 0 : i32
      %cond3A_480 = arith.cmpi ne, %convert_element_type3A, %cond3A : i32
      scf.if %cond3A_480 {
        %dma_wait3A_637 = arith.constant 0 : i32
        %dma_wait3A_638 = arith.constant 0 : i32
        %dma_wait3A_639 = arith.constant 0 : i32
        %dma_wait3A_640 = tpu.memref_slice %arg9[%dma_wait3A_637, %dma_wait3A_638, %dma_wait3A_639] : memref<16x125x16xf32, #tpu.memory_space<vmem>> -> memref<1x125x16xf32, #tpu.memory_space<vmem>>
        %dma_wait3A_641 = tpu.memref_squeeze %dma_wait3A_640 : memref<1x125x16xf32, #tpu.memory_space<vmem>> -> memref<125x16xf32, #tpu.memory_space<vmem>>
        %dma_wait3A_642 = arith.constant 0 : i32
        %dma_wait3A_643 = arith.constant 0 : i32
        %dma_wait3A_644 = tpu.memref_slice %arg14[%dma_wait3A_642, %dma_wait3A_643] : memref<10240x16xf32, #tpu.memory_space<vmem_shared>> -> memref<125x16xf32, #tpu.memory_space<vmem_shared>>
        %dma_wait3A_645 = tpu.memref_slice %arg17[%rem3A_473] : memref<4x!tpu.dma_semaphore, #tpu.memory_space<semaphore_mem>> -> memref<1x!tpu.dma_semaphore, #tpu.memory_space<semaphore_mem>>
        %dma_wait3A_646 = tpu.memref_squeeze %dma_wait3A_645 : memref<1x!tpu.dma_semaphore, #tpu.memory_space<semaphore_mem>> -> memref<!tpu.dma_semaphore, #tpu.memory_space<semaphore_mem>>
        %dma_wait3A_647 = arith.constant 0 : i32
        %dma_wait3A_648 = arith.constant 0 : i32
        %dma_wait3A_649 = tpu.memref_slice %arg14[%dma_wait3A_647, %dma_wait3A_648] : memref<10240x16xf32, #tpu.memory_space<vmem_shared>> -> memref<125x16xf32, #tpu.memory_space<vmem_shared>>
        %dma_wait3A_650 = arith.constant 0 : i32
        %dma_wait3A_651 = arith.constant 0 : i32
        %dma_wait3A_652 = tpu.memref_slice %arg9[%dma_wait3A_637, %dma_wait3A_650, %dma_wait3A_651] : memref<16x125x16xf32, #tpu.memory_space<vmem>> -> memref<1x125x16xf32, #tpu.memory_space<vmem>>
        %dma_wait3A_653 = tpu.memref_squeeze %dma_wait3A_652 : memref<1x125x16xf32, #tpu.memory_space<vmem>> -> memref<125x16xf32, #tpu.memory_space<vmem>>
        tpu.wait_dma2 semaphore(%dma_wait3A_646 : memref<!tpu.dma_semaphore, #tpu.memory_space<semaphore_mem>>) src(%dma_wait3A_653 : memref<125x16xf32, #tpu.memory_space<vmem>>) dst(%dma_wait3A_649 : memref<125x16xf32, #tpu.memory_space<vmem_shared>>)
        %dma_wait3A_654 = arith.constant 1 : i32
        %dma_wait3A_655 = arith.constant 0 : i32
        %dma_wait3A_656 = arith.constant 0 : i32
        %dma_wait3A_657 = tpu.memref_slice %arg9[%dma_wait3A_654, %dma_wait3A_655, %dma_wait3A_656] : memref<16x125x16xf32, #tpu.memory_space<vmem>> -> memref<1x125x16xf32, #tpu.memory_space<vmem>>
        %dma_wait3A_658 = tpu.memref_squeeze %dma_wait3A_657 : memref<1x125x16xf32, #tpu.memory_space<vmem>> -> memref<125x16xf32, #tpu.memory_space<vmem>>
        %dma_wait3A_659 = arith.constant 0 : i32
        %dma_wait3A_660 = arith.constant 0 : i32
        %dma_wait3A_661 = tpu.memref_slice %arg14[%dma_wait3A_659, %dma_wait3A_660] : memref<10240x16xf32, #tpu.memory_space<vmem_shared>> -> memref<125x16xf32, #tpu.memory_space<vmem_shared>>
        %dma_wait3A_662 = tpu.memref_slice %arg17[%rem3A_473] : memref<4x!tpu.dma_semaphore, #tpu.memory_space<semaphore_mem>> -> memref<1x!tpu.dma_semaphore, #tpu.memory_space<semaphore_mem>>
        %dma_wait3A_663 = tpu.memref_squeeze %dma_wait3A_662 : memref<1x!tpu.dma_semaphore, #tpu.memory_space<semaphore_mem>> -> memref<!tpu.dma_semaphore, #tpu.memory_space<semaphore_mem>>
        %dma_wait3A_664 = arith.constant 0 : i32
        %dma_wait3A_665 = arith.constant 0 : i32
        %dma_wait3A_666 = tpu.memref_slice %arg14[%dma_wait3A_664, %dma_wait3A_665] : memref<10240x16xf32, #tpu.memory_space<vmem_shared>> -> memref<125x16xf32, #tpu.memory_space<vmem_shared>>
        %dma_wait3A_667 = arith.constant 0 : i32
        %dma_wait3A_668 = arith.constant 0 : i32
        %dma_wait3A_669 = tpu.memref_slice %arg9[%dma_wait3A_654, %dma_wait3A_667, %dma_wait3A_668] : memref<16x125x16xf32, #tpu.memory_space<vmem>> -> memref<1x125x16xf32, #tpu.memory_space<vmem>>
        %dma_wait3A_670 = tpu.memref_squeeze %dma_wait3A_669 : memref<1x125x16xf32, #tpu.memory_space<vmem>> -> memref<125x16xf32, #tpu.memory_space<vmem>>
        tpu.wait_dma2 semaphore(%dma_wait3A_663 : memref<!tpu.dma_semaphore, #tpu.memory_space<semaphore_mem>>) src(%dma_wait3A_670 : memref<125x16xf32, #tpu.memory_space<vmem>>) dst(%dma_wait3A_666 : memref<125x16xf32, #tpu.memory_space<vmem_shared>>)
        %dma_wait3A_671 = arith.constant 2 : i32
        %dma_wait3A_672 = arith.constant 0 : i32
        %dma_wait3A_673 = arith.constant 0 : i32
        %dma_wait3A_674 = tpu.memref_slice %arg9[%dma_wait3A_671, %dma_wait3A_672, %dma_wait3A_673] : memref<16x125x16xf32, #tpu.memory_space<vmem>> -> memref<1x125x16xf32, #tpu.memory_space<vmem>>
        %dma_wait3A_675 = tpu.memref_squeeze %dma_wait3A_674 : memref<1x125x16xf32, #tpu.memory_space<vmem>> -> memref<125x16xf32, #tpu.memory_space<vmem>>
        %dma_wait3A_676 = arith.constant 0 : i32
        %dma_wait3A_677 = arith.constant 0 : i32
        %dma_wait3A_678 = tpu.memref_slice %arg14[%dma_wait3A_676, %dma_wait3A_677] : memref<10240x16xf32, #tpu.memory_space<vmem_shared>> -> memref<125x16xf32, #tpu.memory_space<vmem_shared>>
        %dma_wait3A_679 = tpu.memref_slice %arg17[%rem3A_473] : memref<4x!tpu.dma_semaphore, #tpu.memory_space<semaphore_mem>> -> memref<1x!tpu.dma_semaphore, #tpu.memory_space<semaphore_mem>>
        %dma_wait3A_680 = tpu.memref_squeeze %dma_wait3A_679 : memref<1x!tpu.dma_semaphore, #tpu.memory_space<semaphore_mem>> -> memref<!tpu.dma_semaphore, #tpu.memory_space<semaphore_mem>>
        %dma_wait3A_681 = arith.constant 0 : i32
        %dma_wait3A_682 = arith.constant 0 : i32
        %dma_wait3A_683 = tpu.memref_slice %arg14[%dma_wait3A_681, %dma_wait3A_682] : memref<10240x16xf32, #tpu.memory_space<vmem_shared>> -> memref<125x16xf32, #tpu.memory_space<vmem_shared>>
        %dma_wait3A_684 = arith.constant 0 : i32
        %dma_wait3A_685 = arith.constant 0 : i32
        %dma_wait3A_686 = tpu.memref_slice %arg9[%dma_wait3A_671, %dma_wait3A_684, %dma_wait3A_685] : memref<16x125x16xf32, #tpu.memory_space<vmem>> -> memref<1x125x16xf32, #tpu.memory_space<vmem>>
        %dma_wait3A_687 = tpu.memref_squeeze %dma_wait3A_686 : memref<1x125x16xf32, #tpu.memory_space<vmem>> -> memref<125x16xf32, #tpu.memory_space<vmem>>
        tpu.wait_dma2 semaphore(%dma_wait3A_680 : memref<!tpu.dma_semaphore, #tpu.memory_space<semaphore_mem>>) src(%dma_wait3A_687 : memref<125x16xf32, #tpu.memory_space<vmem>>) dst(%dma_wait3A_683 : memref<125x16xf32, #tpu.memory_space<vmem_shared>>)
        %dma_wait3A_688 = arith.constant 3 : i32
        %dma_wait3A_689 = arith.constant 0 : i32
        %dma_wait3A_690 = arith.constant 0 : i32
        %dma_wait3A_691 = tpu.memref_slice %arg9[%dma_wait3A_688, %dma_wait3A_689, %dma_wait3A_690] : memref<16x125x16xf32, #tpu.memory_space<vmem>> -> memref<1x125x16xf32, #tpu.memory_space<vmem>>
        %dma_wait3A_692 = tpu.memref_squeeze %dma_wait3A_691 : memref<1x125x16xf32, #tpu.memory_space<vmem>> -> memref<125x16xf32, #tpu.memory_space<vmem>>
        %dma_wait3A_693 = arith.constant 0 : i32
        %dma_wait3A_694 = arith.constant 0 : i32
        %dma_wait3A_695 = tpu.memref_slice %arg14[%dma_wait3A_693, %dma_wait3A_694] : memref<10240x16xf32, #tpu.memory_space<vmem_shared>> -> memref<125x16xf32, #tpu.memory_space<vmem_shared>>
        %dma_wait3A_696 = tpu.memref_slice %arg17[%rem3A_473] : memref<4x!tpu.dma_semaphore, #tpu.memory_space<semaphore_mem>> -> memref<1x!tpu.dma_semaphore, #tpu.memory_space<semaphore_mem>>
        %dma_wait3A_697 = tpu.memref_squeeze %dma_wait3A_696 : memref<1x!tpu.dma_semaphore, #tpu.memory_space<semaphore_mem>> -> memref<!tpu.dma_semaphore, #tpu.memory_space<semaphore_mem>>
        %dma_wait3A_698 = arith.constant 0 : i32
        %dma_wait3A_699 = arith.constant 0 : i32
        %dma_wait3A_700 = tpu.memref_slice %arg14[%dma_wait3A_698, %dma_wait3A_699] : memref<10240x16xf32, #tpu.memory_space<vmem_shared>> -> memref<125x16xf32, #tpu.memory_space<vmem_shared>>
        %dma_wait3A_701 = arith.constant 0 : i32
        %dma_wait3A_702 = arith.constant 0 : i32
        %dma_wait3A_703 = tpu.memref_slice %arg9[%dma_wait3A_688, %dma_wait3A_701, %dma_wait3A_702] : memref<16x125x16xf32, #tpu.memory_space<vmem>> -> memref<1x125x16xf32, #tpu.memory_space<vmem>>
        %dma_wait3A_704 = tpu.memref_squeeze %dma_wait3A_703 : memref<1x125x16xf32, #tpu.memory_space<vmem>> -> memref<125x16xf32, #tpu.memory_space<vmem>>
        tpu.wait_dma2 semaphore(%dma_wait3A_697 : memref<!tpu.dma_semaphore, #tpu.memory_space<semaphore_mem>>) src(%dma_wait3A_704 : memref<125x16xf32, #tpu.memory_space<vmem>>) dst(%dma_wait3A_700 : memref<125x16xf32, #tpu.memory_space<vmem_shared>>)
      } else {
      }
      %add3A_481 = arith.constant 1 : i32
      %add3A_482 = arith.addi %scan3A_467, %add3A_481 : i32
      %lt3A_483 = arith.constant 20 : i32
      %lt3A_484 = arith.cmpi slt, %add3A_482, %lt3A_483 : i32
      %convert_element_type3A_485 = arith.extui %lt3A_484 : i1 to i32
      %cond3A_486 = arith.constant 0 : i32
      %cond3A_487 = arith.cmpi ne, %convert_element_type3A_485, %cond3A_486 : i32
      scf.if %cond3A_487 {
        %add3A_637 = arith.constant 1 : i32
        %add3A_638 = arith.addi %scan3A_467, %add3A_637 : i32
        %mul3A_639 = arith.constant 4 : i32
        %mul3A_640 = arith.muli %add3A_638, %mul3A_639 : i32
        %add3A_641 = arith.constant 0 : i32
        %add3A_642 = arith.addi %mul3A_640, %add3A_641 : i32
        %mul3A_643 = arith.constant 4 : i32
        %mul3A_644 = arith.muli %rem3A_473, %mul3A_643 : i32
        %add3A_645 = arith.constant 0 : i32
        %add3A_646 = arith.addi %mul3A_644, %add3A_645 : i32
        %dma_start3A_647 = arith.constant 0 : i32
        %dma_start3A_648 = arith.constant 0 : i32
        %dma_start3A_649 = tpu.memref_slice %arg9[%add3A_646, %dma_start3A_647, %dma_start3A_648] : memref<16x125x16xf32, #tpu.memory_space<vmem>> -> memref<1x125x16xf32, #tpu.memory_space<vmem>>
        %dma_start3A_650 = tpu.memref_squeeze %dma_start3A_649 : memref<1x125x16xf32, #tpu.memory_space<vmem>> -> memref<125x16xf32, #tpu.memory_space<vmem>>
        %dma_start3A_651 = arith.constant 0 : i32
        %dma_start3A_652 = tpu.memref_slice %arg7[%add3A_642, %dma_start3A_651] : memref<80x125xi32, #tpu.memory_space<vmem>> -> memref<1x125xi32, #tpu.memory_space<vmem>>
        %dma_start3A_653 = tpu.memref_squeeze %dma_start3A_652 : memref<1x125xi32, #tpu.memory_space<vmem>> -> memref<125xi32, #tpu.memory_space<vmem>>
        %dma_start3A_654 = arith.constant 0 : i32
        %dma_start3A_655 = arith.constant 0 : i32
        %dma_start3A_656 = tpu.memref_slice %arg15[%dma_start3A_654, %dma_start3A_655] : memref<10240x16xf32, #tpu.memory_space<vmem_shared>> -> memref<10240x16xf32, #tpu.memory_space<vmem_shared>>
        %dma_start3A_657 = tpu.memref_slice %arg16[%rem3A_473] : memref<4x!tpu.dma_semaphore, #tpu.memory_space<semaphore_mem>> -> memref<1x!tpu.dma_semaphore, #tpu.memory_space<semaphore_mem>>
        %dma_start3A_658 = tpu.memref_squeeze %dma_start3A_657 : memref<1x!tpu.dma_semaphore, #tpu.memory_space<semaphore_mem>> -> memref<!tpu.dma_semaphore, #tpu.memory_space<semaphore_mem>>
        tpu.enqueue_indirect_dma source(%dma_start3A_656 : memref<10240x16xf32, #tpu.memory_space<vmem_shared>>) target(%dma_start3A_650 : memref<125x16xf32, #tpu.memory_space<vmem>>) offsets(%dma_start3A_653 : memref<125xi32, #tpu.memory_space<vmem>>) semaphore(%dma_start3A_658 : memref<!tpu.dma_semaphore, #tpu.memory_space<semaphore_mem>>)
        %mul3A_659 = arith.constant 4 : i32
        %mul3A_660 = arith.muli %add3A_638, %mul3A_659 : i32
        %add3A_661 = arith.constant 1 : i32
        %add3A_662 = arith.addi %mul3A_660, %add3A_661 : i32
        %mul3A_663 = arith.constant 4 : i32
        %mul3A_664 = arith.muli %rem3A_473, %mul3A_663 : i32
        %add3A_665 = arith.constant 1 : i32
        %add3A_666 = arith.addi %mul3A_664, %add3A_665 : i32
        %dma_start3A_667 = arith.constant 0 : i32
        %dma_start3A_668 = arith.constant 0 : i32
        %dma_start3A_669 = tpu.memref_slice %arg9[%add3A_666, %dma_start3A_667, %dma_start3A_668] : memref<16x125x16xf32, #tpu.memory_space<vmem>> -> memref<1x125x16xf32, #tpu.memory_space<vmem>>
        %dma_start3A_670 = tpu.memref_squeeze %dma_start3A_669 : memref<1x125x16xf32, #tpu.memory_space<vmem>> -> memref<125x16xf32, #tpu.memory_space<vmem>>
        %dma_start3A_671 = arith.constant 0 : i32
        %dma_start3A_672 = tpu.memref_slice %arg7[%add3A_662, %dma_start3A_671] : memref<80x125xi32, #tpu.memory_space<vmem>> -> memref<1x125xi32, #tpu.memory_space<vmem>>
        %dma_start3A_673 = tpu.memref_squeeze %dma_start3A_672 : memref<1x125xi32, #tpu.memory_space<vmem>> -> memref<125xi32, #tpu.memory_space<vmem>>
        %dma_start3A_674 = arith.constant 0 : i32
        %dma_start3A_675 = arith.constant 0 : i32
        %dma_start3A_676 = tpu.memref_slice %arg15[%dma_start3A_674, %dma_start3A_675] : memref<10240x16xf32, #tpu.memory_space<vmem_shared>> -> memref<10240x16xf32, #tpu.memory_space<vmem_shared>>
        %dma_start3A_677 = tpu.memref_slice %arg16[%rem3A_473] : memref<4x!tpu.dma_semaphore, #tpu.memory_space<semaphore_mem>> -> memref<1x!tpu.dma_semaphore, #tpu.memory_space<semaphore_mem>>
        %dma_start3A_678 = tpu.memref_squeeze %dma_start3A_677 : memref<1x!tpu.dma_semaphore, #tpu.memory_space<semaphore_mem>> -> memref<!tpu.dma_semaphore, #tpu.memory_space<semaphore_mem>>
        tpu.enqueue_indirect_dma source(%dma_start3A_676 : memref<10240x16xf32, #tpu.memory_space<vmem_shared>>) target(%dma_start3A_670 : memref<125x16xf32, #tpu.memory_space<vmem>>) offsets(%dma_start3A_673 : memref<125xi32, #tpu.memory_space<vmem>>) semaphore(%dma_start3A_678 : memref<!tpu.dma_semaphore, #tpu.memory_space<semaphore_mem>>)
        %mul3A_679 = arith.constant 4 : i32
        %mul3A_680 = arith.muli %add3A_638, %mul3A_679 : i32
        %add3A_681 = arith.constant 2 : i32
        %add3A_682 = arith.addi %mul3A_680, %add3A_681 : i32
        %mul3A_683 = arith.constant 4 : i32
        %mul3A_684 = arith.muli %rem3A_473, %mul3A_683 : i32
        %add3A_685 = arith.constant 2 : i32
        %add3A_686 = arith.addi %mul3A_684, %add3A_685 : i32
        %dma_start3A_687 = arith.constant 0 : i32
        %dma_start3A_688 = arith.constant 0 : i32
        %dma_start3A_689 = tpu.memref_slice %arg9[%add3A_686, %dma_start3A_687, %dma_start3A_688] : memref<16x125x16xf32, #tpu.memory_space<vmem>> -> memref<1x125x16xf32, #tpu.memory_space<vmem>>
        %dma_start3A_690 = tpu.memref_squeeze %dma_start3A_689 : memref<1x125x16xf32, #tpu.memory_space<vmem>> -> memref<125x16xf32, #tpu.memory_space<vmem>>
        %dma_start3A_691 = arith.constant 0 : i32
        %dma_start3A_692 = tpu.memref_slice %arg7[%add3A_682, %dma_start3A_691] : memref<80x125xi32, #tpu.memory_space<vmem>> -> memref<1x125xi32, #tpu.memory_space<vmem>>
        %dma_start3A_693 = tpu.memref_squeeze %dma_start3A_692 : memref<1x125xi32, #tpu.memory_space<vmem>> -> memref<125xi32, #tpu.memory_space<vmem>>
        %dma_start3A_694 = arith.constant 0 : i32
        %dma_start3A_695 = arith.constant 0 : i32
        %dma_start3A_696 = tpu.memref_slice %arg15[%dma_start3A_694, %dma_start3A_695] : memref<10240x16xf32, #tpu.memory_space<vmem_shared>> -> memref<10240x16xf32, #tpu.memory_space<vmem_shared>>
        %dma_start3A_697 = tpu.memref_slice %arg16[%rem3A_473] : memref<4x!tpu.dma_semaphore, #tpu.memory_space<semaphore_mem>> -> memref<1x!tpu.dma_semaphore, #tpu.memory_space<semaphore_mem>>
        %dma_start3A_698 = tpu.memref_squeeze %dma_start3A_697 : memref<1x!tpu.dma_semaphore, #tpu.memory_space<semaphore_mem>> -> memref<!tpu.dma_semaphore, #tpu.memory_space<semaphore_mem>>
        tpu.enqueue_indirect_dma source(%dma_start3A_696 : memref<10240x16xf32, #tpu.memory_space<vmem_shared>>) target(%dma_start3A_690 : memref<125x16xf32, #tpu.memory_space<vmem>>) offsets(%dma_start3A_693 : memref<125xi32, #tpu.memory_space<vmem>>) semaphore(%dma_start3A_698 : memref<!tpu.dma_semaphore, #tpu.memory_space<semaphore_mem>>)
        %mul3A_699 = arith.constant 4 : i32
        %mul3A_700 = arith.muli %add3A_638, %mul3A_699 : i32
        %add3A_701 = arith.constant 3 : i32
        %add3A_702 = arith.addi %mul3A_700, %add3A_701 : i32
        %mul3A_703 = arith.constant 4 : i32
        %mul3A_704 = arith.muli %rem3A_473, %mul3A_703 : i32
        %add3A_705 = arith.constant 3 : i32
        %add3A_706 = arith.addi %mul3A_704, %add3A_705 : i32
        %dma_start3A_707 = arith.constant 0 : i32
        %dma_start3A_708 = arith.constant 0 : i32
        %dma_start3A_709 = tpu.memref_slice %arg9[%add3A_706, %dma_start3A_707, %dma_start3A_708] : memref<16x125x16xf32, #tpu.memory_space<vmem>> -> memref<1x125x16xf32, #tpu.memory_space<vmem>>
        %dma_start3A_710 = tpu.memref_squeeze %dma_start3A_709 : memref<1x125x16xf32, #tpu.memory_space<vmem>> -> memref<125x16xf32, #tpu.memory_space<vmem>>
        %dma_start3A_711 = arith.constant 0 : i32
        %dma_start3A_712 = tpu.memref_slice %arg7[%add3A_702, %dma_start3A_711] : memref<80x125xi32, #tpu.memory_space<vmem>> -> memref<1x125xi32, #tpu.memory_space<vmem>>
        %dma_start3A_713 = tpu.memref_squeeze %dma_start3A_712 : memref<1x125xi32, #tpu.memory_space<vmem>> -> memref<125xi32, #tpu.memory_space<vmem>>
        %dma_start3A_714 = arith.constant 0 : i32
        %dma_start3A_715 = arith.constant 0 : i32
        %dma_start3A_716 = tpu.memref_slice %arg15[%dma_start3A_714, %dma_start3A_715] : memref<10240x16xf32, #tpu.memory_space<vmem_shared>> -> memref<10240x16xf32, #tpu.memory_space<vmem_shared>>
        %dma_start3A_717 = tpu.memref_slice %arg16[%rem3A_473] : memref<4x!tpu.dma_semaphore, #tpu.memory_space<semaphore_mem>> -> memref<1x!tpu.dma_semaphore, #tpu.memory_space<semaphore_mem>>
        %dma_start3A_718 = tpu.memref_squeeze %dma_start3A_717 : memref<1x!tpu.dma_semaphore, #tpu.memory_space<semaphore_mem>> -> memref<!tpu.dma_semaphore, #tpu.memory_space<semaphore_mem>>
        tpu.enqueue_indirect_dma source(%dma_start3A_716 : memref<10240x16xf32, #tpu.memory_space<vmem_shared>>) target(%dma_start3A_710 : memref<125x16xf32, #tpu.memory_space<vmem>>) offsets(%dma_start3A_713 : memref<125xi32, #tpu.memory_space<vmem>>) semaphore(%dma_start3A_718 : memref<!tpu.dma_semaphore, #tpu.memory_space<semaphore_mem>>)
      } else {
      }
      %dma_wait3A_488 = arith.constant 0 : i32
      %dma_wait3A_489 = arith.constant 0 : i32
      %dma_wait3A_490 = arith.constant 0 : i32
      %dma_wait3A_491 = tpu.memref_slice %arg9[%dma_wait3A_488, %dma_wait3A_489, %dma_wait3A_490] : memref<16x125x16xf32, #tpu.memory_space<vmem>> -> memref<1x125x16xf32, #tpu.memory_space<vmem>>
      %dma_wait3A_492 = tpu.memref_squeeze %dma_wait3A_491 : memref<1x125x16xf32, #tpu.memory_space<vmem>> -> memref<125x16xf32, #tpu.memory_space<vmem>>
      %dma_wait3A_493 = arith.constant 0 : i32
      %dma_wait3A_494 = arith.constant 0 : i32
      %dma_wait3A_495 = tpu.memref_slice %arg14[%dma_wait3A_493, %dma_wait3A_494] : memref<10240x16xf32, #tpu.memory_space<vmem_shared>> -> memref<125x16xf32, #tpu.memory_space<vmem_shared>>
      %dma_wait3A_496 = tpu.memref_slice %arg16[%rem3A_469] : memref<4x!tpu.dma_semaphore, #tpu.memory_space<semaphore_mem>> -> memref<1x!tpu.dma_semaphore, #tpu.memory_space<semaphore_mem>>
      %dma_wait3A_497 = tpu.memref_squeeze %dma_wait3A_496 : memref<1x!tpu.dma_semaphore, #tpu.memory_space<semaphore_mem>> -> memref<!tpu.dma_semaphore, #tpu.memory_space<semaphore_mem>>
      %dma_wait3A_498 = arith.constant 0 : i32
      %dma_wait3A_499 = arith.constant 0 : i32
      %dma_wait3A_500 = tpu.memref_slice %arg14[%dma_wait3A_498, %dma_wait3A_499] : memref<10240x16xf32, #tpu.memory_space<vmem_shared>> -> memref<125x16xf32, #tpu.memory_space<vmem_shared>>
      %dma_wait3A_501 = arith.constant 0 : i32
      %dma_wait3A_502 = arith.constant 0 : i32
      %dma_wait3A_503 = tpu.memref_slice %arg9[%dma_wait3A_488, %dma_wait3A_501, %dma_wait3A_502] : memref<16x125x16xf32, #tpu.memory_space<vmem>> -> memref<1x125x16xf32, #tpu.memory_space<vmem>>
      %dma_wait3A_504 = tpu.memref_squeeze %dma_wait3A_503 : memref<1x125x16xf32, #tpu.memory_space<vmem>> -> memref<125x16xf32, #tpu.memory_space<vmem>>
      tpu.wait_dma2 semaphore(%dma_wait3A_497 : memref<!tpu.dma_semaphore, #tpu.memory_space<semaphore_mem>>) src(%dma_wait3A_504 : memref<125x16xf32, #tpu.memory_space<vmem>>) dst(%dma_wait3A_500 : memref<125x16xf32, #tpu.memory_space<vmem_shared>>)
      %dma_wait3A_505 = arith.constant 1 : i32
      %dma_wait3A_506 = arith.constant 0 : i32
      %dma_wait3A_507 = arith.constant 0 : i32
      %dma_wait3A_508 = tpu.memref_slice %arg9[%dma_wait3A_505, %dma_wait3A_506, %dma_wait3A_507] : memref<16x125x16xf32, #tpu.memory_space<vmem>> -> memref<1x125x16xf32, #tpu.memory_space<vmem>>
      %dma_wait3A_509 = tpu.memref_squeeze %dma_wait3A_508 : memref<1x125x16xf32, #tpu.memory_space<vmem>> -> memref<125x16xf32, #tpu.memory_space<vmem>>
      %dma_wait3A_510 = arith.constant 0 : i32
      %dma_wait3A_511 = arith.constant 0 : i32
      %dma_wait3A_512 = tpu.memref_slice %arg14[%dma_wait3A_510, %dma_wait3A_511] : memref<10240x16xf32, #tpu.memory_space<vmem_shared>> -> memref<125x16xf32, #tpu.memory_space<vmem_shared>>
      %dma_wait3A_513 = tpu.memref_slice %arg16[%rem3A_469] : memref<4x!tpu.dma_semaphore, #tpu.memory_space<semaphore_mem>> -> memref<1x!tpu.dma_semaphore, #tpu.memory_space<semaphore_mem>>
      %dma_wait3A_514 = tpu.memref_squeeze %dma_wait3A_513 : memref<1x!tpu.dma_semaphore, #tpu.memory_space<semaphore_mem>> -> memref<!tpu.dma_semaphore, #tpu.memory_space<semaphore_mem>>
      %dma_wait3A_515 = arith.constant 0 : i32
      %dma_wait3A_516 = arith.constant 0 : i32
      %dma_wait3A_517 = tpu.memref_slice %arg14[%dma_wait3A_515, %dma_wait3A_516] : memref<10240x16xf32, #tpu.memory_space<vmem_shared>> -> memref<125x16xf32, #tpu.memory_space<vmem_shared>>
      %dma_wait3A_518 = arith.constant 0 : i32
      %dma_wait3A_519 = arith.constant 0 : i32
      %dma_wait3A_520 = tpu.memref_slice %arg9[%dma_wait3A_505, %dma_wait3A_518, %dma_wait3A_519] : memref<16x125x16xf32, #tpu.memory_space<vmem>> -> memref<1x125x16xf32, #tpu.memory_space<vmem>>
      %dma_wait3A_521 = tpu.memref_squeeze %dma_wait3A_520 : memref<1x125x16xf32, #tpu.memory_space<vmem>> -> memref<125x16xf32, #tpu.memory_space<vmem>>
      tpu.wait_dma2 semaphore(%dma_wait3A_514 : memref<!tpu.dma_semaphore, #tpu.memory_space<semaphore_mem>>) src(%dma_wait3A_521 : memref<125x16xf32, #tpu.memory_space<vmem>>) dst(%dma_wait3A_517 : memref<125x16xf32, #tpu.memory_space<vmem_shared>>)
      %dma_wait3A_522 = arith.constant 2 : i32
      %dma_wait3A_523 = arith.constant 0 : i32
      %dma_wait3A_524 = arith.constant 0 : i32
      %dma_wait3A_525 = tpu.memref_slice %arg9[%dma_wait3A_522, %dma_wait3A_523, %dma_wait3A_524] : memref<16x125x16xf32, #tpu.memory_space<vmem>> -> memref<1x125x16xf32, #tpu.memory_space<vmem>>
      %dma_wait3A_526 = tpu.memref_squeeze %dma_wait3A_525 : memref<1x125x16xf32, #tpu.memory_space<vmem>> -> memref<125x16xf32, #tpu.memory_space<vmem>>
      %dma_wait3A_527 = arith.constant 0 : i32
      %dma_wait3A_528 = arith.constant 0 : i32
      %dma_wait3A_529 = tpu.memref_slice %arg14[%dma_wait3A_527, %dma_wait3A_528] : memref<10240x16xf32, #tpu.memory_space<vmem_shared>> -> memref<125x16xf32, #tpu.memory_space<vmem_shared>>
      %dma_wait3A_530 = tpu.memref_slice %arg16[%rem3A_469] : memref<4x!tpu.dma_semaphore, #tpu.memory_space<semaphore_mem>> -> memref<1x!tpu.dma_semaphore, #tpu.memory_space<semaphore_mem>>
      %dma_wait3A_531 = tpu.memref_squeeze %dma_wait3A_530 : memref<1x!tpu.dma_semaphore, #tpu.memory_space<semaphore_mem>> -> memref<!tpu.dma_semaphore, #tpu.memory_space<semaphore_mem>>
      %dma_wait3A_532 = arith.constant 0 : i32
      %dma_wait3A_533 = arith.constant 0 : i32
      %dma_wait3A_534 = tpu.memref_slice %arg14[%dma_wait3A_532, %dma_wait3A_533] : memref<10240x16xf32, #tpu.memory_space<vmem_shared>> -> memref<125x16xf32, #tpu.memory_space<vmem_shared>>
      %dma_wait3A_535 = arith.constant 0 : i32
      %dma_wait3A_536 = arith.constant 0 : i32
      %dma_wait3A_537 = tpu.memref_slice %arg9[%dma_wait3A_522, %dma_wait3A_535, %dma_wait3A_536] : memref<16x125x16xf32, #tpu.memory_space<vmem>> -> memref<1x125x16xf32, #tpu.memory_space<vmem>>
      %dma_wait3A_538 = tpu.memref_squeeze %dma_wait3A_537 : memref<1x125x16xf32, #tpu.memory_space<vmem>> -> memref<125x16xf32, #tpu.memory_space<vmem>>
      tpu.wait_dma2 semaphore(%dma_wait3A_531 : memref<!tpu.dma_semaphore, #tpu.memory_space<semaphore_mem>>) src(%dma_wait3A_538 : memref<125x16xf32, #tpu.memory_space<vmem>>) dst(%dma_wait3A_534 : memref<125x16xf32, #tpu.memory_space<vmem_shared>>)
      %dma_wait3A_539 = arith.constant 3 : i32
      %dma_wait3A_540 = arith.constant 0 : i32
      %dma_wait3A_541 = arith.constant 0 : i32
      %dma_wait3A_542 = tpu.memref_slice %arg9[%dma_wait3A_539, %dma_wait3A_540, %dma_wait3A_541] : memref<16x125x16xf32, #tpu.memory_space<vmem>> -> memref<1x125x16xf32, #tpu.memory_space<vmem>>
      %dma_wait3A_543 = tpu.memref_squeeze %dma_wait3A_542 : memref<1x125x16xf32, #tpu.memory_space<vmem>> -> memref<125x16xf32, #tpu.memory_space<vmem>>
      %dma_wait3A_544 = arith.constant 0 : i32
      %dma_wait3A_545 = arith.constant 0 : i32
      %dma_wait3A_546 = tpu.memref_slice %arg14[%dma_wait3A_544, %dma_wait3A_545] : memref<10240x16xf32, #tpu.memory_space<vmem_shared>> -> memref<125x16xf32, #tpu.memory_space<vmem_shared>>
      %dma_wait3A_547 = tpu.memref_slice %arg16[%rem3A_469] : memref<4x!tpu.dma_semaphore, #tpu.memory_space<semaphore_mem>> -> memref<1x!tpu.dma_semaphore, #tpu.memory_space<semaphore_mem>>
      %dma_wait3A_548 = tpu.memref_squeeze %dma_wait3A_547 : memref<1x!tpu.dma_semaphore, #tpu.memory_space<semaphore_mem>> -> memref<!tpu.dma_semaphore, #tpu.memory_space<semaphore_mem>>
      %dma_wait3A_549 = arith.constant 0 : i32
      %dma_wait3A_550 = arith.constant 0 : i32
      %dma_wait3A_551 = tpu.memref_slice %arg14[%dma_wait3A_549, %dma_wait3A_550] : memref<10240x16xf32, #tpu.memory_space<vmem_shared>> -> memref<125x16xf32, #tpu.memory_space<vmem_shared>>
      %dma_wait3A_552 = arith.constant 0 : i32
      %dma_wait3A_553 = arith.constant 0 : i32
      %dma_wait3A_554 = tpu.memref_slice %arg9[%dma_wait3A_539, %dma_wait3A_552, %dma_wait3A_553] : memref<16x125x16xf32, #tpu.memory_space<vmem>> -> memref<1x125x16xf32, #tpu.memory_space<vmem>>
      %dma_wait3A_555 = tpu.memref_squeeze %dma_wait3A_554 : memref<1x125x16xf32, #tpu.memory_space<vmem>> -> memref<125x16xf32, #tpu.memory_space<vmem>>
      tpu.wait_dma2 semaphore(%dma_wait3A_548 : memref<!tpu.dma_semaphore, #tpu.memory_space<semaphore_mem>>) src(%dma_wait3A_555 : memref<125x16xf32, #tpu.memory_space<vmem>>) dst(%dma_wait3A_551 : memref<125x16xf32, #tpu.memory_space<vmem_shared>>)
      %mul3A_556 = arith.constant 4 : i32
      %mul3A_557 = arith.muli %rem3A_469, %mul3A_556 : i32
      %add3A_558 = arith.constant 0 : i32
      %add3A_559 = arith.addi %mul3A_557, %add3A_558 : i32
      %mul3A_560 = arith.constant 4 : i32
      %mul3A_561 = arith.muli %scan3A_467, %mul3A_560 : i32
      %add3A_562 = arith.constant 0 : i32
      %add3A_563 = arith.addi %mul3A_561, %add3A_562 : i32
      %dma_start3A_564 = arith.constant 0 : i32
      %dma_start3A_565 = arith.constant 0 : i32
      %dma_start3A_566 = tpu.memref_slice %arg9[%add3A_559, %dma_start3A_564, %dma_start3A_565] : memref<16x125x16xf32, #tpu.memory_space<vmem>> -> memref<1x125x16xf32, #tpu.memory_space<vmem>>
      %dma_start3A_567 = tpu.memref_squeeze %dma_start3A_566 : memref<1x125x16xf32, #tpu.memory_space<vmem>> -> memref<125x16xf32, #tpu.memory_space<vmem>>
      %dma_start3A_568 = arith.constant 0 : i32
      %dma_start3A_569 = tpu.memref_slice %arg8[%add3A_563, %dma_start3A_568] : memref<80x125xi32, #tpu.memory_space<vmem>> -> memref<1x125xi32, #tpu.memory_space<vmem>>
      %dma_start3A_570 = tpu.memref_squeeze %dma_start3A_569 : memref<1x125xi32, #tpu.memory_space<vmem>> -> memref<125xi32, #tpu.memory_space<vmem>>
      %dma_start3A_571 = arith.constant 0 : i32
      %dma_start3A_572 = arith.constant 0 : i32
      %dma_start3A_573 = tpu.memref_slice %arg14[%dma_start3A_571, %dma_start3A_572] : memref<10240x16xf32, #tpu.memory_space<vmem_shared>> -> memref<10240x16xf32, #tpu.memory_space<vmem_shared>>
      %dma_start3A_574 = tpu.memref_slice %arg17[%rem3A_469] : memref<4x!tpu.dma_semaphore, #tpu.memory_space<semaphore_mem>> -> memref<1x!tpu.dma_semaphore, #tpu.memory_space<semaphore_mem>>
      %dma_start3A_575 = tpu.memref_squeeze %dma_start3A_574 : memref<1x!tpu.dma_semaphore, #tpu.memory_space<semaphore_mem>> -> memref<!tpu.dma_semaphore, #tpu.memory_space<semaphore_mem>>
      tpu.enqueue_indirect_dma source(%dma_start3A_567 : memref<125x16xf32, #tpu.memory_space<vmem>>) target(%dma_start3A_573 : memref<10240x16xf32, #tpu.memory_space<vmem_shared>>) offsets(%dma_start3A_570 : memref<125xi32, #tpu.memory_space<vmem>>) semaphore(%dma_start3A_575 : memref<!tpu.dma_semaphore, #tpu.memory_space<semaphore_mem>>) {add = true}
      %mul3A_576 = arith.constant 4 : i32
      %mul3A_577 = arith.muli %rem3A_469, %mul3A_576 : i32
      %add3A_578 = arith.constant 1 : i32
      %add3A_579 = arith.addi %mul3A_577, %add3A_578 : i32
      %mul3A_580 = arith.constant 4 : i32
      %mul3A_581 = arith.muli %scan3A_467, %mul3A_580 : i32
      %add3A_582 = arith.constant 1 : i32
      %add3A_583 = arith.addi %mul3A_581, %add3A_582 : i32
      %dma_start3A_584 = arith.constant 0 : i32
      %dma_start3A_585 = arith.constant 0 : i32
      %dma_start3A_586 = tpu.memref_slice %arg9[%add3A_579, %dma_start3A_584, %dma_start3A_585] : memref<16x125x16xf32, #tpu.memory_space<vmem>> -> memref<1x125x16xf32, #tpu.memory_space<vmem>>
      %dma_start3A_587 = tpu.memref_squeeze %dma_start3A_586 : memref<1x125x16xf32, #tpu.memory_space<vmem>> -> memref<125x16xf32, #tpu.memory_space<vmem>>
      %dma_start3A_588 = arith.constant 0 : i32
      %dma_start3A_589 = tpu.memref_slice %arg8[%add3A_583, %dma_start3A_588] : memref<80x125xi32, #tpu.memory_space<vmem>> -> memref<1x125xi32, #tpu.memory_space<vmem>>
      %dma_start3A_590 = tpu.memref_squeeze %dma_start3A_589 : memref<1x125xi32, #tpu.memory_space<vmem>> -> memref<125xi32, #tpu.memory_space<vmem>>
      %dma_start3A_591 = arith.constant 0 : i32
      %dma_start3A_592 = arith.constant 0 : i32
      %dma_start3A_593 = tpu.memref_slice %arg14[%dma_start3A_591, %dma_start3A_592] : memref<10240x16xf32, #tpu.memory_space<vmem_shared>> -> memref<10240x16xf32, #tpu.memory_space<vmem_shared>>
      %dma_start3A_594 = tpu.memref_slice %arg17[%rem3A_469] : memref<4x!tpu.dma_semaphore, #tpu.memory_space<semaphore_mem>> -> memref<1x!tpu.dma_semaphore, #tpu.memory_space<semaphore_mem>>
      %dma_start3A_595 = tpu.memref_squeeze %dma_start3A_594 : memref<1x!tpu.dma_semaphore, #tpu.memory_space<semaphore_mem>> -> memref<!tpu.dma_semaphore, #tpu.memory_space<semaphore_mem>>
      tpu.enqueue_indirect_dma source(%dma_start3A_587 : memref<125x16xf32, #tpu.memory_space<vmem>>) target(%dma_start3A_593 : memref<10240x16xf32, #tpu.memory_space<vmem_shared>>) offsets(%dma_start3A_590 : memref<125xi32, #tpu.memory_space<vmem>>) semaphore(%dma_start3A_595 : memref<!tpu.dma_semaphore, #tpu.memory_space<semaphore_mem>>) {add = true}
      %mul3A_596 = arith.constant 4 : i32
      %mul3A_597 = arith.muli %rem3A_469, %mul3A_596 : i32
      %add3A_598 = arith.constant 2 : i32
      %add3A_599 = arith.addi %mul3A_597, %add3A_598 : i32
      %mul3A_600 = arith.constant 4 : i32
      %mul3A_601 = arith.muli %scan3A_467, %mul3A_600 : i32
      %add3A_602 = arith.constant 2 : i32
      %add3A_603 = arith.addi %mul3A_601, %add3A_602 : i32
      %dma_start3A_604 = arith.constant 0 : i32
      %dma_start3A_605 = arith.constant 0 : i32
      %dma_start3A_606 = tpu.memref_slice %arg9[%add3A_599, %dma_start3A_604, %dma_start3A_605] : memref<16x125x16xf32, #tpu.memory_space<vmem>> -> memref<1x125x16xf32, #tpu.memory_space<vmem>>
      %dma_start3A_607 = tpu.memref_squeeze %dma_start3A_606 : memref<1x125x16xf32, #tpu.memory_space<vmem>> -> memref<125x16xf32, #tpu.memory_space<vmem>>
      %dma_start3A_608 = arith.constant 0 : i32
      %dma_start3A_609 = tpu.memref_slice %arg8[%add3A_603, %dma_start3A_608] : memref<80x125xi32, #tpu.memory_space<vmem>> -> memref<1x125xi32, #tpu.memory_space<vmem>>
      %dma_start3A_610 = tpu.memref_squeeze %dma_start3A_609 : memref<1x125xi32, #tpu.memory_space<vmem>> -> memref<125xi32, #tpu.memory_space<vmem>>
      %dma_start3A_611 = arith.constant 0 : i32
      %dma_start3A_612 = arith.constant 0 : i32
      %dma_start3A_613 = tpu.memref_slice %arg14[%dma_start3A_611, %dma_start3A_612] : memref<10240x16xf32, #tpu.memory_space<vmem_shared>> -> memref<10240x16xf32, #tpu.memory_space<vmem_shared>>
      %dma_start3A_614 = tpu.memref_slice %arg17[%rem3A_469] : memref<4x!tpu.dma_semaphore, #tpu.memory_space<semaphore_mem>> -> memref<1x!tpu.dma_semaphore, #tpu.memory_space<semaphore_mem>>
      %dma_start3A_615 = tpu.memref_squeeze %dma_start3A_614 : memref<1x!tpu.dma_semaphore, #tpu.memory_space<semaphore_mem>> -> memref<!tpu.dma_semaphore, #tpu.memory_space<semaphore_mem>>
      tpu.enqueue_indirect_dma source(%dma_start3A_607 : memref<125x16xf32, #tpu.memory_space<vmem>>) target(%dma_start3A_613 : memref<10240x16xf32, #tpu.memory_space<vmem_shared>>) offsets(%dma_start3A_610 : memref<125xi32, #tpu.memory_space<vmem>>) semaphore(%dma_start3A_615 : memref<!tpu.dma_semaphore, #tpu.memory_space<semaphore_mem>>) {add = true}
      %mul3A_616 = arith.constant 4 : i32
      %mul3A_617 = arith.muli %rem3A_469, %mul3A_616 : i32
      %add3A_618 = arith.constant 3 : i32
      %add3A_619 = arith.addi %mul3A_617, %add3A_618 : i32
      %mul3A_620 = arith.constant 4 : i32
      %mul3A_621 = arith.muli %scan3A_467, %mul3A_620 : i32
      %add3A_622 = arith.constant 3 : i32
      %add3A_623 = arith.addi %mul3A_621, %add3A_622 : i32
      %dma_start3A_624 = arith.constant 0 : i32
      %dma_start3A_625 = arith.constant 0 : i32
      %dma_start3A_626 = tpu.memref_slice %arg9[%add3A_619, %dma_start3A_624, %dma_start3A_625] : memref<16x125x16xf32, #tpu.memory_space<vmem>> -> memref<1x125x16xf32, #tpu.memory_space<vmem>>
      %dma_start3A_627 = tpu.memref_squeeze %dma_start3A_626 : memref<1x125x16xf32, #tpu.memory_space<vmem>> -> memref<125x16xf32, #tpu.memory_space<vmem>>
      %dma_start3A_628 = arith.constant 0 : i32
      %dma_start3A_629 = tpu.memref_slice %arg8[%add3A_623, %dma_start3A_628] : memref<80x125xi32, #tpu.memory_space<vmem>> -> memref<1x125xi32, #tpu.memory_space<vmem>>
      %dma_start3A_630 = tpu.memref_squeeze %dma_start3A_629 : memref<1x125xi32, #tpu.memory_space<vmem>> -> memref<125xi32, #tpu.memory_space<vmem>>
      %dma_start3A_631 = arith.constant 0 : i32
      %dma_start3A_632 = arith.constant 0 : i32
      %dma_start3A_633 = tpu.memref_slice %arg14[%dma_start3A_631, %dma_start3A_632] : memref<10240x16xf32, #tpu.memory_space<vmem_shared>> -> memref<10240x16xf32, #tpu.memory_space<vmem_shared>>
      %dma_start3A_634 = tpu.memref_slice %arg17[%rem3A_469] : memref<4x!tpu.dma_semaphore, #tpu.memory_space<semaphore_mem>> -> memref<1x!tpu.dma_semaphore, #tpu.memory_space<semaphore_mem>>
      %dma_start3A_635 = tpu.memref_squeeze %dma_start3A_634 : memref<1x!tpu.dma_semaphore, #tpu.memory_space<semaphore_mem>> -> memref<!tpu.dma_semaphore, #tpu.memory_space<semaphore_mem>>
      tpu.enqueue_indirect_dma source(%dma_start3A_627 : memref<125x16xf32, #tpu.memory_space<vmem>>) target(%dma_start3A_633 : memref<10240x16xf32, #tpu.memory_space<vmem_shared>>) offsets(%dma_start3A_630 : memref<125xi32, #tpu.memory_space<vmem>>) semaphore(%dma_start3A_635 : memref<!tpu.dma_semaphore, #tpu.memory_space<semaphore_mem>>) {add = true}
      %scan3A_636 = arith.constant 0 : i32
      scf.yield %scan3A_636 : i32
    }
    %scan3A_170 = arith.constant 20 : i32
    %dma_wait3A_171 = arith.constant 0 : i32
    %dma_wait3A_172 = arith.constant 0 : i32
    %dma_wait3A_173 = arith.constant 0 : i32
    %dma_wait3A_174 = arith.constant 0 : i32
    %dma_wait3A_175 = tpu.memref_slice %arg9[%dma_wait3A_171, %dma_wait3A_173, %dma_wait3A_174] : memref<16x125x16xf32, #tpu.memory_space<vmem>> -> memref<1x125x16xf32, #tpu.memory_space<vmem>>
    %dma_wait3A_176 = tpu.memref_squeeze %dma_wait3A_175 : memref<1x125x16xf32, #tpu.memory_space<vmem>> -> memref<125x16xf32, #tpu.memory_space<vmem>>
    %dma_wait3A_177 = arith.constant 0 : i32
    %dma_wait3A_178 = arith.constant 0 : i32
    %dma_wait3A_179 = tpu.memref_slice %arg14[%dma_wait3A_177, %dma_wait3A_178] : memref<10240x16xf32, #tpu.memory_space<vmem_shared>> -> memref<125x16xf32, #tpu.memory_space<vmem_shared>>
    %dma_wait3A_180 = tpu.memref_slice %arg17[%dma_wait3A_172] : memref<4x!tpu.dma_semaphore, #tpu.memory_space<semaphore_mem>> -> memref<1x!tpu.dma_semaphore, #tpu.memory_space<semaphore_mem>>
    %dma_wait3A_181 = tpu.memref_squeeze %dma_wait3A_180 : memref<1x!tpu.dma_semaphore, #tpu.memory_space<semaphore_mem>> -> memref<!tpu.dma_semaphore, #tpu.memory_space<semaphore_mem>>
    %dma_wait3A_182 = arith.constant 0 : i32
    %dma_wait3A_183 = arith.constant 0 : i32
    %dma_wait3A_184 = tpu.memref_slice %arg14[%dma_wait3A_182, %dma_wait3A_183] : memref<10240x16xf32, #tpu.memory_space<vmem_shared>> -> memref<125x16xf32, #tpu.memory_space<vmem_shared>>
    %dma_wait3A_185 = arith.constant 0 : i32
    %dma_wait3A_186 = arith.constant 0 : i32
    %dma_wait3A_187 = tpu.memref_slice %arg9[%dma_wait3A_171, %dma_wait3A_185, %dma_wait3A_186] : memref<16x125x16xf32, #tpu.memory_space<vmem>> -> memref<1x125x16xf32, #tpu.memory_space<vmem>>
    %dma_wait3A_188 = tpu.memref_squeeze %dma_wait3A_187 : memref<1x125x16xf32, #tpu.memory_space<vmem>> -> memref<125x16xf32, #tpu.memory_space<vmem>>
    tpu.wait_dma2 semaphore(%dma_wait3A_181 : memref<!tpu.dma_semaphore, #tpu.memory_space<semaphore_mem>>) src(%dma_wait3A_188 : memref<125x16xf32, #tpu.memory_space<vmem>>) dst(%dma_wait3A_184 : memref<125x16xf32, #tpu.memory_space<vmem_shared>>)
    %dma_wait3A_189 = arith.constant 1 : i32
    %dma_wait3A_190 = arith.constant 0 : i32
    %dma_wait3A_191 = arith.constant 0 : i32
    %dma_wait3A_192 = arith.constant 0 : i32
    %dma_wait3A_193 = tpu.memref_slice %arg9[%dma_wait3A_189, %dma_wait3A_191, %dma_wait3A_192] : memref<16x125x16xf32, #tpu.memory_space<vmem>> -> memref<1x125x16xf32, #tpu.memory_space<vmem>>
    %dma_wait3A_194 = tpu.memref_squeeze %dma_wait3A_193 : memref<1x125x16xf32, #tpu.memory_space<vmem>> -> memref<125x16xf32, #tpu.memory_space<vmem>>
    %dma_wait3A_195 = arith.constant 0 : i32
    %dma_wait3A_196 = arith.constant 0 : i32
    %dma_wait3A_197 = tpu.memref_slice %arg14[%dma_wait3A_195, %dma_wait3A_196] : memref<10240x16xf32, #tpu.memory_space<vmem_shared>> -> memref<125x16xf32, #tpu.memory_space<vmem_shared>>
    %dma_wait3A_198 = tpu.memref_slice %arg17[%dma_wait3A_190] : memref<4x!tpu.dma_semaphore, #tpu.memory_space<semaphore_mem>> -> memref<1x!tpu.dma_semaphore, #tpu.memory_space<semaphore_mem>>
    %dma_wait3A_199 = tpu.memref_squeeze %dma_wait3A_198 : memref<1x!tpu.dma_semaphore, #tpu.memory_space<semaphore_mem>> -> memref<!tpu.dma_semaphore, #tpu.memory_space<semaphore_mem>>
    %dma_wait3A_200 = arith.constant 0 : i32
    %dma_wait3A_201 = arith.constant 0 : i32
    %dma_wait3A_202 = tpu.memref_slice %arg14[%dma_wait3A_200, %dma_wait3A_201] : memref<10240x16xf32, #tpu.memory_space<vmem_shared>> -> memref<125x16xf32, #tpu.memory_space<vmem_shared>>
    %dma_wait3A_203 = arith.constant 0 : i32
    %dma_wait3A_204 = arith.constant 0 : i32
    %dma_wait3A_205 = tpu.memref_slice %arg9[%dma_wait3A_189, %dma_wait3A_203, %dma_wait3A_204] : memref<16x125x16xf32, #tpu.memory_space<vmem>> -> memref<1x125x16xf32, #tpu.memory_space<vmem>>
    %dma_wait3A_206 = tpu.memref_squeeze %dma_wait3A_205 : memref<1x125x16xf32, #tpu.memory_space<vmem>> -> memref<125x16xf32, #tpu.memory_space<vmem>>
    tpu.wait_dma2 semaphore(%dma_wait3A_199 : memref<!tpu.dma_semaphore, #tpu.memory_space<semaphore_mem>>) src(%dma_wait3A_206 : memref<125x16xf32, #tpu.memory_space<vmem>>) dst(%dma_wait3A_202 : memref<125x16xf32, #tpu.memory_space<vmem_shared>>)
    %dma_wait3A_207 = arith.constant 2 : i32
    %dma_wait3A_208 = arith.constant 0 : i32
    %dma_wait3A_209 = arith.constant 0 : i32
    %dma_wait3A_210 = arith.constant 0 : i32
    %dma_wait3A_211 = tpu.memref_slice %arg9[%dma_wait3A_207, %dma_wait3A_209, %dma_wait3A_210] : memref<16x125x16xf32, #tpu.memory_space<vmem>> -> memref<1x125x16xf32, #tpu.memory_space<vmem>>
    %dma_wait3A_212 = tpu.memref_squeeze %dma_wait3A_211 : memref<1x125x16xf32, #tpu.memory_space<vmem>> -> memref<125x16xf32, #tpu.memory_space<vmem>>
    %dma_wait3A_213 = arith.constant 0 : i32
    %dma_wait3A_214 = arith.constant 0 : i32
    %dma_wait3A_215 = tpu.memref_slice %arg14[%dma_wait3A_213, %dma_wait3A_214] : memref<10240x16xf32, #tpu.memory_space<vmem_shared>> -> memref<125x16xf32, #tpu.memory_space<vmem_shared>>
    %dma_wait3A_216 = tpu.memref_slice %arg17[%dma_wait3A_208] : memref<4x!tpu.dma_semaphore, #tpu.memory_space<semaphore_mem>> -> memref<1x!tpu.dma_semaphore, #tpu.memory_space<semaphore_mem>>
    %dma_wait3A_217 = tpu.memref_squeeze %dma_wait3A_216 : memref<1x!tpu.dma_semaphore, #tpu.memory_space<semaphore_mem>> -> memref<!tpu.dma_semaphore, #tpu.memory_space<semaphore_mem>>
    %dma_wait3A_218 = arith.constant 0 : i32
    %dma_wait3A_219 = arith.constant 0 : i32
    %dma_wait3A_220 = tpu.memref_slice %arg14[%dma_wait3A_218, %dma_wait3A_219] : memref<10240x16xf32, #tpu.memory_space<vmem_shared>> -> memref<125x16xf32, #tpu.memory_space<vmem_shared>>
    %dma_wait3A_221 = arith.constant 0 : i32
    %dma_wait3A_222 = arith.constant 0 : i32
    %dma_wait3A_223 = tpu.memref_slice %arg9[%dma_wait3A_207, %dma_wait3A_221, %dma_wait3A_222] : memref<16x125x16xf32, #tpu.memory_space<vmem>> -> memref<1x125x16xf32, #tpu.memory_space<vmem>>
    %dma_wait3A_224 = tpu.memref_squeeze %dma_wait3A_223 : memref<1x125x16xf32, #tpu.memory_space<vmem>> -> memref<125x16xf32, #tpu.memory_space<vmem>>
    tpu.wait_dma2 semaphore(%dma_wait3A_217 : memref<!tpu.dma_semaphore, #tpu.memory_space<semaphore_mem>>) src(%dma_wait3A_224 : memref<125x16xf32, #tpu.memory_space<vmem>>) dst(%dma_wait3A_220 : memref<125x16xf32, #tpu.memory_space<vmem_shared>>)
    %dma_wait3A_225 = arith.constant 3 : i32
    %dma_wait3A_226 = arith.constant 0 : i32
    %dma_wait3A_227 = arith.constant 0 : i32
    %dma_wait3A_228 = arith.constant 0 : i32
    %dma_wait3A_229 = tpu.memref_slice %arg9[%dma_wait3A_225, %dma_wait3A_227, %dma_wait3A_228] : memref<16x125x16xf32, #tpu.memory_space<vmem>> -> memref<1x125x16xf32, #tpu.memory_space<vmem>>
    %dma_wait3A_230 = tpu.memref_squeeze %dma_wait3A_229 : memref<1x125x16xf32, #tpu.memory_space<vmem>> -> memref<125x16xf32, #tpu.memory_space<vmem>>
    %dma_wait3A_231 = arith.constant 0 : i32
    %dma_wait3A_232 = arith.constant 0 : i32
    %dma_wait3A_233 = tpu.memref_slice %arg14[%dma_wait3A_231, %dma_wait3A_232] : memref<10240x16xf32, #tpu.memory_space<vmem_shared>> -> memref<125x16xf32, #tpu.memory_space<vmem_shared>>
    %dma_wait3A_234 = tpu.memref_slice %arg17[%dma_wait3A_226] : memref<4x!tpu.dma_semaphore, #tpu.memory_space<semaphore_mem>> -> memref<1x!tpu.dma_semaphore, #tpu.memory_space<semaphore_mem>>
    %dma_wait3A_235 = tpu.memref_squeeze %dma_wait3A_234 : memref<1x!tpu.dma_semaphore, #tpu.memory_space<semaphore_mem>> -> memref<!tpu.dma_semaphore, #tpu.memory_space<semaphore_mem>>
    %dma_wait3A_236 = arith.constant 0 : i32
    %dma_wait3A_237 = arith.constant 0 : i32
    %dma_wait3A_238 = tpu.memref_slice %arg14[%dma_wait3A_236, %dma_wait3A_237] : memref<10240x16xf32, #tpu.memory_space<vmem_shared>> -> memref<125x16xf32, #tpu.memory_space<vmem_shared>>
    %dma_wait3A_239 = arith.constant 0 : i32
    %dma_wait3A_240 = arith.constant 0 : i32
    %dma_wait3A_241 = tpu.memref_slice %arg9[%dma_wait3A_225, %dma_wait3A_239, %dma_wait3A_240] : memref<16x125x16xf32, #tpu.memory_space<vmem>> -> memref<1x125x16xf32, #tpu.memory_space<vmem>>
    %dma_wait3A_242 = tpu.memref_squeeze %dma_wait3A_241 : memref<1x125x16xf32, #tpu.memory_space<vmem>> -> memref<125x16xf32, #tpu.memory_space<vmem>>
    tpu.wait_dma2 semaphore(%dma_wait3A_235 : memref<!tpu.dma_semaphore, #tpu.memory_space<semaphore_mem>>) src(%dma_wait3A_242 : memref<125x16xf32, #tpu.memory_space<vmem>>) dst(%dma_wait3A_238 : memref<125x16xf32, #tpu.memory_space<vmem_shared>>)
    %dma_wait3A_243 = arith.constant 0 : i32
    %dma_wait3A_244 = arith.constant 1 : i32
    %dma_wait3A_245 = arith.constant 0 : i32
    %dma_wait3A_246 = arith.constant 0 : i32
    %dma_wait3A_247 = tpu.memref_slice %arg9[%dma_wait3A_243, %dma_wait3A_245, %dma_wait3A_246] : memref<16x125x16xf32, #tpu.memory_space<vmem>> -> memref<1x125x16xf32, #tpu.memory_space<vmem>>
    %dma_wait3A_248 = tpu.memref_squeeze %dma_wait3A_247 : memref<1x125x16xf32, #tpu.memory_space<vmem>> -> memref<125x16xf32, #tpu.memory_space<vmem>>
    %dma_wait3A_249 = arith.constant 0 : i32
    %dma_wait3A_250 = arith.constant 0 : i32
    %dma_wait3A_251 = tpu.memref_slice %arg14[%dma_wait3A_249, %dma_wait3A_250] : memref<10240x16xf32, #tpu.memory_space<vmem_shared>> -> memref<125x16xf32, #tpu.memory_space<vmem_shared>>
    %dma_wait3A_252 = tpu.memref_slice %arg17[%dma_wait3A_244] : memref<4x!tpu.dma_semaphore, #tpu.memory_space<semaphore_mem>> -> memref<1x!tpu.dma_semaphore, #tpu.memory_space<semaphore_mem>>
    %dma_wait3A_253 = tpu.memref_squeeze %dma_wait3A_252 : memref<1x!tpu.dma_semaphore, #tpu.memory_space<semaphore_mem>> -> memref<!tpu.dma_semaphore, #tpu.memory_space<semaphore_mem>>
    %dma_wait3A_254 = arith.constant 0 : i32
    %dma_wait3A_255 = arith.constant 0 : i32
    %dma_wait3A_256 = tpu.memref_slice %arg14[%dma_wait3A_254, %dma_wait3A_255] : memref<10240x16xf32, #tpu.memory_space<vmem_shared>> -> memref<125x16xf32, #tpu.memory_space<vmem_shared>>
    %dma_wait3A_257 = arith.constant 0 : i32
    %dma_wait3A_258 = arith.constant 0 : i32
    %dma_wait3A_259 = tpu.memref_slice %arg9[%dma_wait3A_243, %dma_wait3A_257, %dma_wait3A_258] : memref<16x125x16xf32, #tpu.memory_space<vmem>> -> memref<1x125x16xf32, #tpu.memory_space<vmem>>
    %dma_wait3A_260 = tpu.memref_squeeze %dma_wait3A_259 : memref<1x125x16xf32, #tpu.memory_space<vmem>> -> memref<125x16xf32, #tpu.memory_space<vmem>>
    tpu.wait_dma2 semaphore(%dma_wait3A_253 : memref<!tpu.dma_semaphore, #tpu.memory_space<semaphore_mem>>) src(%dma_wait3A_260 : memref<125x16xf32, #tpu.memory_space<vmem>>) dst(%dma_wait3A_256 : memref<125x16xf32, #tpu.memory_space<vmem_shared>>)
    %dma_wait3A_261 = arith.constant 1 : i32
    %dma_wait3A_262 = arith.constant 1 : i32
    %dma_wait3A_263 = arith.constant 0 : i32
    %dma_wait3A_264 = arith.constant 0 : i32
    %dma_wait3A_265 = tpu.memref_slice %arg9[%dma_wait3A_261, %dma_wait3A_263, %dma_wait3A_264] : memref<16x125x16xf32, #tpu.memory_space<vmem>> -> memref<1x125x16xf32, #tpu.memory_space<vmem>>
    %dma_wait3A_266 = tpu.memref_squeeze %dma_wait3A_265 : memref<1x125x16xf32, #tpu.memory_space<vmem>> -> memref<125x16xf32, #tpu.memory_space<vmem>>
    %dma_wait3A_267 = arith.constant 0 : i32
    %dma_wait3A_268 = arith.constant 0 : i32
    %dma_wait3A_269 = tpu.memref_slice %arg14[%dma_wait3A_267, %dma_wait3A_268] : memref<10240x16xf32, #tpu.memory_space<vmem_shared>> -> memref<125x16xf32, #tpu.memory_space<vmem_shared>>
    %dma_wait3A_270 = tpu.memref_slice %arg17[%dma_wait3A_262] : memref<4x!tpu.dma_semaphore, #tpu.memory_space<semaphore_mem>> -> memref<1x!tpu.dma_semaphore, #tpu.memory_space<semaphore_mem>>
    %dma_wait3A_271 = tpu.memref_squeeze %dma_wait3A_270 : memref<1x!tpu.dma_semaphore, #tpu.memory_space<semaphore_mem>> -> memref<!tpu.dma_semaphore, #tpu.memory_space<semaphore_mem>>
    %dma_wait3A_272 = arith.constant 0 : i32
    %dma_wait3A_273 = arith.constant 0 : i32
    %dma_wait3A_274 = tpu.memref_slice %arg14[%dma_wait3A_272, %dma_wait3A_273] : memref<10240x16xf32, #tpu.memory_space<vmem_shared>> -> memref<125x16xf32, #tpu.memory_space<vmem_shared>>
    %dma_wait3A_275 = arith.constant 0 : i32
    %dma_wait3A_276 = arith.constant 0 : i32
    %dma_wait3A_277 = tpu.memref_slice %arg9[%dma_wait3A_261, %dma_wait3A_275, %dma_wait3A_276] : memref<16x125x16xf32, #tpu.memory_space<vmem>> -> memref<1x125x16xf32, #tpu.memory_space<vmem>>
    %dma_wait3A_278 = tpu.memref_squeeze %dma_wait3A_277 : memref<1x125x16xf32, #tpu.memory_space<vmem>> -> memref<125x16xf32, #tpu.memory_space<vmem>>
    tpu.wait_dma2 semaphore(%dma_wait3A_271 : memref<!tpu.dma_semaphore, #tpu.memory_space<semaphore_mem>>) src(%dma_wait3A_278 : memref<125x16xf32, #tpu.memory_space<vmem>>) dst(%dma_wait3A_274 : memref<125x16xf32, #tpu.memory_space<vmem_shared>>)
    %dma_wait3A_279 = arith.constant 2 : i32
    %dma_wait3A_280 = arith.constant 1 : i32
    %dma_wait3A_281 = arith.constant 0 : i32
    %dma_wait3A_282 = arith.constant 0 : i32
    %dma_wait3A_283 = tpu.memref_slice %arg9[%dma_wait3A_279, %dma_wait3A_281, %dma_wait3A_282] : memref<16x125x16xf32, #tpu.memory_space<vmem>> -> memref<1x125x16xf32, #tpu.memory_space<vmem>>
    %dma_wait3A_284 = tpu.memref_squeeze %dma_wait3A_283 : memref<1x125x16xf32, #tpu.memory_space<vmem>> -> memref<125x16xf32, #tpu.memory_space<vmem>>
    %dma_wait3A_285 = arith.constant 0 : i32
    %dma_wait3A_286 = arith.constant 0 : i32
    %dma_wait3A_287 = tpu.memref_slice %arg14[%dma_wait3A_285, %dma_wait3A_286] : memref<10240x16xf32, #tpu.memory_space<vmem_shared>> -> memref<125x16xf32, #tpu.memory_space<vmem_shared>>
    %dma_wait3A_288 = tpu.memref_slice %arg17[%dma_wait3A_280] : memref<4x!tpu.dma_semaphore, #tpu.memory_space<semaphore_mem>> -> memref<1x!tpu.dma_semaphore, #tpu.memory_space<semaphore_mem>>
    %dma_wait3A_289 = tpu.memref_squeeze %dma_wait3A_288 : memref<1x!tpu.dma_semaphore, #tpu.memory_space<semaphore_mem>> -> memref<!tpu.dma_semaphore, #tpu.memory_space<semaphore_mem>>
    %dma_wait3A_290 = arith.constant 0 : i32
    %dma_wait3A_291 = arith.constant 0 : i32
    %dma_wait3A_292 = tpu.memref_slice %arg14[%dma_wait3A_290, %dma_wait3A_291] : memref<10240x16xf32, #tpu.memory_space<vmem_shared>> -> memref<125x16xf32, #tpu.memory_space<vmem_shared>>
    %dma_wait3A_293 = arith.constant 0 : i32
    %dma_wait3A_294 = arith.constant 0 : i32
    %dma_wait3A_295 = tpu.memref_slice %arg9[%dma_wait3A_279, %dma_wait3A_293, %dma_wait3A_294] : memref<16x125x16xf32, #tpu.memory_space<vmem>> -> memref<1x125x16xf32, #tpu.memory_space<vmem>>
    %dma_wait3A_296 = tpu.memref_squeeze %dma_wait3A_295 : memref<1x125x16xf32, #tpu.memory_space<vmem>> -> memref<125x16xf32, #tpu.memory_space<vmem>>
    tpu.wait_dma2 semaphore(%dma_wait3A_289 : memref<!tpu.dma_semaphore, #tpu.memory_space<semaphore_mem>>) src(%dma_wait3A_296 : memref<125x16xf32, #tpu.memory_space<vmem>>) dst(%dma_wait3A_292 : memref<125x16xf32, #tpu.memory_space<vmem_shared>>)
    %dma_wait3A_297 = arith.constant 3 : i32
    %dma_wait3A_298 = arith.constant 1 : i32
    %dma_wait3A_299 = arith.constant 0 : i32
    %dma_wait3A_300 = arith.constant 0 : i32
    %dma_wait3A_301 = tpu.memref_slice %arg9[%dma_wait3A_297, %dma_wait3A_299, %dma_wait3A_300] : memref<16x125x16xf32, #tpu.memory_space<vmem>> -> memref<1x125x16xf32, #tpu.memory_space<vmem>>
    %dma_wait3A_302 = tpu.memref_squeeze %dma_wait3A_301 : memref<1x125x16xf32, #tpu.memory_space<vmem>> -> memref<125x16xf32, #tpu.memory_space<vmem>>
    %dma_wait3A_303 = arith.constant 0 : i32
    %dma_wait3A_304 = arith.constant 0 : i32
    %dma_wait3A_305 = tpu.memref_slice %arg14[%dma_wait3A_303, %dma_wait3A_304] : memref<10240x16xf32, #tpu.memory_space<vmem_shared>> -> memref<125x16xf32, #tpu.memory_space<vmem_shared>>
    %dma_wait3A_306 = tpu.memref_slice %arg17[%dma_wait3A_298] : memref<4x!tpu.dma_semaphore, #tpu.memory_space<semaphore_mem>> -> memref<1x!tpu.dma_semaphore, #tpu.memory_space<semaphore_mem>>
    %dma_wait3A_307 = tpu.memref_squeeze %dma_wait3A_306 : memref<1x!tpu.dma_semaphore, #tpu.memory_space<semaphore_mem>> -> memref<!tpu.dma_semaphore, #tpu.memory_space<semaphore_mem>>
    %dma_wait3A_308 = arith.constant 0 : i32
    %dma_wait3A_309 = arith.constant 0 : i32
    %dma_wait3A_310 = tpu.memref_slice %arg14[%dma_wait3A_308, %dma_wait3A_309] : memref<10240x16xf32, #tpu.memory_space<vmem_shared>> -> memref<125x16xf32, #tpu.memory_space<vmem_shared>>
    %dma_wait3A_311 = arith.constant 0 : i32
    %dma_wait3A_312 = arith.constant 0 : i32
    %dma_wait3A_313 = tpu.memref_slice %arg9[%dma_wait3A_297, %dma_wait3A_311, %dma_wait3A_312] : memref<16x125x16xf32, #tpu.memory_space<vmem>> -> memref<1x125x16xf32, #tpu.memory_space<vmem>>
    %dma_wait3A_314 = tpu.memref_squeeze %dma_wait3A_313 : memref<1x125x16xf32, #tpu.memory_space<vmem>> -> memref<125x16xf32, #tpu.memory_space<vmem>>
    tpu.wait_dma2 semaphore(%dma_wait3A_307 : memref<!tpu.dma_semaphore, #tpu.memory_space<semaphore_mem>>) src(%dma_wait3A_314 : memref<125x16xf32, #tpu.memory_space<vmem>>) dst(%dma_wait3A_310 : memref<125x16xf32, #tpu.memory_space<vmem_shared>>)
    %dma_wait3A_315 = arith.constant 0 : i32
    %dma_wait3A_316 = arith.constant 2 : i32
    %dma_wait3A_317 = arith.constant 0 : i32
    %dma_wait3A_318 = arith.constant 0 : i32
    %dma_wait3A_319 = tpu.memref_slice %arg9[%dma_wait3A_315, %dma_wait3A_317, %dma_wait3A_318] : memref<16x125x16xf32, #tpu.memory_space<vmem>> -> memref<1x125x16xf32, #tpu.memory_space<vmem>>
    %dma_wait3A_320 = tpu.memref_squeeze %dma_wait3A_319 : memref<1x125x16xf32, #tpu.memory_space<vmem>> -> memref<125x16xf32, #tpu.memory_space<vmem>>
    %dma_wait3A_321 = arith.constant 0 : i32
    %dma_wait3A_322 = arith.constant 0 : i32
    %dma_wait3A_323 = tpu.memref_slice %arg14[%dma_wait3A_321, %dma_wait3A_322] : memref<10240x16xf32, #tpu.memory_space<vmem_shared>> -> memref<125x16xf32, #tpu.memory_space<vmem_shared>>
    %dma_wait3A_324 = tpu.memref_slice %arg17[%dma_wait3A_316] : memref<4x!tpu.dma_semaphore, #tpu.memory_space<semaphore_mem>> -> memref<1x!tpu.dma_semaphore, #tpu.memory_space<semaphore_mem>>
    %dma_wait3A_325 = tpu.memref_squeeze %dma_wait3A_324 : memref<1x!tpu.dma_semaphore, #tpu.memory_space<semaphore_mem>> -> memref<!tpu.dma_semaphore, #tpu.memory_space<semaphore_mem>>
    %dma_wait3A_326 = arith.constant 0 : i32
    %dma_wait3A_327 = arith.constant 0 : i32
    %dma_wait3A_328 = tpu.memref_slice %arg14[%dma_wait3A_326, %dma_wait3A_327] : memref<10240x16xf32, #tpu.memory_space<vmem_shared>> -> memref<125x16xf32, #tpu.memory_space<vmem_shared>>
    %dma_wait3A_329 = arith.constant 0 : i32
    %dma_wait3A_330 = arith.constant 0 : i32
    %dma_wait3A_331 = tpu.memref_slice %arg9[%dma_wait3A_315, %dma_wait3A_329, %dma_wait3A_330] : memref<16x125x16xf32, #tpu.memory_space<vmem>> -> memref<1x125x16xf32, #tpu.memory_space<vmem>>
    %dma_wait3A_332 = tpu.memref_squeeze %dma_wait3A_331 : memref<1x125x16xf32, #tpu.memory_space<vmem>> -> memref<125x16xf32, #tpu.memory_space<vmem>>
    tpu.wait_dma2 semaphore(%dma_wait3A_325 : memref<!tpu.dma_semaphore, #tpu.memory_space<semaphore_mem>>) src(%dma_wait3A_332 : memref<125x16xf32, #tpu.memory_space<vmem>>) dst(%dma_wait3A_328 : memref<125x16xf32, #tpu.memory_space<vmem_shared>>)
    %dma_wait3A_333 = arith.constant 1 : i32
    %dma_wait3A_334 = arith.constant 2 : i32
    %dma_wait3A_335 = arith.constant 0 : i32
    %dma_wait3A_336 = arith.constant 0 : i32
    %dma_wait3A_337 = tpu.memref_slice %arg9[%dma_wait3A_333, %dma_wait3A_335, %dma_wait3A_336] : memref<16x125x16xf32, #tpu.memory_space<vmem>> -> memref<1x125x16xf32, #tpu.memory_space<vmem>>
    %dma_wait3A_338 = tpu.memref_squeeze %dma_wait3A_337 : memref<1x125x16xf32, #tpu.memory_space<vmem>> -> memref<125x16xf32, #tpu.memory_space<vmem>>
    %dma_wait3A_339 = arith.constant 0 : i32
    %dma_wait3A_340 = arith.constant 0 : i32
    %dma_wait3A_341 = tpu.memref_slice %arg14[%dma_wait3A_339, %dma_wait3A_340] : memref<10240x16xf32, #tpu.memory_space<vmem_shared>> -> memref<125x16xf32, #tpu.memory_space<vmem_shared>>
    %dma_wait3A_342 = tpu.memref_slice %arg17[%dma_wait3A_334] : memref<4x!tpu.dma_semaphore, #tpu.memory_space<semaphore_mem>> -> memref<1x!tpu.dma_semaphore, #tpu.memory_space<semaphore_mem>>
    %dma_wait3A_343 = tpu.memref_squeeze %dma_wait3A_342 : memref<1x!tpu.dma_semaphore, #tpu.memory_space<semaphore_mem>> -> memref<!tpu.dma_semaphore, #tpu.memory_space<semaphore_mem>>
    %dma_wait3A_344 = arith.constant 0 : i32
    %dma_wait3A_345 = arith.constant 0 : i32
    %dma_wait3A_346 = tpu.memref_slice %arg14[%dma_wait3A_344, %dma_wait3A_345] : memref<10240x16xf32, #tpu.memory_space<vmem_shared>> -> memref<125x16xf32, #tpu.memory_space<vmem_shared>>
    %dma_wait3A_347 = arith.constant 0 : i32
    %dma_wait3A_348 = arith.constant 0 : i32
    %dma_wait3A_349 = tpu.memref_slice %arg9[%dma_wait3A_333, %dma_wait3A_347, %dma_wait3A_348] : memref<16x125x16xf32, #tpu.memory_space<vmem>> -> memref<1x125x16xf32, #tpu.memory_space<vmem>>
    %dma_wait3A_350 = tpu.memref_squeeze %dma_wait3A_349 : memref<1x125x16xf32, #tpu.memory_space<vmem>> -> memref<125x16xf32, #tpu.memory_space<vmem>>
    tpu.wait_dma2 semaphore(%dma_wait3A_343 : memref<!tpu.dma_semaphore, #tpu.memory_space<semaphore_mem>>) src(%dma_wait3A_350 : memref<125x16xf32, #tpu.memory_space<vmem>>) dst(%dma_wait3A_346 : memref<125x16xf32, #tpu.memory_space<vmem_shared>>)
    %dma_wait3A_351 = arith.constant 2 : i32
    %dma_wait3A_352 = arith.constant 2 : i32
    %dma_wait3A_353 = arith.constant 0 : i32
    %dma_wait3A_354 = arith.constant 0 : i32
    %dma_wait3A_355 = tpu.memref_slice %arg9[%dma_wait3A_351, %dma_wait3A_353, %dma_wait3A_354] : memref<16x125x16xf32, #tpu.memory_space<vmem>> -> memref<1x125x16xf32, #tpu.memory_space<vmem>>
    %dma_wait3A_356 = tpu.memref_squeeze %dma_wait3A_355 : memref<1x125x16xf32, #tpu.memory_space<vmem>> -> memref<125x16xf32, #tpu.memory_space<vmem>>
    %dma_wait3A_357 = arith.constant 0 : i32
    %dma_wait3A_358 = arith.constant 0 : i32
    %dma_wait3A_359 = tpu.memref_slice %arg14[%dma_wait3A_357, %dma_wait3A_358] : memref<10240x16xf32, #tpu.memory_space<vmem_shared>> -> memref<125x16xf32, #tpu.memory_space<vmem_shared>>
    %dma_wait3A_360 = tpu.memref_slice %arg17[%dma_wait3A_352] : memref<4x!tpu.dma_semaphore, #tpu.memory_space<semaphore_mem>> -> memref<1x!tpu.dma_semaphore, #tpu.memory_space<semaphore_mem>>
    %dma_wait3A_361 = tpu.memref_squeeze %dma_wait3A_360 : memref<1x!tpu.dma_semaphore, #tpu.memory_space<semaphore_mem>> -> memref<!tpu.dma_semaphore, #tpu.memory_space<semaphore_mem>>
    %dma_wait3A_362 = arith.constant 0 : i32
    %dma_wait3A_363 = arith.constant 0 : i32
    %dma_wait3A_364 = tpu.memref_slice %arg14[%dma_wait3A_362, %dma_wait3A_363] : memref<10240x16xf32, #tpu.memory_space<vmem_shared>> -> memref<125x16xf32, #tpu.memory_space<vmem_shared>>
    %dma_wait3A_365 = arith.constant 0 : i32
    %dma_wait3A_366 = arith.constant 0 : i32
    %dma_wait3A_367 = tpu.memref_slice %arg9[%dma_wait3A_351, %dma_wait3A_365, %dma_wait3A_366] : memref<16x125x16xf32, #tpu.memory_space<vmem>> -> memref<1x125x16xf32, #tpu.memory_space<vmem>>
    %dma_wait3A_368 = tpu.memref_squeeze %dma_wait3A_367 : memref<1x125x16xf32, #tpu.memory_space<vmem>> -> memref<125x16xf32, #tpu.memory_space<vmem>>
    tpu.wait_dma2 semaphore(%dma_wait3A_361 : memref<!tpu.dma_semaphore, #tpu.memory_space<semaphore_mem>>) src(%dma_wait3A_368 : memref<125x16xf32, #tpu.memory_space<vmem>>) dst(%dma_wait3A_364 : memref<125x16xf32, #tpu.memory_space<vmem_shared>>)
    %dma_wait3A_369 = arith.constant 3 : i32
    %dma_wait3A_370 = arith.constant 2 : i32
    %dma_wait3A_371 = arith.constant 0 : i32
    %dma_wait3A_372 = arith.constant 0 : i32
    %dma_wait3A_373 = tpu.memref_slice %arg9[%dma_wait3A_369, %dma_wait3A_371, %dma_wait3A_372] : memref<16x125x16xf32, #tpu.memory_space<vmem>> -> memref<1x125x16xf32, #tpu.memory_space<vmem>>
    %dma_wait3A_374 = tpu.memref_squeeze %dma_wait3A_373 : memref<1x125x16xf32, #tpu.memory_space<vmem>> -> memref<125x16xf32, #tpu.memory_space<vmem>>
    %dma_wait3A_375 = arith.constant 0 : i32
    %dma_wait3A_376 = arith.constant 0 : i32
    %dma_wait3A_377 = tpu.memref_slice %arg14[%dma_wait3A_375, %dma_wait3A_376] : memref<10240x16xf32, #tpu.memory_space<vmem_shared>> -> memref<125x16xf32, #tpu.memory_space<vmem_shared>>
    %dma_wait3A_378 = tpu.memref_slice %arg17[%dma_wait3A_370] : memref<4x!tpu.dma_semaphore, #tpu.memory_space<semaphore_mem>> -> memref<1x!tpu.dma_semaphore, #tpu.memory_space<semaphore_mem>>
    %dma_wait3A_379 = tpu.memref_squeeze %dma_wait3A_378 : memref<1x!tpu.dma_semaphore, #tpu.memory_space<semaphore_mem>> -> memref<!tpu.dma_semaphore, #tpu.memory_space<semaphore_mem>>
    %dma_wait3A_380 = arith.constant 0 : i32
    %dma_wait3A_381 = arith.constant 0 : i32
    %dma_wait3A_382 = tpu.memref_slice %arg14[%dma_wait3A_380, %dma_wait3A_381] : memref<10240x16xf32, #tpu.memory_space<vmem_shared>> -> memref<125x16xf32, #tpu.memory_space<vmem_shared>>
    %dma_wait3A_383 = arith.constant 0 : i32
    %dma_wait3A_384 = arith.constant 0 : i32
    %dma_wait3A_385 = tpu.memref_slice %arg9[%dma_wait3A_369, %dma_wait3A_383, %dma_wait3A_384] : memref<16x125x16xf32, #tpu.memory_space<vmem>> -> memref<1x125x16xf32, #tpu.memory_space<vmem>>
    %dma_wait3A_386 = tpu.memref_squeeze %dma_wait3A_385 : memref<1x125x16xf32, #tpu.memory_space<vmem>> -> memref<125x16xf32, #tpu.memory_space<vmem>>
    tpu.wait_dma2 semaphore(%dma_wait3A_379 : memref<!tpu.dma_semaphore, #tpu.memory_space<semaphore_mem>>) src(%dma_wait3A_386 : memref<125x16xf32, #tpu.memory_space<vmem>>) dst(%dma_wait3A_382 : memref<125x16xf32, #tpu.memory_space<vmem_shared>>)
    %dma_wait3A_387 = arith.constant 0 : i32
    %dma_wait3A_388 = arith.constant 3 : i32
    %dma_wait3A_389 = arith.constant 0 : i32
    %dma_wait3A_390 = arith.constant 0 : i32
    %dma_wait3A_391 = tpu.memref_slice %arg9[%dma_wait3A_387, %dma_wait3A_389, %dma_wait3A_390] : memref<16x125x16xf32, #tpu.memory_space<vmem>> -> memref<1x125x16xf32, #tpu.memory_space<vmem>>
    %dma_wait3A_392 = tpu.memref_squeeze %dma_wait3A_391 : memref<1x125x16xf32, #tpu.memory_space<vmem>> -> memref<125x16xf32, #tpu.memory_space<vmem>>
    %dma_wait3A_393 = arith.constant 0 : i32
    %dma_wait3A_394 = arith.constant 0 : i32
    %dma_wait3A_395 = tpu.memref_slice %arg14[%dma_wait3A_393, %dma_wait3A_394] : memref<10240x16xf32, #tpu.memory_space<vmem_shared>> -> memref<125x16xf32, #tpu.memory_space<vmem_shared>>
    %dma_wait3A_396 = tpu.memref_slice %arg17[%dma_wait3A_388] : memref<4x!tpu.dma_semaphore, #tpu.memory_space<semaphore_mem>> -> memref<1x!tpu.dma_semaphore, #tpu.memory_space<semaphore_mem>>
    %dma_wait3A_397 = tpu.memref_squeeze %dma_wait3A_396 : memref<1x!tpu.dma_semaphore, #tpu.memory_space<semaphore_mem>> -> memref<!tpu.dma_semaphore, #tpu.memory_space<semaphore_mem>>
    %dma_wait3A_398 = arith.constant 0 : i32
    %dma_wait3A_399 = arith.constant 0 : i32
    %dma_wait3A_400 = tpu.memref_slice %arg14[%dma_wait3A_398, %dma_wait3A_399] : memref<10240x16xf32, #tpu.memory_space<vmem_shared>> -> memref<125x16xf32, #tpu.memory_space<vmem_shared>>
    %dma_wait3A_401 = arith.constant 0 : i32
    %dma_wait3A_402 = arith.constant 0 : i32
    %dma_wait3A_403 = tpu.memref_slice %arg9[%dma_wait3A_387, %dma_wait3A_401, %dma_wait3A_402] : memref<16x125x16xf32, #tpu.memory_space<vmem>> -> memref<1x125x16xf32, #tpu.memory_space<vmem>>
    %dma_wait3A_404 = tpu.memref_squeeze %dma_wait3A_403 : memref<1x125x16xf32, #tpu.memory_space<vmem>> -> memref<125x16xf32, #tpu.memory_space<vmem>>
    tpu.wait_dma2 semaphore(%dma_wait3A_397 : memref<!tpu.dma_semaphore, #tpu.memory_space<semaphore_mem>>) src(%dma_wait3A_404 : memref<125x16xf32, #tpu.memory_space<vmem>>) dst(%dma_wait3A_400 : memref<125x16xf32, #tpu.memory_space<vmem_shared>>)
    %dma_wait3A_405 = arith.constant 1 : i32
    %dma_wait3A_406 = arith.constant 3 : i32
    %dma_wait3A_407 = arith.constant 0 : i32
    %dma_wait3A_408 = arith.constant 0 : i32
    %dma_wait3A_409 = tpu.memref_slice %arg9[%dma_wait3A_405, %dma_wait3A_407, %dma_wait3A_408] : memref<16x125x16xf32, #tpu.memory_space<vmem>> -> memref<1x125x16xf32, #tpu.memory_space<vmem>>
    %dma_wait3A_410 = tpu.memref_squeeze %dma_wait3A_409 : memref<1x125x16xf32, #tpu.memory_space<vmem>> -> memref<125x16xf32, #tpu.memory_space<vmem>>
    %dma_wait3A_411 = arith.constant 0 : i32
    %dma_wait3A_412 = arith.constant 0 : i32
    %dma_wait3A_413 = tpu.memref_slice %arg14[%dma_wait3A_411, %dma_wait3A_412] : memref<10240x16xf32, #tpu.memory_space<vmem_shared>> -> memref<125x16xf32, #tpu.memory_space<vmem_shared>>
    %dma_wait3A_414 = tpu.memref_slice %arg17[%dma_wait3A_406] : memref<4x!tpu.dma_semaphore, #tpu.memory_space<semaphore_mem>> -> memref<1x!tpu.dma_semaphore, #tpu.memory_space<semaphore_mem>>
    %dma_wait3A_415 = tpu.memref_squeeze %dma_wait3A_414 : memref<1x!tpu.dma_semaphore, #tpu.memory_space<semaphore_mem>> -> memref<!tpu.dma_semaphore, #tpu.memory_space<semaphore_mem>>
    %dma_wait3A_416 = arith.constant 0 : i32
    %dma_wait3A_417 = arith.constant 0 : i32
    %dma_wait3A_418 = tpu.memref_slice %arg14[%dma_wait3A_416, %dma_wait3A_417] : memref<10240x16xf32, #tpu.memory_space<vmem_shared>> -> memref<125x16xf32, #tpu.memory_space<vmem_shared>>
    %dma_wait3A_419 = arith.constant 0 : i32
    %dma_wait3A_420 = arith.constant 0 : i32
    %dma_wait3A_421 = tpu.memref_slice %arg9[%dma_wait3A_405, %dma_wait3A_419, %dma_wait3A_420] : memref<16x125x16xf32, #tpu.memory_space<vmem>> -> memref<1x125x16xf32, #tpu.memory_space<vmem>>
    %dma_wait3A_422 = tpu.memref_squeeze %dma_wait3A_421 : memref<1x125x16xf32, #tpu.memory_space<vmem>> -> memref<125x16xf32, #tpu.memory_space<vmem>>
    tpu.wait_dma2 semaphore(%dma_wait3A_415 : memref<!tpu.dma_semaphore, #tpu.memory_space<semaphore_mem>>) src(%dma_wait3A_422 : memref<125x16xf32, #tpu.memory_space<vmem>>) dst(%dma_wait3A_418 : memref<125x16xf32, #tpu.memory_space<vmem_shared>>)
    %dma_wait3A_423 = arith.constant 2 : i32
    %dma_wait3A_424 = arith.constant 3 : i32
    %dma_wait3A_425 = arith.constant 0 : i32
    %dma_wait3A_426 = arith.constant 0 : i32
    %dma_wait3A_427 = tpu.memref_slice %arg9[%dma_wait3A_423, %dma_wait3A_425, %dma_wait3A_426] : memref<16x125x16xf32, #tpu.memory_space<vmem>> -> memref<1x125x16xf32, #tpu.memory_space<vmem>>
    %dma_wait3A_428 = tpu.memref_squeeze %dma_wait3A_427 : memref<1x125x16xf32, #tpu.memory_space<vmem>> -> memref<125x16xf32, #tpu.memory_space<vmem>>
    %dma_wait3A_429 = arith.constant 0 : i32
    %dma_wait3A_430 = arith.constant 0 : i32
    %dma_wait3A_431 = tpu.memref_slice %arg14[%dma_wait3A_429, %dma_wait3A_430] : memref<10240x16xf32, #tpu.memory_space<vmem_shared>> -> memref<125x16xf32, #tpu.memory_space<vmem_shared>>
    %dma_wait3A_432 = tpu.memref_slice %arg17[%dma_wait3A_424] : memref<4x!tpu.dma_semaphore, #tpu.memory_space<semaphore_mem>> -> memref<1x!tpu.dma_semaphore, #tpu.memory_space<semaphore_mem>>
    %dma_wait3A_433 = tpu.memref_squeeze %dma_wait3A_432 : memref<1x!tpu.dma_semaphore, #tpu.memory_space<semaphore_mem>> -> memref<!tpu.dma_semaphore, #tpu.memory_space<semaphore_mem>>
    %dma_wait3A_434 = arith.constant 0 : i32
    %dma_wait3A_435 = arith.constant 0 : i32
    %dma_wait3A_436 = tpu.memref_slice %arg14[%dma_wait3A_434, %dma_wait3A_435] : memref<10240x16xf32, #tpu.memory_space<vmem_shared>> -> memref<125x16xf32, #tpu.memory_space<vmem_shared>>
    %dma_wait3A_437 = arith.constant 0 : i32
    %dma_wait3A_438 = arith.constant 0 : i32
    %dma_wait3A_439 = tpu.memref_slice %arg9[%dma_wait3A_423, %dma_wait3A_437, %dma_wait3A_438] : memref<16x125x16xf32, #tpu.memory_space<vmem>> -> memref<1x125x16xf32, #tpu.memory_space<vmem>>
    %dma_wait3A_440 = tpu.memref_squeeze %dma_wait3A_439 : memref<1x125x16xf32, #tpu.memory_space<vmem>> -> memref<125x16xf32, #tpu.memory_space<vmem>>
    tpu.wait_dma2 semaphore(%dma_wait3A_433 : memref<!tpu.dma_semaphore, #tpu.memory_space<semaphore_mem>>) src(%dma_wait3A_440 : memref<125x16xf32, #tpu.memory_space<vmem>>) dst(%dma_wait3A_436 : memref<125x16xf32, #tpu.memory_space<vmem_shared>>)
    %dma_wait3A_441 = arith.constant 3 : i32
    %dma_wait3A_442 = arith.constant 3 : i32
    %dma_wait3A_443 = arith.constant 0 : i32
    %dma_wait3A_444 = arith.constant 0 : i32
    %dma_wait3A_445 = tpu.memref_slice %arg9[%dma_wait3A_441, %dma_wait3A_443, %dma_wait3A_444] : memref<16x125x16xf32, #tpu.memory_space<vmem>> -> memref<1x125x16xf32, #tpu.memory_space<vmem>>
    %dma_wait3A_446 = tpu.memref_squeeze %dma_wait3A_445 : memref<1x125x16xf32, #tpu.memory_space<vmem>> -> memref<125x16xf32, #tpu.memory_space<vmem>>
    %dma_wait3A_447 = arith.constant 0 : i32
    %dma_wait3A_448 = arith.constant 0 : i32
    %dma_wait3A_449 = tpu.memref_slice %arg14[%dma_wait3A_447, %dma_wait3A_448] : memref<10240x16xf32, #tpu.memory_space<vmem_shared>> -> memref<125x16xf32, #tpu.memory_space<vmem_shared>>
    %dma_wait3A_450 = tpu.memref_slice %arg17[%dma_wait3A_442] : memref<4x!tpu.dma_semaphore, #tpu.memory_space<semaphore_mem>> -> memref<1x!tpu.dma_semaphore, #tpu.memory_space<semaphore_mem>>
    %dma_wait3A_451 = tpu.memref_squeeze %dma_wait3A_450 : memref<1x!tpu.dma_semaphore, #tpu.memory_space<semaphore_mem>> -> memref<!tpu.dma_semaphore, #tpu.memory_space<semaphore_mem>>
    %dma_wait3A_452 = arith.constant 0 : i32
    %dma_wait3A_453 = arith.constant 0 : i32
    %dma_wait3A_454 = tpu.memref_slice %arg14[%dma_wait3A_452, %dma_wait3A_453] : memref<10240x16xf32, #tpu.memory_space<vmem_shared>> -> memref<125x16xf32, #tpu.memory_space<vmem_shared>>
    %dma_wait3A_455 = arith.constant 0 : i32
    %dma_wait3A_456 = arith.constant 0 : i32
    %dma_wait3A_457 = tpu.memref_slice %arg9[%dma_wait3A_441, %dma_wait3A_455, %dma_wait3A_456] : memref<16x125x16xf32, #tpu.memory_space<vmem>> -> memref<1x125x16xf32, #tpu.memory_space<vmem>>
    %dma_wait3A_458 = tpu.memref_squeeze %dma_wait3A_457 : memref<1x125x16xf32, #tpu.memory_space<vmem>> -> memref<125x16xf32, #tpu.memory_space<vmem>>
    tpu.wait_dma2 semaphore(%dma_wait3A_451 : memref<!tpu.dma_semaphore, #tpu.memory_space<semaphore_mem>>) src(%dma_wait3A_458 : memref<125x16xf32, #tpu.memory_space<vmem>>) dst(%dma_wait3A_454 : memref<125x16xf32, #tpu.memory_space<vmem_shared>>)
    %barrier3A_459 = arith.constant 0 : index
    tpu.barrier barrier_id(%barrier3A_459)
    "tpu.region"() ({
      %run_scoped3A = tpu.sem_alloc : memref<!tpu.dma_semaphore, #tpu.memory_space<semaphore_mem>>
      %dma_start3A_467 = arith.constant 0 : i32
      %dma_start3A_468 = tpu.memref_slice %arg14[%mul3A_2, %dma_start3A_467] : memref<10240x16xf32, #tpu.memory_space<vmem_shared>> -> memref<640x16xf32, #tpu.memory_space<vmem_shared>>
      %dma_start3A_469 = arith.constant 0 : i32
      %dma_start3A_470 = tpu.memref_slice %arg14[%mul3A_2, %dma_start3A_469] : memref<10240x16xf32, #tpu.memory_space<vmem_shared>> -> memref<640x16xf32, #tpu.memory_space<vmem_shared>>
      tpu.enqueue_dma source(%dma_start3A_470 : memref<640x16xf32, #tpu.memory_space<vmem_shared>>) target(%arg10 : memref<640x16xf32, #tpu.memory_space<vmem>>) target_semaphore(%run_scoped3A : memref<!tpu.dma_semaphore, #tpu.memory_space<semaphore_mem>>)
      %dma_wait3A_471 = arith.constant 0 : i32
      %dma_wait3A_472 = tpu.memref_slice %arg14[%mul3A_2, %dma_wait3A_471] : memref<10240x16xf32, #tpu.memory_space<vmem_shared>> -> memref<640x16xf32, #tpu.memory_space<vmem_shared>>
      %dma_wait3A_473 = arith.constant 0 : i32
      %dma_wait3A_474 = tpu.memref_slice %arg14[%mul3A_2, %dma_wait3A_473] : memref<10240x16xf32, #tpu.memory_space<vmem_shared>> -> memref<640x16xf32, #tpu.memory_space<vmem_shared>>
      tpu.wait_dma2 semaphore(%run_scoped3A : memref<!tpu.dma_semaphore, #tpu.memory_space<semaphore_mem>>) src(%dma_wait3A_474 : memref<640x16xf32, #tpu.memory_space<vmem_shared>>) dst(%arg10 : memref<640x16xf32, #tpu.memory_space<vmem>>)
      tpu.yield
    }) : () -> ()
    %scan3A_460 = arith.constant 0 : i32
    %scan3A_461 = arith.constant 0 : i32
    %scan3A_462 = arith.constant 40 : i32
    %scan3A_463 = arith.addi %scan3A_461, %scan3A_462 : i32
    %scan3A_464 = arith.constant 1 : i32
    %scan3A_465 = scf.for %scan3A_467 = %scan3A_461 to %scan3A_463 step %scan3A_464 iter_args(%scan3A_468 = %scan3A_460) -> (i32)  : i32 {
      %mul3A_469 = arith.constant 16 : i32
      %mul3A_470 = arith.muli %scan3A_467, %mul3A_469 : i32
      %get3A = arith.index_cast %mul3A_470 : i32 to index
      %get3A_471 = tpu.vector_load %arg12[%get3A] {strides = array<i32>} : memref<640xf32, #tpu.memory_space<vmem>>, vector<16xf32>,
      %mul3A_472 = arith.constant 16 : i32
      %mul3A_473 = arith.muli %scan3A_467, %mul3A_472 : i32
      %add3A_474 = arith.constant 0 : i32
      %add3A_475 = arith.addi %mul3A_473, %add3A_474 : i32
      %get3A_476 = arith.index_cast %add3A_475 : i32 to index
      %get3A_477 = arith.constant 0 : index
      %get3A_478 = tpu.vector_load %arg10[%get3A_476, %get3A_477] {strides = array<i32>} : memref<640x16xf32, #tpu.memory_space<vmem>>, vector<16xf32>,
      %slice3A = vector.extract_strided_slice %get3A_471 {offsets = [0], sizes = [1], strides = [1]} : vector<16xf32> to vector<1xf32>
      %squeeze3A = vector.extract %slice3A[0] : f32 from vector<1xf32>
      %mul3A_479 = vector.broadcast %squeeze3A : f32 to vector<16xf32>
      %mul3A_480 = arith.mulf %get3A_478, %mul3A_479 : vector<16xf32>
      %swap3A = arith.index_cast %add3A_475 : i32 to index
      %swap3A_481 = arith.constant 0 : index
      %swap3A_482 = tpu.vector_load %arg10[%swap3A, %swap3A_481] {strides = array<i32>} : memref<640x16xf32, #tpu.memory_space<vmem>>, vector<16xf32>,
      tpu.vector_store %arg10[%swap3A, %swap3A_481], %mul3A_480 {strides = array<i32>} : memref<640x16xf32, #tpu.memory_space<vmem>>, vector<16xf32>,
      %mul3A_483 = arith.constant 16 : i32
      %mul3A_484 = arith.muli %scan3A_467, %mul3A_483 : i32
      %add3A_485 = arith.constant 1 : i32
      %add3A_486 = arith.addi %mul3A_484, %add3A_485 : i32
      %get3A_487 = arith.index_cast %add3A_486 : i32 to index
      %get3A_488 = arith.constant 0 : index
      %get3A_489 = tpu.vector_load %arg10[%get3A_487, %get3A_488] {strides = array<i32>} : memref<640x16xf32, #tpu.memory_space<vmem>>, vector<16xf32>,
      %slice3A_490 = vector.extract_strided_slice %get3A_471 {offsets = [1], sizes = [1], strides = [1]} : vector<16xf32> to vector<1xf32>
      %squeeze3A_491 = vector.extract %slice3A_490[0] : f32 from vector<1xf32>
      %mul3A_492 = vector.broadcast %squeeze3A_491 : f32 to vector<16xf32>
      %mul3A_493 = arith.mulf %get3A_489, %mul3A_492 : vector<16xf32>
      %swap3A_494 = arith.index_cast %add3A_486 : i32 to index
      %swap3A_495 = arith.constant 0 : index
      %swap3A_496 = tpu.vector_load %arg10[%swap3A_494, %swap3A_495] {strides = array<i32>} : memref<640x16xf32, #tpu.memory_space<vmem>>, vector<16xf32>,
      tpu.vector_store %arg10[%swap3A_494, %swap3A_495], %mul3A_493 {strides = array<i32>} : memref<640x16xf32, #tpu.memory_space<vmem>>, vector<16xf32>,
      %mul3A_497 = arith.constant 16 : i32
      %mul3A_498 = arith.muli %scan3A_467, %mul3A_497 : i32
      %add3A_499 = arith.constant 2 : i32
      %add3A_500 = arith.addi %mul3A_498, %add3A_499 : i32
      %get3A_501 = arith.index_cast %add3A_500 : i32 to index
      %get3A_502 = arith.constant 0 : index
      %get3A_503 = tpu.vector_load %arg10[%get3A_501, %get3A_502] {strides = array<i32>} : memref<640x16xf32, #tpu.memory_space<vmem>>, vector<16xf32>,
      %slice3A_504 = vector.extract_strided_slice %get3A_471 {offsets = [2], sizes = [1], strides = [1]} : vector<16xf32> to vector<1xf32>
      %squeeze3A_505 = vector.extract %slice3A_504[0] : f32 from vector<1xf32>
      %mul3A_506 = vector.broadcast %squeeze3A_505 : f32 to vector<16xf32>
      %mul3A_507 = arith.mulf %get3A_503, %mul3A_506 : vector<16xf32>
      %swap3A_508 = arith.index_cast %add3A_500 : i32 to index
      %swap3A_509 = arith.constant 0 : index
      %swap3A_510 = tpu.vector_load %arg10[%swap3A_508, %swap3A_509] {strides = array<i32>} : memref<640x16xf32, #tpu.memory_space<vmem>>, vector<16xf32>,
      tpu.vector_store %arg10[%swap3A_508, %swap3A_509], %mul3A_507 {strides = array<i32>} : memref<640x16xf32, #tpu.memory_space<vmem>>, vector<16xf32>,
      %mul3A_511 = arith.constant 16 : i32
      %mul3A_512 = arith.muli %scan3A_467, %mul3A_511 : i32
      %add3A_513 = arith.constant 3 : i32
      %add3A_514 = arith.addi %mul3A_512, %add3A_513 : i32
      %get3A_515 = arith.index_cast %add3A_514 : i32 to index
      %get3A_516 = arith.constant 0 : index
      %get3A_517 = tpu.vector_load %arg10[%get3A_515, %get3A_516] {strides = array<i32>} : memref<640x16xf32, #tpu.memory_space<vmem>>, vector<16xf32>,
      %slice3A_518 = vector.extract_strided_slice %get3A_471 {offsets = [3], sizes = [1], strides = [1]} : vector<16xf32> to vector<1xf32>
      %squeeze3A_519 = vector.extract %slice3A_518[0] : f32 from vector<1xf32>
      %mul3A_520 = vector.broadcast %squeeze3A_519 : f32 to vector<16xf32>
      %mul3A_521 = arith.mulf %get3A_517, %mul3A_520 : vector<16xf32>
      %swap3A_522 = arith.index_cast %add3A_514 : i32 to index
      %swap3A_523 = arith.constant 0 : index
      %swap3A_524 = tpu.vector_load %arg10[%swap3A_522, %swap3A_523] {strides = array<i32>} : memref<640x16xf32, #tpu.memory_space<vmem>>, vector<16xf32>,
      tpu.vector_store %arg10[%swap3A_522, %swap3A_523], %mul3A_521 {strides = array<i32>} : memref<640x16xf32, #tpu.memory_space<vmem>>, vector<16xf32>,
      %mul3A_525 = arith.constant 16 : i32
      %mul3A_526 = arith.muli %scan3A_467, %mul3A_525 : i32
      %add3A_527 = arith.constant 4 : i32
      %add3A_528 = arith.addi %mul3A_526, %add3A_527 : i32
      %get3A_529 = arith.index_cast %add3A_528 : i32 to index
      %get3A_530 = arith.constant 0 : index
      %get3A_531 = tpu.vector_load %arg10[%get3A_529, %get3A_530] {strides = array<i32>} : memref<640x16xf32, #tpu.memory_space<vmem>>, vector<16xf32>,
      %slice3A_532 = vector.extract_strided_slice %get3A_471 {offsets = [4], sizes = [1], strides = [1]} : vector<16xf32> to vector<1xf32>
      %squeeze3A_533 = vector.extract %slice3A_532[0] : f32 from vector<1xf32>
      %mul3A_534 = vector.broadcast %squeeze3A_533 : f32 to vector<16xf32>
      %mul3A_535 = arith.mulf %get3A_531, %mul3A_534 : vector<16xf32>
      %swap3A_536 = arith.index_cast %add3A_528 : i32 to index
      %swap3A_537 = arith.constant 0 : index
      %swap3A_538 = tpu.vector_load %arg10[%swap3A_536, %swap3A_537] {strides = array<i32>} : memref<640x16xf32, #tpu.memory_space<vmem>>, vector<16xf32>,
      tpu.vector_store %arg10[%swap3A_536, %swap3A_537], %mul3A_535 {strides = array<i32>} : memref<640x16xf32, #tpu.memory_space<vmem>>, vector<16xf32>,
      %mul3A_539 = arith.constant 16 : i32
      %mul3A_540 = arith.muli %scan3A_467, %mul3A_539 : i32
      %add3A_541 = arith.constant 5 : i32
      %add3A_542 = arith.addi %mul3A_540, %add3A_541 : i32
      %get3A_543 = arith.index_cast %add3A_542 : i32 to index
      %get3A_544 = arith.constant 0 : index
      %get3A_545 = tpu.vector_load %arg10[%get3A_543, %get3A_544] {strides = array<i32>} : memref<640x16xf32, #tpu.memory_space<vmem>>, vector<16xf32>,
      %slice3A_546 = vector.extract_strided_slice %get3A_471 {offsets = [5], sizes = [1], strides = [1]} : vector<16xf32> to vector<1xf32>
      %squeeze3A_547 = vector.extract %slice3A_546[0] : f32 from vector<1xf32>
      %mul3A_548 = vector.broadcast %squeeze3A_547 : f32 to vector<16xf32>
      %mul3A_549 = arith.mulf %get3A_545, %mul3A_548 : vector<16xf32>
      %swap3A_550 = arith.index_cast %add3A_542 : i32 to index
      %swap3A_551 = arith.constant 0 : index
      %swap3A_552 = tpu.vector_load %arg10[%swap3A_550, %swap3A_551] {strides = array<i32>} : memref<640x16xf32, #tpu.memory_space<vmem>>, vector<16xf32>,
      tpu.vector_store %arg10[%swap3A_550, %swap3A_551], %mul3A_549 {strides = array<i32>} : memref<640x16xf32, #tpu.memory_space<vmem>>, vector<16xf32>,
      %mul3A_553 = arith.constant 16 : i32
      %mul3A_554 = arith.muli %scan3A_467, %mul3A_553 : i32
      %add3A_555 = arith.constant 6 : i32
      %add3A_556 = arith.addi %mul3A_554, %add3A_555 : i32
      %get3A_557 = arith.index_cast %add3A_556 : i32 to index
      %get3A_558 = arith.constant 0 : index
      %get3A_559 = tpu.vector_load %arg10[%get3A_557, %get3A_558] {strides = array<i32>} : memref<640x16xf32, #tpu.memory_space<vmem>>, vector<16xf32>,
      %slice3A_560 = vector.extract_strided_slice %get3A_471 {offsets = [6], sizes = [1], strides = [1]} : vector<16xf32> to vector<1xf32>
      %squeeze3A_561 = vector.extract %slice3A_560[0] : f32 from vector<1xf32>
      %mul3A_562 = vector.broadcast %squeeze3A_561 : f32 to vector<16xf32>
      %mul3A_563 = arith.mulf %get3A_559, %mul3A_562 : vector<16xf32>
      %swap3A_564 = arith.index_cast %add3A_556 : i32 to index
      %swap3A_565 = arith.constant 0 : index
      %swap3A_566 = tpu.vector_load %arg10[%swap3A_564, %swap3A_565] {strides = array<i32>} : memref<640x16xf32, #tpu.memory_space<vmem>>, vector<16xf32>,
      tpu.vector_store %arg10[%swap3A_564, %swap3A_565], %mul3A_563 {strides = array<i32>} : memref<640x16xf32, #tpu.memory_space<vmem>>, vector<16xf32>,
      %mul3A_567 = arith.constant 16 : i32
      %mul3A_568 = arith.muli %scan3A_467, %mul3A_567 : i32
      %add3A_569 = arith.constant 7 : i32
      %add3A_570 = arith.addi %mul3A_568, %add3A_569 : i32
      %get3A_571 = arith.index_cast %add3A_570 : i32 to index
      %get3A_572 = arith.constant 0 : index
      %get3A_573 = tpu.vector_load %arg10[%get3A_571, %get3A_572] {strides = array<i32>} : memref<640x16xf32, #tpu.memory_space<vmem>>, vector<16xf32>,
      %slice3A_574 = vector.extract_strided_slice %get3A_471 {offsets = [7], sizes = [1], strides = [1]} : vector<16xf32> to vector<1xf32>
      %squeeze3A_575 = vector.extract %slice3A_574[0] : f32 from vector<1xf32>
      %mul3A_576 = vector.broadcast %squeeze3A_575 : f32 to vector<16xf32>
      %mul3A_577 = arith.mulf %get3A_573, %mul3A_576 : vector<16xf32>
      %swap3A_578 = arith.index_cast %add3A_570 : i32 to index
      %swap3A_579 = arith.constant 0 : index
      %swap3A_580 = tpu.vector_load %arg10[%swap3A_578, %swap3A_579] {strides = array<i32>} : memref<640x16xf32, #tpu.memory_space<vmem>>, vector<16xf32>,
      tpu.vector_store %arg10[%swap3A_578, %swap3A_579], %mul3A_577 {strides = array<i32>} : memref<640x16xf32, #tpu.memory_space<vmem>>, vector<16xf32>,
      %mul3A_581 = arith.constant 16 : i32
      %mul3A_582 = arith.muli %scan3A_467, %mul3A_581 : i32
      %add3A_583 = arith.constant 8 : i32
      %add3A_584 = arith.addi %mul3A_582, %add3A_583 : i32
      %get3A_585 = arith.index_cast %add3A_584 : i32 to index
      %get3A_586 = arith.constant 0 : index
      %get3A_587 = tpu.vector_load %arg10[%get3A_585, %get3A_586] {strides = array<i32>} : memref<640x16xf32, #tpu.memory_space<vmem>>, vector<16xf32>,
      %slice3A_588 = vector.extract_strided_slice %get3A_471 {offsets = [8], sizes = [1], strides = [1]} : vector<16xf32> to vector<1xf32>
      %squeeze3A_589 = vector.extract %slice3A_588[0] : f32 from vector<1xf32>
      %mul3A_590 = vector.broadcast %squeeze3A_589 : f32 to vector<16xf32>
      %mul3A_591 = arith.mulf %get3A_587, %mul3A_590 : vector<16xf32>
      %swap3A_592 = arith.index_cast %add3A_584 : i32 to index
      %swap3A_593 = arith.constant 0 : index
      %swap3A_594 = tpu.vector_load %arg10[%swap3A_592, %swap3A_593] {strides = array<i32>} : memref<640x16xf32, #tpu.memory_space<vmem>>, vector<16xf32>,
      tpu.vector_store %arg10[%swap3A_592, %swap3A_593], %mul3A_591 {strides = array<i32>} : memref<640x16xf32, #tpu.memory_space<vmem>>, vector<16xf32>,
      %mul3A_595 = arith.constant 16 : i32
      %mul3A_596 = arith.muli %scan3A_467, %mul3A_595 : i32
      %add3A_597 = arith.constant 9 : i32
      %add3A_598 = arith.addi %mul3A_596, %add3A_597 : i32
      %get3A_599 = arith.index_cast %add3A_598 : i32 to index
      %get3A_600 = arith.constant 0 : index
      %get3A_601 = tpu.vector_load %arg10[%get3A_599, %get3A_600] {strides = array<i32>} : memref<640x16xf32, #tpu.memory_space<vmem>>, vector<16xf32>,
      %slice3A_602 = vector.extract_strided_slice %get3A_471 {offsets = [9], sizes = [1], strides = [1]} : vector<16xf32> to vector<1xf32>
      %squeeze3A_603 = vector.extract %slice3A_602[0] : f32 from vector<1xf32>
      %mul3A_604 = vector.broadcast %squeeze3A_603 : f32 to vector<16xf32>
      %mul3A_605 = arith.mulf %get3A_601, %mul3A_604 : vector<16xf32>
      %swap3A_606 = arith.index_cast %add3A_598 : i32 to index
      %swap3A_607 = arith.constant 0 : index
      %swap3A_608 = tpu.vector_load %arg10[%swap3A_606, %swap3A_607] {strides = array<i32>} : memref<640x16xf32, #tpu.memory_space<vmem>>, vector<16xf32>,
      tpu.vector_store %arg10[%swap3A_606, %swap3A_607], %mul3A_605 {strides = array<i32>} : memref<640x16xf32, #tpu.memory_space<vmem>>, vector<16xf32>,
      %mul3A_609 = arith.constant 16 : i32
      %mul3A_610 = arith.muli %scan3A_467, %mul3A_609 : i32
      %add3A_611 = arith.constant 10 : i32
      %add3A_612 = arith.addi %mul3A_610, %add3A_611 : i32
      %get3A_613 = arith.index_cast %add3A_612 : i32 to index
      %get3A_614 = arith.constant 0 : index
      %get3A_615 = tpu.vector_load %arg10[%get3A_613, %get3A_614] {strides = array<i32>} : memref<640x16xf32, #tpu.memory_space<vmem>>, vector<16xf32>,
      %slice3A_616 = vector.extract_strided_slice %get3A_471 {offsets = [10], sizes = [1], strides = [1]} : vector<16xf32> to vector<1xf32>
      %squeeze3A_617 = vector.extract %slice3A_616[0] : f32 from vector<1xf32>
      %mul3A_618 = vector.broadcast %squeeze3A_617 : f32 to vector<16xf32>
      %mul3A_619 = arith.mulf %get3A_615, %mul3A_618 : vector<16xf32>
      %swap3A_620 = arith.index_cast %add3A_612 : i32 to index
      %swap3A_621 = arith.constant 0 : index
      %swap3A_622 = tpu.vector_load %arg10[%swap3A_620, %swap3A_621] {strides = array<i32>} : memref<640x16xf32, #tpu.memory_space<vmem>>, vector<16xf32>,
      tpu.vector_store %arg10[%swap3A_620, %swap3A_621], %mul3A_619 {strides = array<i32>} : memref<640x16xf32, #tpu.memory_space<vmem>>, vector<16xf32>,
      %mul3A_623 = arith.constant 16 : i32
      %mul3A_624 = arith.muli %scan3A_467, %mul3A_623 : i32
      %add3A_625 = arith.constant 11 : i32
      %add3A_626 = arith.addi %mul3A_624, %add3A_625 : i32
      %get3A_627 = arith.index_cast %add3A_626 : i32 to index
      %get3A_628 = arith.constant 0 : index
      %get3A_629 = tpu.vector_load %arg10[%get3A_627, %get3A_628] {strides = array<i32>} : memref<640x16xf32, #tpu.memory_space<vmem>>, vector<16xf32>,
      %slice3A_630 = vector.extract_strided_slice %get3A_471 {offsets = [11], sizes = [1], strides = [1]} : vector<16xf32> to vector<1xf32>
      %squeeze3A_631 = vector.extract %slice3A_630[0] : f32 from vector<1xf32>
      %mul3A_632 = vector.broadcast %squeeze3A_631 : f32 to vector<16xf32>
      %mul3A_633 = arith.mulf %get3A_629, %mul3A_632 : vector<16xf32>
      %swap3A_634 = arith.index_cast %add3A_626 : i32 to index
      %swap3A_635 = arith.constant 0 : index
      %swap3A_636 = tpu.vector_load %arg10[%swap3A_634, %swap3A_635] {strides = array<i32>} : memref<640x16xf32, #tpu.memory_space<vmem>>, vector<16xf32>,
      tpu.vector_store %arg10[%swap3A_634, %swap3A_635], %mul3A_633 {strides = array<i32>} : memref<640x16xf32, #tpu.memory_space<vmem>>, vector<16xf32>,
      %mul3A_637 = arith.constant 16 : i32
      %mul3A_638 = arith.muli %scan3A_467, %mul3A_637 : i32
      %add3A_639 = arith.constant 12 : i32
      %add3A_640 = arith.addi %mul3A_638, %add3A_639 : i32
      %get3A_641 = arith.index_cast %add3A_640 : i32 to index
      %get3A_642 = arith.constant 0 : index
      %get3A_643 = tpu.vector_load %arg10[%get3A_641, %get3A_642] {strides = array<i32>} : memref<640x16xf32, #tpu.memory_space<vmem>>, vector<16xf32>,
      %slice3A_644 = vector.extract_strided_slice %get3A_471 {offsets = [12], sizes = [1], strides = [1]} : vector<16xf32> to vector<1xf32>
      %squeeze3A_645 = vector.extract %slice3A_644[0] : f32 from vector<1xf32>
      %mul3A_646 = vector.broadcast %squeeze3A_645 : f32 to vector<16xf32>
      %mul3A_647 = arith.mulf %get3A_643, %mul3A_646 : vector<16xf32>
      %swap3A_648 = arith.index_cast %add3A_640 : i32 to index
      %swap3A_649 = arith.constant 0 : index
      %swap3A_650 = tpu.vector_load %arg10[%swap3A_648, %swap3A_649] {strides = array<i32>} : memref<640x16xf32, #tpu.memory_space<vmem>>, vector<16xf32>,
      tpu.vector_store %arg10[%swap3A_648, %swap3A_649], %mul3A_647 {strides = array<i32>} : memref<640x16xf32, #tpu.memory_space<vmem>>, vector<16xf32>,
      %mul3A_651 = arith.constant 16 : i32
      %mul3A_652 = arith.muli %scan3A_467, %mul3A_651 : i32
      %add3A_653 = arith.constant 13 : i32
      %add3A_654 = arith.addi %mul3A_652, %add3A_653 : i32
      %get3A_655 = arith.index_cast %add3A_654 : i32 to index
      %get3A_656 = arith.constant 0 : index
      %get3A_657 = tpu.vector_load %arg10[%get3A_655, %get3A_656] {strides = array<i32>} : memref<640x16xf32, #tpu.memory_space<vmem>>, vector<16xf32>,
      %slice3A_658 = vector.extract_strided_slice %get3A_471 {offsets = [13], sizes = [1], strides = [1]} : vector<16xf32> to vector<1xf32>
      %squeeze3A_659 = vector.extract %slice3A_658[0] : f32 from vector<1xf32>
      %mul3A_660 = vector.broadcast %squeeze3A_659 : f32 to vector<16xf32>
      %mul3A_661 = arith.mulf %get3A_657, %mul3A_660 : vector<16xf32>
      %swap3A_662 = arith.index_cast %add3A_654 : i32 to index
      %swap3A_663 = arith.constant 0 : index
      %swap3A_664 = tpu.vector_load %arg10[%swap3A_662, %swap3A_663] {strides = array<i32>} : memref<640x16xf32, #tpu.memory_space<vmem>>, vector<16xf32>,
      tpu.vector_store %arg10[%swap3A_662, %swap3A_663], %mul3A_661 {strides = array<i32>} : memref<640x16xf32, #tpu.memory_space<vmem>>, vector<16xf32>,
      %mul3A_665 = arith.constant 16 : i32
      %mul3A_666 = arith.muli %scan3A_467, %mul3A_665 : i32
      %add3A_667 = arith.constant 14 : i32
      %add3A_668 = arith.addi %mul3A_666, %add3A_667 : i32
      %get3A_669 = arith.index_cast %add3A_668 : i32 to index
      %get3A_670 = arith.constant 0 : index
      %get3A_671 = tpu.vector_load %arg10[%get3A_669, %get3A_670] {strides = array<i32>} : memref<640x16xf32, #tpu.memory_space<vmem>>, vector<16xf32>,
      %slice3A_672 = vector.extract_strided_slice %get3A_471 {offsets = [14], sizes = [1], strides = [1]} : vector<16xf32> to vector<1xf32>
      %squeeze3A_673 = vector.extract %slice3A_672[0] : f32 from vector<1xf32>
      %mul3A_674 = vector.broadcast %squeeze3A_673 : f32 to vector<16xf32>
      %mul3A_675 = arith.mulf %get3A_671, %mul3A_674 : vector<16xf32>
      %swap3A_676 = arith.index_cast %add3A_668 : i32 to index
      %swap3A_677 = arith.constant 0 : index
      %swap3A_678 = tpu.vector_load %arg10[%swap3A_676, %swap3A_677] {strides = array<i32>} : memref<640x16xf32, #tpu.memory_space<vmem>>, vector<16xf32>,
      tpu.vector_store %arg10[%swap3A_676, %swap3A_677], %mul3A_675 {strides = array<i32>} : memref<640x16xf32, #tpu.memory_space<vmem>>, vector<16xf32>,
      %mul3A_679 = arith.constant 16 : i32
      %mul3A_680 = arith.muli %scan3A_467, %mul3A_679 : i32
      %add3A_681 = arith.constant 15 : i32
      %add3A_682 = arith.addi %mul3A_680, %add3A_681 : i32
      %get3A_683 = arith.index_cast %add3A_682 : i32 to index
      %get3A_684 = arith.constant 0 : index
      %get3A_685 = tpu.vector_load %arg10[%get3A_683, %get3A_684] {strides = array<i32>} : memref<640x16xf32, #tpu.memory_space<vmem>>, vector<16xf32>,
      %slice3A_686 = vector.extract_strided_slice %get3A_471 {offsets = [15], sizes = [1], strides = [1]} : vector<16xf32> to vector<1xf32>
      %squeeze3A_687 = vector.extract %slice3A_686[0] : f32 from vector<1xf32>
      %mul3A_688 = vector.broadcast %squeeze3A_687 : f32 to vector<16xf32>
      %mul3A_689 = arith.mulf %get3A_685, %mul3A_688 : vector<16xf32>
      %swap3A_690 = arith.index_cast %add3A_682 : i32 to index
      %swap3A_691 = arith.constant 0 : index
      %swap3A_692 = tpu.vector_load %arg10[%swap3A_690, %swap3A_691] {strides = array<i32>} : memref<640x16xf32, #tpu.memory_space<vmem>>, vector<16xf32>,
      tpu.vector_store %arg10[%swap3A_690, %swap3A_691], %mul3A_689 {strides = array<i32>} : memref<640x16xf32, #tpu.memory_space<vmem>>, vector<16xf32>,
      %scan3A_693 = arith.constant 0 : i32
      scf.yield %scan3A_693 : i32
    }
    %scan3A_466 = arith.constant 40 : i32
    "tpu.region"() ({
      %run_scoped3A = tpu.sem_alloc : memref<!tpu.dma_semaphore, #tpu.memory_space<semaphore_mem>>
      %dma_start3A_467 = arith.constant 0 : i32
      %dma_start3A_468 = tpu.memref_slice %arg6[%arg0, %mul3A_2, %dma_start3A_467] : memref<2x10240x16xf32, #tpu.memory_space<hbm>> -> memref<1x640x16xf32, #tpu.memory_space<hbm>>
      %dma_start3A_469 = tpu.memref_squeeze %dma_start3A_468 : memref<1x640x16xf32, #tpu.memory_space<hbm>> -> memref<640x16xf32, #tpu.memory_space<hbm>>
      %dma_start3A_470 = arith.constant 0 : i32
      %dma_start3A_471 = tpu.memref_slice %arg6[%arg0, %mul3A_2, %dma_start3A_470] : memref<2x10240x16xf32, #tpu.memory_space<hbm>> -> memref<1x640x16xf32, #tpu.memory_space<hbm>>
      %dma_start3A_472 = tpu.memref_squeeze %dma_start3A_471 : memref<1x640x16xf32, #tpu.memory_space<hbm>> -> memref<640x16xf32, #tpu.memory_space<hbm>>
      tpu.enqueue_dma source(%arg10 : memref<640x16xf32, #tpu.memory_space<vmem>>) target(%dma_start3A_472 : memref<640x16xf32, #tpu.memory_space<hbm>>) target_semaphore(%run_scoped3A : memref<!tpu.dma_semaphore, #tpu.memory_space<semaphore_mem>>)
      %dma_wait3A_473 = arith.constant 0 : i32
      %dma_wait3A_474 = tpu.memref_slice %arg6[%arg0, %mul3A_2, %dma_wait3A_473] : memref<2x10240x16xf32, #tpu.memory_space<hbm>> -> memref<1x640x16xf32, #tpu.memory_space<hbm>>
      %dma_wait3A_475 = tpu.memref_squeeze %dma_wait3A_474 : memref<1x640x16xf32, #tpu.memory_space<hbm>> -> memref<640x16xf32, #tpu.memory_space<hbm>>
      %dma_wait3A_476 = arith.constant 0 : i32
      %dma_wait3A_477 = tpu.memref_slice %arg6[%arg0, %mul3A_2, %dma_wait3A_476] : memref<2x10240x16xf32, #tpu.memory_space<hbm>> -> memref<1x640x16xf32, #tpu.memory_space<hbm>>
      %dma_wait3A_478 = tpu.memref_squeeze %dma_wait3A_477 : memref<1x640x16xf32, #tpu.memory_space<hbm>> -> memref<640x16xf32, #tpu.memory_space<hbm>>
      tpu.wait_dma2 semaphore(%run_scoped3A : memref<!tpu.dma_semaphore, #tpu.memory_space<semaphore_mem>>) src(%arg10 : memref<640x16xf32, #tpu.memory_space<vmem>>) dst(%dma_wait3A_478 : memref<640x16xf32, #tpu.memory_space<hbm>>)
      tpu.yield
    }) : () -> ()
    return
  }
}

module attributes {stable_mosaic.version = 14 : i64} {
  func.func @_tc1_body(%arg0: memref<1280x1024xf32, #tpu.memory_space<vmem>>, %arg1: memref<1024x128xf32, #tpu.memory_space<vmem>>, %arg2: memref<1280x128xf32, #tpu.memory_space<vmem>>) attributes {dimension_semantics = [], scalar_prefetch = 0 : i64, scratch_operands = 0 : i64, tpu.core_type = #tpu.core_type<tc>} {
    %get3A = arith.constant 0 : index
    %get3A_0 = arith.constant 0 : index
    %get3A_1 = vector.load %arg0[%get3A, %get3A_0] : memref<1280x1024xf32, #tpu.memory_space<vmem>>, vector<1280x1024xf32>
    %get3A_2 = arith.constant 0 : index
    %get3A_3 = arith.constant 0 : index
    %get3A_4 = vector.load %arg1[%get3A_2, %get3A_3] : memref<1024x128xf32, #tpu.memory_space<vmem>>, vector<1024x128xf32>
    %dot_general3A = arith.constant dense<0.000000e+00> : vector<1280x128xf32>
    %dot_general3A_5 = tpu.matmul %get3A_1, %get3A_4, %dot_general3A {dimension_numbers = #tpu.dot_dimension_numbers<[1], [0], [0], [1], [0, 0, 1, 1], [], []>, transpose_lhs_hint = false} : vector<1280x1024xf32>, vector<1024x128xf32>, vector<1280x128xf32> -> vector<1280x128xf32>
    %swap3A = arith.constant 0 : index
    %swap3A_6 = arith.constant 0 : index
    %swap3A_7 = vector.load %arg2[%swap3A, %swap3A_6] : memref<1280x128xf32, #tpu.memory_space<vmem>>, vector<1280x128xf32>
    tpu.vector_store %arg2[%swap3A, %swap3A_6], %dot_general3A_5 {strides = array<i32>} : memref<1280x128xf32, #tpu.memory_space<vmem>>, vector<1280x128xf32>,
    return
  }
}

module attributes {stable_mosaic.version = 14 : i64} {
  func.func @_tc2_body(%arg0: memref<2x1280x128xf32, #tpu.memory_space<vmem>>, %arg1: memref<1x128xf32, #tpu.memory_space<vmem>>, %arg2: memref<128x128xf32, #tpu.memory_space<vmem>>, %arg3: memref<1280x128xf32, #tpu.memory_space<vmem>>) attributes {dimension_semantics = [], scalar_prefetch = 0 : i64, scratch_operands = 0 : i64, tpu.core_type = #tpu.core_type<tc>} {
    %get3A = arith.constant 0 : index
    %get3A_0 = arith.constant 0 : index
    %get3A_1 = arith.constant 0 : index
    %get3A_2 = vector.load %arg0[%get3A, %get3A_0, %get3A_1] : memref<2x1280x128xf32, #tpu.memory_space<vmem>>, vector<1x1280x128xf32>
    %get3A_3 = vector.shape_cast %get3A_2 : vector<1x1280x128xf32> to vector<1280x128xf32>
    %get3A_4 = arith.constant 1 : index
    %get3A_5 = arith.constant 0 : index
    %get3A_6 = arith.constant 0 : index
    %get3A_7 = vector.load %arg0[%get3A_4, %get3A_5, %get3A_6] : memref<2x1280x128xf32, #tpu.memory_space<vmem>>, vector<1x1280x128xf32>
    %get3A_8 = vector.shape_cast %get3A_7 : vector<1x1280x128xf32> to vector<1280x128xf32>
    %add3A = arith.addf %get3A_3, %get3A_8 : vector<1280x128xf32>
    %get3A_9 = arith.constant 0 : index
    %get3A_10 = arith.constant 0 : index
    %get3A_11 = vector.load %arg1[%get3A_9, %get3A_10] : memref<1x128xf32, #tpu.memory_space<vmem>>, vector<1x128xf32>
    %add3A_12 = vector.broadcast %get3A_11 : vector<1x128xf32> to vector<1280x128xf32>
    %add3A_13 = arith.addf %add3A, %add3A_12 : vector<1280x128xf32>
    %max3A = arith.constant 0.000000e+00 : f32
    %max3A_14 = vector.broadcast %max3A : f32 to vector<1280x128xf32>
    %max3A_15 = arith.maximumf %add3A_13, %max3A_14 : vector<1280x128xf32>
    %get3A_16 = arith.constant 0 : index
    %get3A_17 = arith.constant 0 : index
    %get3A_18 = vector.load %arg2[%get3A_16, %get3A_17] : memref<128x128xf32, #tpu.memory_space<vmem>>, vector<128x128xf32>
    %dot_general3A = arith.constant dense<0.000000e+00> : vector<1280x128xf32>
    %dot_general3A_19 = tpu.matmul %max3A_15, %get3A_18, %dot_general3A {dimension_numbers = #tpu.dot_dimension_numbers<[1], [0], [0], [1], [0, 0, 1, 1], [], []>, transpose_lhs_hint = false} : vector<1280x128xf32>, vector<128x128xf32>, vector<1280x128xf32> -> vector<1280x128xf32>
    %swap3A = arith.constant 0 : index
    %swap3A_20 = arith.constant 0 : index
    %swap3A_21 = vector.load %arg3[%swap3A, %swap3A_20] : memref<1280x128xf32, #tpu.memory_space<vmem>>, vector<1280x128xf32>
    tpu.vector_store %arg3[%swap3A, %swap3A_20], %dot_general3A_19 {strides = array<i32>} : memref<1280x128xf32, #tpu.memory_space<vmem>>, vector<1280x128xf32>,
    return
  }
}

module attributes {stable_mosaic.version = 14 : i64} {
  func.func @_tc3_body(%arg0: memref<2x1280x128xf32, #tpu.memory_space<vmem>>, %arg1: memref<1x128xf32, #tpu.memory_space<vmem>>, %arg2: memref<1250x128xf32, #tpu.memory_space<vmem>>) attributes {dimension_semantics = [], scalar_prefetch = 0 : i64, scratch_operands = 0 : i64, tpu.core_type = #tpu.core_type<tc>} {
    %get3A = arith.constant 0 : index
    %get3A_0 = arith.constant 0 : index
    %get3A_1 = arith.constant 0 : index
    %get3A_2 = vector.load %arg0[%get3A, %get3A_0, %get3A_1] : memref<2x1280x128xf32, #tpu.memory_space<vmem>>, vector<1x1280x128xf32>
    %get3A_3 = vector.shape_cast %get3A_2 : vector<1x1280x128xf32> to vector<1280x128xf32>
    %get3A_4 = arith.constant 1 : index
    %get3A_5 = arith.constant 0 : index
    %get3A_6 = arith.constant 0 : index
    %get3A_7 = vector.load %arg0[%get3A_4, %get3A_5, %get3A_6] : memref<2x1280x128xf32, #tpu.memory_space<vmem>>, vector<1x1280x128xf32>
    %get3A_8 = vector.shape_cast %get3A_7 : vector<1x1280x128xf32> to vector<1280x128xf32>
    %add3A = arith.addf %get3A_3, %get3A_8 : vector<1280x128xf32>
    %slice3A = vector.extract_strided_slice %add3A {offsets = [0, 0], sizes = [1250, 128], strides = [1, 1]} : vector<1280x128xf32> to vector<1250x128xf32>
    %get3A_9 = arith.constant 0 : index
    %get3A_10 = arith.constant 0 : index
    %get3A_11 = vector.load %arg1[%get3A_9, %get3A_10] : memref<1x128xf32, #tpu.memory_space<vmem>>, vector<1x128xf32>
    %add3A_12 = vector.broadcast %get3A_11 : vector<1x128xf32> to vector<1250x128xf32>
    %add3A_13 = arith.addf %slice3A, %add3A_12 : vector<1250x128xf32>
    %slice3A_14 = vector.extract_strided_slice %add3A_13 {offsets = [0, 0], sizes = [1250, 16], strides = [1, 1]} : vector<1250x128xf32> to vector<1250x16xf32>
    %reduce_max3A = arith.constant dense<0xFF800000> : vector<1250xf32>
    %reduce_max3A_15 = vector.multi_reduction <maximumf>, %slice3A_14, %reduce_max3A [1] : vector<1250x16xf32> to vector<1250xf32>
    %broadcast_in_dim3A = vector.shape_cast %reduce_max3A_15 : vector<1250xf32> to vector<1250x1xf32>
    %broadcast_in_dim3A_16 = vector.shape_cast %broadcast_in_dim3A : vector<1250x1xf32> to vector<1250x1xf32>
    %broadcast_in_dim3A_17 = vector.broadcast %broadcast_in_dim3A_16 : vector<1250x1xf32> to vector<1250x16xf32>
    %slice3A_18 = vector.extract_strided_slice %add3A_13 {offsets = [0, 16], sizes = [1250, 16], strides = [1, 1]} : vector<1250x128xf32> to vector<1250x16xf32>
    %reduce_max3A_19 = arith.constant dense<0xFF800000> : vector<1250xf32>
    %reduce_max3A_20 = vector.multi_reduction <maximumf>, %slice3A_18, %reduce_max3A_19 [1] : vector<1250x16xf32> to vector<1250xf32>
    %broadcast_in_dim3A_21 = vector.shape_cast %reduce_max3A_20 : vector<1250xf32> to vector<1250x1xf32>
    %broadcast_in_dim3A_22 = vector.shape_cast %broadcast_in_dim3A_21 : vector<1250x1xf32> to vector<1250x1xf32>
    %broadcast_in_dim3A_23 = vector.broadcast %broadcast_in_dim3A_22 : vector<1250x1xf32> to vector<1250x16xf32>
    %slice3A_24 = vector.extract_strided_slice %add3A_13 {offsets = [0, 32], sizes = [1250, 16], strides = [1, 1]} : vector<1250x128xf32> to vector<1250x16xf32>
    %reduce_max3A_25 = arith.constant dense<0xFF800000> : vector<1250xf32>
    %reduce_max3A_26 = vector.multi_reduction <maximumf>, %slice3A_24, %reduce_max3A_25 [1] : vector<1250x16xf32> to vector<1250xf32>
    %broadcast_in_dim3A_27 = vector.shape_cast %reduce_max3A_26 : vector<1250xf32> to vector<1250x1xf32>
    %broadcast_in_dim3A_28 = vector.shape_cast %broadcast_in_dim3A_27 : vector<1250x1xf32> to vector<1250x1xf32>
    %broadcast_in_dim3A_29 = vector.broadcast %broadcast_in_dim3A_28 : vector<1250x1xf32> to vector<1250x16xf32>
    %slice3A_30 = vector.extract_strided_slice %add3A_13 {offsets = [0, 48], sizes = [1250, 16], strides = [1, 1]} : vector<1250x128xf32> to vector<1250x16xf32>
    %reduce_max3A_31 = arith.constant dense<0xFF800000> : vector<1250xf32>
    %reduce_max3A_32 = vector.multi_reduction <maximumf>, %slice3A_30, %reduce_max3A_31 [1] : vector<1250x16xf32> to vector<1250xf32>
    %broadcast_in_dim3A_33 = vector.shape_cast %reduce_max3A_32 : vector<1250xf32> to vector<1250x1xf32>
    %broadcast_in_dim3A_34 = vector.shape_cast %broadcast_in_dim3A_33 : vector<1250x1xf32> to vector<1250x1xf32>
    %broadcast_in_dim3A_35 = vector.broadcast %broadcast_in_dim3A_34 : vector<1250x1xf32> to vector<1250x16xf32>
    %slice3A_36 = vector.extract_strided_slice %add3A_13 {offsets = [0, 64], sizes = [1250, 16], strides = [1, 1]} : vector<1250x128xf32> to vector<1250x16xf32>
    %reduce_max3A_37 = arith.constant dense<0xFF800000> : vector<1250xf32>
    %reduce_max3A_38 = vector.multi_reduction <maximumf>, %slice3A_36, %reduce_max3A_37 [1] : vector<1250x16xf32> to vector<1250xf32>
    %broadcast_in_dim3A_39 = vector.shape_cast %reduce_max3A_38 : vector<1250xf32> to vector<1250x1xf32>
    %broadcast_in_dim3A_40 = vector.shape_cast %broadcast_in_dim3A_39 : vector<1250x1xf32> to vector<1250x1xf32>
    %broadcast_in_dim3A_41 = vector.broadcast %broadcast_in_dim3A_40 : vector<1250x1xf32> to vector<1250x16xf32>
    %slice3A_42 = vector.extract_strided_slice %add3A_13 {offsets = [0, 80], sizes = [1250, 16], strides = [1, 1]} : vector<1250x128xf32> to vector<1250x16xf32>
    %reduce_max3A_43 = arith.constant dense<0xFF800000> : vector<1250xf32>
    %reduce_max3A_44 = vector.multi_reduction <maximumf>, %slice3A_42, %reduce_max3A_43 [1] : vector<1250x16xf32> to vector<1250xf32>
    %broadcast_in_dim3A_45 = vector.shape_cast %reduce_max3A_44 : vector<1250xf32> to vector<1250x1xf32>
    %broadcast_in_dim3A_46 = vector.shape_cast %broadcast_in_dim3A_45 : vector<1250x1xf32> to vector<1250x1xf32>
    %broadcast_in_dim3A_47 = vector.broadcast %broadcast_in_dim3A_46 : vector<1250x1xf32> to vector<1250x16xf32>
    %slice3A_48 = vector.extract_strided_slice %add3A_13 {offsets = [0, 96], sizes = [1250, 16], strides = [1, 1]} : vector<1250x128xf32> to vector<1250x16xf32>
    %reduce_max3A_49 = arith.constant dense<0xFF800000> : vector<1250xf32>
    %reduce_max3A_50 = vector.multi_reduction <maximumf>, %slice3A_48, %reduce_max3A_49 [1] : vector<1250x16xf32> to vector<1250xf32>
    %broadcast_in_dim3A_51 = vector.shape_cast %reduce_max3A_50 : vector<1250xf32> to vector<1250x1xf32>
    %broadcast_in_dim3A_52 = vector.shape_cast %broadcast_in_dim3A_51 : vector<1250x1xf32> to vector<1250x1xf32>
    %broadcast_in_dim3A_53 = vector.broadcast %broadcast_in_dim3A_52 : vector<1250x1xf32> to vector<1250x16xf32>
    %slice3A_54 = vector.extract_strided_slice %add3A_13 {offsets = [0, 112], sizes = [1250, 16], strides = [1, 1]} : vector<1250x128xf32> to vector<1250x16xf32>
    %reduce_max3A_55 = arith.constant dense<0xFF800000> : vector<1250xf32>
    %reduce_max3A_56 = vector.multi_reduction <maximumf>, %slice3A_54, %reduce_max3A_55 [1] : vector<1250x16xf32> to vector<1250xf32>
    %broadcast_in_dim3A_57 = vector.shape_cast %reduce_max3A_56 : vector<1250xf32> to vector<1250x1xf32>
    %broadcast_in_dim3A_58 = vector.shape_cast %broadcast_in_dim3A_57 : vector<1250x1xf32> to vector<1250x1xf32>
    %broadcast_in_dim3A_59 = vector.broadcast %broadcast_in_dim3A_58 : vector<1250x1xf32> to vector<1250x16xf32>
    %concatenate3A = tpu.concatenate %broadcast_in_dim3A_17, %broadcast_in_dim3A_23, %broadcast_in_dim3A_29, %broadcast_in_dim3A_35, %broadcast_in_dim3A_41, %broadcast_in_dim3A_47, %broadcast_in_dim3A_53, %broadcast_in_dim3A_59 in 1 : vector<1250x16xf32>, vector<1250x16xf32>, vector<1250x16xf32>, vector<1250x16xf32>, vector<1250x16xf32>, vector<1250x16xf32>, vector<1250x16xf32>, vector<1250x16xf32> -> vector<1250x128xf32>
    %sub3A = arith.subf %add3A_13, %concatenate3A : vector<1250x128xf32>
    %exp3A = math.exp %sub3A : vector<1250x128xf32>
    %slice3A_60 = vector.extract_strided_slice %exp3A {offsets = [0, 0], sizes = [1250, 16], strides = [1, 1]} : vector<1250x128xf32> to vector<1250x16xf32>
    %reduce_sum3A = arith.constant dense<0.000000e+00> : vector<1250xf32>
    %reduce_sum3A_61 = vector.multi_reduction <add>, %slice3A_60, %reduce_sum3A [1] : vector<1250x16xf32> to vector<1250xf32>
    %broadcast_in_dim3A_62 = vector.shape_cast %reduce_sum3A_61 : vector<1250xf32> to vector<1250x1xf32>
    %broadcast_in_dim3A_63 = vector.shape_cast %broadcast_in_dim3A_62 : vector<1250x1xf32> to vector<1250x1xf32>
    %broadcast_in_dim3A_64 = vector.broadcast %broadcast_in_dim3A_63 : vector<1250x1xf32> to vector<1250x16xf32>
    %slice3A_65 = vector.extract_strided_slice %exp3A {offsets = [0, 16], sizes = [1250, 16], strides = [1, 1]} : vector<1250x128xf32> to vector<1250x16xf32>
    %reduce_sum3A_66 = arith.constant dense<0.000000e+00> : vector<1250xf32>
    %reduce_sum3A_67 = vector.multi_reduction <add>, %slice3A_65, %reduce_sum3A_66 [1] : vector<1250x16xf32> to vector<1250xf32>
    %broadcast_in_dim3A_68 = vector.shape_cast %reduce_sum3A_67 : vector<1250xf32> to vector<1250x1xf32>
    %broadcast_in_dim3A_69 = vector.shape_cast %broadcast_in_dim3A_68 : vector<1250x1xf32> to vector<1250x1xf32>
    %broadcast_in_dim3A_70 = vector.broadcast %broadcast_in_dim3A_69 : vector<1250x1xf32> to vector<1250x16xf32>
    %slice3A_71 = vector.extract_strided_slice %exp3A {offsets = [0, 32], sizes = [1250, 16], strides = [1, 1]} : vector<1250x128xf32> to vector<1250x16xf32>
    %reduce_sum3A_72 = arith.constant dense<0.000000e+00> : vector<1250xf32>
    %reduce_sum3A_73 = vector.multi_reduction <add>, %slice3A_71, %reduce_sum3A_72 [1] : vector<1250x16xf32> to vector<1250xf32>
    %broadcast_in_dim3A_74 = vector.shape_cast %reduce_sum3A_73 : vector<1250xf32> to vector<1250x1xf32>
    %broadcast_in_dim3A_75 = vector.shape_cast %broadcast_in_dim3A_74 : vector<1250x1xf32> to vector<1250x1xf32>
    %broadcast_in_dim3A_76 = vector.broadcast %broadcast_in_dim3A_75 : vector<1250x1xf32> to vector<1250x16xf32>
    %slice3A_77 = vector.extract_strided_slice %exp3A {offsets = [0, 48], sizes = [1250, 16], strides = [1, 1]} : vector<1250x128xf32> to vector<1250x16xf32>
    %reduce_sum3A_78 = arith.constant dense<0.000000e+00> : vector<1250xf32>
    %reduce_sum3A_79 = vector.multi_reduction <add>, %slice3A_77, %reduce_sum3A_78 [1] : vector<1250x16xf32> to vector<1250xf32>
    %broadcast_in_dim3A_80 = vector.shape_cast %reduce_sum3A_79 : vector<1250xf32> to vector<1250x1xf32>
    %broadcast_in_dim3A_81 = vector.shape_cast %broadcast_in_dim3A_80 : vector<1250x1xf32> to vector<1250x1xf32>
    %broadcast_in_dim3A_82 = vector.broadcast %broadcast_in_dim3A_81 : vector<1250x1xf32> to vector<1250x16xf32>
    %slice3A_83 = vector.extract_strided_slice %exp3A {offsets = [0, 64], sizes = [1250, 16], strides = [1, 1]} : vector<1250x128xf32> to vector<1250x16xf32>
    %reduce_sum3A_84 = arith.constant dense<0.000000e+00> : vector<1250xf32>
    %reduce_sum3A_85 = vector.multi_reduction <add>, %slice3A_83, %reduce_sum3A_84 [1] : vector<1250x16xf32> to vector<1250xf32>
    %broadcast_in_dim3A_86 = vector.shape_cast %reduce_sum3A_85 : vector<1250xf32> to vector<1250x1xf32>
    %broadcast_in_dim3A_87 = vector.shape_cast %broadcast_in_dim3A_86 : vector<1250x1xf32> to vector<1250x1xf32>
    %broadcast_in_dim3A_88 = vector.broadcast %broadcast_in_dim3A_87 : vector<1250x1xf32> to vector<1250x16xf32>
    %slice3A_89 = vector.extract_strided_slice %exp3A {offsets = [0, 80], sizes = [1250, 16], strides = [1, 1]} : vector<1250x128xf32> to vector<1250x16xf32>
    %reduce_sum3A_90 = arith.constant dense<0.000000e+00> : vector<1250xf32>
    %reduce_sum3A_91 = vector.multi_reduction <add>, %slice3A_89, %reduce_sum3A_90 [1] : vector<1250x16xf32> to vector<1250xf32>
    %broadcast_in_dim3A_92 = vector.shape_cast %reduce_sum3A_91 : vector<1250xf32> to vector<1250x1xf32>
    %broadcast_in_dim3A_93 = vector.shape_cast %broadcast_in_dim3A_92 : vector<1250x1xf32> to vector<1250x1xf32>
    %broadcast_in_dim3A_94 = vector.broadcast %broadcast_in_dim3A_93 : vector<1250x1xf32> to vector<1250x16xf32>
    %slice3A_95 = vector.extract_strided_slice %exp3A {offsets = [0, 96], sizes = [1250, 16], strides = [1, 1]} : vector<1250x128xf32> to vector<1250x16xf32>
    %reduce_sum3A_96 = arith.constant dense<0.000000e+00> : vector<1250xf32>
    %reduce_sum3A_97 = vector.multi_reduction <add>, %slice3A_95, %reduce_sum3A_96 [1] : vector<1250x16xf32> to vector<1250xf32>
    %broadcast_in_dim3A_98 = vector.shape_cast %reduce_sum3A_97 : vector<1250xf32> to vector<1250x1xf32>
    %broadcast_in_dim3A_99 = vector.shape_cast %broadcast_in_dim3A_98 : vector<1250x1xf32> to vector<1250x1xf32>
    %broadcast_in_dim3A_100 = vector.broadcast %broadcast_in_dim3A_99 : vector<1250x1xf32> to vector<1250x16xf32>
    %slice3A_101 = vector.extract_strided_slice %exp3A {offsets = [0, 112], sizes = [1250, 16], strides = [1, 1]} : vector<1250x128xf32> to vector<1250x16xf32>
    %reduce_sum3A_102 = arith.constant dense<0.000000e+00> : vector<1250xf32>
    %reduce_sum3A_103 = vector.multi_reduction <add>, %slice3A_101, %reduce_sum3A_102 [1] : vector<1250x16xf32> to vector<1250xf32>
    %broadcast_in_dim3A_104 = vector.shape_cast %reduce_sum3A_103 : vector<1250xf32> to vector<1250x1xf32>
    %broadcast_in_dim3A_105 = vector.shape_cast %broadcast_in_dim3A_104 : vector<1250x1xf32> to vector<1250x1xf32>
    %broadcast_in_dim3A_106 = vector.broadcast %broadcast_in_dim3A_105 : vector<1250x1xf32> to vector<1250x16xf32>
    %concatenate3A_107 = tpu.concatenate %broadcast_in_dim3A_64, %broadcast_in_dim3A_70, %broadcast_in_dim3A_76, %broadcast_in_dim3A_82, %broadcast_in_dim3A_88, %broadcast_in_dim3A_94, %broadcast_in_dim3A_100, %broadcast_in_dim3A_106 in 1 : vector<1250x16xf32>, vector<1250x16xf32>, vector<1250x16xf32>, vector<1250x16xf32>, vector<1250x16xf32>, vector<1250x16xf32>, vector<1250x16xf32>, vector<1250x16xf32> -> vector<1250x128xf32>
    %sub3A_108 = arith.subf %add3A_13, %concatenate3A : vector<1250x128xf32>
    %log3A = math.log %concatenate3A_107 : vector<1250x128xf32>
    %sub3A_109 = arith.subf %sub3A_108, %log3A : vector<1250x128xf32>
    %swap3A = arith.constant 0 : index
    %swap3A_110 = arith.constant 0 : index
    %swap3A_111 = vector.load %arg2[%swap3A, %swap3A_110] : memref<1250x128xf32, #tpu.memory_space<vmem>>, vector<1250x128xf32>
    tpu.vector_store %arg2[%swap3A, %swap3A_110], %sub3A_109 {strides = array<i32>} : memref<1250x128xf32, #tpu.memory_space<vmem>>, vector<1250x128xf32>,
    return
  }
}

</mosaic_0001>

<sc_bundles>
// kernel: kernel.11.cloned.1.call-start
scs
__scs_entry_jumppad:
0x0: {  	(pc) =	sbr.rel $0x88, $3  }
0x1: {  	(tag) =	ssettag $0x0;
	lr =	simm.s32 $0x1  }
0x2: {  	[smem:$0x3F9B] =	sst lr;
	_ =	strace $0xD0000000  }
0x3: {  	_ = 	snop  }
0x4: {  	_ = 	snop  }
0x5: {  	_ = 	snop  }
0x6: {  	_ = 	snop  }
0x7: {  	_ = 	snop  }
__scs_overlays_trampoline_lowered:
0x8: {  	[smem:$0x3FAA] =	sst s0  }
0x9: {  	[smem:$0x3FAB] =	sst s1  }
0xa: {  	[smem:$0x3FAC] =	sst s2  }
0xb: {  	[smem:$0x3FAD] =	sst s3  }
0xc: {  	[smem:$0x3FAE] =	sst s4  }
0xd: {  	[smem:$0x3FAF] =	sst s5  }
0xe: {  	[smem:$0x3FB0] =	sst s6  }
0xf: {  	[smem:$0x3FB1] =	sst s7  }
0x10: {  	[smem:$0x3FB2] =	sst s8  }
0x11: {  	[smem:$0x3FB3] =	sst s9;
	s0 =	simm.s32 @!p0 $0x0  }
0x12: {  	s1 =	sld [smem:$0x3F99];
	s0 =	simm.s32 @p0 $0x1  }
0x13: {  	[smem:$0x3FB4] =	sst s0;
	s0 =	simm.s32 @!p1 $0x0  }
0x14: {  	s2 =	sld [smem:$0x3F98];
	s0 =	simm.s32 @p1 $0x1  }
0x15: {  	[smem:$0x3FB5] =	sst s0;
	s0 =	simm.s32 @!p2 $0x0  }
0x16: {  	s3 =	sld [smem:$0x3FDB];
	s0 =	simm.s32 @p2 $0x1  }
0x17: {  	s4 =	simm.s32 $0x1BF5;
	[smem:$0x3FB7] =	sst s0  }
0x18: {  	s0 =	sld [smem:$0x3F9A];
	_ =	swait.ge [sflag:s4], $0x0  }
0x19: {  	s7 =	sld [smem:$0x3F9B]  }
0x1a: {  	s8 =	sadd.s32 $0xFFFFE003, lr  }
0x1b: {  	s9 =	sadd.s32 $0xFFFFFEF7, lr;
	s5 =	simm.s32 $0xFFFFFFFF;
	p2 =	slt.u32 s8, $0xFFFFF086  }
0x1c: {  	p1 =	slt.u32 s9, $0xF7A;
	s5 =	simm.s32 @!p2 $0x0  }
0x1d: {  	s5 =	simm.s32 @p1 $0x1;
	p0 =	seq.s32 s7, s2  }
0x1e: {  	s7 =	smul.u32 @!p0 $0xF7A, s2;
	p2 =	seq.s32 @!p0 s5, $0x0  }
0x1f: {  	s9 =	smul.u32 $0xF7A, s1;
	s8 =	simm.s32 @!p0 $0x1BF5;
	p2 =	por !p2, p0  }
0x20: {  	[sflag:s8] =	ssyncset.s32 @!p0 $0xFFFFF086;
	s6 =	sadd.s32 @!p0 s3, s7;
	s7 =	simm.s32 @!p0 $0x108  }
0x21: {  	s3 =	sadd.s32 s3, s9;
	s6 =	sadd.s32 @!p0 $0x88, s6;
	s7 =	simm.s32 @p2 $0x1082  }
0x22: {  	[simem:s7], [sflag:s8] =	dma.local @!p0 [hbm:s6], $0xF7A  }
0x23: {  	s9 =	sor.u32 $0xD0000000, s2;
	s6 =	simm.s32 $0x108;
	_ =	swait.ge @!p0 [sflag:s8], $0x0  }
0x24: {  	s3 =	sadd.s32 $0x88, s3;
	s6 =	simm.s32 @!p1 $0x1082;
	[sflag:s4] =	ssyncset.s32 $0xFFFFF086  }
0x25: {  	[simem:s6], [sflag:s4] =	dma.local [hbm:s3], $0xF7A  }
0x26: {  	[smem:$0x3F9B] =	sst s1;
	(tag) =	ssettag s2;
	_ =	strace s9  }
0x27: {  	s1 =	sld [smem:$0x3FAB]  }
0x28: {  	s2 =	sld [smem:$0x3FAC]  }
0x29: {  	s4 =	sld [smem:$0x3FAE]  }
0x2a: {  	p0 =	seq.s32 s5, $0x0;
	s5 =	sld [smem:$0x3FAF]  }
0x2b: {  	s6 =	sld [smem:$0x3FB0]  }
0x2c: {  	s7 =	sld [smem:$0x3FB1]  }
0x2d: {  	s3 =	simm.s32 $0x108;
	s8 =	sld [smem:$0x3FB2]  }
0x2e: {  	s3 =	simm.s32 @!p0 $0x1082;
	s9 =	sld [smem:$0x3FB3]  }
0x2f: {  	lr =	sadd.s32 s0, s3;
	s0 =	sld [smem:$0x3FAA]  }
0x30: {  	s3 =	sld [smem:$0x3FAD]  }
0x31: {  	[smem:$0x3FB6] =	sst s10  }
0x32: {  	s10 =	sld [smem:$0x3FB4];
	_ =	sdelay $0x3  }
0x33: {  	p0 =	seq.s32 s10, $0x1;
	s10 =	sld [smem:$0x3FB6];
	_ =	sdelay $0x3  }
0x34: {  	[smem:$0x3FB6] =	sst s10  }
0x35: {  	s10 =	sld [smem:$0x3FB5];
	_ =	sdelay $0x3  }
0x36: {  	p1 =	seq.s32 s10, $0x1;
	s10 =	sld [smem:$0x3FB6];
	_ =	sdelay $0x3  }
0x37: {  	[smem:$0x3FB6] =	sst s10  }
0x38: {  	s10 =	sld [smem:$0x3FB7]  }
0x39: {  	_ = 	snop;
	(pc) =	sbr.ind lr, $3  }
0x3a: {  	_ = 	snop  }
0x3b: {  	_ = 	snop  }
0x3c: {  	p2 =	seq.s32 s10, $0x1;
	s10 =	sld [smem:$0x3FB6]  }
0x3d: {  	_ =	shalt  }
0x3e: {  	_ =	shalt  }
0x3f: {  	_ =	shalt  }
0x40: {  	_ =	shalt  }
0x41: {  	_ =	shalt  }
0x42: {  	_ =	shalt  }
0x43: {  	_ =	shalt  }
0x44: {  	_ =	shalt  }
0x45: {  	_ =	shalt  }
0x46: {  	_ =	shalt  }
0x47: {  	_ =	shalt  }
0x48: {  	_ =	shalt  }
0x49: {  	_ =	shalt  }
0x4a: {  	_ =	shalt  }
0x4b: {  	_ =	shalt  }
0x4c: {  	_ =	shalt  }
0x4d: {  	_ =	shalt  }
0x4e: {  	_ =	shalt  }
0x4f: {  	_ =	shalt  }
0x50: {  	_ =	shalt  }
0x51: {  	_ =	shalt  }
0x52: {  	_ =	shalt  }
0x53: {  	_ =	shalt  }
0x54: {  	_ =	shalt  }
0x55: {  	_ =	shalt  }
0x56: {  	_ =	shalt  }
0x57: {  	_ =	shalt  }
0x58: {  	_ =	shalt  }
0x59: {  	_ =	shalt  }
0x5a: {  	_ =	shalt  }
0x5b: {  	_ =	shalt  }
0x5c: {  	_ =	shalt  }
0x5d: {  	_ =	shalt  }
0x5e: {  	_ =	shalt  }
0x5f: {  	_ =	shalt  }
0x60: {  	_ =	shalt  }
0x61: {  	_ =	shalt  }
0x62: {  	_ =	shalt  }
0x63: {  	_ =	shalt  }
0x64: {  	_ =	shalt  }
0x65: {  	_ =	shalt  }
0x66: {  	_ =	shalt  }
0x67: {  	_ =	shalt  }
0x68: {  	_ =	shalt  }
0x69: {  	_ =	shalt  }
0x6a: {  	_ =	shalt  }
0x6b: {  	_ =	shalt  }
0x6c: {  	_ =	shalt  }
0x6d: {  	_ =	shalt  }
0x6e: {  	_ =	shalt  }
0x6f: {  	_ =	shalt  }
0x70: {  	_ =	shalt  }
0x71: {  	_ =	shalt  }
0x72: {  	_ =	shalt  }
0x73: {  	_ =	shalt  }
0x74: {  	_ =	shalt  }
0x75: {  	_ =	shalt  }
0x76: {  	_ =	shalt  }
0x77: {  	_ =	shalt  }
0x78: {  	_ =	shalt  }
0x79: {  	_ =	shalt  }
0x7a: {  	_ =	shalt  }
0x7b: {  	_ =	shalt  }
0x7c: {  	_ =	shalt  }
0x7d: {  	_ =	shalt  }
0x7e: {  	_ =	shalt  }
0x7f: {  	_ =	shalt  }
0x80: {  	_ =	shalt  }
0x81: {  	_ =	shalt  }
0x82: {  	_ =	shalt  }
0x83: {  	_ =	shalt  }
0x84: {  	_ =	shalt  }
0x85: {  	_ =	shalt  }
0x86: {  	_ =	shalt  }
0x87: {  	_ =	shalt  }
.Lfunc_end0:
.L_simem_size_0:
called_computation.1_lowered:
.L_overlay_start_0:
0x88: {  	s2 =	sld [smem:$0x3FD9]  }
0x89: {  	s3 =	sld [smem:$0x3FFE];
	_ =	sdelay $0x1  }
0x8a: {  	s1 =	srdreg.scid  }
0x8b: {  	s0 =	sand.u32 $0x1, s1  }
0x8c: {  	s17 =	sshll.u32 s0, $0xA;
	s2 =	sadd.s32 s3, s2  }
0x8d: {  	s2 =	sadd.s32 s2, s17  }
0x8e: {  	[smem:$0x3FC2] =	sst s2  }
0x8f: {  	_ = 	snop  }
0x90: {  	s2 =	sld [smem:$0x3FD0];
	(tm) =	ssettm $0x1  }
0x91: {  	s18 =	sld [smem:$0x3FFB];
	_ =	sdelay $0x3  }
0x92: {  	_ =	strace s18  }
0x93: {  	s3 =	sld [smem:$0x3FFC];
	_ =	sdelay $0x3  }
0x94: {  	_ =	strace s3  }
0x95: {  	s3 =	sld [smem:$0x3FFD];
	_ =	sdelay $0x3  }
0x96: {  	_ =	strace s3  }
0x97: {  	_ =	strace $0x8FFFFFFF  }
0x98: {  	s19 =	sld [smem:$0x3FDB];
	_ =	sdelay $0x1  }
0x99: {  	s4 =	simm.s32 $_scs_section_size  }
0x9a: {  	s5 =	simm.s32 $_size__tile_overlayer_lowered;
	s6 =	simm.s32 $_tile_overlayer_lowered  }
0x9b: {  	s22 =	simm.s32 $0x1BFF;
	s21 =	sshll.u32 s6, $0x1;
	s3 =	sadd.s32 s4, s19  }
0x9c: {  	s7 =	simm.s32 $0x0;
	s20 =	sshll.u32 s5, $0x1;
	s5 =	sadd.s32 s21, s3  }
0x9d: {  	[timem:s7], [sflag:s22] =	dma.local [hbm:s5], s20  }
0x9e: {  	_ =	swait.ge [sflag:s22], s20  }
0x9f: {  	s4 =	ssub.s32 $0x0, s20;
	[sflag:s22] =	ssyncset.done $0x0  }
0xa0: {  	[sflag:s22] =	ssyncadd.s32 s4;
	_ =	sdelay $0x1  }
0xa1: {  	s23 =	simm.s32 $0x1B8B  }
0xa2: {  	_ =	swait.ge [sflag:s23], $0x1  }
0xa3: {  	[sflag:s23] =	ssyncset.done $0x0  }
0xa4: {  	s25 =	simm.s32 $0x1B8E;
	s24 =	sld [smem:$0x3FFE];
	[sflag:s23] =	ssyncadd.s32 $0xFFFFFFFF  }
0xa5: {  	s26 =	simm.s32 $execute0_lowered;
	[smem:$0x3FD2] =	sst s25  }
0xa6: {  	s5 =	sshll.u32 s26, $0x1;
	_ =	strace $0x80000049;
	[dreg:$0x1] =	wrdreg $0xFFFFFFFF  }
0xa7: {  	s28 =	simm.s32 $_size_execute0_lowered;
	s3 =	sadd.s32 s3, s5;
	[dreg:$0x0] =	wrdreg $0x0  }
0xa8: {  	s5 =	sshll.u32 s28, $0x1;
	[dreg:$0x2] =	wrdreg s3  }
0xa9: {  	[dreg:$0x3] =	wrdreg s5  }
0xaa: {  	[dreg:$0x4] =	wrdreg $0xC0  }
0xab: {  	_ =	task [dreg:s7], $0x5FFFF  }
0xac: {  	[dreg:$0x1] =	wrdreg $0xFFFFFFFF  }
0xad: {  	[dreg:$0x0] =	wrdreg $0x60  }
0xae: {  	[dreg:$0x2] =	wrdreg s24  }
0xaf: {  	[dreg:$0x3] =	wrdreg s2  }
0xb0: {  	[dreg:$0x4] =	wrdreg $0x14A000  }
0xb1: {  	[dreg:$0x5] =	wrdreg $0x122000  }
0xb2: {  	[dreg:$0x6] =	wrdreg $0x9  }
0xb3: {  	_ =	task.clear_ibuf [dreg:s7], $0x7FFFF;
	_ =	strace $0x90000049  }
0xb4: {  	s29 =	simm.s32 $0x9;
	_ =	strace $0x8000004B  }
0xb5: {  	_ =	swait.ge [sflag:s29], $0x1  }
0xb6: {  	[sflag:s29] =	ssyncadd.s32 $0xFFFFFFFF  }
0xb7: {  	_ =	strace $0x9000004B  }
0xb8: {  	_ =	sfence  }
0xb9: {  	s30 =	sld [smem:$0x0];
	_ =	sdelay $0x2  }
0xba: {  	s31 =	sshll.u32 s1, $0xD;
	s1 =	sshrl.u32 s1, $0x2  }
0xbb: {  	s3 =	sand.u32 $0x4000, s31;
	s1 =	sadd.s32 s1, s30  }
0xbc: {  	s0 =	sor.u32 s3, s0;
	s1 =	sshll.u32 s1, $0x11  }
0xbd: {  	s0 =	sor.u32 s1, s0  }
0xbe: {  	s0 =	sadd.s32 $0x8F2B, s0  }
0xbf: {  	[sflag:s0] =	ssyncadd.remote.s32 $0x1  }
0xc0: {  	_ =	sfence.sel $0xFFFF  }
0xc1: {  	[dreg:$0x0] =	wrdreg $0xFFFFFFFF;
	(pc) =	sbr.abs _section_cstart, $3  }
0xc2: {  	[dreg:$0x1] =	wrdreg $0xFFFFFFFF  }
0xc3: {  	_ =	task.clear_ibuf [dreg:s7], $0x2FFFF;
	_ =	strace $0x9FFFFFFF  }
0xc4: {  	(tm) =	ssettm $0x7FFFFFFF  }
0xc5: {  	_ =	shalt  }
tec
execute0_lowered:
.L_overlay_start_1:
0x0: {  	(tag) =	ssettag $0x1  }
0x1: {  	s0 =	rddreg [dreg:$0x0]  }
0x2: {  	s1 =	srdreg.scid;
	s5 =	rddreg [dreg:$0x1]  }
0x3: {  	s2 =	rddreg [dreg:$0x2];
	s10 =	stileid.u32  }
0x4: {  	s3 =	rddreg [dreg:$0x3];
	s14 =	simm.s32 $0xCD00;
	s18 =	simm.s32 $0x1  }
0x5: {  	s19 =	simm.s32 $0x2;
	s20 =	simm.s32 $0x9;
	s22 =	simm.s32 $0x7D  }
0x6: {  	s31 =	simm.s32 $0x4;
	s28 =	simm.s32 $0x7;
	s29 =	simm.s32 $0x8  }
0x7: {  	s30 =	simm.s32 $0x0;
	s1 =	sand.u32 $0x1, s1;
	s6 =	smul.u32 $0x2800, s10  }
0x8: {  	s4 =	sshll.u32 s1, $0x4;
	s8 =	smul.u32 $0x28000, s1;
	s1 =	ssub.s32 $0x2, s1  }
0x9: {  	s7 =	sor.u32 s10, s4;
	s4 =	simm.s32 $0x0;
	s9 =	sshrl.u32 s6, $0x3  }
0xa: {  	s10 =	smul.u32 $0x280, s10;
	s23 =	sshrl.u32 s1, $0x1;
	s11 =	sadd.s32 s6, s3  }
0xb: {  	s7 =	smul.u32 $0x500, s7;
	[smem:$0x7FF] =	sst s4;
	s9 =	sadd.s32 s9, s0  }
0xc: {  	s8 =	sadd.s32 s6, s8;
	s1 =	ssub.s32 s1, s23;
	_ =	strace $0x8000004A  }
0xd: {  	s8 =	sshrl.u32 s8, $0x3;
	s10 =	sshrl.u32 s10, $0x3;
	s24 =	sadd.s32 $0x16200, s9  }
0xe: {  	s13 =	smax.u32 s1, $0x1;
	s7 =	sadd.s32 s7, s0;
	s5 =	sadd.s32 s5, s10  }
0xf: {  	s0 =	sadd.s32 s8, s0;
	[dreg:$0x5] =	wrdreg s24;
	s25 =	sadd.s32 $0x500, s5  }
0x10: {  	s10 =	sadd.s32 s6, s2;
	s26 =	sadd.s32 $0xC200, s7;
	[dreg:$0x6] =	wrdreg s25  }
0x11: {  	s7 =	sadd.s32 $0x2200, s7;
	s12 =	sadd.s32 $0x1B200, s0;
	[dreg:$0x7] =	wrdreg s26  }
0x12: {  	[dreg:$0x8] =	wrdreg s7;
	s25 =	simm.s32 $0x5;
	s26 =	simm.s32 $0x6  }
.LBB2_1:
0x13: {  	s0 =	rddreg [dreg:$0x5]  }
0x14: {  	[tilespmem:s14], [sflag:$0x1] =	stream.linear.gather [hbm4b:s0+s4], $0x2800, $0x38;
	[tilespmem:$0x17200] =	vst v63  }
0x15: {  	s16 =	simm.s32 $0x11D00  }
0x16: {  	[tilespmem:s16], [sflag:$0x1] =	stream.linear.gather [hbm4b:s5+s4], $0x280, $0x38;
	[tilespmem:$0x17200] =	vst v63  }
0x17: {  	s17 =	rddreg [dreg:$0x6];
	s1 =	simm.s32 $0x11F80  }
0x18: {  	[tilespmem:s1], [sflag:$0x1] =	stream.linear.gather [hbm4b:s17+s4], $0x280, $0x38;
	[tilespmem:$0x17200] =	vst v63  }
0x19: {  	s21 =	rddreg [dreg:$0x7]  }
0x1a: {  	[tilespmem:s4], [sflag:$0x2] =	stream.linear.gather [hbm4b:s21+s4], $0x2800, $0x38;
	[tilespmem:$0x17200] =	vst v63  }
0x1b: {  	s23 =	rddreg [dreg:$0x8];
	s24 =	simm.s32 $0x2800  }
0x1c: {  	[tilespmem:s24], [sflag:$0x2] =	stream.linear.gather [hbm4b:s23+s4], $0x2800, $0x38;
	[tilespmem:$0x17200] =	vst v63  }
0x1d: {  	_ =	swait.ge [sflag:s18], $0x2800  }
0x1e: {  	[sflag:s18] =	ssyncset.done $0x0  }
0x1f: {  	[sflag:s18] =	ssyncadd.s32 $0xFFFFD800  }
0x20: {  	_ =	swait.ge [sflag:s18], $0x280  }
0x21: {  	[sflag:s18] =	ssyncset.done $0x0  }
0x22: {  	[sflag:s18] =	ssyncadd.s32 $0xFFFFFD80  }
0x23: {  	_ =	swait.ge [sflag:s18], $0x280  }
0x24: {  	[sflag:s18] =	ssyncset.done $0x0  }
0x25: {  	[sflag:s18] =	ssyncadd.s32 $0xFFFFFD80  }
0x26: {  	_ =	swait.ge [sflag:s19], $0x2800  }
0x27: {  	[sflag:s19] =	ssyncset.done $0x0  }
0x28: {  	[sflag:s19] =	ssyncadd.s32 $0xFFFFD800  }
0x29: {  	_ =	swait.ge [sflag:s19], $0x2800  }
0x2a: {  	[sflag:s19] =	ssyncset.done $0x0  }
0x2b: {  	s0 =	simm.s32 $0x0;
	[sflag:s19] =	ssyncadd.s32 $0xFFFFD800  }
0x2c: {  	s1 =	simm.s32 $0x40;
	v0 =	vld [tilespmem:s0+$0x11F80]  }
.LBB2_2:
0x2d: {  	p0 =	sne.s32 s1, $0x9C0;
	v1 =	vld [tilespmem:s0+$0x11D00];
	_ =	sdelay $0x4  }
0x2e: {  	v0 =	vadd.f32 v0, v1;
	_ =	sdelay $0x1  }
0x2f: {  	v0 =	vadd.f32 $1.000000000e+00, v0;
	_ =	sdelay $0x1  }
0x30: {  	v1 =	vshrl.u32 v0, $0x1;
	v0 =	vmul.f32 $5.000000000e-01, v0  }
0x31: {  	v1 =	vsub.s32 $0x5F3759DF, v1  }
0x32: {  	v2 =	vmul.f32 v1, v0;
	_ =	sdelay $0x1  }
0x33: {  	v2 =	vmul.f32 v1, v2;
	_ =	sdelay $0x1  }
0x34: {  	v2 =	vsub.f32 $1.500000000e+00, v2;
	_ =	sdelay $0x1  }
0x35: {  	v1 =	vmul.f32 v1, v2;
	_ =	sdelay $0x1  }
0x36: {  	v2 =	vmul.f32 v1, v0;
	_ =	sdelay $0x1  }
0x37: {  	v2 =	vmul.f32 v2, v1;
	_ =	sdelay $0x1  }
0x38: {  	v2 =	vsub.f32 $1.500000000e+00, v2;
	_ =	sdelay $0x1  }
0x39: {  	v1 =	vmul.f32 v2, v1;
	_ =	sdelay $0x1  }
0x3a: {  	v0 =	vmul.f32 v1, v0;
	_ =	sdelay $0x1  }
0x3b: {  	v0 =	vmul.f32 v0, v1;
	_ =	sdelay $0x1  }
.Ltmp0:
0x3c: {  	v0 =	vsub.f32 $1.500000000e+00, v0;
	(pc) =	sbr.rel @p0 .LBB2_2-.Ltmp0, $4  }
0x3d: {  	_ = 	snop  }
0x3e: {  	v1 =	vmul.f32 v0, v1  }
0x3f: {  	s6 =	sshra.s32 s1, $0x2  }
0x40: {  	s1 =	sadd.s32 $0x40, s1;
	v0 =	vld [tilespmem:s6+$0x11F80];
	[tilespmem:s0+$0x11D00] =	vst v1;
	s0 =	smov.u32 s6  }
0x41: {  	v1 =	vld [tilespmem:s0+$0x11D00];
	_ =	sdelay $0x4  }
0x42: {  	v0 =	vadd.f32 v0, v1;
	_ =	sdelay $0x1  }
0x43: {  	v0 =	vadd.f32 $1.000000000e+00, v0;
	_ =	sdelay $0x1  }
0x44: {  	v1 =	vshrl.u32 v0, $0x1;
	v0 =	vmul.f32 $5.000000000e-01, v0  }
0x45: {  	v1 =	vsub.s32 $0x5F3759DF, v1  }
0x46: {  	v2 =	vmul.f32 v1, v0;
	_ =	sdelay $0x1  }
0x47: {  	v2 =	vmul.f32 v1, v2;
	_ =	sdelay $0x1  }
0x48: {  	v2 =	vsub.f32 $1.500000000e+00, v2;
	_ =	sdelay $0x1  }
0x49: {  	v1 =	vmul.f32 v1, v2;
	_ =	sdelay $0x1  }
0x4a: {  	v2 =	vmul.f32 v1, v0;
	_ =	sdelay $0x1  }
0x4b: {  	v2 =	vmul.f32 v2, v1;
	_ =	sdelay $0x1  }
0x4c: {  	v2 =	vsub.f32 $1.500000000e+00, v2;
	_ =	sdelay $0x1  }
0x4d: {  	v1 =	vmul.f32 v2, v1;
	_ =	sdelay $0x1  }
0x4e: {  	v0 =	vmul.f32 v1, v0;
	_ =	sdelay $0x1  }
0x4f: {  	v0 =	vmul.f32 v0, v1;
	_ =	sdelay $0x1  }
0x50: {  	v0 =	vsub.f32 $1.500000000e+00, v0;
	_ =	sdelay $0x1  }
0x51: {  	v0 =	vmul.f32 v0, v1;
	_ =	sdelay $0x1  }
0x52: {  	s1 =	simm.s32 $0x0;
	[tilespmem:s0+$0x11D00] =	vst v0  }
0x53: {  	s0 =	simm.s32 $0x11D00;
	v1 =	vld [tilespmem:s1+$0xCD30]  }
0x54: {  	s15 =	simm.s32 $0x400;
	v0 =	vld [tilespmem:s0+$0x0]  }
.LBB2_4:
0x55: {  	p0 =	sne.s32 s15, $0x9C00;
	v2 =	vld [tilespmem:s1+$0xCD10]  }
0x56: {  	v3 =	vld [tilespmem:s1+$0xCD00]  }
0x57: {  	v4 =	vld [tilespmem:s1+$0xCD20];
	_ =	sdelay $0x1  }
0x58: {  	v5 =	vbroadcast v0, $0x0;
	v6 =	vbroadcast v0, $0x1  }
0x59: {  	v7 =	vbroadcast v0, $0x2;
	v8 =	vbroadcast v0, $0x3;
	v9 =	vld [tilespmem:s1+$0xCD70]  }
0x5a: {  	v3 =	vmul.f32 v5, v3;
	v2 =	vmul.f32 v2, v6;
	v5 =	vld [tilespmem:s1+$0xCD50]  }
0x5b: {  	v1 =	vmul.f32 v1, v8;
	v4 =	vmul.f32 v4, v7;
	v6 =	vld [tilespmem:s1+$0xCD40]  }
0x5c: {  	[tilespmem:s1+$0xCD00] =	vst v3;
	v3 =	vmul.f32 $5.000000000e-01, v3;
	v7 =	vmul.f32 $5.000000000e-01, v2;
	v8 =	vld [tilespmem:s1+$0xCD60]  }
0x5d: {  	v10 =	vmul.f32 $5.000000000e-01, v1;
	[tilespmem:s1+$0xCD10] =	vst v2;
	v2 =	vmul.f32 $5.000000000e-01, v4  }
0x5e: {  	v11 =	vbroadcast v0, $0x5;
	[tilespmem:s1+$0xF500] =	vst v3;
	v3 =	vbroadcast v0, $0x4  }
0x5f: {  	v12 =	vbroadcast v0, $0x7;
	[tilespmem:s1+$0xF510] =	vst v7;
	v7 =	vbroadcast v0, $0x6;
	v13 =	vld [tilespmem:s1+$0xCDB0]  }
0x60: {  	[tilespmem:s1+$0xF520] =	vst v2;
	v2 =	vmul.f32 v6, v3;
	v3 =	vmul.f32 v5, v11;
	v5 =	vld [tilespmem:s1+$0xCD90]  }
0x61: {  	[tilespmem:s1+$0xF530] =	vst v10;
	v6 =	vmul.f32 v8, v7;
	v7 =	vmul.f32 v9, v12;
	v8 =	vld [tilespmem:s1+$0xCD80]  }
0x62: {  	[tilespmem:s1+$0xCD20] =	vst v4;
	v4 =	vmul.f32 $5.000000000e-01, v2;
	v9 =	vmul.f32 $5.000000000e-01, v3;
	v10 =	vld [tilespmem:s1+$0xCDA0]  }
0x63: {  	[tilespmem:s1+$0xCD30] =	vst v1;
	v1 =	vmul.f32 $5.000000000e-01, v6;
	v11 =	vmul.f32 $5.000000000e-01, v7  }
0x64: {  	v12 =	vbroadcast v0, $0x9;
	[tilespmem:s1+$0xF540] =	vst v4;
	v4 =	vbroadcast v0, $0x8  }
0x65: {  	v14 =	vbroadcast v0, $0xB;
	[tilespmem:s1+$0xF550] =	vst v9;
	v9 =	vbroadcast v0, $0xA;
	v15 =	vld [tilespmem:s1+$0xCDF0]  }
0x66: {  	[tilespmem:s1+$0xF560] =	vst v1;
	v1 =	vmul.f32 v8, v4;
	v4 =	vmul.f32 v5, v12;
	v5 =	vld [tilespmem:s1+$0xCDD0]  }
0x67: {  	[tilespmem:s1+$0xF570] =	vst v11;
	v8 =	vmul.f32 v10, v9;
	v9 =	vmul.f32 v13, v14;
	v10 =	vld [tilespmem:s1+$0xCDC0]  }
0x68: {  	[tilespmem:s1+$0xCD40] =	vst v2;
	v2 =	vmul.f32 $5.000000000e-01, v1;
	v11 =	vmul.f32 $5.000000000e-01, v4;
	v12 =	vld [tilespmem:s1+$0xCDE0]  }
0x69: {  	[tilespmem:s1+$0xCD50] =	vst v3;
	v3 =	vmul.f32 $5.000000000e-01, v8;
	v13 =	vmul.f32 $5.000000000e-01, v9  }
0x6a: {  	v14 =	vbroadcast v0, $0xD;
	[tilespmem:s1+$0xF580] =	vst v2;
	v2 =	vbroadcast v0, $0xC  }
0x6b: {  	[tilespmem:s1+$0xF590] =	vst v11;
	v11 =	vbroadcast v0, $0xE;
	v0 =	vbroadcast v0, $0xF  }
0x6c: {  	[tilespmem:s1+$0xF5A0] =	vst v3;
	v2 =	vmul.f32 v10, v2;
	v3 =	vmul.f32 v5, v14  }
0x6d: {  	[tilespmem:s1+$0xF5B0] =	vst v13;
	v5 =	vmul.f32 v12, v11;
	v0 =	vmul.f32 v15, v0  }
0x6e: {  	[tilespmem:s1+$0xCD60] =	vst v6;
	v6 =	vmul.f32 $5.000000000e-01, v2;
	v10 =	vmul.f32 $5.000000000e-01, v3  }
0x6f: {  	[tilespmem:s1+$0xCD70] =	vst v7;
	v7 =	vmul.f32 $5.000000000e-01, v5;
	v11 =	vmul.f32 $5.000000000e-01, v0  }
0x70: {  	[tilespmem:s1+$0xF5C0] =	vst v6  }
0x71: {  	[tilespmem:s1+$0xF5D0] =	vst v10  }
0x72: {  	[tilespmem:s1+$0xF5E0] =	vst v7  }
0x73: {  	[tilespmem:s1+$0xF5F0] =	vst v11  }
0x74: {  	[tilespmem:s1+$0xCD80] =	vst v1  }
0x75: {  	[tilespmem:s1+$0xCD90] =	vst v4  }
0x76: {  	[tilespmem:s1+$0xCDA0] =	vst v8  }
0x77: {  	[tilespmem:s1+$0xCDB0] =	vst v9  }
.Ltmp1:
0x78: {  	[tilespmem:s1+$0xCDC0] =	vst v2;
	(pc) =	sbr.rel @p0 .LBB2_4-.Ltmp1, $4  }
0x79: {  	[tilespmem:s1+$0xCDD0] =	vst v3  }
0x7a: {  	s6 =	sshra.s32 s15, $0x2;
	[tilespmem:s1+$0xCDE0] =	vst v5  }
0x7b: {  	s0 =	sadd.s32 $0x10, s0;
	v1 =	vld [tilespmem:s6+$0xCD30];
	[tilespmem:s1+$0xCDF0] =	vst v0;
	s1 =	smov.u32 s6  }
0x7c: {  	s15 =	sadd.s32 $0x400, s15;
	v0 =	vld [tilespmem:s0+$0x0]  }
0x7d: {  	_ = 	snop  }
0x7e: {  	v2 =	vld [tilespmem:s1+$0xCD00]  }
0x7f: {  	v3 =	vld [tilespmem:s1+$0xCD10]  }
0x80: {  	v4 =	vld [tilespmem:s1+$0xCD20]  }
0x81: {  	v5 =	vbroadcast v0, $0x0;
	v7 =	vbroadcast v0, $0x1  }
0x82: {  	v30 =	vld [tilespmem:s1+$0xCD50];
	v9 =	vbroadcast v0, $0x2;
	v31 =	vbroadcast v0, $0x3  }
0x83: {  	v6 =	vld [tilespmem:s1+$0xCD70];
	v35 =	vbroadcast v0, $0x4;
	v2 =	vmul.f32 v5, v2  }
0x84: {  	v36 =	vld [tilespmem:s1+$0xCD90];
	v11 =	vbroadcast v0, $0x5;
	v3 =	vmul.f32 v3, v7  }
0x85: {  	v12 =	vld [tilespmem:s1+$0xCDA0];
	v38 =	vbroadcast v0, $0x6;
	v4 =	vmul.f32 v4, v9;
	[tilespmem:s1+$0xCD00] =	vst v2  }
0x86: {  	v49 =	vld [tilespmem:s1+$0xCDC0];
	v39 =	vbroadcast v0, $0x7;
	v1 =	vmul.f32 v1, v31;
	[tilespmem:s1+$0xCD10] =	vst v3  }
0x87: {  	v47 =	vld [tilespmem:s1+$0xCDD0];
	v13 =	vbroadcast v0, $0x9;
	v5 =	vmul.f32 v30, v11;
	[tilespmem:s1+$0xCD20] =	vst v4  }
0x88: {  	v52 =	vld [tilespmem:s1+$0xCDE0];
	v48 =	vbroadcast v0, $0xA;
	v42 =	vmul.f32 v6, v39;
	[tilespmem:s1+$0xCD30] =	vst v1  }
0x89: {  	v44 =	vld [tilespmem:s1+$0xCDF0];
	v54 =	vbroadcast v0, $0xC;
	v9 =	vmul.f32 v36, v13;
	[tilespmem:s1+$0xCD50] =	vst v5  }
0x8a: {  	v15 =	vbroadcast v0, $0xD;
	v50 =	vmul.f32 v12, v48;
	[tilespmem:s1+$0xCD70] =	vst v42  }
0x8b: {  	v55 =	vbroadcast v0, $0xE;
	v56 =	vmul.f32 v49, v54;
	[tilespmem:s1+$0xCD90] =	vst v9  }
0x8c: {  	v57 =	vbroadcast v0, $0xF;
	v58 =	vmul.f32 v47, v15;
	[tilespmem:s1+$0xCDA0] =	vst v50  }
0x8d: {  	v46 =	vbroadcast v0, $0x8;
	v59 =	vmul.f32 v52, v55;
	[tilespmem:s1+$0xCDC0] =	vst v56  }
0x8e: {  	v14 =	vbroadcast v0, $0xB;
	v0 =	vmul.f32 v44, v57;
	[tilespmem:s1+$0xCDD0] =	vst v58  }
0x8f: {  	v2 =	vmul.f32 $5.000000000e-01, v2;
	[tilespmem:s1+$0xCDE0] =	vst v59  }
0x90: {  	v32 =	vmul.f32 $5.000000000e-01, v3;
	[tilespmem:s1+$0xCDF0] =	vst v0  }
0x91: {  	v33 =	vmul.f32 $5.000000000e-01, v4;
	[tilespmem:s1+$0xF500] =	vst v2  }
0x92: {  	v7 =	vmul.f32 $5.000000000e-01, v1;
	[tilespmem:s1+$0xF510] =	vst v32  }
0x93: {  	v41 =	vmul.f32 $5.000000000e-01, v5;
	[tilespmem:s1+$0xF520] =	vst v33  }
0x94: {  	v45 =	vmul.f32 $5.000000000e-01, v42;
	[tilespmem:s1+$0xF530] =	vst v7  }
0x95: {  	v13 =	vmul.f32 $5.000000000e-01, v9;
	[tilespmem:s1+$0xF550] =	vst v41  }
0x96: {  	v37 =	vld [tilespmem:s1+$0xCD80];
	v53 =	vmul.f32 $5.000000000e-01, v50;
	[tilespmem:s1+$0xF570] =	vst v45  }
0x97: {  	v34 =	vld [tilespmem:s1+$0xCDB0];
	v60 =	vmul.f32 $5.000000000e-01, v56;
	[tilespmem:s1+$0xF590] =	vst v13  }
0x98: {  	v8 =	vld [tilespmem:s1+$0xCD40];
	v61 =	vmul.f32 $5.000000000e-01, v58;
	[tilespmem:s1+$0xF5A0] =	vst v53  }
0x99: {  	v62 =	vmul.f32 $5.000000000e-01, v59;
	[tilespmem:s1+$0xF5C0] =	vst v60  }
0x9a: {  	v63 =	vmul.f32 $5.000000000e-01, v0;
	[tilespmem:s1+$0xF5D0] =	vst v61  }
0x9b: {  	v10 =	vld [tilespmem:s1+$0xCD60];
	v4 =	vmul.f32 v37, v46;
	[tilespmem:s1+$0xF5E0] =	vst v62  }
0x9c: {  	v3 =	vmul.f32 v34, v14;
	[tilespmem:s1+$0xF5F0] =	vst v63  }
0x9d: {  	v2 =	vmul.f32 v8, v35;
	[tilespmem:s1+$0xCD80] =	vst v4  }
0x9e: {  	v51 =	vmul.f32 $5.000000000e-01, v4;
	[tilespmem:s1+$0xCDB0] =	vst v3  }
0x9f: {  	v14 =	vmul.f32 $5.000000000e-01, v3;
	[tilespmem:s1+$0xCD40] =	vst v2  }
0xa0: {  	v8 =	vmul.f32 v10, v38;
	[tilespmem:s1+$0xF580] =	vst v51  }
0xa1: {  	v40 =	vmul.f32 $5.000000000e-01, v2;
	[tilespmem:s1+$0xF5B0] =	vst v14  }
0xa2: {  	v43 =	vmul.f32 $5.000000000e-01, v8;
	[tilespmem:s1+$0xCD60] =	vst v8  }
0xa3: {  	[tilespmem:s1+$0xF540] =	vst v40  }
0xa4: {  	[tilespmem:s1+$0xF560] =	vst v43  }
0xa5: {  	[spmem:s10] =	stream.linear.scatter [tilespmem:s14], [sflag:$0x9], $0x2800, $0x38;
	[tilespmem:$0x17200] =	vst v63  }
0xa6: {  	_ =	swait.ge [sflag:s20], $0x2800  }
0xa7: {  	[sflag:s20] =	ssyncset.done $0x0  }
0xa8: {  	s0 =	simm.s32 $0xF500;
	[sflag:s20] =	ssyncadd.s32 $0xFFFFD800  }
0xa9: {  	[spmem:s11] =	stream.linear.scatter [tilespmem:s0], [sflag:$0x9], $0x2800, $0x38;
	[tilespmem:$0x17200] =	vst v63  }
0xaa: {  	_ =	swait.ge [sflag:s20], $0x2800  }
0xab: {  	[sflag:s20] =	ssyncset.done $0x0  }
0xac: {  	[sflag:s20] =	ssyncadd.s32 $0xFFFFD800  }
0xad: {  	s15 =	simm.s32 $0x0;
	s16 =	simm.s32 $0x5000;
	[bflag:$0x0] =	sbarrier.arrive $0xFFFF  }
0xae: {  	[tilespmem:s16], [sflag:$0x1] =	stream.indirect.gather [spmem:s2], $0x10, s15, s22, $0xb8;
	[tilespmem:$0x17200] =	vst v63  }
0xaf: {  	s17 =	simm.s32 $0x80;
	s21 =	simm.s32 $0x57D0;
	s23 =	simm.s32 $0x100  }
0xb0: {  	[tilespmem:s21], [sflag:$0x1] =	stream.indirect.gather [spmem:s2], $0x10, s17, s22, $0xb8;
	[tilespmem:$0x17200] =	vst v63  }
0xb1: {  	s24 =	simm.s32 $0x5FA0;
	s6 =	simm.s32 $0x6770;
	s7 =	simm.s32 $0x1  }
0xb2: {  	[tilespmem:s24], [sflag:$0x1] =	stream.indirect.gather [spmem:s2], $0x10, s23, s22, $0xb8;
	[tilespmem:$0x17200] =	vst v63  }
0xb3: {  	p0 =	por $0x1, $0x1;
	s1 =	simm.s32 $0x180;
	s0 =	sand.u32 $0x3, s7  }
0xb4: {  	[tilespmem:s6], [sflag:$0x1] =	stream.indirect.gather [spmem:s2], $0x10, s1, s22, $0xb8;
	[tilespmem:$0x17200] =	vst v63  }
0xb5: {  	s1 =	sadd.s32 @!p0 $0x5, s0  }
0xb6: {  	_ =	swait.ge @!p0 [sflag:s1], $0x7D0  }
0xb7: {  	[sflag:s1] =	ssyncset.done @!p0 $0x0  }
0xb8: {  	[sflag:s1] =	ssyncadd.s32 @!p0 $0xFFFFF830  }
0xb9: {  	_ =	swait.ge @!p0 [sflag:s1], $0x7D0  }
0xba: {  	[sflag:s1] =	ssyncset.done @!p0 $0x0  }
0xbb: {  	[sflag:s1] =	ssyncadd.s32 @!p0 $0xFFFFF830  }
0xbc: {  	_ =	swait.ge @!p0 [sflag:s1], $0x7D0  }
0xbd: {  	[sflag:s1] =	ssyncset.done @!p0 $0x0  }
0xbe: {  	s6 =	smul.u32 $0x7D00, s0;
	[sflag:s1] =	ssyncadd.s32 @!p0 $0xFFFFF830  }
0xbf: {  	_ =	swait.ge @!p0 [sflag:s1], $0x7D0  }
0xc0: {  	s7 =	simm.s32 $0x200;
	s6 =	sshrl.u32 s6, $0x2;
	[sflag:s1] =	ssyncset.done @!p0 $0x0  }
0xc1: {  	s0 =	sadd.s32 $0x1, s0;
	s8 =	sadd.s32 $0x5000, s6;
	[sflag:s1] =	ssyncadd.s32 @!p0 $0xFFFFF830  }
0xc2: {  	[tilespmem:s8], [sflag:s0] =	stream.indirect.gather [spmem:s2], $0x10, s7, s22, $0xb8;
	[tilespmem:$0x17200] =	vst v63  }
0xc3: {  	s9 =	simm.s32 $0xFFFFFFFC;
	s15 =	simm.s32 $0x280;
	s16 =	sadd.s32 $0x57D0, s6  }
0xc4: {  	[tilespmem:s16], [sflag:s0] =	stream.indirect.gather [spmem:s2], $0x10, s15, s22, $0xb8;
	[tilespmem:$0x17200] =	vst v63  }
0xc5: {  	s17 =	simm.s32 $0x300;
	s21 =	sadd.s32 $0x5FA0, s6;
	s7 =	sand.u32 $0x3, s9  }
0xc6: {  	[tilespmem:s21], [sflag:s0] =	stream.indirect.gather [spmem:s2], $0x10, s17, s22, $0xb8;
	[tilespmem:$0x17200] =	vst v63  }
0xc7: {  	s24 =	simm.s32 $0x380;
	s23 =	sadd.s32 $0x6770, s6;
	s17 =	sadd.s32 $0x1, s7  }
0xc8: {  	[tilespmem:s23], [sflag:s0] =	stream.indirect.gather [spmem:s2], $0x10, s24, s22, $0xb8;
	[tilespmem:$0x17200] =	vst v63  }
0xc9: {  	_ =	swait.ge [sflag:s17], $0x7D0  }
0xca: {  	[sflag:s17] =	ssyncset.done $0x0  }
0xcb: {  	[sflag:s17] =	ssyncadd.s32 $0xFFFFF830  }
0xcc: {  	_ =	swait.ge [sflag:s17], $0x7D0  }
0xcd: {  	[sflag:s17] =	ssyncset.done $0x0  }
0xce: {  	[sflag:s17] =	ssyncadd.s32 $0xFFFFF830  }
0xcf: {  	s1 =	simm.s32 $0x800;
	_ =	swait.ge [sflag:s17], $0x7D0  }
0xd0: {  	p0 =	por $0x1, $0x1;
	s8 =	smul.u32 $0x7D00, s7;
	[sflag:s17] =	ssyncset.done $0x0  }
0xd1: {  	s9 =	simm.s32 $0x2800;
	s15 =	simm.s32 $0x1000;
	[sflag:s17] =	ssyncadd.s32 $0xFFFFF830  }
0xd2: {  	s16 =	simm.s32 $0x0;
	s21 =	sshrl.u32 s8, $0x2;
	_ =	swait.ge [sflag:s17], $0x7D0  }
0xd3: {  	s6 =	sadd.s32 $0x57D0, s21;
	s23 =	sadd.s32 $0x5000, s21;
	[sflag:s17] =	ssyncset.done $0x0  }
0xd4: {  	s24 =	sadd.s32 $0x5, s7;
	s0 =	simm.s32 $0xFFFFFFFE;
	[sflag:s17] =	ssyncadd.s32 $0xFFFFF830  }
0xd5: {  	[spmem:s3] =	stream.indirect.scatter.add.f32 [tilespmem:s23], [sflag:s24], $0x10, s9, s22, $0xb8;
	[tilespmem:$0x17200] =	vst v63  }
0xd6: {  	s7 =	simm.s32 $0x2880;
	s17 =	simm.s32 $0x2900;
	s23 =	sadd.s32 $0x5FA0, s21  }
.LBB2_6:
0xd7: {  	[spmem:s3] =	stream.indirect.scatter.add.f32 [tilespmem:s6], [sflag:s24], $0x10, s7, s22, $0xb8;
	[tilespmem:$0x17200] =	vst v63  }
0xd8: {  	s6 =	sadd.s32 $0x4, s0;
	s7 =	smov.u32 s15;
	s15 =	sadd.s32 $0x800, s15  }
0xd9: {  	[spmem:s3] =	stream.indirect.scatter.add.f32 [tilespmem:s23], [sflag:s24], $0x10, s17, s22, $0xb8;
	[tilespmem:$0x17200] =	vst v63  }
0xda: {  	s16 =	sadd.s32 $0x2980, s16;
	s6 =	sand.u32 $0x3, s6;
	s17 =	sadd.s32 $0x6770, s21  }
0xdb: {  	[spmem:s3] =	stream.indirect.scatter.add.f32 [tilespmem:s17], [sflag:s24], $0x10, s16, s22, $0xb8;
	[tilespmem:$0x17200] =	vst v63  }
0xdc: {  	p1 =	sne.s32 s15, $0x9800;
	s21 =	sadd.s32 @!p0 $0x5, s6;
	s16 =	smul.u32 $0x7D00, s6  }
0xdd: {  	_ =	swait.ge @!p0 [sflag:s21], $0x7D0  }
0xde: {  	s23 =	sshrl.u32 s16, $0x2;
	[sflag:s21] =	ssyncset.done @!p0 $0x0  }
0xdf: {  	[sflag:s21] =	ssyncadd.s32 @!p0 $0xFFFFF830  }
0xe0: {  	_ =	swait.ge @!p0 [sflag:s21], $0x7D0  }
0xe1: {  	[sflag:s21] =	ssyncset.done @!p0 $0x0  }
0xe2: {  	[sflag:s21] =	ssyncadd.s32 @!p0 $0xFFFFF830  }
0xe3: {  	_ =	swait.ge @!p0 [sflag:s21], $0x7D0  }
0xe4: {  	s16 =	sshra.s32 s1, $0x2;
	s1 =	smov.u32 s7;
	[sflag:s21] =	ssyncset.done @!p0 $0x0  }
0xe5: {  	s7 =	sadd.s32 $0x200, s16;
	s17 =	sadd.s32 $0x2900, s16;
	[sflag:s21] =	ssyncadd.s32 @!p0 $0xFFFFF830  }
0xe6: {  	_ =	swait.ge @!p0 [sflag:s21], $0x7D0  }
0xe7: {  	s24 =	sadd.s32 $0xFFFFFFFF, s0;
	s6 =	sadd.s32 $0x1, s6;
	[sflag:s21] =	ssyncset.done @!p0 $0x0  }
0xe8: {  	s8 =	sadd.s32 $0x57D0, s23;
	[sflag:s21] =	ssyncadd.s32 @!p0 $0xFFFFF830;
	s21 =	sadd.s32 $0x5000, s23  }
0xe9: {  	[tilespmem:s21], [sflag:s6] =	stream.indirect.gather [spmem:s2], $0x10, s7, s22, $0xb8;
	[tilespmem:$0x17200] =	vst v63  }
0xea: {  	s7 =	sand.u32 $0x3, s24;
	s21 =	sadd.s32 $0x280, s16;
	s24 =	sadd.s32 $0x300, s16  }
0xeb: {  	[tilespmem:s8], [sflag:s6] =	stream.indirect.gather [spmem:s2], $0x10, s21, s22, $0xb8;
	[tilespmem:$0x17200] =	vst v63  }
0xec: {  	s8 =	sadd.s32 $0x5FA0, s23;
	s23 =	sadd.s32 $0x6770, s23;
	s21 =	smul.u32 $0x7D00, s7  }
0xed: {  	[tilespmem:s8], [sflag:s6] =	stream.indirect.gather [spmem:s2], $0x10, s24, s22, $0xb8;
	[tilespmem:$0x17200] =	vst v63  }
0xee: {  	s9 =	sadd.s32 $0x1, s7;
	s8 =	sadd.s32 $0x380, s16;
	s21 =	sshrl.u32 s21, $0x2  }
0xef: {  	[tilespmem:s23], [sflag:s6] =	stream.indirect.gather [spmem:s2], $0x10, s8, s22, $0xb8;
	[tilespmem:$0x17200] =	vst v63  }
0xf0: {  	s23 =	sadd.s32 $0x5FA0, s21;
	_ =	swait.ge [sflag:s9], $0x7D0  }
0xf1: {  	[sflag:s9] =	ssyncset.done $0x0  }
0xf2: {  	[sflag:s9] =	ssyncadd.s32 $0xFFFFF830  }
0xf3: {  	_ =	swait.ge [sflag:s9], $0x7D0  }
0xf4: {  	[sflag:s9] =	ssyncset.done $0x0  }
0xf5: {  	[sflag:s9] =	ssyncadd.s32 $0xFFFFF830  }
0xf6: {  	s0 =	sadd.s32 $0x1, s0;
	_ =	swait.ge [sflag:s9], $0x7D0  }
0xf7: {  	p0 =	sgt.u32 s0, $0xF;
	[sflag:s9] =	ssyncset.done $0x0  }
0xf8: {  	s24 =	sadd.s32 $0x5, s7;
	s6 =	sadd.s32 $0x2800, s16;
	[sflag:s9] =	ssyncadd.s32 $0xFFFFF830  }
.Ltmp2:
0xf9: {  	s8 =	sadd.s32 $0x5000, s21;
	_ =	swait.ge [sflag:s9], $0x7D0;
	(pc) =	sbr.rel @p1 .LBB2_6-.Ltmp2, $4  }
0xfa: {  	[sflag:s9] =	ssyncset.done $0x0  }
0xfb: {  	[sflag:s9] =	ssyncadd.s32 $0xFFFFF830  }
0xfc: {  	[spmem:s3] =	stream.indirect.scatter.add.f32 [tilespmem:s8], [sflag:s24], $0x10, s6, s22, $0xb8;
	[tilespmem:$0x17200] =	vst v63  }
0xfd: {  	s7 =	sadd.s32 $0x2880, s16;
	s6 =	sadd.s32 $0x57D0, s21  }
0xfe: {  	[spmem:s3] =	stream.indirect.scatter.add.f32 [tilespmem:s6], [sflag:s24], $0x10, s7, s22, $0xb8;
	[tilespmem:$0x17200] =	vst v63  }
0xff: {  	_ = 	snop  }
0x100: {  	[spmem:s3] =	stream.indirect.scatter.add.f32 [tilespmem:s23], [sflag:s24], $0x10, s17, s22, $0xb8;
	[tilespmem:$0x17200] =	vst v63  }
0x101: {  	s17 =	sadd.s32 $0x4, s0  }
0x102: {  	s21 =	sadd.s32 $0x6770, s21;
	s8 =	sadd.s32 $0x2980, s16;
	s6 =	sand.u32 $0x3, s17  }
0x103: {  	[spmem:s3] =	stream.indirect.scatter.add.f32 [tilespmem:s21], [sflag:s24], $0x10, s8, s22, $0xb8;
	[tilespmem:$0x17200] =	vst v63  }
0x104: {  	s7 =	sadd.s32 @!p0 $0x5, s6  }
0x105: {  	_ =	swait.ge @!p0 [sflag:s7], $0x7D0  }
0x106: {  	[sflag:s7] =	ssyncset.done @!p0 $0x0  }
0x107: {  	[sflag:s7] =	ssyncadd.s32 @!p0 $0xFFFFF830  }
0x108: {  	_ =	swait.ge @!p0 [sflag:s7], $0x7D0  }
0x109: {  	[sflag:s7] =	ssyncset.done @!p0 $0x0  }
0x10a: {  	[sflag:s7] =	ssyncadd.s32 @!p0 $0xFFFFF830  }
0x10b: {  	_ =	swait.ge @!p0 [sflag:s7], $0x7D0  }
0x10c: {  	[sflag:s7] =	ssyncset.done @!p0 $0x0  }
0x10d: {  	s23 =	smul.u32 $0x7D00, s6;
	[sflag:s7] =	ssyncadd.s32 @!p0 $0xFFFFF830  }
0x10e: {  	s1 =	sshra.s32 s1, $0x2;
	_ =	swait.ge @!p0 [sflag:s7], $0x7D0  }
0x10f: {  	s9 =	sadd.s32 $0x200, s1;
	s8 =	sshrl.u32 s23, $0x2;
	[sflag:s7] =	ssyncset.done @!p0 $0x0  }
0x110: {  	s6 =	sadd.s32 $0x1, s6;
	s24 =	sadd.s32 $0x5000, s8;
	[sflag:s7] =	ssyncadd.s32 @!p0 $0xFFFFF830  }
0x111: {  	[tilespmem:s24], [sflag:s6] =	stream.indirect.gather [spmem:s2], $0x10, s9, s22, $0xb8;
	[tilespmem:$0x17200] =	vst v63  }
0x112: {  	s15 =	sadd.s32 $0x280, s1;
	s21 =	sadd.s32 $0xFFFFFFFF, s0;
	s9 =	sadd.s32 $0x57D0, s8  }
0x113: {  	[tilespmem:s9], [sflag:s6] =	stream.indirect.gather [spmem:s2], $0x10, s15, s22, $0xb8;
	[tilespmem:$0x17200] =	vst v63  }
0x114: {  	s16 =	sadd.s32 $0x300, s1;
	s0 =	sand.u32 $0x3, s21;
	s17 =	sadd.s32 $0x5FA0, s8  }
0x115: {  	[tilespmem:s17], [sflag:s6] =	stream.indirect.gather [spmem:s2], $0x10, s16, s22, $0xb8;
	[tilespmem:$0x17200] =	vst v63  }
0x116: {  	s23 =	sadd.s32 $0x6770, s8;
	s24 =	sadd.s32 $0x380, s1;
	s8 =	sadd.s32 $0x1, s0  }
0x117: {  	[tilespmem:s23], [sflag:s6] =	stream.indirect.gather [spmem:s2], $0x10, s24, s22, $0xb8;
	[tilespmem:$0x17200] =	vst v63  }
0x118: {  	_ =	swait.ge [sflag:s8], $0x7D0  }
0x119: {  	[sflag:s8] =	ssyncset.done $0x0  }
0x11a: {  	[sflag:s8] =	ssyncadd.s32 $0xFFFFF830  }
0x11b: {  	_ =	swait.ge [sflag:s8], $0x7D0  }
0x11c: {  	[sflag:s8] =	ssyncset.done $0x0  }
0x11d: {  	[sflag:s8] =	ssyncadd.s32 $0xFFFFF830  }
0x11e: {  	_ =	swait.ge [sflag:s8], $0x7D0  }
0x11f: {  	[sflag:s8] =	ssyncset.done $0x0  }
0x120: {  	s9 =	smul.u32 $0x7D00, s0;
	[sflag:s8] =	ssyncadd.s32 $0xFFFFF830  }
0x121: {  	_ =	swait.ge [sflag:s8], $0x7D0  }
0x122: {  	s15 =	sadd.s32 $0x2800, s1;
	s7 =	sshrl.u32 s9, $0x2;
	[sflag:s8] =	ssyncset.done $0x0  }
0x123: {  	s0 =	sadd.s32 $0x5, s0;
	s16 =	sadd.s32 $0x5000, s7;
	[sflag:s8] =	ssyncadd.s32 $0xFFFFF830  }
0x124: {  	[spmem:s3] =	stream.indirect.scatter.add.f32 [tilespmem:s16], [sflag:s0], $0x10, s15, s22, $0xb8;
	[tilespmem:$0x17200] =	vst v63  }
0x125: {  	s21 =	sadd.s32 $0x2880, s1;
	s17 =	sadd.s32 $0x57D0, s7  }
0x126: {  	[spmem:s3] =	stream.indirect.scatter.add.f32 [tilespmem:s17], [sflag:s0], $0x10, s21, s22, $0xb8;
	[tilespmem:$0x17200] =	vst v63  }
0x127: {  	s23 =	sadd.s32 $0x2900, s1;
	s24 =	sadd.s32 $0x5FA0, s7  }
0x128: {  	[spmem:s3] =	stream.indirect.scatter.add.f32 [tilespmem:s24], [sflag:s0], $0x10, s23, s22, $0xb8;
	[tilespmem:$0x17200] =	vst v63  }
0x129: {  	s7 =	sadd.s32 $0x6770, s7;
	s1 =	sadd.s32 $0x2980, s1  }
0x12a: {  	[spmem:s3] =	stream.indirect.scatter.add.f32 [tilespmem:s7], [sflag:s0], $0x10, s1, s22, $0xb8;
	[tilespmem:$0x17200] =	vst v63  }
0x12b: {  	_ =	swait.ge [sflag:s31], $0x7D0  }
0x12c: {  	[sflag:s31] =	ssyncset.done $0x0  }
0x12d: {  	[sflag:s31] =	ssyncadd.s32 $0xFFFFF830  }
0x12e: {  	_ =	swait.ge [sflag:s31], $0x7D0  }
0x12f: {  	[sflag:s31] =	ssyncset.done $0x0  }
0x130: {  	[sflag:s31] =	ssyncadd.s32 $0xFFFFF830  }
0x131: {  	_ =	swait.ge [sflag:s31], $0x7D0  }
0x132: {  	[sflag:s31] =	ssyncset.done $0x0  }
0x133: {  	[sflag:s31] =	ssyncadd.s32 $0xFFFFF830  }
0x134: {  	_ =	swait.ge [sflag:s31], $0x7D0  }
0x135: {  	[sflag:s31] =	ssyncset.done $0x0  }
0x136: {  	s9 =	simm.s32 $0xADC0;
	s8 =	simm.s32 $0x4E00;
	[sflag:s31] =	ssyncadd.s32 $0xFFFFF830  }
0x137: {  	[spmem:s3] =	stream.indirect.scatter.add.f32 [tilespmem:s9], [sflag:$0x8], $0x10, s8, s22, $0xb8;
	[tilespmem:$0x17200] =	vst v63  }
0x138: {  	s15 =	simm.s32 $0x4E80;
	s16 =	simm.s32 $0xB590  }
0x139: {  	[spmem:s3] =	stream.indirect.scatter.add.f32 [tilespmem:s16], [sflag:$0x8], $0x10, s15, s22, $0xb8;
	[tilespmem:$0x17200] =	vst v63  }
0x13a: {  	s17 =	simm.s32 $0x4F00;
	s21 =	simm.s32 $0xBD60  }
0x13b: {  	[spmem:s3] =	stream.indirect.scatter.add.f32 [tilespmem:s21], [sflag:$0x8], $0x10, s17, s22, $0xb8;
	[tilespmem:$0x17200] =	vst v63  }
0x13c: {  	s23 =	simm.s32 $0x4F80;
	s24 =	simm.s32 $0xC530  }
0x13d: {  	[spmem:s3] =	stream.indirect.scatter.add.f32 [tilespmem:s24], [sflag:$0x8], $0x10, s23, s22, $0xb8;
	[tilespmem:$0x17200] =	vst v63  }
0x13e: {  	_ =	swait.ge [sflag:s25], $0x7D0  }
0x13f: {  	[sflag:s25] =	ssyncset.done $0x0  }
0x140: {  	[sflag:s25] =	ssyncadd.s32 $0xFFFFF830  }
0x141: {  	_ =	swait.ge [sflag:s25], $0x7D0  }
0x142: {  	[sflag:s25] =	ssyncset.done $0x0  }
0x143: {  	[sflag:s25] =	ssyncadd.s32 $0xFFFFF830  }
0x144: {  	_ =	swait.ge [sflag:s25], $0x7D0  }
0x145: {  	[sflag:s25] =	ssyncset.done $0x0  }
0x146: {  	[sflag:s25] =	ssyncadd.s32 $0xFFFFF830  }
0x147: {  	_ =	swait.ge [sflag:s25], $0x7D0  }
0x148: {  	[sflag:s25] =	ssyncset.done $0x0  }
0x149: {  	[sflag:s25] =	ssyncadd.s32 $0xFFFFF830  }
0x14a: {  	_ =	swait.ge [sflag:s26], $0x7D0  }
0x14b: {  	[sflag:s26] =	ssyncset.done $0x0  }
0x14c: {  	[sflag:s26] =	ssyncadd.s32 $0xFFFFF830  }
0x14d: {  	_ =	swait.ge [sflag:s26], $0x7D0  }
0x14e: {  	[sflag:s26] =	ssyncset.done $0x0  }
0x14f: {  	[sflag:s26] =	ssyncadd.s32 $0xFFFFF830  }
0x150: {  	_ =	swait.ge [sflag:s26], $0x7D0  }
0x151: {  	[sflag:s26] =	ssyncset.done $0x0  }
0x152: {  	[sflag:s26] =	ssyncadd.s32 $0xFFFFF830  }
0x153: {  	_ =	swait.ge [sflag:s26], $0x7D0  }
0x154: {  	[sflag:s26] =	ssyncset.done $0x0  }
0x155: {  	[sflag:s26] =	ssyncadd.s32 $0xFFFFF830  }
0x156: {  	_ =	swait.ge [sflag:s28], $0x7D0  }
0x157: {  	[sflag:s28] =	ssyncset.done $0x0  }
0x158: {  	[sflag:s28] =	ssyncadd.s32 $0xFFFFF830  }
0x159: {  	_ =	swait.ge [sflag:s28], $0x7D0  }
0x15a: {  	[sflag:s28] =	ssyncset.done $0x0  }
0x15b: {  	[sflag:s28] =	ssyncadd.s32 $0xFFFFF830  }
0x15c: {  	_ =	swait.ge [sflag:s28], $0x7D0  }
0x15d: {  	[sflag:s28] =	ssyncset.done $0x0  }
0x15e: {  	[sflag:s28] =	ssyncadd.s32 $0xFFFFF830  }
0x15f: {  	_ =	swait.ge [sflag:s28], $0x7D0  }
0x160: {  	[sflag:s28] =	ssyncset.done $0x0  }
0x161: {  	[sflag:s28] =	ssyncadd.s32 $0xFFFFF830  }
0x162: {  	_ =	swait.ge [sflag:s29], $0x7D0  }
0x163: {  	[sflag:s29] =	ssyncset.done $0x0  }
0x164: {  	[sflag:s29] =	ssyncadd.s32 $0xFFFFF830  }
0x165: {  	_ =	swait.ge [sflag:s29], $0x7D0  }
0x166: {  	[sflag:s29] =	ssyncset.done $0x0  }
0x167: {  	[sflag:s29] =	ssyncadd.s32 $0xFFFFF830  }
0x168: {  	_ =	swait.ge [sflag:s29], $0x7D0  }
0x169: {  	[sflag:s29] =	ssyncset.done $0x0  }
0x16a: {  	[sflag:s29] =	ssyncadd.s32 $0xFFFFF830  }
0x16b: {  	_ =	swait.ge [sflag:s29], $0x7D0  }
0x16c: {  	[sflag:s29] =	ssyncset.done $0x0  }
0x16d: {  	[sflag:s29] =	ssyncadd.s32 $0xFFFFF830  }
0x16e: {  	[bflag:$0x0] =	sbarrier.arrive $0xFFFF  }
0x16f: {  	[tilespmem:s14], [sflag:$0x9] =	stream.linear.gather [spmem:s11], $0x2800, $0x38;
	[tilespmem:$0x17200] =	vst v63  }
0x170: {  	_ =	swait.ge [sflag:s20], $0x2800  }
0x171: {  	[sflag:s20] =	ssyncset.done $0x0  }
0x172: {  	s1 =	simm.s32 $0xCD80;
	[sflag:s20] =	ssyncadd.s32 $0xFFFFD800  }
0x173: {  	s0 =	simm.s32 $0xCD80;
	s16 =	simm.s32 $0x0;
	s15 =	simm.s32 $0x40;
	v0 =	vld [tilespmem:s1+$0xFFFFFFB0]  }
.LBB2_8:
0x174: {  	p0 =	sne.s32 s15, $0x9C0;
	v1 =	vld [tilespmem:s16+$0x11D00]  }
0x175: {  	v2 =	vld [tilespmem:s1+$0xFFFFFF90]  }
0x176: {  	v3 =	vld [tilespmem:s1+$0xFFFFFF80]  }
0x177: {  	v4 =	vld [tilespmem:s1+$0xFFFFFFA0]  }
0x178: {  	v5 =	vld [tilespmem:s1+$0xFFFFFFF0]  }
0x179: {  	v6 =	vbroadcast v1, $0x0;
	v7 =	vbroadcast v1, $0x1;
	v8 =	vld [tilespmem:s1+$0xFFFFFFD0]  }
0x17a: {  	v9 =	vbroadcast v1, $0x2;
	v10 =	vbroadcast v1, $0x3;
	v11 =	vld [tilespmem:s1+$0xFFFFFFC0]  }
0x17b: {  	v3 =	vmul.f32 v6, v3;
	v2 =	vmul.f32 v2, v7;
	v6 =	vld [tilespmem:s1+$0xFFFFFFE0]  }
0x17c: {  	v0 =	vmul.f32 v0, v10;
	v4 =	vmul.f32 v4, v9;
	v7 =	vld [tilespmem:s1+$0x30]  }
0x17d: {  	v9 =	vbroadcast v1, $0x5;
	[tilespmem:s1+$0xFFFFFF80] =	vst v3;
	v3 =	vbroadcast v1, $0x4;
	v10 =	vld [tilespmem:s1+$0x10]  }
0x17e: {  	v12 =	vbroadcast v1, $0x7;
	[tilespmem:s1+$0xFFFFFF90] =	vst v2;
	v2 =	vbroadcast v1, $0x6;
	v13 =	vld [tilespmem:s1+$0x0]  }
0x17f: {  	[tilespmem:s1+$0xFFFFFFA0] =	vst v4;
	v3 =	vmul.f32 v11, v3;
	v4 =	vmul.f32 v8, v9;
	v8 =	vld [tilespmem:s1+$0x20]  }
0x180: {  	[tilespmem:s1+$0xFFFFFFB0] =	vst v0;
	v0 =	vmul.f32 v6, v2;
	v2 =	vmul.f32 v5, v12;
	v5 =	vld [tilespmem:s1+$0x70]  }
0x181: {  	v6 =	vbroadcast v1, $0x9;
	[tilespmem:s1+$0xFFFFFFC0] =	vst v3;
	v3 =	vbroadcast v1, $0x8;
	v9 =	vld [tilespmem:s1+$0x50]  }
0x182: {  	v11 =	vbroadcast v1, $0xB;
	[tilespmem:s1+$0xFFFFFFD0] =	vst v4;
	v4 =	vbroadcast v1, $0xA;
	v12 =	vld [tilespmem:s1+$0x40]  }
0x183: {  	[tilespmem:s1+$0xFFFFFFE0] =	vst v0;
	v0 =	vmul.f32 v13, v3;
	v3 =	vmul.f32 v10, v6;
	v6 =	vld [tilespmem:s1+$0x60]  }
0x184: {  	[tilespmem:s1+$0xFFFFFFF0] =	vst v2;
	v2 =	vmul.f32 v8, v4;
	v4 =	vmul.f32 v7, v11  }
0x185: {  	v7 =	vbroadcast v1, $0xD;
	[tilespmem:s1+$0x0] =	vst v0;
	v0 =	vbroadcast v1, $0xC  }
0x186: {  	[tilespmem:s1+$0x10] =	vst v3;
	v3 =	vbroadcast v1, $0xE;
	v1 =	vbroadcast v1, $0xF  }
0x187: {  	[tilespmem:s1+$0x20] =	vst v2;
	v0 =	vmul.f32 v12, v0;
	v2 =	vmul.f32 v9, v7  }
.Ltmp3:
0x188: {  	[tilespmem:s1+$0x30] =	vst v4;
	v3 =	vmul.f32 v6, v3;
	v1 =	vmul.f32 v5, v1;
	(pc) =	sbr.rel @p0 .LBB2_8-.Ltmp3, $4  }
0x189: {  	[tilespmem:s1+$0x40] =	vst v0  }
0x18a: {  	[tilespmem:s1+$0x50] =	vst v2  }
0x18b: {  	s1 =	sadd.s32 $0x100, s1;
	[tilespmem:s0+$0x60] =	vst v3  }
0x18c: {  	s16 =	sshra.s32 s15, $0x2;
	s15 =	sadd.s32 $0x40, s15;
	v0 =	vld [tilespmem:s1+$0xFFFFFFB0];
	[tilespmem:s0+$0x70] =	vst v1;
	s0 =	smov.u32 s1  }
0x18d: {  	v1 =	vld [tilespmem:s16+$0x11D00];
	_ =	sdelay $0x1  }
0x18e: {  	v2 =	vld [tilespmem:s1+$0xFFFFFF80]  }
0x18f: {  	v3 =	vld [tilespmem:s1+$0xFFFFFF90]  }
0x190: {  	v4 =	vld [tilespmem:s1+$0xFFFFFFA0]  }
0x191: {  	v5 =	vbroadcast v1, $0x0  }
0x192: {  	v8 =	vld [tilespmem:s1+$0xFFFFFFD0];
	v6 =	vbroadcast v1, $0x1  }
0x193: {  	v43 =	vld [tilespmem:s1+$0xFFFFFFE0];
	v9 =	vbroadcast v1, $0x2;
	v2 =	vmul.f32 v5, v2  }
0x194: {  	v47 =	vld [tilespmem:s1+$0x10];
	v42 =	vbroadcast v1, $0x3;
	v3 =	vmul.f32 v3, v6  }
0x195: {  	v7 =	vld [tilespmem:s1+$0xFFFFFFC0];
	v45 =	vbroadcast v1, $0x5;
	v4 =	vmul.f32 v4, v9;
	[tilespmem:s1+$0xFFFFFF80] =	vst v2  }
0x196: {  	v10 =	vld [tilespmem:s1+$0xFFFFFFF0];
	v11 =	vbroadcast v1, $0x6;
	v0 =	vmul.f32 v0, v42;
	[tilespmem:s1+$0xFFFFFF90] =	vst v3  }
0x197: {  	v49 =	vld [tilespmem:s1+$0x20];
	v52 =	vbroadcast v1, $0x9;
	v5 =	vmul.f32 v8, v45;
	[tilespmem:s1+$0xFFFFFFA0] =	vst v4  }
0x198: {  	v50 =	vld [tilespmem:s1+$0x30];
	v44 =	vbroadcast v1, $0x4;
	v6 =	vmul.f32 v43, v11;
	[tilespmem:s1+$0xFFFFFFB0] =	vst v0  }
0x199: {  	v46 =	vld [tilespmem:s1+$0x0];
	v48 =	vbroadcast v1, $0x7;
	v57 =	vmul.f32 v47, v52;
	[tilespmem:s1+$0xFFFFFFD0] =	vst v5  }
0x19a: {  	v54 =	vld [tilespmem:s1+$0x50];
	v55 =	vbroadcast v1, $0xA;
	v2 =	vmul.f32 v7, v44;
	[tilespmem:s1+$0xFFFFFFE0] =	vst v6  }
0x19b: {  	v53 =	vld [tilespmem:s1+$0x40];
	v56 =	vbroadcast v1, $0xB;
	v4 =	vmul.f32 v10, v48;
	[tilespmem:s1+$0x10] =	vst v57  }
0x19c: {  	v58 =	vld [tilespmem:s1+$0x60];
	v51 =	vbroadcast v1, $0x8;
	v7 =	vmul.f32 v49, v55;
	[tilespmem:s1+$0xFFFFFFC0] =	vst v2  }
0x19d: {  	v59 =	vld [tilespmem:s1+$0x70];
	v61 =	vbroadcast v1, $0xD;
	v0 =	vmul.f32 v50, v56;
	[tilespmem:s1+$0xFFFFFFF0] =	vst v4  }
0x19e: {  	v60 =	vbroadcast v1, $0xC;
	v2 =	vmul.f32 v46, v51;
	[tilespmem:s1+$0x20] =	vst v7  }
0x19f: {  	v62 =	vbroadcast v1, $0xE;
	v3 =	vmul.f32 v54, v61;
	[tilespmem:s1+$0x30] =	vst v0  }
0x1a0: {  	v1 =	vbroadcast v1, $0xF;
	[tilespmem:s1+$0x0] =	vst v2;
	v2 =	vmul.f32 v53, v60  }
0x1a1: {  	v63 =	vmul.f32 v58, v62;
	[tilespmem:s1+$0x50] =	vst v3  }
0x1a2: {  	s30 =	sadd.s32 $0x1, s30;
	v1 =	vmul.f32 v59, v1;
	[tilespmem:s1+$0x40] =	vst v2  }
0x1a3: {  	p0 =	sne.s32 s30, s13;
	[tilespmem:s0+$0x60] =	vst v63  }
.Ltmp4:
0x1a4: {  	[tilespmem:s0+$0x70] =	vst v1;
	(pc) =	sbr.rel @p0 .LBB2_1-.Ltmp4, $4  }
0x1a5: {  	[hbm4b:s12+s4] =	stream.linear.scatter [tilespmem:s14], [sflag:$0x9], $0x2800, $0x38;
	[tilespmem:$0x17200] =	vst v63  }
0x1a6: {  	_ =	swait.ge [sflag:s20], $0x2800  }
0x1a7: {  	[sflag:s20] =	ssyncset.done $0x0  }
0x1a8: {  	[sflag:s20] =	ssyncadd.s32 $0xFFFFD800  }
0x1a9: {  	_ =	sfence.sel $0x180000  }
0x1aa: {  	[bflag:$0x0] =	sbarrier.arrive $0xFFFF  }
0x1ab: {  	_ =	strace $0x9000004A  }
0x1ac: {  	s0 =	stileid.u32;
	[bflag:$0x2] =	sbarrier.arrive $0xFFFF  }
0x1ad: {  	p0 =	sne.s32 s0, $0x0;
	s0 =	rddreg [dreg:$0x4]  }
0x1ae: {  	s0 =	sadd.s32 @!p0 $0x100000, s0  }
0x1af: {  	[sflag:s0] =	ssyncadd.tile.s32 @!p0 $0x1;
	_ =	shalt  }
.Lfunc_end2:
_tile_overlayer_lowered:
.L_overlay_start_2:
0x1b0: {  	(tag) =	ssettag $0x2  }
0x1b1: {  	s0 =	rddreg [dreg:$0x0];
	s2 =	stileid.u32  }
0x1b2: {  	s1 =	rddreg [dreg:$0x1];
	p0 =	sne.s32 s2, $0x0  }
0x1b3: {  	s3 =	rddreg [dreg:$0x2];
	[bflag:$0x3] =	sbarrier.arrive $0xFFFF;
	s2 =	simm.s32 @!p0 $0x1C09  }
0x1b4: {  	[timem:s3], [sflag:s2] =	dma.local @!p0 [hbm:s0], s1  }
0x1b5: {  	s0 =	simm.s32 @!p0 $0x9  }
0x1b6: {  	_ =	swait.ge @!p0 [sflag:s0], s1  }
0x1b7: {  	s1 =	ssub.s32 @!p0 $0x0, s1;
	[sflag:s0] =	ssyncset.done @!p0 $0x0  }
0x1b8: {  	[sflag:s0] =	ssyncadd.s32 @!p0 s1  }
0x1b9: {  	[bflag:$0x3] =	sbarrier.arrive $0xFFFF  }
0x1ba: {  	_ =	shalt  }

// kernel: kernel.14.cloned.1.call-start
scs
__scs_entry_jumppad:
0x0: {  	(pc) =	sbr.rel $0x88, $3  }
0x1: {  	(tag) =	ssettag $0x0;
	lr =	simm.s32 $0x1  }
0x2: {  	[smem:$0x3F9B] =	sst lr;
	_ =	strace $0xD0000000  }
0x3: {  	_ = 	snop  }
0x4: {  	_ = 	snop  }
0x5: {  	_ = 	snop  }
0x6: {  	_ = 	snop  }
0x7: {  	_ = 	snop  }
__scs_overlays_trampoline_lowered:
0x8: {  	[smem:$0x3FAA] =	sst s0  }
0x9: {  	[smem:$0x3FAB] =	sst s1  }
0xa: {  	[smem:$0x3FAC] =	sst s2  }
0xb: {  	[smem:$0x3FAD] =	sst s3  }
0xc: {  	[smem:$0x3FAE] =	sst s4  }
0xd: {  	[smem:$0x3FAF] =	sst s5  }
0xe: {  	[smem:$0x3FB0] =	sst s6  }
0xf: {  	[smem:$0x3FB1] =	sst s7  }
0x10: {  	[smem:$0x3FB2] =	sst s8  }
0x11: {  	[smem:$0x3FB3] =	sst s9;
	s0 =	simm.s32 @!p0 $0x0  }
0x12: {  	s1 =	sld [smem:$0x3F99];
	s0 =	simm.s32 @p0 $0x1  }
0x13: {  	[smem:$0x3FB4] =	sst s0;
	s0 =	simm.s32 @!p1 $0x0  }
0x14: {  	s2 =	sld [smem:$0x3F98];
	s0 =	simm.s32 @p1 $0x1  }
0x15: {  	[smem:$0x3FB5] =	sst s0;
	s0 =	simm.s32 @!p2 $0x0  }
0x16: {  	s3 =	sld [smem:$0x3FDB];
	s0 =	simm.s32 @p2 $0x1  }
0x17: {  	s4 =	simm.s32 $0x1BF5;
	[smem:$0x3FB7] =	sst s0  }
0x18: {  	s0 =	sld [smem:$0x3F9A];
	_ =	swait.ge [sflag:s4], $0x0  }
0x19: {  	s7 =	sld [smem:$0x3F9B]  }
0x1a: {  	s8 =	sadd.s32 $0xFFFFE003, lr  }
0x1b: {  	s9 =	sadd.s32 $0xFFFFFEF7, lr;
	s5 =	simm.s32 $0xFFFFFFFF;
	p2 =	slt.u32 s8, $0xFFFFF086  }
0x1c: {  	p1 =	slt.u32 s9, $0xF7A;
	s5 =	simm.s32 @!p2 $0x0  }
0x1d: {  	s5 =	simm.s32 @p1 $0x1;
	p0 =	seq.s32 s7, s2  }
0x1e: {  	s7 =	smul.u32 @!p0 $0xF7A, s2;
	p2 =	seq.s32 @!p0 s5, $0x0  }
0x1f: {  	s9 =	smul.u32 $0xF7A, s1;
	s8 =	simm.s32 @!p0 $0x1BF5;
	p2 =	por !p2, p0  }
0x20: {  	[sflag:s8] =	ssyncset.s32 @!p0 $0xFFFFF086;
	s6 =	sadd.s32 @!p0 s3, s7;
	s7 =	simm.s32 @!p0 $0x108  }
0x21: {  	s3 =	sadd.s32 s3, s9;
	s6 =	sadd.s32 @!p0 $0x88, s6;
	s7 =	simm.s32 @p2 $0x1082  }
0x22: {  	[simem:s7], [sflag:s8] =	dma.local @!p0 [hbm:s6], $0xF7A  }
0x23: {  	s9 =	sor.u32 $0xD0000000, s2;
	s6 =	simm.s32 $0x108;
	_ =	swait.ge @!p0 [sflag:s8], $0x0  }
0x24: {  	s3 =	sadd.s32 $0x88, s3;
	s6 =	simm.s32 @!p1 $0x1082;
	[sflag:s4] =	ssyncset.s32 $0xFFFFF086  }
0x25: {  	[simem:s6], [sflag:s4] =	dma.local [hbm:s3], $0xF7A  }
0x26: {  	[smem:$0x3F9B] =	sst s1;
	(tag) =	ssettag s2;
	_ =	strace s9  }
0x27: {  	s1 =	sld [smem:$0x3FAB]  }
0x28: {  	s2 =	sld [smem:$0x3FAC]  }
0x29: {  	s4 =	sld [smem:$0x3FAE]  }
0x2a: {  	p0 =	seq.s32 s5, $0x0;
	s5 =	sld [smem:$0x3FAF]  }
0x2b: {  	s6 =	sld [smem:$0x3FB0]  }
0x2c: {  	s7 =	sld [smem:$0x3FB1]  }
0x2d: {  	s3 =	simm.s32 $0x108;
	s8 =	sld [smem:$0x3FB2]  }
0x2e: {  	s3 =	simm.s32 @!p0 $0x1082;
	s9 =	sld [smem:$0x3FB3]  }
0x2f: {  	lr =	sadd.s32 s0, s3;
	s0 =	sld [smem:$0x3FAA]  }
0x30: {  	s3 =	sld [smem:$0x3FAD]  }
0x31: {  	[smem:$0x3FB6] =	sst s10  }
0x32: {  	s10 =	sld [smem:$0x3FB4];
	_ =	sdelay $0x3  }
0x33: {  	p0 =	seq.s32 s10, $0x1;
	s10 =	sld [smem:$0x3FB6];
	_ =	sdelay $0x3  }
0x34: {  	[smem:$0x3FB6] =	sst s10  }
0x35: {  	s10 =	sld [smem:$0x3FB5];
	_ =	sdelay $0x3  }
0x36: {  	p1 =	seq.s32 s10, $0x1;
	s10 =	sld [smem:$0x3FB6];
	_ =	sdelay $0x3  }
0x37: {  	[smem:$0x3FB6] =	sst s10  }
0x38: {  	s10 =	sld [smem:$0x3FB7]  }
0x39: {  	_ = 	snop;
	(pc) =	sbr.ind lr, $3  }
0x3a: {  	_ = 	snop  }
0x3b: {  	_ = 	snop  }
0x3c: {  	p2 =	seq.s32 s10, $0x1;
	s10 =	sld [smem:$0x3FB6]  }
0x3d: {  	_ =	shalt  }
0x3e: {  	_ =	shalt  }
0x3f: {  	_ =	shalt  }
0x40: {  	_ =	shalt  }
0x41: {  	_ =	shalt  }
0x42: {  	_ =	shalt  }
0x43: {  	_ =	shalt  }
0x44: {  	_ =	shalt  }
0x45: {  	_ =	shalt  }
0x46: {  	_ =	shalt  }
0x47: {  	_ =	shalt  }
0x48: {  	_ =	shalt  }
0x49: {  	_ =	shalt  }
0x4a: {  	_ =	shalt  }
0x4b: {  	_ =	shalt  }
0x4c: {  	_ =	shalt  }
0x4d: {  	_ =	shalt  }
0x4e: {  	_ =	shalt  }
0x4f: {  	_ =	shalt  }
0x50: {  	_ =	shalt  }
0x51: {  	_ =	shalt  }
0x52: {  	_ =	shalt  }
0x53: {  	_ =	shalt  }
0x54: {  	_ =	shalt  }
0x55: {  	_ =	shalt  }
0x56: {  	_ =	shalt  }
0x57: {  	_ =	shalt  }
0x58: {  	_ =	shalt  }
0x59: {  	_ =	shalt  }
0x5a: {  	_ =	shalt  }
0x5b: {  	_ =	shalt  }
0x5c: {  	_ =	shalt  }
0x5d: {  	_ =	shalt  }
0x5e: {  	_ =	shalt  }
0x5f: {  	_ =	shalt  }
0x60: {  	_ =	shalt  }
0x61: {  	_ =	shalt  }
0x62: {  	_ =	shalt  }
0x63: {  	_ =	shalt  }
0x64: {  	_ =	shalt  }
0x65: {  	_ =	shalt  }
0x66: {  	_ =	shalt  }
0x67: {  	_ =	shalt  }
0x68: {  	_ =	shalt  }
0x69: {  	_ =	shalt  }
0x6a: {  	_ =	shalt  }
0x6b: {  	_ =	shalt  }
0x6c: {  	_ =	shalt  }
0x6d: {  	_ =	shalt  }
0x6e: {  	_ =	shalt  }
0x6f: {  	_ =	shalt  }
0x70: {  	_ =	shalt  }
0x71: {  	_ =	shalt  }
0x72: {  	_ =	shalt  }
0x73: {  	_ =	shalt  }
0x74: {  	_ =	shalt  }
0x75: {  	_ =	shalt  }
0x76: {  	_ =	shalt  }
0x77: {  	_ =	shalt  }
0x78: {  	_ =	shalt  }
0x79: {  	_ =	shalt  }
0x7a: {  	_ =	shalt  }
0x7b: {  	_ =	shalt  }
0x7c: {  	_ =	shalt  }
0x7d: {  	_ =	shalt  }
0x7e: {  	_ =	shalt  }
0x7f: {  	_ =	shalt  }
0x80: {  	_ =	shalt  }
0x81: {  	_ =	shalt  }
0x82: {  	_ =	shalt  }
0x83: {  	_ =	shalt  }
0x84: {  	_ =	shalt  }
0x85: {  	_ =	shalt  }
0x86: {  	_ =	shalt  }
0x87: {  	_ =	shalt  }
.Lfunc_end0:
.L_simem_size_0:
called_computation.2_lowered:
.L_overlay_start_0:
0x88: {  	s2 =	sld [smem:$0x3FD9]  }
0x89: {  	s3 =	sld [smem:$0x3FFE];
	_ =	sdelay $0x1  }
0x8a: {  	s1 =	srdreg.scid  }
0x8b: {  	s0 =	sand.u32 $0x1, s1  }
0x8c: {  	s17 =	sshll.u32 s0, $0xA;
	s2 =	sadd.s32 s3, s2  }
0x8d: {  	s2 =	sadd.s32 s2, s17  }
0x8e: {  	[smem:$0x3FC2] =	sst s2  }
0x8f: {  	_ = 	snop  }
0x90: {  	s2 =	sld [smem:$0x3FD0];
	(tm) =	ssettm $0x1  }
0x91: {  	s18 =	sld [smem:$0x3FFB];
	_ =	sdelay $0x3  }
0x92: {  	_ =	strace s18  }
0x93: {  	s3 =	sld [smem:$0x3FFC];
	_ =	sdelay $0x3  }
0x94: {  	_ =	strace s3  }
0x95: {  	s3 =	sld [smem:$0x3FFD];
	_ =	sdelay $0x3  }
0x96: {  	_ =	strace s3  }
0x97: {  	_ =	strace $0x8FFFFFFF  }
0x98: {  	s19 =	sld [smem:$0x3FDB];
	_ =	sdelay $0x1  }
0x99: {  	s4 =	simm.s32 $_scs_section_size  }
0x9a: {  	s5 =	simm.s32 $_size__tile_overlayer_lowered;
	s6 =	simm.s32 $_tile_overlayer_lowered  }
0x9b: {  	s22 =	simm.s32 $0x1BFF;
	s21 =	sshll.u32 s6, $0x1;
	s3 =	sadd.s32 s4, s19  }
0x9c: {  	s7 =	simm.s32 $0x0;
	s20 =	sshll.u32 s5, $0x1;
	s5 =	sadd.s32 s21, s3  }
0x9d: {  	[timem:s7], [sflag:s22] =	dma.local [hbm:s5], s20  }
0x9e: {  	_ =	swait.ge [sflag:s22], s20  }
0x9f: {  	s4 =	ssub.s32 $0x0, s20;
	[sflag:s22] =	ssyncset.done $0x0  }
0xa0: {  	[sflag:s22] =	ssyncadd.s32 s4;
	_ =	sdelay $0x1  }
0xa1: {  	s23 =	simm.s32 $0x1B8B  }
0xa2: {  	_ =	swait.ge [sflag:s23], $0x1  }
0xa3: {  	[sflag:s23] =	ssyncset.done $0x0  }
0xa4: {  	s25 =	simm.s32 $0x1B8E;
	s24 =	sld [smem:$0x3FFE];
	[sflag:s23] =	ssyncadd.s32 $0xFFFFFFFF  }
0xa5: {  	s26 =	simm.s32 $execute0_lowered;
	[smem:$0x3FD2] =	sst s25  }
0xa6: {  	s5 =	sshll.u32 s26, $0x1;
	_ =	strace $0x8000004C;
	[dreg:$0x1] =	wrdreg $0xFFFFFFFF  }
0xa7: {  	s28 =	simm.s32 $_size_execute0_lowered;
	s3 =	sadd.s32 s3, s5;
	[dreg:$0x0] =	wrdreg $0x0  }
0xa8: {  	s5 =	sshll.u32 s28, $0x1;
	[dreg:$0x2] =	wrdreg s3  }
0xa9: {  	[dreg:$0x3] =	wrdreg s5  }
0xaa: {  	[dreg:$0x4] =	wrdreg $0xC0  }
0xab: {  	_ =	task [dreg:s7], $0x5FFFF  }
0xac: {  	[dreg:$0x1] =	wrdreg $0xFFFFFFFF  }
0xad: {  	[dreg:$0x0] =	wrdreg $0x60  }
0xae: {  	[dreg:$0x2] =	wrdreg s24  }
0xaf: {  	[dreg:$0x3] =	wrdreg s2  }
0xb0: {  	[dreg:$0x4] =	wrdreg $0x14A000  }
0xb1: {  	[dreg:$0x5] =	wrdreg $0x122000  }
0xb2: {  	[dreg:$0x6] =	wrdreg $0x9  }
0xb3: {  	_ =	task.clear_ibuf [dreg:s7], $0x7FFFF;
	_ =	strace $0x9000004C  }
0xb4: {  	s29 =	simm.s32 $0x9;
	_ =	strace $0x8000004E  }
0xb5: {  	_ =	swait.ge [sflag:s29], $0x1  }
0xb6: {  	[sflag:s29] =	ssyncadd.s32 $0xFFFFFFFF  }
0xb7: {  	_ =	strace $0x9000004E  }
0xb8: {  	_ =	sfence  }
0xb9: {  	s30 =	sld [smem:$0x0];
	_ =	sdelay $0x2  }
0xba: {  	s31 =	sshll.u32 s1, $0xD;
	s1 =	sshrl.u32 s1, $0x2  }
0xbb: {  	s3 =	sand.u32 $0x4000, s31;
	s1 =	sadd.s32 s1, s30  }
0xbc: {  	s0 =	sor.u32 s3, s0;
	s1 =	sshll.u32 s1, $0x11  }
0xbd: {  	s0 =	sor.u32 s1, s0  }
0xbe: {  	s0 =	sadd.s32 $0x8F2B, s0  }
0xbf: {  	[sflag:s0] =	ssyncadd.remote.s32 $0x1  }
0xc0: {  	_ =	sfence.sel $0xFFFF  }
0xc1: {  	[dreg:$0x0] =	wrdreg $0xFFFFFFFF;
	(pc) =	sbr.abs _section_cstart, $3  }
0xc2: {  	[dreg:$0x1] =	wrdreg $0xFFFFFFFF  }
0xc3: {  	_ =	task.clear_ibuf [dreg:s7], $0x2FFFF;
	_ =	strace $0x9FFFFFFF  }
0xc4: {  	(tm) =	ssettm $0x7FFFFFFF  }
0xc5: {  	_ =	shalt  }
tec
execute0_lowered:
.L_overlay_start_1:
0x0: {  	(tag) =	ssettag $0x1  }
0x1: {  	s0 =	rddreg [dreg:$0x0]  }
0x2: {  	s1 =	srdreg.scid;
	s5 =	rddreg [dreg:$0x1]  }
0x3: {  	s2 =	rddreg [dreg:$0x2];
	s10 =	stileid.u32  }
0x4: {  	s3 =	rddreg [dreg:$0x3];
	s14 =	simm.s32 $0xCD00;
	s18 =	simm.s32 $0x1  }
0x5: {  	s19 =	simm.s32 $0x2;
	s20 =	simm.s32 $0x9;
	s22 =	simm.s32 $0x7D  }
0x6: {  	s31 =	simm.s32 $0x4;
	s28 =	simm.s32 $0x7;
	s29 =	simm.s32 $0x8  }
0x7: {  	s30 =	simm.s32 $0x0;
	s1 =	sand.u32 $0x1, s1;
	s6 =	smul.u32 $0x2800, s10  }
0x8: {  	s4 =	sshll.u32 s1, $0x4;
	s8 =	smul.u32 $0x28000, s1;
	s1 =	ssub.s32 $0x2, s1  }
0x9: {  	s7 =	sor.u32 s10, s4;
	s4 =	simm.s32 $0x0;
	s9 =	sshrl.u32 s6, $0x3  }
0xa: {  	s10 =	smul.u32 $0x280, s10;
	s23 =	sshrl.u32 s1, $0x1;
	s11 =	sadd.s32 s6, s3  }
0xb: {  	s7 =	smul.u32 $0x500, s7;
	[smem:$0x7FF] =	sst s4;
	s9 =	sadd.s32 s9, s0  }
0xc: {  	s8 =	sadd.s32 s6, s8;
	s1 =	ssub.s32 s1, s23;
	_ =	strace $0x8000004D  }
0xd: {  	s8 =	sshrl.u32 s8, $0x3;
	s10 =	sshrl.u32 s10, $0x3;
	s24 =	sadd.s32 $0x16200, s9  }
0xe: {  	s13 =	smax.u32 s1, $0x1;
	s7 =	sadd.s32 s7, s0;
	s5 =	sadd.s32 s5, s10  }
0xf: {  	s0 =	sadd.s32 s8, s0;
	[dreg:$0x5] =	wrdreg s24;
	s25 =	sadd.s32 $0x500, s5  }
0x10: {  	s10 =	sadd.s32 s6, s2;
	s26 =	sadd.s32 $0xC200, s7;
	[dreg:$0x6] =	wrdreg s25  }
0x11: {  	s7 =	sadd.s32 $0x2200, s7;
	s12 =	sadd.s32 $0x1B200, s0;
	[dreg:$0x7] =	wrdreg s26  }
0x12: {  	[dreg:$0x8] =	wrdreg s7;
	s25 =	simm.s32 $0x5;
	s26 =	simm.s32 $0x6  }
.LBB2_1:
0x13: {  	s0 =	rddreg [dreg:$0x5]  }
0x14: {  	[tilespmem:s14], [sflag:$0x1] =	stream.linear.gather [hbm4b:s0+s4], $0x2800, $0x38;
	[tilespmem:$0x17200] =	vst v63  }
0x15: {  	s16 =	simm.s32 $0x11D00  }
0x16: {  	[tilespmem:s16], [sflag:$0x1] =	stream.linear.gather [hbm4b:s5+s4], $0x280, $0x38;
	[tilespmem:$0x17200] =	vst v63  }
0x17: {  	s17 =	rddreg [dreg:$0x6];
	s1 =	simm.s32 $0x11F80  }
0x18: {  	[tilespmem:s1], [sflag:$0x1] =	stream.linear.gather [hbm4b:s17+s4], $0x280, $0x38;
	[tilespmem:$0x17200] =	vst v63  }
0x19: {  	s21 =	rddreg [dreg:$0x7]  }
0x1a: {  	[tilespmem:s4], [sflag:$0x2] =	stream.linear.gather [hbm4b:s21+s4], $0x2800, $0x38;
	[tilespmem:$0x17200] =	vst v63  }
0x1b: {  	s23 =	rddreg [dreg:$0x8];
	s24 =	simm.s32 $0x2800  }
0x1c: {  	[tilespmem:s24], [sflag:$0x2] =	stream.linear.gather [hbm4b:s23+s4], $0x2800, $0x38;
	[tilespmem:$0x17200] =	vst v63  }
0x1d: {  	_ =	swait.ge [sflag:s18], $0x2800  }
0x1e: {  	[sflag:s18] =	ssyncset.done $0x0  }
0x1f: {  	[sflag:s18] =	ssyncadd.s32 $0xFFFFD800  }
0x20: {  	_ =	swait.ge [sflag:s18], $0x280  }
0x21: {  	[sflag:s18] =	ssyncset.done $0x0  }
0x22: {  	[sflag:s18] =	ssyncadd.s32 $0xFFFFFD80  }
0x23: {  	_ =	swait.ge [sflag:s18], $0x280  }
0x24: {  	[sflag:s18] =	ssyncset.done $0x0  }
0x25: {  	[sflag:s18] =	ssyncadd.s32 $0xFFFFFD80  }
0x26: {  	_ =	swait.ge [sflag:s19], $0x2800  }
0x27: {  	[sflag:s19] =	ssyncset.done $0x0  }
0x28: {  	[sflag:s19] =	ssyncadd.s32 $0xFFFFD800  }
0x29: {  	_ =	swait.ge [sflag:s19], $0x2800  }
0x2a: {  	[sflag:s19] =	ssyncset.done $0x0  }
0x2b: {  	s0 =	simm.s32 $0x0;
	[sflag:s19] =	ssyncadd.s32 $0xFFFFD800  }
0x2c: {  	s1 =	simm.s32 $0x40;
	v0 =	vld [tilespmem:s0+$0x11F80]  }
.LBB2_2:
0x2d: {  	p0 =	sne.s32 s1, $0x9C0;
	v1 =	vld [tilespmem:s0+$0x11D00];
	_ =	sdelay $0x4  }
0x2e: {  	v0 =	vadd.f32 v0, v1;
	_ =	sdelay $0x1  }
0x2f: {  	v0 =	vadd.f32 $1.000000000e+00, v0;
	_ =	sdelay $0x1  }
0x30: {  	v1 =	vshrl.u32 v0, $0x1;
	v0 =	vmul.f32 $5.000000000e-01, v0  }
0x31: {  	v1 =	vsub.s32 $0x5F3759DF, v1  }
0x32: {  	v2 =	vmul.f32 v1, v0;
	_ =	sdelay $0x1  }
0x33: {  	v2 =	vmul.f32 v1, v2;
	_ =	sdelay $0x1  }
0x34: {  	v2 =	vsub.f32 $1.500000000e+00, v2;
	_ =	sdelay $0x1  }
0x35: {  	v1 =	vmul.f32 v1, v2;
	_ =	sdelay $0x1  }
0x36: {  	v2 =	vmul.f32 v1, v0;
	_ =	sdelay $0x1  }
0x37: {  	v2 =	vmul.f32 v2, v1;
	_ =	sdelay $0x1  }
0x38: {  	v2 =	vsub.f32 $1.500000000e+00, v2;
	_ =	sdelay $0x1  }
0x39: {  	v1 =	vmul.f32 v2, v1;
	_ =	sdelay $0x1  }
0x3a: {  	v0 =	vmul.f32 v1, v0;
	_ =	sdelay $0x1  }
0x3b: {  	v0 =	vmul.f32 v0, v1;
	_ =	sdelay $0x1  }
.Ltmp0:
0x3c: {  	v0 =	vsub.f32 $1.500000000e+00, v0;
	(pc) =	sbr.rel @p0 .LBB2_2-.Ltmp0, $4  }
0x3d: {  	_ = 	snop  }
0x3e: {  	v1 =	vmul.f32 v0, v1  }
0x3f: {  	s6 =	sshra.s32 s1, $0x2  }
0x40: {  	s1 =	sadd.s32 $0x40, s1;
	v0 =	vld [tilespmem:s6+$0x11F80];
	[tilespmem:s0+$0x11D00] =	vst v1;
	s0 =	smov.u32 s6  }
0x41: {  	v1 =	vld [tilespmem:s0+$0x11D00];
	_ =	sdelay $0x4  }
0x42: {  	v0 =	vadd.f32 v0, v1;
	_ =	sdelay $0x1  }
0x43: {  	v0 =	vadd.f32 $1.000000000e+00, v0;
	_ =	sdelay $0x1  }
0x44: {  	v1 =	vshrl.u32 v0, $0x1;
	v0 =	vmul.f32 $5.000000000e-01, v0  }
0x45: {  	v1 =	vsub.s32 $0x5F3759DF, v1  }
0x46: {  	v2 =	vmul.f32 v1, v0;
	_ =	sdelay $0x1  }
0x47: {  	v2 =	vmul.f32 v1, v2;
	_ =	sdelay $0x1  }
0x48: {  	v2 =	vsub.f32 $1.500000000e+00, v2;
	_ =	sdelay $0x1  }
0x49: {  	v1 =	vmul.f32 v1, v2;
	_ =	sdelay $0x1  }
0x4a: {  	v2 =	vmul.f32 v1, v0;
	_ =	sdelay $0x1  }
0x4b: {  	v2 =	vmul.f32 v2, v1;
	_ =	sdelay $0x1  }
0x4c: {  	v2 =	vsub.f32 $1.500000000e+00, v2;
	_ =	sdelay $0x1  }
0x4d: {  	v1 =	vmul.f32 v2, v1;
	_ =	sdelay $0x1  }
0x4e: {  	v0 =	vmul.f32 v1, v0;
	_ =	sdelay $0x1  }
0x4f: {  	v0 =	vmul.f32 v0, v1;
	_ =	sdelay $0x1  }
0x50: {  	v0 =	vsub.f32 $1.500000000e+00, v0;
	_ =	sdelay $0x1  }
0x51: {  	v0 =	vmul.f32 v0, v1;
	_ =	sdelay $0x1  }
0x52: {  	s1 =	simm.s32 $0x0;
	[tilespmem:s0+$0x11D00] =	vst v0  }
0x53: {  	s0 =	simm.s32 $0x11D00;
	v1 =	vld [tilespmem:s1+$0xCD30]  }
0x54: {  	s15 =	simm.s32 $0x400;
	v0 =	vld [tilespmem:s0+$0x0]  }
.LBB2_4:
0x55: {  	p0 =	sne.s32 s15, $0x9C00;
	v2 =	vld [tilespmem:s1+$0xCD10]  }
0x56: {  	v3 =	vld [tilespmem:s1+$0xCD00]  }
0x57: {  	v4 =	vld [tilespmem:s1+$0xCD20];
	_ =	sdelay $0x1  }
0x58: {  	v5 =	vbroadcast v0, $0x0;
	v6 =	vbroadcast v0, $0x1  }
0x59: {  	v7 =	vbroadcast v0, $0x2;
	v8 =	vbroadcast v0, $0x3;
	v9 =	vld [tilespmem:s1+$0xCD70]  }
0x5a: {  	v3 =	vmul.f32 v5, v3;
	v2 =	vmul.f32 v2, v6;
	v5 =	vld [tilespmem:s1+$0xCD50]  }
0x5b: {  	v1 =	vmul.f32 v1, v8;
	v4 =	vmul.f32 v4, v7;
	v6 =	vld [tilespmem:s1+$0xCD40]  }
0x5c: {  	[tilespmem:s1+$0xCD00] =	vst v3;
	v3 =	vmul.f32 $5.000000000e-01, v3;
	v7 =	vmul.f32 $5.000000000e-01, v2;
	v8 =	vld [tilespmem:s1+$0xCD60]  }
0x5d: {  	v10 =	vmul.f32 $5.000000000e-01, v1;
	[tilespmem:s1+$0xCD10] =	vst v2;
	v2 =	vmul.f32 $5.000000000e-01, v4  }
0x5e: {  	v11 =	vbroadcast v0, $0x5;
	[tilespmem:s1+$0xF500] =	vst v3;
	v3 =	vbroadcast v0, $0x4  }
0x5f: {  	v12 =	vbroadcast v0, $0x7;
	[tilespmem:s1+$0xF510] =	vst v7;
	v7 =	vbroadcast v0, $0x6;
	v13 =	vld [tilespmem:s1+$0xCDB0]  }
0x60: {  	[tilespmem:s1+$0xF520] =	vst v2;
	v2 =	vmul.f32 v6, v3;
	v3 =	vmul.f32 v5, v11;
	v5 =	vld [tilespmem:s1+$0xCD90]  }
0x61: {  	[tilespmem:s1+$0xF530] =	vst v10;
	v6 =	vmul.f32 v8, v7;
	v7 =	vmul.f32 v9, v12;
	v8 =	vld [tilespmem:s1+$0xCD80]  }
0x62: {  	[tilespmem:s1+$0xCD20] =	vst v4;
	v4 =	vmul.f32 $5.000000000e-01, v2;
	v9 =	vmul.f32 $5.000000000e-01, v3;
	v10 =	vld [tilespmem:s1+$0xCDA0]  }
0x63: {  	[tilespmem:s1+$0xCD30] =	vst v1;
	v1 =	vmul.f32 $5.000000000e-01, v6;
	v11 =	vmul.f32 $5.000000000e-01, v7  }
0x64: {  	v12 =	vbroadcast v0, $0x9;
	[tilespmem:s1+$0xF540] =	vst v4;
	v4 =	vbroadcast v0, $0x8  }
0x65: {  	v14 =	vbroadcast v0, $0xB;
	[tilespmem:s1+$0xF550] =	vst v9;
	v9 =	vbroadcast v0, $0xA;
	v15 =	vld [tilespmem:s1+$0xCDF0]  }
0x66: {  	[tilespmem:s1+$0xF560] =	vst v1;
	v1 =	vmul.f32 v8, v4;
	v4 =	vmul.f32 v5, v12;
	v5 =	vld [tilespmem:s1+$0xCDD0]  }
0x67: {  	[tilespmem:s1+$0xF570] =	vst v11;
	v8 =	vmul.f32 v10, v9;
	v9 =	vmul.f32 v13, v14;
	v10 =	vld [tilespmem:s1+$0xCDC0]  }
0x68: {  	[tilespmem:s1+$0xCD40] =	vst v2;
	v2 =	vmul.f32 $5.000000000e-01, v1;
	v11 =	vmul.f32 $5.000000000e-01, v4;
	v12 =	vld [tilespmem:s1+$0xCDE0]  }
0x69: {  	[tilespmem:s1+$0xCD50] =	vst v3;
	v3 =	vmul.f32 $5.000000000e-01, v8;
	v13 =	vmul.f32 $5.000000000e-01, v9  }
0x6a: {  	v14 =	vbroadcast v0, $0xD;
	[tilespmem:s1+$0xF580] =	vst v2;
	v2 =	vbroadcast v0, $0xC  }
0x6b: {  	[tilespmem:s1+$0xF590] =	vst v11;
	v11 =	vbroadcast v0, $0xE;
	v0 =	vbroadcast v0, $0xF  }
0x6c: {  	[tilespmem:s1+$0xF5A0] =	vst v3;
	v2 =	vmul.f32 v10, v2;
	v3 =	vmul.f32 v5, v14  }
0x6d: {  	[tilespmem:s1+$0xF5B0] =	vst v13;
	v5 =	vmul.f32 v12, v11;
	v0 =	vmul.f32 v15, v0  }
0x6e: {  	[tilespmem:s1+$0xCD60] =	vst v6;
	v6 =	vmul.f32 $5.000000000e-01, v2;
	v10 =	vmul.f32 $5.000000000e-01, v3  }
0x6f: {  	[tilespmem:s1+$0xCD70] =	vst v7;
	v7 =	vmul.f32 $5.000000000e-01, v5;
	v11 =	vmul.f32 $5.000000000e-01, v0  }
0x70: {  	[tilespmem:s1+$0xF5C0] =	vst v6  }
0x71: {  	[tilespmem:s1+$0xF5D0] =	vst v10  }
0x72: {  	[tilespmem:s1+$0xF5E0] =	vst v7  }
0x73: {  	[tilespmem:s1+$0xF5F0] =	vst v11  }
0x74: {  	[tilespmem:s1+$0xCD80] =	vst v1  }
0x75: {  	[tilespmem:s1+$0xCD90] =	vst v4  }
0x76: {  	[tilespmem:s1+$0xCDA0] =	vst v8  }
0x77: {  	[tilespmem:s1+$0xCDB0] =	vst v9  }
.Ltmp1:
0x78: {  	[tilespmem:s1+$0xCDC0] =	vst v2;
	(pc) =	sbr.rel @p0 .LBB2_4-.Ltmp1, $4  }
0x79: {  	[tilespmem:s1+$0xCDD0] =	vst v3  }
0x7a: {  	s6 =	sshra.s32 s15, $0x2;
	[tilespmem:s1+$0xCDE0] =	vst v5  }
0x7b: {  	s0 =	sadd.s32 $0x10, s0;
	v1 =	vld [tilespmem:s6+$0xCD30];
	[tilespmem:s1+$0xCDF0] =	vst v0;
	s1 =	smov.u32 s6  }
0x7c: {  	s15 =	sadd.s32 $0x400, s15;
	v0 =	vld [tilespmem:s0+$0x0]  }
0x7d: {  	_ = 	snop  }
0x7e: {  	v2 =	vld [tilespmem:s1+$0xCD00]  }
0x7f: {  	v3 =	vld [tilespmem:s1+$0xCD10]  }
0x80: {  	v4 =	vld [tilespmem:s1+$0xCD20]  }
0x81: {  	v5 =	vbroadcast v0, $0x0;
	v7 =	vbroadcast v0, $0x1  }
0x82: {  	v30 =	vld [tilespmem:s1+$0xCD50];
	v9 =	vbroadcast v0, $0x2;
	v31 =	vbroadcast v0, $0x3  }
0x83: {  	v6 =	vld [tilespmem:s1+$0xCD70];
	v35 =	vbroadcast v0, $0x4;
	v2 =	vmul.f32 v5, v2  }
0x84: {  	v36 =	vld [tilespmem:s1+$0xCD90];
	v11 =	vbroadcast v0, $0x5;
	v3 =	vmul.f32 v3, v7  }
0x85: {  	v12 =	vld [tilespmem:s1+$0xCDA0];
	v38 =	vbroadcast v0, $0x6;
	v4 =	vmul.f32 v4, v9;
	[tilespmem:s1+$0xCD00] =	vst v2  }
0x86: {  	v49 =	vld [tilespmem:s1+$0xCDC0];
	v39 =	vbroadcast v0, $0x7;
	v1 =	vmul.f32 v1, v31;
	[tilespmem:s1+$0xCD10] =	vst v3  }
0x87: {  	v47 =	vld [tilespmem:s1+$0xCDD0];
	v13 =	vbroadcast v0, $0x9;
	v5 =	vmul.f32 v30, v11;
	[tilespmem:s1+$0xCD20] =	vst v4  }
0x88: {  	v52 =	vld [tilespmem:s1+$0xCDE0];
	v48 =	vbroadcast v0, $0xA;
	v42 =	vmul.f32 v6, v39;
	[tilespmem:s1+$0xCD30] =	vst v1  }
0x89: {  	v44 =	vld [tilespmem:s1+$0xCDF0];
	v54 =	vbroadcast v0, $0xC;
	v9 =	vmul.f32 v36, v13;
	[tilespmem:s1+$0xCD50] =	vst v5  }
0x8a: {  	v15 =	vbroadcast v0, $0xD;
	v50 =	vmul.f32 v12, v48;
	[tilespmem:s1+$0xCD70] =	vst v42  }
0x8b: {  	v55 =	vbroadcast v0, $0xE;
	v56 =	vmul.f32 v49, v54;
	[tilespmem:s1+$0xCD90] =	vst v9  }
0x8c: {  	v57 =	vbroadcast v0, $0xF;
	v58 =	vmul.f32 v47, v15;
	[tilespmem:s1+$0xCDA0] =	vst v50  }
0x8d: {  	v46 =	vbroadcast v0, $0x8;
	v59 =	vmul.f32 v52, v55;
	[tilespmem:s1+$0xCDC0] =	vst v56  }
0x8e: {  	v14 =	vbroadcast v0, $0xB;
	v0 =	vmul.f32 v44, v57;
	[tilespmem:s1+$0xCDD0] =	vst v58  }
0x8f: {  	v2 =	vmul.f32 $5.000000000e-01, v2;
	[tilespmem:s1+$0xCDE0] =	vst v59  }
0x90: {  	v32 =	vmul.f32 $5.000000000e-01, v3;
	[tilespmem:s1+$0xCDF0] =	vst v0  }
0x91: {  	v33 =	vmul.f32 $5.000000000e-01, v4;
	[tilespmem:s1+$0xF500] =	vst v2  }
0x92: {  	v7 =	vmul.f32 $5.000000000e-01, v1;
	[tilespmem:s1+$0xF510] =	vst v32  }
0x93: {  	v41 =	vmul.f32 $5.000000000e-01, v5;
	[tilespmem:s1+$0xF520] =	vst v33  }
0x94: {  	v45 =	vmul.f32 $5.000000000e-01, v42;
	[tilespmem:s1+$0xF530] =	vst v7  }
0x95: {  	v13 =	vmul.f32 $5.000000000e-01, v9;
	[tilespmem:s1+$0xF550] =	vst v41  }
0x96: {  	v37 =	vld [tilespmem:s1+$0xCD80];
	v53 =	vmul.f32 $5.000000000e-01, v50;
	[tilespmem:s1+$0xF570] =	vst v45  }
0x97: {  	v34 =	vld [tilespmem:s1+$0xCDB0];
	v60 =	vmul.f32 $5.000000000e-01, v56;
	[tilespmem:s1+$0xF590] =	vst v13  }
0x98: {  	v8 =	vld [tilespmem:s1+$0xCD40];
	v61 =	vmul.f32 $5.000000000e-01, v58;
	[tilespmem:s1+$0xF5A0] =	vst v53  }
0x99: {  	v62 =	vmul.f32 $5.000000000e-01, v59;
	[tilespmem:s1+$0xF5C0] =	vst v60  }
0x9a: {  	v63 =	vmul.f32 $5.000000000e-01, v0;
	[tilespmem:s1+$0xF5D0] =	vst v61  }
0x9b: {  	v10 =	vld [tilespmem:s1+$0xCD60];
	v4 =	vmul.f32 v37, v46;
	[tilespmem:s1+$0xF5E0] =	vst v62  }
0x9c: {  	v3 =	vmul.f32 v34, v14;
	[tilespmem:s1+$0xF5F0] =	vst v63  }
0x9d: {  	v2 =	vmul.f32 v8, v35;
	[tilespmem:s1+$0xCD80] =	vst v4  }
0x9e: {  	v51 =	vmul.f32 $5.000000000e-01, v4;
	[tilespmem:s1+$0xCDB0] =	vst v3  }
0x9f: {  	v14 =	vmul.f32 $5.000000000e-01, v3;
	[tilespmem:s1+$0xCD40] =	vst v2  }
0xa0: {  	v8 =	vmul.f32 v10, v38;
	[tilespmem:s1+$0xF580] =	vst v51  }
0xa1: {  	v40 =	vmul.f32 $5.000000000e-01, v2;
	[tilespmem:s1+$0xF5B0] =	vst v14  }
0xa2: {  	v43 =	vmul.f32 $5.000000000e-01, v8;
	[tilespmem:s1+$0xCD60] =	vst v8  }
0xa3: {  	[tilespmem:s1+$0xF540] =	vst v40  }
0xa4: {  	[tilespmem:s1+$0xF560] =	vst v43  }
0xa5: {  	[spmem:s10] =	stream.linear.scatter [tilespmem:s14], [sflag:$0x9], $0x2800, $0x38;
	[tilespmem:$0x17200] =	vst v63  }
0xa6: {  	_ =	swait.ge [sflag:s20], $0x2800  }
0xa7: {  	[sflag:s20] =	ssyncset.done $0x0  }
0xa8: {  	s0 =	simm.s32 $0xF500;
	[sflag:s20] =	ssyncadd.s32 $0xFFFFD800  }
0xa9: {  	[spmem:s11] =	stream.linear.scatter [tilespmem:s0], [sflag:$0x9], $0x2800, $0x38;
	[tilespmem:$0x17200] =	vst v63  }
0xaa: {  	_ =	swait.ge [sflag:s20], $0x2800  }
0xab: {  	[sflag:s20] =	ssyncset.done $0x0  }
0xac: {  	[sflag:s20] =	ssyncadd.s32 $0xFFFFD800  }
0xad: {  	s15 =	simm.s32 $0x0;
	s16 =	simm.s32 $0x5000;
	[bflag:$0x0] =	sbarrier.arrive $0xFFFF  }
0xae: {  	[tilespmem:s16], [sflag:$0x1] =	stream.indirect.gather [spmem:s2], $0x10, s15, s22, $0xb8;
	[tilespmem:$0x17200] =	vst v63  }
0xaf: {  	s17 =	simm.s32 $0x80;
	s21 =	simm.s32 $0x57D0;
	s23 =	simm.s32 $0x100  }
0xb0: {  	[tilespmem:s21], [sflag:$0x1] =	stream.indirect.gather [spmem:s2], $0x10, s17, s22, $0xb8;
	[tilespmem:$0x17200] =	vst v63  }
0xb1: {  	s24 =	simm.s32 $0x5FA0;
	s6 =	simm.s32 $0x6770;
	s7 =	simm.s32 $0x1  }
0xb2: {  	[tilespmem:s24], [sflag:$0x1] =	stream.indirect.gather [spmem:s2], $0x10, s23, s22, $0xb8;
	[tilespmem:$0x17200] =	vst v63  }
0xb3: {  	p0 =	por $0x1, $0x1;
	s1 =	simm.s32 $0x180;
	s0 =	sand.u32 $0x3, s7  }
0xb4: {  	[tilespmem:s6], [sflag:$0x1] =	stream.indirect.gather [spmem:s2], $0x10, s1, s22, $0xb8;
	[tilespmem:$0x17200] =	vst v63  }
0xb5: {  	s1 =	sadd.s32 @!p0 $0x5, s0  }
0xb6: {  	_ =	swait.ge @!p0 [sflag:s1], $0x7D0  }
0xb7: {  	[sflag:s1] =	ssyncset.done @!p0 $0x0  }
0xb8: {  	[sflag:s1] =	ssyncadd.s32 @!p0 $0xFFFFF830  }
0xb9: {  	_ =	swait.ge @!p0 [sflag:s1], $0x7D0  }
0xba: {  	[sflag:s1] =	ssyncset.done @!p0 $0x0  }
0xbb: {  	[sflag:s1] =	ssyncadd.s32 @!p0 $0xFFFFF830  }
0xbc: {  	_ =	swait.ge @!p0 [sflag:s1], $0x7D0  }
0xbd: {  	[sflag:s1] =	ssyncset.done @!p0 $0x0  }
0xbe: {  	s6 =	smul.u32 $0x7D00, s0;
	[sflag:s1] =	ssyncadd.s32 @!p0 $0xFFFFF830  }
0xbf: {  	_ =	swait.ge @!p0 [sflag:s1], $0x7D0  }
0xc0: {  	s7 =	simm.s32 $0x200;
	s6 =	sshrl.u32 s6, $0x2;
	[sflag:s1] =	ssyncset.done @!p0 $0x0  }
0xc1: {  	s0 =	sadd.s32 $0x1, s0;
	s8 =	sadd.s32 $0x5000, s6;
	[sflag:s1] =	ssyncadd.s32 @!p0 $0xFFFFF830  }
0xc2: {  	[tilespmem:s8], [sflag:s0] =	stream.indirect.gather [spmem:s2], $0x10, s7, s22, $0xb8;
	[tilespmem:$0x17200] =	vst v63  }
0xc3: {  	s9 =	simm.s32 $0xFFFFFFFC;
	s15 =	simm.s32 $0x280;
	s16 =	sadd.s32 $0x57D0, s6  }
0xc4: {  	[tilespmem:s16], [sflag:s0] =	stream.indirect.gather [spmem:s2], $0x10, s15, s22, $0xb8;
	[tilespmem:$0x17200] =	vst v63  }
0xc5: {  	s17 =	simm.s32 $0x300;
	s21 =	sadd.s32 $0x5FA0, s6;
	s7 =	sand.u32 $0x3, s9  }
0xc6: {  	[tilespmem:s21], [sflag:s0] =	stream.indirect.gather [spmem:s2], $0x10, s17, s22, $0xb8;
	[tilespmem:$0x17200] =	vst v63  }
0xc7: {  	s24 =	simm.s32 $0x380;
	s23 =	sadd.s32 $0x6770, s6;
	s17 =	sadd.s32 $0x1, s7  }
0xc8: {  	[tilespmem:s23], [sflag:s0] =	stream.indirect.gather [spmem:s2], $0x10, s24, s22, $0xb8;
	[tilespmem:$0x17200] =	vst v63  }
0xc9: {  	_ =	swait.ge [sflag:s17], $0x7D0  }
0xca: {  	[sflag:s17] =	ssyncset.done $0x0  }
0xcb: {  	[sflag:s17] =	ssyncadd.s32 $0xFFFFF830  }
0xcc: {  	_ =	swait.ge [sflag:s17], $0x7D0  }
0xcd: {  	[sflag:s17] =	ssyncset.done $0x0  }
0xce: {  	[sflag:s17] =	ssyncadd.s32 $0xFFFFF830  }
0xcf: {  	s1 =	simm.s32 $0x800;
	_ =	swait.ge [sflag:s17], $0x7D0  }
0xd0: {  	p0 =	por $0x1, $0x1;
	s8 =	smul.u32 $0x7D00, s7;
	[sflag:s17] =	ssyncset.done $0x0  }
0xd1: {  	s9 =	simm.s32 $0x2800;
	s15 =	simm.s32 $0x1000;
	[sflag:s17] =	ssyncadd.s32 $0xFFFFF830  }
0xd2: {  	s16 =	simm.s32 $0x0;
	s21 =	sshrl.u32 s8, $0x2;
	_ =	swait.ge [sflag:s17], $0x7D0  }
0xd3: {  	s6 =	sadd.s32 $0x57D0, s21;
	s23 =	sadd.s32 $0x5000, s21;
	[sflag:s17] =	ssyncset.done $0x0  }
0xd4: {  	s24 =	sadd.s32 $0x5, s7;
	s0 =	simm.s32 $0xFFFFFFFE;
	[sflag:s17] =	ssyncadd.s32 $0xFFFFF830  }
0xd5: {  	[spmem:s3] =	stream.indirect.scatter.add.f32 [tilespmem:s23], [sflag:s24], $0x10, s9, s22, $0xb8;
	[tilespmem:$0x17200] =	vst v63  }
0xd6: {  	s7 =	simm.s32 $0x2880;
	s17 =	simm.s32 $0x2900;
	s23 =	sadd.s32 $0x5FA0, s21  }
.LBB2_6:
0xd7: {  	[spmem:s3] =	stream.indirect.scatter.add.f32 [tilespmem:s6], [sflag:s24], $0x10, s7, s22, $0xb8;
	[tilespmem:$0x17200] =	vst v63  }
0xd8: {  	s6 =	sadd.s32 $0x4, s0;
	s7 =	smov.u32 s15;
	s15 =	sadd.s32 $0x800, s15  }
0xd9: {  	[spmem:s3] =	stream.indirect.scatter.add.f32 [tilespmem:s23], [sflag:s24], $0x10, s17, s22, $0xb8;
	[tilespmem:$0x17200] =	vst v63  }
0xda: {  	s16 =	sadd.s32 $0x2980, s16;
	s6 =	sand.u32 $0x3, s6;
	s17 =	sadd.s32 $0x6770, s21  }
0xdb: {  	[spmem:s3] =	stream.indirect.scatter.add.f32 [tilespmem:s17], [sflag:s24], $0x10, s16, s22, $0xb8;
	[tilespmem:$0x17200] =	vst v63  }
0xdc: {  	p1 =	sne.s32 s15, $0x9800;
	s21 =	sadd.s32 @!p0 $0x5, s6;
	s16 =	smul.u32 $0x7D00, s6  }
0xdd: {  	_ =	swait.ge @!p0 [sflag:s21], $0x7D0  }
0xde: {  	s23 =	sshrl.u32 s16, $0x2;
	[sflag:s21] =	ssyncset.done @!p0 $0x0  }
0xdf: {  	[sflag:s21] =	ssyncadd.s32 @!p0 $0xFFFFF830  }
0xe0: {  	_ =	swait.ge @!p0 [sflag:s21], $0x7D0  }
0xe1: {  	[sflag:s21] =	ssyncset.done @!p0 $0x0  }
0xe2: {  	[sflag:s21] =	ssyncadd.s32 @!p0 $0xFFFFF830  }
0xe3: {  	_ =	swait.ge @!p0 [sflag:s21], $0x7D0  }
0xe4: {  	s16 =	sshra.s32 s1, $0x2;
	s1 =	smov.u32 s7;
	[sflag:s21] =	ssyncset.done @!p0 $0x0  }
0xe5: {  	s7 =	sadd.s32 $0x200, s16;
	s17 =	sadd.s32 $0x2900, s16;
	[sflag:s21] =	ssyncadd.s32 @!p0 $0xFFFFF830  }
0xe6: {  	_ =	swait.ge @!p0 [sflag:s21], $0x7D0  }
0xe7: {  	s24 =	sadd.s32 $0xFFFFFFFF, s0;
	s6 =	sadd.s32 $0x1, s6;
	[sflag:s21] =	ssyncset.done @!p0 $0x0  }
0xe8: {  	s8 =	sadd.s32 $0x57D0, s23;
	[sflag:s21] =	ssyncadd.s32 @!p0 $0xFFFFF830;
	s21 =	sadd.s32 $0x5000, s23  }
0xe9: {  	[tilespmem:s21], [sflag:s6] =	stream.indirect.gather [spmem:s2], $0x10, s7, s22, $0xb8;
	[tilespmem:$0x17200] =	vst v63  }
0xea: {  	s7 =	sand.u32 $0x3, s24;
	s21 =	sadd.s32 $0x280, s16;
	s24 =	sadd.s32 $0x300, s16  }
0xeb: {  	[tilespmem:s8], [sflag:s6] =	stream.indirect.gather [spmem:s2], $0x10, s21, s22, $0xb8;
	[tilespmem:$0x17200] =	vst v63  }
0xec: {  	s8 =	sadd.s32 $0x5FA0, s23;
	s23 =	sadd.s32 $0x6770, s23;
	s21 =	smul.u32 $0x7D00, s7  }
0xed: {  	[tilespmem:s8], [sflag:s6] =	stream.indirect.gather [spmem:s2], $0x10, s24, s22, $0xb8;
	[tilespmem:$0x17200] =	vst v63  }
0xee: {  	s9 =	sadd.s32 $0x1, s7;
	s8 =	sadd.s32 $0x380, s16;
	s21 =	sshrl.u32 s21, $0x2  }
0xef: {  	[tilespmem:s23], [sflag:s6] =	stream.indirect.gather [spmem:s2], $0x10, s8, s22, $0xb8;
	[tilespmem:$0x17200] =	vst v63  }
0xf0: {  	s23 =	sadd.s32 $0x5FA0, s21;
	_ =	swait.ge [sflag:s9], $0x7D0  }
0xf1: {  	[sflag:s9] =	ssyncset.done $0x0  }
0xf2: {  	[sflag:s9] =	ssyncadd.s32 $0xFFFFF830  }
0xf3: {  	_ =	swait.ge [sflag:s9], $0x7D0  }
0xf4: {  	[sflag:s9] =	ssyncset.done $0x0  }
0xf5: {  	[sflag:s9] =	ssyncadd.s32 $0xFFFFF830  }
0xf6: {  	s0 =	sadd.s32 $0x1, s0;
	_ =	swait.ge [sflag:s9], $0x7D0  }
0xf7: {  	p0 =	sgt.u32 s0, $0xF;
	[sflag:s9] =	ssyncset.done $0x0  }
0xf8: {  	s24 =	sadd.s32 $0x5, s7;
	s6 =	sadd.s32 $0x2800, s16;
	[sflag:s9] =	ssyncadd.s32 $0xFFFFF830  }
.Ltmp2:
0xf9: {  	s8 =	sadd.s32 $0x5000, s21;
	_ =	swait.ge [sflag:s9], $0x7D0;
	(pc) =	sbr.rel @p1 .LBB2_6-.Ltmp2, $4  }
0xfa: {  	[sflag:s9] =	ssyncset.done $0x0  }
0xfb: {  	[sflag:s9] =	ssyncadd.s32 $0xFFFFF830  }
0xfc: {  	[spmem:s3] =	stream.indirect.scatter.add.f32 [tilespmem:s8], [sflag:s24], $0x10, s6, s22, $0xb8;
	[tilespmem:$0x17200] =	vst v63  }
0xfd: {  	s7 =	sadd.s32 $0x2880, s16;
	s6 =	sadd.s32 $0x57D0, s21  }
0xfe: {  	[spmem:s3] =	stream.indirect.scatter.add.f32 [tilespmem:s6], [sflag:s24], $0x10, s7, s22, $0xb8;
	[tilespmem:$0x17200] =	vst v63  }
0xff: {  	_ = 	snop  }
0x100: {  	[spmem:s3] =	stream.indirect.scatter.add.f32 [tilespmem:s23], [sflag:s24], $0x10, s17, s22, $0xb8;
	[tilespmem:$0x17200] =	vst v63  }
0x101: {  	s17 =	sadd.s32 $0x4, s0  }
0x102: {  	s21 =	sadd.s32 $0x6770, s21;
	s8 =	sadd.s32 $0x2980, s16;
	s6 =	sand.u32 $0x3, s17  }
0x103: {  	[spmem:s3] =	stream.indirect.scatter.add.f32 [tilespmem:s21], [sflag:s24], $0x10, s8, s22, $0xb8;
	[tilespmem:$0x17200] =	vst v63  }
0x104: {  	s7 =	sadd.s32 @!p0 $0x5, s6  }
0x105: {  	_ =	swait.ge @!p0 [sflag:s7], $0x7D0  }
0x106: {  	[sflag:s7] =	ssyncset.done @!p0 $0x0  }
0x107: {  	[sflag:s7] =	ssyncadd.s32 @!p0 $0xFFFFF830  }
0x108: {  	_ =	swait.ge @!p0 [sflag:s7], $0x7D0  }
0x109: {  	[sflag:s7] =	ssyncset.done @!p0 $0x0  }
0x10a: {  	[sflag:s7] =	ssyncadd.s32 @!p0 $0xFFFFF830  }
0x10b: {  	_ =	swait.ge @!p0 [sflag:s7], $0x7D0  }
0x10c: {  	[sflag:s7] =	ssyncset.done @!p0 $0x0  }
0x10d: {  	s23 =	smul.u32 $0x7D00, s6;
	[sflag:s7] =	ssyncadd.s32 @!p0 $0xFFFFF830  }
0x10e: {  	s1 =	sshra.s32 s1, $0x2;
	_ =	swait.ge @!p0 [sflag:s7], $0x7D0  }
0x10f: {  	s9 =	sadd.s32 $0x200, s1;
	s8 =	sshrl.u32 s23, $0x2;
	[sflag:s7] =	ssyncset.done @!p0 $0x0  }
0x110: {  	s6 =	sadd.s32 $0x1, s6;
	s24 =	sadd.s32 $0x5000, s8;
	[sflag:s7] =	ssyncadd.s32 @!p0 $0xFFFFF830  }
0x111: {  	[tilespmem:s24], [sflag:s6] =	stream.indirect.gather [spmem:s2], $0x10, s9, s22, $0xb8;
	[tilespmem:$0x17200] =	vst v63  }
0x112: {  	s15 =	sadd.s32 $0x280, s1;
	s21 =	sadd.s32 $0xFFFFFFFF, s0;
	s9 =	sadd.s32 $0x57D0, s8  }
0x113: {  	[tilespmem:s9], [sflag:s6] =	stream.indirect.gather [spmem:s2], $0x10, s15, s22, $0xb8;
	[tilespmem:$0x17200] =	vst v63  }
0x114: {  	s16 =	sadd.s32 $0x300, s1;
	s0 =	sand.u32 $0x3, s21;
	s17 =	sadd.s32 $0x5FA0, s8  }
0x115: {  	[tilespmem:s17], [sflag:s6] =	stream.indirect.gather [spmem:s2], $0x10, s16, s22, $0xb8;
	[tilespmem:$0x17200] =	vst v63  }
0x116: {  	s23 =	sadd.s32 $0x6770, s8;
	s24 =	sadd.s32 $0x380, s1;
	s8 =	sadd.s32 $0x1, s0  }
0x117: {  	[tilespmem:s23], [sflag:s6] =	stream.indirect.gather [spmem:s2], $0x10, s24, s22, $0xb8;
	[tilespmem:$0x17200] =	vst v63  }
0x118: {  	_ =	swait.ge [sflag:s8], $0x7D0  }
0x119: {  	[sflag:s8] =	ssyncset.done $0x0  }
0x11a: {  	[sflag:s8] =	ssyncadd.s32 $0xFFFFF830  }
0x11b: {  	_ =	swait.ge [sflag:s8], $0x7D0  }
0x11c: {  	[sflag:s8] =	ssyncset.done $0x0  }
0x11d: {  	[sflag:s8] =	ssyncadd.s32 $0xFFFFF830  }
0x11e: {  	_ =	swait.ge [sflag:s8], $0x7D0  }
0x11f: {  	[sflag:s8] =	ssyncset.done $0x0  }
0x120: {  	s9 =	smul.u32 $0x7D00, s0;
	[sflag:s8] =	ssyncadd.s32 $0xFFFFF830  }
0x121: {  	_ =	swait.ge [sflag:s8], $0x7D0  }
0x122: {  	s15 =	sadd.s32 $0x2800, s1;
	s7 =	sshrl.u32 s9, $0x2;
	[sflag:s8] =	ssyncset.done $0x0  }
0x123: {  	s0 =	sadd.s32 $0x5, s0;
	s16 =	sadd.s32 $0x5000, s7;
	[sflag:s8] =	ssyncadd.s32 $0xFFFFF830  }
0x124: {  	[spmem:s3] =	stream.indirect.scatter.add.f32 [tilespmem:s16], [sflag:s0], $0x10, s15, s22, $0xb8;
	[tilespmem:$0x17200] =	vst v63  }
0x125: {  	s21 =	sadd.s32 $0x2880, s1;
	s17 =	sadd.s32 $0x57D0, s7  }
0x126: {  	[spmem:s3] =	stream.indirect.scatter.add.f32 [tilespmem:s17], [sflag:s0], $0x10, s21, s22, $0xb8;
	[tilespmem:$0x17200] =	vst v63  }
0x127: {  	s23 =	sadd.s32 $0x2900, s1;
	s24 =	sadd.s32 $0x5FA0, s7  }
0x128: {  	[spmem:s3] =	stream.indirect.scatter.add.f32 [tilespmem:s24], [sflag:s0], $0x10, s23, s22, $0xb8;
	[tilespmem:$0x17200] =	vst v63  }
0x129: {  	s7 =	sadd.s32 $0x6770, s7;
	s1 =	sadd.s32 $0x2980, s1  }
0x12a: {  	[spmem:s3] =	stream.indirect.scatter.add.f32 [tilespmem:s7], [sflag:s0], $0x10, s1, s22, $0xb8;
	[tilespmem:$0x17200] =	vst v63  }
0x12b: {  	_ =	swait.ge [sflag:s31], $0x7D0  }
0x12c: {  	[sflag:s31] =	ssyncset.done $0x0  }
0x12d: {  	[sflag:s31] =	ssyncadd.s32 $0xFFFFF830  }
0x12e: {  	_ =	swait.ge [sflag:s31], $0x7D0  }
0x12f: {  	[sflag:s31] =	ssyncset.done $0x0  }
0x130: {  	[sflag:s31] =	ssyncadd.s32 $0xFFFFF830  }
0x131: {  	_ =	swait.ge [sflag:s31], $0x7D0  }
0x132: {  	[sflag:s31] =	ssyncset.done $0x0  }
0x133: {  	[sflag:s31] =	ssyncadd.s32 $0xFFFFF830  }
0x134: {  	_ =	swait.ge [sflag:s31], $0x7D0  }
0x135: {  	[sflag:s31] =	ssyncset.done $0x0  }
0x136: {  	s9 =	simm.s32 $0xADC0;
	s8 =	simm.s32 $0x4E00;
	[sflag:s31] =	ssyncadd.s32 $0xFFFFF830  }
0x137: {  	[spmem:s3] =	stream.indirect.scatter.add.f32 [tilespmem:s9], [sflag:$0x8], $0x10, s8, s22, $0xb8;
	[tilespmem:$0x17200] =	vst v63  }
0x138: {  	s15 =	simm.s32 $0x4E80;
	s16 =	simm.s32 $0xB590  }
0x139: {  	[spmem:s3] =	stream.indirect.scatter.add.f32 [tilespmem:s16], [sflag:$0x8], $0x10, s15, s22, $0xb8;
	[tilespmem:$0x17200] =	vst v63  }
0x13a: {  	s17 =	simm.s32 $0x4F00;
	s21 =	simm.s32 $0xBD60  }
0x13b: {  	[spmem:s3] =	stream.indirect.scatter.add.f32 [tilespmem:s21], [sflag:$0x8], $0x10, s17, s22, $0xb8;
	[tilespmem:$0x17200] =	vst v63  }
0x13c: {  	s23 =	simm.s32 $0x4F80;
	s24 =	simm.s32 $0xC530  }
0x13d: {  	[spmem:s3] =	stream.indirect.scatter.add.f32 [tilespmem:s24], [sflag:$0x8], $0x10, s23, s22, $0xb8;
	[tilespmem:$0x17200] =	vst v63  }
0x13e: {  	_ =	swait.ge [sflag:s25], $0x7D0  }
0x13f: {  	[sflag:s25] =	ssyncset.done $0x0  }
0x140: {  	[sflag:s25] =	ssyncadd.s32 $0xFFFFF830  }
0x141: {  	_ =	swait.ge [sflag:s25], $0x7D0  }
0x142: {  	[sflag:s25] =	ssyncset.done $0x0  }
0x143: {  	[sflag:s25] =	ssyncadd.s32 $0xFFFFF830  }
0x144: {  	_ =	swait.ge [sflag:s25], $0x7D0  }
0x145: {  	[sflag:s25] =	ssyncset.done $0x0  }
0x146: {  	[sflag:s25] =	ssyncadd.s32 $0xFFFFF830  }
0x147: {  	_ =	swait.ge [sflag:s25], $0x7D0  }
0x148: {  	[sflag:s25] =	ssyncset.done $0x0  }
0x149: {  	[sflag:s25] =	ssyncadd.s32 $0xFFFFF830  }
0x14a: {  	_ =	swait.ge [sflag:s26], $0x7D0  }
0x14b: {  	[sflag:s26] =	ssyncset.done $0x0  }
0x14c: {  	[sflag:s26] =	ssyncadd.s32 $0xFFFFF830  }
0x14d: {  	_ =	swait.ge [sflag:s26], $0x7D0  }
0x14e: {  	[sflag:s26] =	ssyncset.done $0x0  }
0x14f: {  	[sflag:s26] =	ssyncadd.s32 $0xFFFFF830  }
0x150: {  	_ =	swait.ge [sflag:s26], $0x7D0  }
0x151: {  	[sflag:s26] =	ssyncset.done $0x0  }
0x152: {  	[sflag:s26] =	ssyncadd.s32 $0xFFFFF830  }
0x153: {  	_ =	swait.ge [sflag:s26], $0x7D0  }
0x154: {  	[sflag:s26] =	ssyncset.done $0x0  }
0x155: {  	[sflag:s26] =	ssyncadd.s32 $0xFFFFF830  }
0x156: {  	_ =	swait.ge [sflag:s28], $0x7D0  }
0x157: {  	[sflag:s28] =	ssyncset.done $0x0  }
0x158: {  	[sflag:s28] =	ssyncadd.s32 $0xFFFFF830  }
0x159: {  	_ =	swait.ge [sflag:s28], $0x7D0  }
0x15a: {  	[sflag:s28] =	ssyncset.done $0x0  }
0x15b: {  	[sflag:s28] =	ssyncadd.s32 $0xFFFFF830  }
0x15c: {  	_ =	swait.ge [sflag:s28], $0x7D0  }
0x15d: {  	[sflag:s28] =	ssyncset.done $0x0  }
0x15e: {  	[sflag:s28] =	ssyncadd.s32 $0xFFFFF830  }
0x15f: {  	_ =	swait.ge [sflag:s28], $0x7D0  }
0x160: {  	[sflag:s28] =	ssyncset.done $0x0  }
0x161: {  	[sflag:s28] =	ssyncadd.s32 $0xFFFFF830  }
0x162: {  	_ =	swait.ge [sflag:s29], $0x7D0  }
0x163: {  	[sflag:s29] =	ssyncset.done $0x0  }
0x164: {  	[sflag:s29] =	ssyncadd.s32 $0xFFFFF830  }
0x165: {  	_ =	swait.ge [sflag:s29], $0x7D0  }
0x166: {  	[sflag:s29] =	ssyncset.done $0x0  }
0x167: {  	[sflag:s29] =	ssyncadd.s32 $0xFFFFF830  }
0x168: {  	_ =	swait.ge [sflag:s29], $0x7D0  }
0x169: {  	[sflag:s29] =	ssyncset.done $0x0  }
0x16a: {  	[sflag:s29] =	ssyncadd.s32 $0xFFFFF830  }
0x16b: {  	_ =	swait.ge [sflag:s29], $0x7D0  }
0x16c: {  	[sflag:s29] =	ssyncset.done $0x0  }
0x16d: {  	[sflag:s29] =	ssyncadd.s32 $0xFFFFF830  }
0x16e: {  	[bflag:$0x0] =	sbarrier.arrive $0xFFFF  }
0x16f: {  	[tilespmem:s14], [sflag:$0x9] =	stream.linear.gather [spmem:s11], $0x2800, $0x38;
	[tilespmem:$0x17200] =	vst v63  }
0x170: {  	_ =	swait.ge [sflag:s20], $0x2800  }
0x171: {  	[sflag:s20] =	ssyncset.done $0x0  }
0x172: {  	s1 =	simm.s32 $0xCD80;
	[sflag:s20] =	ssyncadd.s32 $0xFFFFD800  }
0x173: {  	s0 =	simm.s32 $0xCD80;
	s16 =	simm.s32 $0x0;
	s15 =	simm.s32 $0x40;
	v0 =	vld [tilespmem:s1+$0xFFFFFFB0]  }
.LBB2_8:
0x174: {  	p0 =	sne.s32 s15, $0x9C0;
	v1 =	vld [tilespmem:s16+$0x11D00]  }
0x175: {  	v2 =	vld [tilespmem:s1+$0xFFFFFF90]  }
0x176: {  	v3 =	vld [tilespmem:s1+$0xFFFFFF80]  }
0x177: {  	v4 =	vld [tilespmem:s1+$0xFFFFFFA0]  }
0x178: {  	v5 =	vld [tilespmem:s1+$0xFFFFFFF0]  }
0x179: {  	v6 =	vbroadcast v1, $0x0;
	v7 =	vbroadcast v1, $0x1;
	v8 =	vld [tilespmem:s1+$0xFFFFFFD0]  }
0x17a: {  	v9 =	vbroadcast v1, $0x2;
	v10 =	vbroadcast v1, $0x3;
	v11 =	vld [tilespmem:s1+$0xFFFFFFC0]  }
0x17b: {  	v3 =	vmul.f32 v6, v3;
	v2 =	vmul.f32 v2, v7;
	v6 =	vld [tilespmem:s1+$0xFFFFFFE0]  }
0x17c: {  	v0 =	vmul.f32 v0, v10;
	v4 =	vmul.f32 v4, v9;
	v7 =	vld [tilespmem:s1+$0x30]  }
0x17d: {  	v9 =	vbroadcast v1, $0x5;
	[tilespmem:s1+$0xFFFFFF80] =	vst v3;
	v3 =	vbroadcast v1, $0x4;
	v10 =	vld [tilespmem:s1+$0x10]  }
0x17e: {  	v12 =	vbroadcast v1, $0x7;
	[tilespmem:s1+$0xFFFFFF90] =	vst v2;
	v2 =	vbroadcast v1, $0x6;
	v13 =	vld [tilespmem:s1+$0x0]  }
0x17f: {  	[tilespmem:s1+$0xFFFFFFA0] =	vst v4;
	v3 =	vmul.f32 v11, v3;
	v4 =	vmul.f32 v8, v9;
	v8 =	vld [tilespmem:s1+$0x20]  }
0x180: {  	[tilespmem:s1+$0xFFFFFFB0] =	vst v0;
	v0 =	vmul.f32 v6, v2;
	v2 =	vmul.f32 v5, v12;
	v5 =	vld [tilespmem:s1+$0x70]  }
0x181: {  	v6 =	vbroadcast v1, $0x9;
	[tilespmem:s1+$0xFFFFFFC0] =	vst v3;
	v3 =	vbroadcast v1, $0x8;
	v9 =	vld [tilespmem:s1+$0x50]  }
0x182: {  	v11 =	vbroadcast v1, $0xB;
	[tilespmem:s1+$0xFFFFFFD0] =	vst v4;
	v4 =	vbroadcast v1, $0xA;
	v12 =	vld [tilespmem:s1+$0x40]  }
0x183: {  	[tilespmem:s1+$0xFFFFFFE0] =	vst v0;
	v0 =	vmul.f32 v13, v3;
	v3 =	vmul.f32 v10, v6;
	v6 =	vld [tilespmem:s1+$0x60]  }
0x184: {  	[tilespmem:s1+$0xFFFFFFF0] =	vst v2;
	v2 =	vmul.f32 v8, v4;
	v4 =	vmul.f32 v7, v11  }
0x185: {  	v7 =	vbroadcast v1, $0xD;
	[tilespmem:s1+$0x0] =	vst v0;
	v0 =	vbroadcast v1, $0xC  }
0x186: {  	[tilespmem:s1+$0x10] =	vst v3;
	v3 =	vbroadcast v1, $0xE;
	v1 =	vbroadcast v1, $0xF  }
0x187: {  	[tilespmem:s1+$0x20] =	vst v2;
	v0 =	vmul.f32 v12, v0;
	v2 =	vmul.f32 v9, v7  }
.Ltmp3:
0x188: {  	[tilespmem:s1+$0x30] =	vst v4;
	v3 =	vmul.f32 v6, v3;
	v1 =	vmul.f32 v5, v1;
	(pc) =	sbr.rel @p0 .LBB2_8-.Ltmp3, $4  }
0x189: {  	[tilespmem:s1+$0x40] =	vst v0  }
0x18a: {  	[tilespmem:s1+$0x50] =	vst v2  }
0x18b: {  	s1 =	sadd.s32 $0x100, s1;
	[tilespmem:s0+$0x60] =	vst v3  }
0x18c: {  	s16 =	sshra.s32 s15, $0x2;
	s15 =	sadd.s32 $0x40, s15;
	v0 =	vld [tilespmem:s1+$0xFFFFFFB0];
	[tilespmem:s0+$0x70] =	vst v1;
	s0 =	smov.u32 s1  }
0x18d: {  	v1 =	vld [tilespmem:s16+$0x11D00];
	_ =	sdelay $0x1  }
0x18e: {  	v2 =	vld [tilespmem:s1+$0xFFFFFF80]  }
0x18f: {  	v3 =	vld [tilespmem:s1+$0xFFFFFF90]  }
0x190: {  	v4 =	vld [tilespmem:s1+$0xFFFFFFA0]  }
0x191: {  	v5 =	vbroadcast v1, $0x0  }
0x192: {  	v8 =	vld [tilespmem:s1+$0xFFFFFFD0];
	v6 =	vbroadcast v1, $0x1  }
0x193: {  	v43 =	vld [tilespmem:s1+$0xFFFFFFE0];
	v9 =	vbroadcast v1, $0x2;
	v2 =	vmul.f32 v5, v2  }
0x194: {  	v47 =	vld [tilespmem:s1+$0x10];
	v42 =	vbroadcast v1, $0x3;
	v3 =	vmul.f32 v3, v6  }
0x195: {  	v7 =	vld [tilespmem:s1+$0xFFFFFFC0];
	v45 =	vbroadcast v1, $0x5;
	v4 =	vmul.f32 v4, v9;
	[tilespmem:s1+$0xFFFFFF80] =	vst v2  }
0x196: {  	v10 =	vld [tilespmem:s1+$0xFFFFFFF0];
	v11 =	vbroadcast v1, $0x6;
	v0 =	vmul.f32 v0, v42;
	[tilespmem:s1+$0xFFFFFF90] =	vst v3  }
0x197: {  	v49 =	vld [tilespmem:s1+$0x20];
	v52 =	vbroadcast v1, $0x9;
	v5 =	vmul.f32 v8, v45;
	[tilespmem:s1+$0xFFFFFFA0] =	vst v4  }
0x198: {  	v50 =	vld [tilespmem:s1+$0x30];
	v44 =	vbroadcast v1, $0x4;
	v6 =	vmul.f32 v43, v11;
	[tilespmem:s1+$0xFFFFFFB0] =	vst v0  }
0x199: {  	v46 =	vld [tilespmem:s1+$0x0];
	v48 =	vbroadcast v1, $0x7;
	v57 =	vmul.f32 v47, v52;
	[tilespmem:s1+$0xFFFFFFD0] =	vst v5  }
0x19a: {  	v54 =	vld [tilespmem:s1+$0x50];
	v55 =	vbroadcast v1, $0xA;
	v2 =	vmul.f32 v7, v44;
	[tilespmem:s1+$0xFFFFFFE0] =	vst v6  }
0x19b: {  	v53 =	vld [tilespmem:s1+$0x40];
	v56 =	vbroadcast v1, $0xB;
	v4 =	vmul.f32 v10, v48;
	[tilespmem:s1+$0x10] =	vst v57  }
0x19c: {  	v58 =	vld [tilespmem:s1+$0x60];
	v51 =	vbroadcast v1, $0x8;
	v7 =	vmul.f32 v49, v55;
	[tilespmem:s1+$0xFFFFFFC0] =	vst v2  }
0x19d: {  	v59 =	vld [tilespmem:s1+$0x70];
	v61 =	vbroadcast v1, $0xD;
	v0 =	vmul.f32 v50, v56;
	[tilespmem:s1+$0xFFFFFFF0] =	vst v4  }
0x19e: {  	v60 =	vbroadcast v1, $0xC;
	v2 =	vmul.f32 v46, v51;
	[tilespmem:s1+$0x20] =	vst v7  }
0x19f: {  	v62 =	vbroadcast v1, $0xE;
	v3 =	vmul.f32 v54, v61;
	[tilespmem:s1+$0x30] =	vst v0  }
0x1a0: {  	v1 =	vbroadcast v1, $0xF;
	[tilespmem:s1+$0x0] =	vst v2;
	v2 =	vmul.f32 v53, v60  }
0x1a1: {  	v63 =	vmul.f32 v58, v62;
	[tilespmem:s1+$0x50] =	vst v3  }
0x1a2: {  	s30 =	sadd.s32 $0x1, s30;
	v1 =	vmul.f32 v59, v1;
	[tilespmem:s1+$0x40] =	vst v2  }
0x1a3: {  	p0 =	sne.s32 s30, s13;
	[tilespmem:s0+$0x60] =	vst v63  }
.Ltmp4:
0x1a4: {  	[tilespmem:s0+$0x70] =	vst v1;
	(pc) =	sbr.rel @p0 .LBB2_1-.Ltmp4, $4  }
0x1a5: {  	[hbm4b:s12+s4] =	stream.linear.scatter [tilespmem:s14], [sflag:$0x9], $0x2800, $0x38;
	[tilespmem:$0x17200] =	vst v63  }
0x1a6: {  	_ =	swait.ge [sflag:s20], $0x2800  }
0x1a7: {  	[sflag:s20] =	ssyncset.done $0x0  }
0x1a8: {  	[sflag:s20] =	ssyncadd.s32 $0xFFFFD800  }
0x1a9: {  	_ =	sfence.sel $0x180000  }
0x1aa: {  	[bflag:$0x0] =	sbarrier.arrive $0xFFFF  }
0x1ab: {  	_ =	strace $0x9000004D  }
0x1ac: {  	s0 =	stileid.u32;
	[bflag:$0x2] =	sbarrier.arrive $0xFFFF  }
0x1ad: {  	p0 =	sne.s32 s0, $0x0;
	s0 =	rddreg [dreg:$0x4]  }
0x1ae: {  	s0 =	sadd.s32 @!p0 $0x100000, s0  }
0x1af: {  	[sflag:s0] =	ssyncadd.tile.s32 @!p0 $0x1;
	_ =	shalt  }
.Lfunc_end2:
_tile_overlayer_lowered:
.L_overlay_start_2:
0x1b0: {  	(tag) =	ssettag $0x2  }
0x1b1: {  	s0 =	rddreg [dreg:$0x0];
	s2 =	stileid.u32  }
0x1b2: {  	s1 =	rddreg [dreg:$0x1];
	p0 =	sne.s32 s2, $0x0  }
0x1b3: {  	s3 =	rddreg [dreg:$0x2];
	[bflag:$0x3] =	sbarrier.arrive $0xFFFF;
	s2 =	simm.s32 @!p0 $0x1C09  }
0x1b4: {  	[timem:s3], [sflag:s2] =	dma.local @!p0 [hbm:s0], s1  }
0x1b5: {  	s0 =	simm.s32 @!p0 $0x9  }
0x1b6: {  	_ =	swait.ge @!p0 [sflag:s0], s1  }
0x1b7: {  	s1 =	ssub.s32 @!p0 $0x0, s1;
	[sflag:s0] =	ssyncset.done @!p0 $0x0  }
0x1b8: {  	[sflag:s0] =	ssyncadd.s32 @!p0 s1  }
0x1b9: {  	[bflag:$0x3] =	sbarrier.arrive $0xFFFF  }
0x1ba: {  	_ =	shalt  }

// kernel: kernel.8.cloned.1.call-start
scs
__scs_entry_jumppad:
0x0: {  	(pc) =	sbr.rel $0x88, $3  }
0x1: {  	(tag) =	ssettag $0x0;
	lr =	simm.s32 $0x1  }
0x2: {  	[smem:$0x3F9B] =	sst lr;
	_ =	strace $0xD0000000  }
0x3: {  	_ = 	snop  }
0x4: {  	_ = 	snop  }
0x5: {  	_ = 	snop  }
0x6: {  	_ = 	snop  }
0x7: {  	_ = 	snop  }
__scs_overlays_trampoline_lowered:
0x8: {  	[smem:$0x3FAA] =	sst s0  }
0x9: {  	[smem:$0x3FAB] =	sst s1  }
0xa: {  	[smem:$0x3FAC] =	sst s2  }
0xb: {  	[smem:$0x3FAD] =	sst s3  }
0xc: {  	[smem:$0x3FAE] =	sst s4  }
0xd: {  	[smem:$0x3FAF] =	sst s5  }
0xe: {  	[smem:$0x3FB0] =	sst s6  }
0xf: {  	[smem:$0x3FB1] =	sst s7  }
0x10: {  	[smem:$0x3FB2] =	sst s8  }
0x11: {  	[smem:$0x3FB3] =	sst s9;
	s0 =	simm.s32 @!p0 $0x0  }
0x12: {  	s1 =	sld [smem:$0x3F99];
	s0 =	simm.s32 @p0 $0x1  }
0x13: {  	[smem:$0x3FB4] =	sst s0;
	s0 =	simm.s32 @!p1 $0x0  }
0x14: {  	s2 =	sld [smem:$0x3F98];
	s0 =	simm.s32 @p1 $0x1  }
0x15: {  	[smem:$0x3FB5] =	sst s0;
	s0 =	simm.s32 @!p2 $0x0  }
0x16: {  	s3 =	sld [smem:$0x3FDB];
	s0 =	simm.s32 @p2 $0x1  }
0x17: {  	s4 =	simm.s32 $0x1BF5;
	[smem:$0x3FB7] =	sst s0  }
0x18: {  	s0 =	sld [smem:$0x3F9A];
	_ =	swait.ge [sflag:s4], $0x0  }
0x19: {  	s7 =	sld [smem:$0x3F9B]  }
0x1a: {  	s8 =	sadd.s32 $0xFFFFE003, lr  }
0x1b: {  	s9 =	sadd.s32 $0xFFFFFEF7, lr;
	s5 =	simm.s32 $0xFFFFFFFF;
	p2 =	slt.u32 s8, $0xFFFFF086  }
0x1c: {  	p1 =	slt.u32 s9, $0xF7A;
	s5 =	simm.s32 @!p2 $0x0  }
0x1d: {  	s5 =	simm.s32 @p1 $0x1;
	p0 =	seq.s32 s7, s2  }
0x1e: {  	s7 =	smul.u32 @!p0 $0xF7A, s2;
	p2 =	seq.s32 @!p0 s5, $0x0  }
0x1f: {  	s9 =	smul.u32 $0xF7A, s1;
	s8 =	simm.s32 @!p0 $0x1BF5;
	p2 =	por !p2, p0  }
0x20: {  	[sflag:s8] =	ssyncset.s32 @!p0 $0xFFFFF086;
	s6 =	sadd.s32 @!p0 s3, s7;
	s7 =	simm.s32 @!p0 $0x108  }
0x21: {  	s3 =	sadd.s32 s3, s9;
	s6 =	sadd.s32 @!p0 $0x88, s6;
	s7 =	simm.s32 @p2 $0x1082  }
0x22: {  	[simem:s7], [sflag:s8] =	dma.local @!p0 [hbm:s6], $0xF7A  }
0x23: {  	s9 =	sor.u32 $0xD0000000, s2;
	s6 =	simm.s32 $0x108;
	_ =	swait.ge @!p0 [sflag:s8], $0x0  }
0x24: {  	s3 =	sadd.s32 $0x88, s3;
	s6 =	simm.s32 @!p1 $0x1082;
	[sflag:s4] =	ssyncset.s32 $0xFFFFF086  }
0x25: {  	[simem:s6], [sflag:s4] =	dma.local [hbm:s3], $0xF7A  }
0x26: {  	[smem:$0x3F9B] =	sst s1;
	(tag) =	ssettag s2;
	_ =	strace s9  }
0x27: {  	s1 =	sld [smem:$0x3FAB]  }
0x28: {  	s2 =	sld [smem:$0x3FAC]  }
0x29: {  	s4 =	sld [smem:$0x3FAE]  }
0x2a: {  	p0 =	seq.s32 s5, $0x0;
	s5 =	sld [smem:$0x3FAF]  }
0x2b: {  	s6 =	sld [smem:$0x3FB0]  }
0x2c: {  	s7 =	sld [smem:$0x3FB1]  }
0x2d: {  	s3 =	simm.s32 $0x108;
	s8 =	sld [smem:$0x3FB2]  }
0x2e: {  	s3 =	simm.s32 @!p0 $0x1082;
	s9 =	sld [smem:$0x3FB3]  }
0x2f: {  	lr =	sadd.s32 s0, s3;
	s0 =	sld [smem:$0x3FAA]  }
0x30: {  	s3 =	sld [smem:$0x3FAD]  }
0x31: {  	[smem:$0x3FB6] =	sst s10  }
0x32: {  	s10 =	sld [smem:$0x3FB4];
	_ =	sdelay $0x3  }
0x33: {  	p0 =	seq.s32 s10, $0x1;
	s10 =	sld [smem:$0x3FB6];
	_ =	sdelay $0x3  }
0x34: {  	[smem:$0x3FB6] =	sst s10  }
0x35: {  	s10 =	sld [smem:$0x3FB5];
	_ =	sdelay $0x3  }
0x36: {  	p1 =	seq.s32 s10, $0x1;
	s10 =	sld [smem:$0x3FB6];
	_ =	sdelay $0x3  }
0x37: {  	[smem:$0x3FB6] =	sst s10  }
0x38: {  	s10 =	sld [smem:$0x3FB7]  }
0x39: {  	_ = 	snop;
	(pc) =	sbr.ind lr, $3  }
0x3a: {  	_ = 	snop  }
0x3b: {  	_ = 	snop  }
0x3c: {  	p2 =	seq.s32 s10, $0x1;
	s10 =	sld [smem:$0x3FB6]  }
0x3d: {  	_ =	shalt  }
0x3e: {  	_ =	shalt  }
0x3f: {  	_ =	shalt  }
0x40: {  	_ =	shalt  }
0x41: {  	_ =	shalt  }
0x42: {  	_ =	shalt  }
0x43: {  	_ =	shalt  }
0x44: {  	_ =	shalt  }
0x45: {  	_ =	shalt  }
0x46: {  	_ =	shalt  }
0x47: {  	_ =	shalt  }
0x48: {  	_ =	shalt  }
0x49: {  	_ =	shalt  }
0x4a: {  	_ =	shalt  }
0x4b: {  	_ =	shalt  }
0x4c: {  	_ =	shalt  }
0x4d: {  	_ =	shalt  }
0x4e: {  	_ =	shalt  }
0x4f: {  	_ =	shalt  }
0x50: {  	_ =	shalt  }
0x51: {  	_ =	shalt  }
0x52: {  	_ =	shalt  }
0x53: {  	_ =	shalt  }
0x54: {  	_ =	shalt  }
0x55: {  	_ =	shalt  }
0x56: {  	_ =	shalt  }
0x57: {  	_ =	shalt  }
0x58: {  	_ =	shalt  }
0x59: {  	_ =	shalt  }
0x5a: {  	_ =	shalt  }
0x5b: {  	_ =	shalt  }
0x5c: {  	_ =	shalt  }
0x5d: {  	_ =	shalt  }
0x5e: {  	_ =	shalt  }
0x5f: {  	_ =	shalt  }
0x60: {  	_ =	shalt  }
0x61: {  	_ =	shalt  }
0x62: {  	_ =	shalt  }
0x63: {  	_ =	shalt  }
0x64: {  	_ =	shalt  }
0x65: {  	_ =	shalt  }
0x66: {  	_ =	shalt  }
0x67: {  	_ =	shalt  }
0x68: {  	_ =	shalt  }
0x69: {  	_ =	shalt  }
0x6a: {  	_ =	shalt  }
0x6b: {  	_ =	shalt  }
0x6c: {  	_ =	shalt  }
0x6d: {  	_ =	shalt  }
0x6e: {  	_ =	shalt  }
0x6f: {  	_ =	shalt  }
0x70: {  	_ =	shalt  }
0x71: {  	_ =	shalt  }
0x72: {  	_ =	shalt  }
0x73: {  	_ =	shalt  }
0x74: {  	_ =	shalt  }
0x75: {  	_ =	shalt  }
0x76: {  	_ =	shalt  }
0x77: {  	_ =	shalt  }
0x78: {  	_ =	shalt  }
0x79: {  	_ =	shalt  }
0x7a: {  	_ =	shalt  }
0x7b: {  	_ =	shalt  }
0x7c: {  	_ =	shalt  }
0x7d: {  	_ =	shalt  }
0x7e: {  	_ =	shalt  }
0x7f: {  	_ =	shalt  }
0x80: {  	_ =	shalt  }
0x81: {  	_ =	shalt  }
0x82: {  	_ =	shalt  }
0x83: {  	_ =	shalt  }
0x84: {  	_ =	shalt  }
0x85: {  	_ =	shalt  }
0x86: {  	_ =	shalt  }
0x87: {  	_ =	shalt  }
.Lfunc_end0:
.L_simem_size_0:
called_computation_lowered:
.L_overlay_start_0:
0x88: {  	s2 =	sld [smem:$0x3FD9]  }
0x89: {  	s3 =	sld [smem:$0x3FFE];
	_ =	sdelay $0x1  }
0x8a: {  	s1 =	srdreg.scid  }
0x8b: {  	s0 =	sand.u32 $0x1, s1  }
0x8c: {  	s17 =	sshll.u32 s0, $0xA;
	s2 =	sadd.s32 s3, s2  }
0x8d: {  	s2 =	sadd.s32 s2, s17  }
0x8e: {  	[smem:$0x3FC2] =	sst s2  }
0x8f: {  	_ = 	snop  }
0x90: {  	s2 =	sld [smem:$0x3FD0];
	(tm) =	ssettm $0x1  }
0x91: {  	s18 =	sld [smem:$0x3FFB];
	_ =	sdelay $0x3  }
0x92: {  	_ =	strace s18  }
0x93: {  	s3 =	sld [smem:$0x3FFC];
	_ =	sdelay $0x3  }
0x94: {  	_ =	strace s3  }
0x95: {  	s3 =	sld [smem:$0x3FFD];
	_ =	sdelay $0x3  }
0x96: {  	_ =	strace s3  }
0x97: {  	_ =	strace $0x8FFFFFFF  }
0x98: {  	s19 =	sld [smem:$0x3FDB];
	_ =	sdelay $0x1  }
0x99: {  	s4 =	simm.s32 $_scs_section_size  }
0x9a: {  	s5 =	simm.s32 $_size__tile_overlayer_lowered;
	s6 =	simm.s32 $_tile_overlayer_lowered  }
0x9b: {  	s22 =	simm.s32 $0x1BFF;
	s21 =	sshll.u32 s6, $0x1;
	s3 =	sadd.s32 s4, s19  }
0x9c: {  	s7 =	simm.s32 $0x0;
	s20 =	sshll.u32 s5, $0x1;
	s5 =	sadd.s32 s21, s3  }
0x9d: {  	[timem:s7], [sflag:s22] =	dma.local [hbm:s5], s20  }
0x9e: {  	_ =	swait.ge [sflag:s22], s20  }
0x9f: {  	s4 =	ssub.s32 $0x0, s20;
	[sflag:s22] =	ssyncset.done $0x0  }
0xa0: {  	[sflag:s22] =	ssyncadd.s32 s4;
	_ =	sdelay $0x1  }
0xa1: {  	s23 =	simm.s32 $0x1B8B  }
0xa2: {  	_ =	swait.ge [sflag:s23], $0x1  }
0xa3: {  	[sflag:s23] =	ssyncset.done $0x0  }
0xa4: {  	s25 =	simm.s32 $0x1B8E;
	s24 =	sld [smem:$0x3FFE];
	[sflag:s23] =	ssyncadd.s32 $0xFFFFFFFF  }
0xa5: {  	s26 =	simm.s32 $execute0_lowered;
	[smem:$0x3FD2] =	sst s25  }
0xa6: {  	s5 =	sshll.u32 s26, $0x1;
	_ =	strace $0x80000046;
	[dreg:$0x1] =	wrdreg $0xFFFFFFFF  }
0xa7: {  	s28 =	simm.s32 $_size_execute0_lowered;
	s3 =	sadd.s32 s3, s5;
	[dreg:$0x0] =	wrdreg $0x0  }
0xa8: {  	s5 =	sshll.u32 s28, $0x1;
	[dreg:$0x2] =	wrdreg s3  }
0xa9: {  	[dreg:$0x3] =	wrdreg s5  }
0xaa: {  	[dreg:$0x4] =	wrdreg $0xC0  }
0xab: {  	_ =	task [dreg:s7], $0x5FFFF  }
0xac: {  	[dreg:$0x1] =	wrdreg $0xFFFFFFFF  }
0xad: {  	[dreg:$0x0] =	wrdreg $0x60  }
0xae: {  	[dreg:$0x2] =	wrdreg s24  }
0xaf: {  	[dreg:$0x3] =	wrdreg s2  }
0xb0: {  	[dreg:$0x4] =	wrdreg $0x2B000  }
0xb1: {  	[dreg:$0x5] =	wrdreg $0x9  }
0xb2: {  	_ =	task.clear_ibuf [dreg:s7], $0x6FFFF;
	_ =	strace $0x90000046  }
0xb3: {  	s29 =	simm.s32 $0x9;
	_ =	strace $0x80000048  }
0xb4: {  	_ =	swait.ge [sflag:s29], $0x1  }
0xb5: {  	[sflag:s29] =	ssyncadd.s32 $0xFFFFFFFF  }
0xb6: {  	_ =	strace $0x90000048  }
0xb7: {  	_ =	sfence  }
0xb8: {  	s30 =	sld [smem:$0x0];
	_ =	sdelay $0x2  }
0xb9: {  	s31 =	sshll.u32 s1, $0xD;
	s1 =	sshrl.u32 s1, $0x2  }
0xba: {  	s3 =	sand.u32 $0x4000, s31;
	s1 =	sadd.s32 s1, s30  }
0xbb: {  	s0 =	sor.u32 s3, s0;
	s1 =	sshll.u32 s1, $0x11  }
0xbc: {  	s0 =	sor.u32 s1, s0  }
0xbd: {  	s0 =	sadd.s32 $0x8F2B, s0  }
0xbe: {  	[sflag:s0] =	ssyncadd.remote.s32 $0x1  }
0xbf: {  	_ =	sfence.sel $0xFFFF  }
0xc0: {  	[dreg:$0x0] =	wrdreg $0xFFFFFFFF;
	(pc) =	sbr.abs _section_cstart, $3  }
0xc1: {  	[dreg:$0x1] =	wrdreg $0xFFFFFFFF  }
0xc2: {  	_ =	task.clear_ibuf [dreg:s7], $0x2FFFF;
	_ =	strace $0x9FFFFFFF  }
0xc3: {  	(tm) =	ssettm $0x7FFFFFFF  }
tec
execute0_lowered:
.L_overlay_start_1:
0x0: {  	(tag) =	ssettag $0x1  }
0x1: {  	s5 =	rddreg [dreg:$0x0]  }
0x2: {  	s6 =	rddreg [dreg:$0x1]  }
0x3: {  	s0 =	srdreg.scid;
	s2 =	rddreg [dreg:$0x2];
	s3 =	simm.s32 $0x0  }
0x4: {  	s11 =	simm.s32 $0x7D;
	s12 =	simm.s32 $0x2800;
	s13 =	simm.s32 $0x1  }
0x5: {  	s16 =	simm.s32 $0x0;
	s4 =	sand.u32 $0x1, s0;
	s0 =	stileid.u32  }
0x6: {  	[smem:$0x7FF] =	sst s3;
	s1 =	sshll.u32 s4, $0x4;
	s8 =	smul.u32 $0x280, s0  }
0x7: {  	s9 =	ssub.s32 $0x2, s4;
	s4 =	smul.u32 $0x2800, s4;
	s14 =	sshll.u32 s0, $0x6  }
0x8: {  	s1 =	sor.u32 s0, s1;
	s10 =	sshrl.u32 s9, $0x1;
	s14 =	sor.u32 $0x1C03, s14  }
0x9: {  	s7 =	smul.u32 $0x500, s1;
	s1 =	rddreg [dreg:$0x3];
	_ =	strace $0x80000047  }
0xa: {  	s29 =	ssub.s32 s9, s10;
	s30 =	sadd.s32 s8, s4;
	s9 =	simm.s32 $0x3  }
0xb: {  	s10 =	simm.s32 $0x2;
	s31 =	sshrl.u32 s30, $0x3;
	s5 =	sadd.s32 s7, s5  }
0xc: {  	s6 =	sadd.s32 s6, s31;
	s4 =	sadd.s32 $0x2200, s5;
	s5 =	sadd.s32 s8, s2  }
0xd: {  	v0 =	vimm.f32 $1.000000000e+00;
	v1 =	vimm.f32 $0.0e+00;
	s7 =	smax.u32 s29, $0x1;
	s8 =	simm.s32 $0x2880;
	s15 =	sshrl.u32 s5, $0x3  }
.LBB2_1:
0xe: {  	[tilespmem:s3], [sflag:$0x2] =	stream.linear.gather [hbm4b:s4+s3], $0x2800, $0x38;
	[tilespmem:$0x2D80] =	vst v63  }
0xf: {  	[tilespmem:$0x2800] =	vst v0  }
0x10: {  	[tilespmem:$0x2810] =	vst v0  }
0x11: {  	[tilespmem:$0x2820] =	vst v0  }
0x12: {  	[tilespmem:$0x2830] =	vst v0  }
0x13: {  	[tilespmem:$0x2840] =	vst v0  }
0x14: {  	[tilespmem:$0x2850] =	vst v0  }
0x15: {  	[tilespmem:$0x2860] =	vst v0  }
0x16: {  	[tilespmem:$0x2870] =	vst v0  }
0x17: {  	[tilespmem:$0x2880] =	vst v1  }
0x18: {  	[tilespmem:$0x2890] =	vst v1  }
0x19: {  	[tilespmem:$0x28A0] =	vst v1  }
0x1a: {  	[tilespmem:$0x28B0] =	vst v1  }
0x1b: {  	[tilespmem:$0x28C0] =	vst v1  }
0x1c: {  	[tilespmem:$0x28D0] =	vst v1  }
0x1d: {  	[tilespmem:$0x28E0] =	vst v1  }
0x1e: {  	[tilespmem:$0x28F0] =	vst v1  }
0x1f: {  	[tilespmem:$0x2900] =	vst v1  }
0x20: {  	[tilespmem:$0x2910] =	vst v1  }
0x21: {  	[tilespmem:$0x2920] =	vst v1  }
0x22: {  	[tilespmem:$0x2930] =	vst v1  }
0x23: {  	[tilespmem:$0x2940] =	vst v1  }
0x24: {  	[tilespmem:$0x2950] =	vst v1  }
0x25: {  	[tilespmem:$0x2960] =	vst v1  }
0x26: {  	[tilespmem:$0x2970] =	vst v1  }
0x27: {  	[tilespmem:$0x2980] =	vst v1  }
0x28: {  	[tilespmem:$0x2990] =	vst v1  }
0x29: {  	[tilespmem:$0x29A0] =	vst v1  }
0x2a: {  	[tilespmem:$0x29B0] =	vst v1  }
0x2b: {  	[tilespmem:$0x29C0] =	vst v1  }
0x2c: {  	[tilespmem:$0x29D0] =	vst v1  }
0x2d: {  	[tilespmem:$0x29E0] =	vst v1  }
0x2e: {  	[tilespmem:$0x29F0] =	vst v1  }
0x2f: {  	[tilespmem:$0x2A00] =	vst v1  }
0x30: {  	[tilespmem:$0x2A10] =	vst v1  }
0x31: {  	[tilespmem:$0x2A20] =	vst v1  }
0x32: {  	[tilespmem:$0x2A30] =	vst v1  }
0x33: {  	[tilespmem:$0x2A40] =	vst v1  }
0x34: {  	[tilespmem:$0x2A50] =	vst v1  }
0x35: {  	[tilespmem:$0x2A60] =	vst v1  }
0x36: {  	[tilespmem:$0x2A70] =	vst v1  }
0x37: {  	[tilespmem:$0x2A80] =	vst v1  }
0x38: {  	[tilespmem:$0x2A90] =	vst v1  }
0x39: {  	[tilespmem:$0x2AA0] =	vst v1  }
0x3a: {  	[tilespmem:$0x2AB0] =	vst v1  }
0x3b: {  	[tilespmem:$0x2AC0] =	vst v1  }
0x3c: {  	[tilespmem:$0x2AD0] =	vst v1  }
0x3d: {  	[tilespmem:$0x2AE0] =	vst v1  }
0x3e: {  	[tilespmem:$0x2AF0] =	vst v1  }
0x3f: {  	[spmem:s5] =	stream.linear.scatter [tilespmem:s8], [sflag:$0x3], $0x280, $0x38;
	[tilespmem:$0x2D80] =	vst v63  }
0x40: {  	_ =	swait.ge [sflag:s9], $0x280  }
0x41: {  	[sflag:s9] =	ssyncset.done $0x0  }
0x42: {  	[sflag:s9] =	ssyncadd.s32 $0xFFFFFD80  }
0x43: {  	_ =	swait.ge [sflag:s10], $0x2800  }
0x44: {  	[sflag:s10] =	ssyncset.done $0x0  }
0x45: {  	p0 =	por $0x1, $0x1;
	[sflag:s10] =	ssyncadd.s32 $0xFFFFD800  }
0x46: {  	s18 =	simm.s32 @!p0 $0x1;
	[bflag:$0x0] =	sbarrier.arrive $0xFFFF  }
0x47: {  	_ =	swait.ge @!p0 [sflag:s18], $0x7D  }
0x48: {  	s17 =	simm.s32 $0x1;
	[sflag:s18] =	ssyncset.done @!p0 $0x0  }
0x49: {  	s19 =	simm.s32 $0x0;
	[sflag:s18] =	ssyncadd.s32 @!p0 $0xFFFFFF83;
	s18 =	simm.s32 $0x80  }
.LBB2_2:
0x4a: {  	[spmem:s2] =	stream.indirect.scatter.add.f32 [tilespmem:s12], [sflag:$0x1], $0x1, s19, s11, $0xb8;
	[tilespmem:$0x2D80] =	vst v63  }
0x4b: {  	p0 =	slt.u32 s17, $0x8;
	s17 =	sadd.s32 $0x1, s17  }
0x4c: {  	p1 =	sne.s32 s17, $0x50  }
.Ltmp0:
0x4d: {  	(pc) =	sbr.rel @p1 .LBB2_2-.Ltmp0, $4  }
0x4e: {  	s19 =	smov.u32 s18;
	s20 =	simm.s32 @!p0 $0x1  }
0x4f: {  	_ =	swait.ge @!p0 [sflag:s20], $0x7D  }
0x50: {  	[sflag:s20] =	ssyncset.done @!p0 $0x0  }
0x51: {  	s18 =	sadd.s32 $0x80, s18;
	[sflag:s20] =	ssyncadd.s32 @!p0 $0xFFFFFF83  }
0x52: {  	[spmem:s2] =	stream.indirect.scatter.add.f32 [tilespmem:s12], [sflag:$0x1], $0x1, s19, s11, $0xb8;
	[tilespmem:$0x2D80] =	vst v63  }
0x53: {  	_ =	swait.ge [sflag:s13], $0x7D  }
0x54: {  	[sflag:s13] =	ssyncset.done $0x0  }
0x55: {  	[sflag:s13] =	ssyncadd.s32 $0xFFFFFF83  }
0x56: {  	_ =	swait.ge [sflag:s13], $0x7D  }
0x57: {  	[sflag:s13] =	ssyncset.done $0x0  }
0x58: {  	[sflag:s13] =	ssyncadd.s32 $0xFFFFFF83  }
0x59: {  	_ =	swait.ge [sflag:s13], $0x7D  }
0x5a: {  	[sflag:s13] =	ssyncset.done $0x0  }
0x5b: {  	[sflag:s13] =	ssyncadd.s32 $0xFFFFFF83  }
0x5c: {  	_ =	swait.ge [sflag:s13], $0x7D  }
0x5d: {  	[sflag:s13] =	ssyncset.done $0x0  }
0x5e: {  	[sflag:s13] =	ssyncadd.s32 $0xFFFFFF83  }
0x5f: {  	_ =	swait.ge [sflag:s13], $0x7D  }
0x60: {  	[sflag:s13] =	ssyncset.done $0x0  }
0x61: {  	[sflag:s13] =	ssyncadd.s32 $0xFFFFFF83  }
0x62: {  	_ =	swait.ge [sflag:s13], $0x7D  }
0x63: {  	[sflag:s13] =	ssyncset.done $0x0  }
0x64: {  	[sflag:s13] =	ssyncadd.s32 $0xFFFFFF83  }
0x65: {  	_ =	swait.ge [sflag:s13], $0x7D  }
0x66: {  	[sflag:s13] =	ssyncset.done $0x0  }
0x67: {  	[sflag:s13] =	ssyncadd.s32 $0xFFFFFF83  }
0x68: {  	_ =	swait.ge [sflag:s13], $0x7D  }
0x69: {  	s16 =	sadd.s32 $0x1, s16;
	[sflag:s13] =	ssyncset.done $0x0  }
0x6a: {  	p0 =	sne.s32 s16, s7;
	[sflag:s13] =	ssyncadd.s32 $0xFFFFFF83  }
.Ltmp1:
0x6b: {  	[bflag:$0x0] =	sbarrier.arrive $0xFFFF;
	(pc) =	sbr.rel @p0 .LBB2_1-.Ltmp1, $4  }
0x6c: {  	[hbm:s6], [sflag:s14] =	dma.local [spmem:s15], $0x50  }
0x6d: {  	_ =	swait.ge [sflag:s9], $0x50  }
0x6e: {  	[sflag:s9] =	ssyncset.done $0x0  }
0x6f: {  	[sflag:s9] =	ssyncadd.s32 $0xFFFFFFB0  }
0x70: {  	_ =	sfence.sel $0x180000  }
0x71: {  	[bflag:$0x0] =	sbarrier.arrive $0xFFFF  }
0x72: {  	p0 =	sne.s32 s0, $0x0;
	_ =	strace $0x90000047  }
0x73: {  	s0 =	sadd.s32 @!p0 $0x100000, s1;
	[bflag:$0x2] =	sbarrier.arrive $0xFFFF  }
0x74: {  	[sflag:s0] =	ssyncadd.tile.s32 @!p0 $0x1;
	_ =	shalt  }
.Lfunc_end2:
_tile_overlayer_lowered:
.L_overlay_start_2:
0x75: {  	(tag) =	ssettag $0x2  }
0x76: {  	s0 =	rddreg [dreg:$0x0];
	s2 =	stileid.u32  }
0x77: {  	s1 =	rddreg [dreg:$0x1];
	p0 =	sne.s32 s2, $0x0  }
0x78: {  	s3 =	rddreg [dreg:$0x2];
	[bflag:$0x3] =	sbarrier.arrive $0xFFFF;
	s2 =	simm.s32 @!p0 $0x1C03  }
0x79: {  	[timem:s3], [sflag:s2] =	dma.local @!p0 [hbm:s0], s1  }
0x7a: {  	s0 =	simm.s32 @!p0 $0x3  }
0x7b: {  	_ =	swait.ge @!p0 [sflag:s0], s1  }
0x7c: {  	s1 =	ssub.s32 @!p0 $0x0, s1;
	[sflag:s0] =	ssyncset.done @!p0 $0x0  }
0x7d: {  	[sflag:s0] =	ssyncadd.s32 @!p0 s1  }
0x7e: {  	[bflag:$0x3] =	sbarrier.arrive $0xFFFF  }
0x7f: {  	_ =	shalt  }

</sc_bundles>
